<compile_context>
chip_gen: v7x
topology: tpu7x:2x2x1
jax: 0.10.2.dev20260603
libtpu: 0.0.44.dev20260713+nightly
codegen_flags: <defaults>
</compile_context>

<pallas_src>
import functools

import jax
import jax.numpy as jnp
from jax import lax
from jax.experimental import pallas as pl
from jax.experimental.pallas import tpu as pltpu
from jax.experimental.pallas import tpu_sc as plsc

N_NODES_ = 10000
N_EDGES_ = 320000
DIN = 128
DH = 128
DOUT = 40

NC = 2
NS = 16
NW = NC * NS
CHUNK = 128
NPAD = 10240
DUMMY = N_NODES_
NCHUNKS = (N_EDGES_ + CHUNK - 1) // CHUNK
CPT = ((NCHUNKS + NW - 1) // NW + 7) // 8 * 8
NCHUNKS_PAD = CPT * NW
EPAD = NCHUNKS_PAD * CHUNK
ZR = NPAD // NS

_MESH = plsc.VectorSubcoreMesh(core_axis_name="c", subcore_axis_name="s")


DW = 8


def _sc_degree(e2, cvals, zeros2):

    BI2 = 16
    NB2 = CPT // BI2

    @functools.partial(
        pl.kernel,
        out_type=jax.ShapeDtypeStruct((NC, NPAD, DW), jnp.float32),
        mesh=_MESH,
        scratch_types=[
            pltpu.VMEM((2, BI2, CHUNK), jnp.int32),
            pltpu.VMEM((2, BI2, CHUNK), jnp.int32),
            pltpu.VMEM((CHUNK, DW), jnp.float32),
            pltpu.VMEM((CHUNK, DW), jnp.float32),
            pltpu.VMEM_SHARED((NPAD, DW), jnp.float32),
            pltpu.SemaphoreType.DMA,
            pltpu.SemaphoreType.DMA,
        ],
    )
    def deg_kernel(e2_h, cvals_h, zeros_h, out_h, src_v, dst_v, va, vb,
                   acc_sh, sem_s, sem_i):
        c = lax.axis_index("c")
        s = lax.axis_index("s")
        wid = s * NC + c
        base = wid * CPT
        pltpu.sync_copy(e2_h.at[0, pl.ds(base, BI2)], src_v.at[0])
        pltpu.sync_copy(e2_h.at[1, pl.ds(base, BI2)], dst_v.at[0])
        pltpu.async_copy(e2_h.at[0, pl.ds(base + BI2, BI2)], src_v.at[1],
                         sem_i)
        pltpu.async_copy(e2_h.at[1, pl.ds(base + BI2, BI2)], dst_v.at[1],
                         sem_i)
        pltpu.sync_copy(cvals_h.at[0], va)
        pltpu.sync_copy(cvals_h.at[1], vb)
        pltpu.sync_copy(zeros_h, acc_sh.at[pl.ds(s * ZR, ZR)])
        plsc.subcore_barrier()

        def outer(g, carry):
            gm = g % 2
            gn = (g + 1) % 2
            for k in range(BI2):
                pltpu.async_copy(va, acc_sh.at[src_v.at[gm, k]], sem_s,
                                 add=True)
                pltpu.async_copy(vb, acc_sh.at[dst_v.at[gm, k]], sem_s,
                                 add=True)

            def drain(j, carry2):
                pltpu.make_async_copy(va, acc_sh.at[src_v.at[0, 0]],
                                      sem_s).wait()
                pltpu.make_async_copy(vb, acc_sh.at[dst_v.at[0, 0]],
                                      sem_s).wait()
                return carry2

            lax.fori_loop(0, BI2, drain, 0, unroll=False)

            @pl.when(g + 1 < NB2)
            def _():
                pltpu.make_async_copy(e2_h.at[0, pl.ds(base, BI2)],
                                      src_v.at[gn], sem_i).wait()
                pltpu.make_async_copy(e2_h.at[1, pl.ds(base, BI2)],
                                      dst_v.at[gn], sem_i).wait()

            @pl.when(g + 2 < NB2)
            def _():
                pltpu.async_copy(e2_h.at[0, pl.ds(base + (g + 2) * BI2, BI2)],
                                 src_v.at[gm], sem_i)
                pltpu.async_copy(e2_h.at[1, pl.ds(base + (g + 2) * BI2, BI2)],
                                 dst_v.at[gm], sem_i)

            return carry

        lax.fori_loop(0, NB2, outer, 0, unroll=False)
        plsc.subcore_barrier()
        pltpu.sync_copy(acc_sh.at[pl.ds(s * ZR, ZR)],
                        out_h.at[c, pl.ds(s * ZR, ZR)])

    return deg_kernel(e2, cvals, zeros2)


BLK_I = 8
NBLK = CPT // BLK_I

NR = 4


def _edge_loop(y_t, e2_h, base, nblk, srcb_v, dst_v, rows_v, acc_sh,
               sem_g, sem_s, sem_i):

    def wait_scatter():
        pltpu.make_async_copy(rows_v.at[0], acc_sh.at[dst_v.at[0]],
                              sem_s).wait()

    pltpu.async_copy(y_t.at[srcb_v.at[0, 0]], rows_v.at[0], sem_g)
    pltpu.async_copy(y_t.at[srcb_v.at[0, 1]], rows_v.at[1], sem_g)

    def outer(g, carry):
        gm = g % 2
        gn = (g + 1) % 2
        for k in range(BLK_I):
            j = g * BLK_I + k
            slot = rows_v.at[k % NR]
            pltpu.make_async_copy(y_t.at[srcb_v.at[gm, k]], slot,
                                  sem_g).wait()
            pltpu.async_copy(slot, acc_sh.at[dst_v.at[j]], sem_s, add=True)
            nslot = rows_v.at[(k + 2) % NR]
            if k < BLK_I - 2:
                if k < 2:
                    @pl.when(g > 0)
                    def _():
                        wait_scatter()
                else:
                    wait_scatter()
                pltpu.async_copy(y_t.at[srcb_v.at[gm, k + 2]], nslot, sem_g)
            elif k == BLK_I - 2:
                @pl.when(g + 1 < nblk)
                def _():
                    pltpu.make_async_copy(e2_h.at[0, pl.ds(base, BLK_I)],
                                          srcb_v.at[gn], sem_i).wait()
                    wait_scatter()
                    pltpu.async_copy(y_t.at[srcb_v.at[gn, 0]], nslot, sem_g)
            else:
                @pl.when(g + 1 < nblk)
                def _():
                    wait_scatter()
                    pltpu.async_copy(y_t.at[srcb_v.at[gn, 1]], nslot, sem_g)

                @pl.when(g + 2 < nblk)
                def _():
                    pltpu.async_copy(
                        e2_h.at[0, pl.ds(base + (g + 2) * BLK_I, BLK_I)],
                        srcb_v.at[gm], sem_i)
        return carry

    lax.fori_loop(0, nblk, outer, 0, unroll=False)
    for _ in range(NR):
        wait_scatter()




def _make_sc_scatter(d_feat, stage=False, dtype=jnp.float32):

    scratch = [
        pltpu.VMEM((2, BLK_I, CHUNK), jnp.int32),
        pltpu.VMEM((CPT, CHUNK), jnp.int32),
        pltpu.VMEM((NR, CHUNK, d_feat), dtype),
        pltpu.VMEM_SHARED((NPAD, d_feat), dtype),
        pltpu.SemaphoreType.DMA,
        pltpu.SemaphoreType.DMA,
        pltpu.SemaphoreType.DMA,
    ]
    if stage:
        scratch.append(pltpu.VMEM_SHARED((NPAD, d_feat), dtype))

    @functools.partial(
        pl.kernel,
        out_type=jax.ShapeDtypeStruct((NC, NPAD, d_feat), dtype),
        mesh=_MESH,
        compiler_params=pltpu.CompilerParams(use_tc_tiling_on_sc=False),
        scratch_types=scratch,
    )
    def scat_kernel(y_h, e2_h, zeros_h, out_h, srcb_v, dst_v, rows_v, acc_sh,
                    sem_g, sem_s, sem_i, *maybe_ysh):
        c = lax.axis_index("c")
        s = lax.axis_index("s")
        wid = s * NC + c
        base = wid * CPT
        pltpu.sync_copy(e2_h.at[1, pl.ds(base, CPT)], dst_v)
        pltpu.sync_copy(e2_h.at[0, pl.ds(base, BLK_I)], srcb_v.at[0])
        pltpu.async_copy(e2_h.at[0, pl.ds(base + BLK_I, BLK_I)],
                         srcb_v.at[1], sem_i)
        pltpu.sync_copy(zeros_h, acc_sh.at[pl.ds(s * ZR, ZR)])
        if stage:
            y_t = maybe_ysh[0]
            pltpu.sync_copy(y_h.at[pl.ds(s * ZR, ZR)],
                            y_t.at[pl.ds(s * ZR, ZR)])
        else:
            y_t = y_h
        plsc.subcore_barrier()
        _edge_loop(y_t, e2_h, base, NBLK, srcb_v, dst_v, rows_v, acc_sh,
                   sem_g, sem_s, sem_i)
        plsc.subcore_barrier()
        pltpu.sync_copy(acc_sh.at[pl.ds(s * ZR, ZR)],
                        out_h.at[c, pl.ds(s * ZR, ZR)])

    return scat_kernel


DHH = DH // 2
DOUT_P = 48
_sc_scatter_48 = _make_sc_scatter(DOUT_P, stage=True, dtype=jnp.bfloat16)

CPT2 = NCHUNKS_PAD // NS
NBLK2 = CPT2 // BLK_I


def _sc_scatter_split(y2h, e2, zeros64):

    @functools.partial(
        pl.kernel,
        out_type=jax.ShapeDtypeStruct((NC, NPAD, DHH), jnp.bfloat16),
        mesh=_MESH,
        compiler_params=pltpu.CompilerParams(use_tc_tiling_on_sc=False),
        scratch_types=[
            pltpu.VMEM((2, BLK_I, CHUNK), jnp.int32),
            pltpu.VMEM((CPT2, CHUNK), jnp.int32),
            pltpu.VMEM((NR, CHUNK, DHH), jnp.bfloat16),
            pltpu.VMEM_SHARED((NPAD, DHH), jnp.bfloat16),
            pltpu.VMEM_SHARED((NPAD, DHH), jnp.bfloat16),
            pltpu.SemaphoreType.DMA,
            pltpu.SemaphoreType.DMA,
            pltpu.SemaphoreType.DMA,
        ],
    )
    def scat_kernel(y_h, e2_h, zeros_h, out_h, srcb_v, dst_v, rows_v, acc_sh,
                    y_t, sem_g, sem_s, sem_i):
        c = lax.axis_index("c")
        s = lax.axis_index("s")
        base = s * CPT2
        pltpu.sync_copy(e2_h.at[1, pl.ds(base, CPT2)], dst_v)
        pltpu.sync_copy(e2_h.at[0, pl.ds(base, BLK_I)], srcb_v.at[0])
        pltpu.async_copy(e2_h.at[0, pl.ds(base + BLK_I, BLK_I)],
                         srcb_v.at[1], sem_i)
        pltpu.sync_copy(zeros_h, acc_sh.at[pl.ds(s * ZR, ZR)])
        pltpu.sync_copy(y_h.at[c, pl.ds(s * ZR, ZR)],
                        y_t.at[pl.ds(s * ZR, ZR)])
        plsc.subcore_barrier()
        _edge_loop(y_t, e2_h, base, NBLK2, srcb_v, dst_v, rows_v, acc_sh,
                   sem_g, sem_s, sem_i)
        plsc.subcore_barrier()
        pltpu.sync_copy(acc_sh.at[pl.ds(s * ZR, ZR)],
                        out_h.at[c, pl.ds(s * ZR, ZR)])

    return scat_kernel(y2h, e2, zeros64)


def _norms(dref):
    d = dref[0] + dref[1]
    n_src = lax.rsqrt(jnp.maximum(d[:, 0:1], 1.0))
    n_dst = lax.rsqrt(jnp.maximum(d[:, 1:2], 1.0))
    return n_src, n_dst


_BLK = 1024


def _tc_prep(x_pad, W1, deg_p):

    def body(x_ref, w_ref, d_ref, o_ref):
        n_src, _ = _norms(d_ref)
        y = jnp.dot(x_ref[...], w_ref[...],
                    preferred_element_type=jnp.float32) * n_src
        o_ref[0] = y[:, :DHH].astype(jnp.bfloat16)
        o_ref[1] = y[:, DHH:].astype(jnp.bfloat16)

    return pl.pallas_call(
        body,
        grid=(NPAD // _BLK,),
        in_specs=[
            pl.BlockSpec((_BLK, DIN), lambda i: (i, 0)),
            pl.BlockSpec((DIN, DH), lambda i: (0, 0)),
            pl.BlockSpec((NC, _BLK, DW), lambda i: (0, i, 0)),
        ],
        out_specs=pl.BlockSpec((NC, _BLK, DHH), lambda i: (0, i, 0)),
        out_shape=jax.ShapeDtypeStruct((NC, NPAD, DHH), jnp.bfloat16),
    )(x_pad, W1, deg_p)


def _tc_mid(agg1, deg_p, W2p, b1r):

    def body(a_ref, d_ref, w_ref, bias_ref, o_ref):
        n_src, n_dst = _norms(d_ref)
        h = jnp.concatenate([a_ref[0], a_ref[1]],
                            axis=1).astype(jnp.float32) * n_dst + bias_ref[...]
        h = jnp.maximum(h, 0.0)
        o_ref[...] = (jnp.dot(h, w_ref[...],
                              preferred_element_type=jnp.float32)
                      * n_src).astype(jnp.bfloat16)

    return pl.pallas_call(
        body,
        grid=(NPAD // _BLK,),
        in_specs=[
            pl.BlockSpec((NC, _BLK, DHH), lambda i: (0, i, 0)),
            pl.BlockSpec((NC, _BLK, DW), lambda i: (0, i, 0)),
            pl.BlockSpec((DH, DOUT_P), lambda i: (0, 0)),
            pl.BlockSpec((1, DH), lambda i: (0, 0)),
        ],
        out_specs=pl.BlockSpec((_BLK, DOUT_P), lambda i: (i, 0)),
        out_shape=jax.ShapeDtypeStruct((NPAD, DOUT_P), jnp.bfloat16),
    )(agg1, deg_p, W2p, b1r)


def _tc_final(agg2, deg_p, b2r):

    def body(a_ref, d_ref, b_ref, o_ref):
        _, n_dst = _norms(d_ref)
        agg = (a_ref[0].astype(jnp.float32) + a_ref[1].astype(jnp.float32))
        o_ref[...] = agg[:, :DOUT] * n_dst + b_ref[...]

    return pl.pallas_call(
        body,
        grid=(NPAD // _BLK,),
        in_specs=[
            pl.BlockSpec((NC, _BLK, DOUT_P), lambda i: (0, i, 0)),
            pl.BlockSpec((NC, _BLK, DW), lambda i: (0, i, 0)),
            pl.BlockSpec((1, DOUT), lambda i: (0, 0)),
        ],
        out_specs=pl.BlockSpec((_BLK, DOUT), lambda i: (i, 0)),
        out_shape=jax.ShapeDtypeStruct((NPAD, DOUT), jnp.float32),
    )(agg2, deg_p, b2r)


def kernel(in_feat, edge_index, W1, b1, W2, b2):
    pad_e = EPAD - N_EDGES_
    epad = jnp.full((2, pad_e), DUMMY, dtype=jnp.int32)
    e2 = jnp.concatenate([edge_index, epad], axis=1).reshape(2, NCHUNKS_PAD, CHUNK)
    x_pad = jnp.zeros((NPAD, DIN), jnp.float32).at[:N_NODES_].set(in_feat)
    b1r = b1.reshape(1, DH)
    b2r = b2.reshape(1, DOUT)
    eye2 = jnp.zeros((2, DW), jnp.float32).at[0, 0].set(1.0).at[1, 1].set(1.0)
    cvals = jnp.tile(eye2[:, None, :], (1, CHUNK, 1))
    zeros2 = jnp.zeros((ZR, DW), jnp.float32)
    zeros64 = jnp.zeros((ZR, DHH), jnp.bfloat16)
    zeros48 = jnp.zeros((ZR, DOUT_P), jnp.bfloat16)
    W2p = jnp.zeros((DH, DOUT_P), jnp.float32).at[:, :DOUT].set(W2)

    deg_p = _sc_degree(e2, cvals, zeros2)
    y1 = _tc_prep(x_pad, W1, deg_p)
    agg1 = _sc_scatter_split(y1, e2, zeros64)
    y2 = _tc_mid(agg1, deg_p, W2p, b1r)
    agg2 = _sc_scatter_48(y2, e2, zeros48)
    out = _tc_final(agg2, deg_p, b2r)
    return out[:N_NODES_]

# --- scband reference (transcript-rebuilt; emitter-appended) ---
"""Pipeline reference for scband-gnnmodel-59725815218501 (READ-ONLY COPY).

The authoritative reference and input builder live on the scoring server;
editing this copy changes nothing except your own understanding.
"""

import jax, jax.numpy as jnp
import numpy as np

N_NODES = 10000
N_EDGES = 320000
IN_FEATS = 128
H_FEATS = 128
NUM_CLASSES = 40


def setup_inputs(seed: int = 0) -> dict:
    key = jax.random.key(seed)
    k1, k2, k3, k4, k5, k6 = jax.random.split(key, 6)
    in_feat = jax.random.normal(k1, (N_NODES, IN_FEATS), dtype=jnp.float32)
    edge_index = jax.random.randint(k2, (2, N_EDGES), 0, N_NODES, dtype=jnp.int32)
    # GraphConv weights (glorot-ish init)
    W1 = jax.random.normal(k3, (IN_FEATS, H_FEATS), dtype=jnp.float32) * (1.0 / np.sqrt(IN_FEATS))
    b1 = jnp.zeros((H_FEATS,), dtype=jnp.float32)
    W2 = jax.random.normal(k4, (H_FEATS, NUM_CLASSES), dtype=jnp.float32) * (1.0 / np.sqrt(H_FEATS))
    b2 = jnp.zeros((NUM_CLASSES,), dtype=jnp.float32)
    return {"in_feat": in_feat, "edge_index": edge_index, "W1": W1, "b1": b1, "W2": W2, "b2": b2}


def reference(in_feat, edge_index, W1, b1, W2, b2):
    # DGL GraphConv with norm='both': out[v] = d_in(v)^{-1/2} * sum_{u->v} d_out(u)^{-1/2} * (x[u] @ W) + b
    src = edge_index[0]
    dst = edge_index[1]
    ones = jnp.ones((N_EDGES,), dtype=in_feat.dtype)
    out_deg = jnp.maximum(jax.ops.segment_sum(ones, src, num_segments=N_NODES), 1.0)
    in_deg = jnp.maximum(jax.ops.segment_sum(ones, dst, num_segments=N_NODES), 1.0)
    norm_src = jax.lax.rsqrt(out_deg)
    norm_dst = jax.lax.rsqrt(in_deg)

    def graph_conv(h, W, b):
        hw = h @ W
        msg = hw[src] * norm_src[src][:, None]
        agg = jax.ops.segment_sum(msg, dst, num_segments=N_NODES)
        return agg * norm_dst[:, None] + b

    h = graph_conv(in_feat, W1, b1)
    h = jax.nn.relu(h)  # dropout p=0.0 / eval mode -> identity
    h = graph_conv(h, W2, b2)
    return h

if __name__ == "__main__":
    import jax
    _d = setup_inputs()
    print(jax.jit(kernel)(*tuple(_d.values())))

</pallas_src>

<mosaic_0001>
#map = affine_map<(d0, d1) -> (0, 0, 0)>
#map1 = affine_map<(d0, d1) -> (0, 0)>
module attributes {stable_mosaic.version = 14 : i64} {
  func.func @deg_kernel(%arg0: i32, %arg1: i32, %arg2: memref<2x2560x128xi32, #tpu.memory_space<hbm>>, %arg3: memref<2x128x8xf32, #tpu.memory_space<hbm>>, %arg4: memref<640x8xf32, #tpu.memory_space<hbm>>, %arg5: memref<2x10240x8xf32, #tpu.memory_space<hbm>>, %arg6: memref<2x16x128xi32, #tpu.memory_space<vmem>>, %arg7: memref<2x16x128xi32, #tpu.memory_space<vmem>>, %arg8: memref<128x8xf32, #tpu.memory_space<vmem>>, %arg9: memref<128x8xf32, #tpu.memory_space<vmem>>, %arg10: memref<10240x8xf32, #tpu.memory_space<vmem_shared>>, %arg11: memref<!tpu.dma_semaphore, #tpu.memory_space<semaphore_mem>>, %arg12: memref<!tpu.dma_semaphore, #tpu.memory_space<semaphore_mem>>) attributes {dimension_semantics = [#tpu.dimension_semantics<core_parallel>, #tpu.dimension_semantics<subcore_parallel>], iteration_bounds = array<i64: 2, 16>, scalar_prefetch = 0 : i64, scratch_operands = 7 : i64, tpu.core_type = #tpu.core_type<sc_vector_subcore>, window_params = [{transform_indices = #map}, {transform_indices = #map}, {transform_indices = #map1}, {transform_indices = #map}]} {
    %mul3A = arith.constant 2 : i32
    %mul3A_0 = arith.muli %arg1, %mul3A : i32
    %add3A = arith.addi %mul3A_0, %arg0 : i32
    %mul3A_1 = arith.constant 80 : i32
    %mul3A_2 = arith.muli %add3A, %mul3A_1 : i32
    %run_scoped3A = arith.constant 0 : i32
    %run_scoped3A_3 = arith.constant 0 : i32
    "tpu.region"() ({
      %run_scoped3A_55 = tpu.sem_alloc : memref<!tpu.dma_semaphore, #tpu.memory_space<semaphore_mem>>
      %dma_start3A_56 = arith.constant 0 : i32
      %dma_start3A_57 = arith.constant 0 : i32
      %dma_start3A_58 = tpu.memref_slice %arg6[%run_scoped3A_3, %dma_start3A_56, %dma_start3A_57] : memref<2x16x128xi32, #tpu.memory_space<vmem>> -> memref<1x16x128xi32, #tpu.memory_space<vmem>>
      %dma_start3A_59 = tpu.memref_squeeze %dma_start3A_58 : memref<1x16x128xi32, #tpu.memory_space<vmem>> -> memref<16x128xi32, #tpu.memory_space<vmem>>
      %dma_start3A_60 = arith.constant 0 : i32
      %dma_start3A_61 = tpu.memref_slice %arg2[%run_scoped3A, %mul3A_2, %dma_start3A_60] : memref<2x2560x128xi32, #tpu.memory_space<hbm>> -> memref<1x16x128xi32, #tpu.memory_space<hbm>>
      %dma_start3A_62 = tpu.memref_squeeze %dma_start3A_61 : memref<1x16x128xi32, #tpu.memory_space<hbm>> -> memref<16x128xi32, #tpu.memory_space<hbm>>
      %dma_start3A_63 = arith.constant 0 : i32
      %dma_start3A_64 = arith.constant 0 : i32
      %dma_start3A_65 = tpu.memref_slice %arg6[%run_scoped3A_3, %dma_start3A_63, %dma_start3A_64] : memref<2x16x128xi32, #tpu.memory_space<vmem>> -> memref<1x16x128xi32, #tpu.memory_space<vmem>>
      %dma_start3A_66 = tpu.memref_squeeze %dma_start3A_65 : memref<1x16x128xi32, #tpu.memory_space<vmem>> -> memref<16x128xi32, #tpu.memory_space<vmem>>
      %dma_start3A_67 = arith.constant 0 : i32
      %dma_start3A_68 = tpu.memref_slice %arg2[%run_scoped3A, %mul3A_2, %dma_start3A_67] : memref<2x2560x128xi32, #tpu.memory_space<hbm>> -> memref<1x16x128xi32, #tpu.memory_space<hbm>>
      %dma_start3A_69 = tpu.memref_squeeze %dma_start3A_68 : memref<1x16x128xi32, #tpu.memory_space<hbm>> -> memref<16x128xi32, #tpu.memory_space<hbm>>
      tpu.enqueue_dma source(%dma_start3A_69 : memref<16x128xi32, #tpu.memory_space<hbm>>) target(%dma_start3A_66 : memref<16x128xi32, #tpu.memory_space<vmem>>) target_semaphore(%run_scoped3A_55 : memref<!tpu.dma_semaphore, #tpu.memory_space<semaphore_mem>>)
      %dma_wait3A = arith.constant 0 : i32
      %dma_wait3A_70 = arith.constant 0 : i32
      %dma_wait3A_71 = tpu.memref_slice %arg6[%run_scoped3A_3, %dma_wait3A, %dma_wait3A_70] : memref<2x16x128xi32, #tpu.memory_space<vmem>> -> memref<1x16x128xi32, #tpu.memory_space<vmem>>
      %dma_wait3A_72 = tpu.memref_squeeze %dma_wait3A_71 : memref<1x16x128xi32, #tpu.memory_space<vmem>> -> memref<16x128xi32, #tpu.memory_space<vmem>>
      %dma_wait3A_73 = arith.constant 0 : i32
      %dma_wait3A_74 = tpu.memref_slice %arg2[%run_scoped3A, %mul3A_2, %dma_wait3A_73] : memref<2x2560x128xi32, #tpu.memory_space<hbm>> -> memref<1x16x128xi32, #tpu.memory_space<hbm>>
      %dma_wait3A_75 = tpu.memref_squeeze %dma_wait3A_74 : memref<1x16x128xi32, #tpu.memory_space<hbm>> -> memref<16x128xi32, #tpu.memory_space<hbm>>
      %dma_wait3A_76 = arith.constant 0 : i32
      %dma_wait3A_77 = arith.constant 0 : i32
      %dma_wait3A_78 = tpu.memref_slice %arg6[%run_scoped3A_3, %dma_wait3A_76, %dma_wait3A_77] : memref<2x16x128xi32, #tpu.memory_space<vmem>> -> memref<1x16x128xi32, #tpu.memory_space<vmem>>
      %dma_wait3A_79 = tpu.memref_squeeze %dma_wait3A_78 : memref<1x16x128xi32, #tpu.memory_space<vmem>> -> memref<16x128xi32, #tpu.memory_space<vmem>>
      %dma_wait3A_80 = arith.constant 0 : i32
      %dma_wait3A_81 = tpu.memref_slice %arg2[%run_scoped3A, %mul3A_2, %dma_wait3A_80] : memref<2x2560x128xi32, #tpu.memory_space<hbm>> -> memref<1x16x128xi32, #tpu.memory_space<hbm>>
      %dma_wait3A_82 = tpu.memref_squeeze %dma_wait3A_81 : memref<1x16x128xi32, #tpu.memory_space<hbm>> -> memref<16x128xi32, #tpu.memory_space<hbm>>
      tpu.wait_dma2 semaphore(%run_scoped3A_55 : memref<!tpu.dma_semaphore, #tpu.memory_space<semaphore_mem>>) src(%dma_wait3A_82 : memref<16x128xi32, #tpu.memory_space<hbm>>) dst(%dma_wait3A_79 : memref<16x128xi32, #tpu.memory_space<vmem>>)
      tpu.yield
    }) : () -> ()
    %run_scoped3A_4 = arith.constant 1 : i32
    %run_scoped3A_5 = arith.constant 0 : i32
    "tpu.region"() ({
      %run_scoped3A_55 = tpu.sem_alloc : memref<!tpu.dma_semaphore, #tpu.memory_space<semaphore_mem>>
      %dma_start3A_56 = arith.constant 0 : i32
      %dma_start3A_57 = arith.constant 0 : i32
      %dma_start3A_58 = tpu.memref_slice %arg7[%run_scoped3A_5, %dma_start3A_56, %dma_start3A_57] : memref<2x16x128xi32, #tpu.memory_space<vmem>> -> memref<1x16x128xi32, #tpu.memory_space<vmem>>
      %dma_start3A_59 = tpu.memref_squeeze %dma_start3A_58 : memref<1x16x128xi32, #tpu.memory_space<vmem>> -> memref<16x128xi32, #tpu.memory_space<vmem>>
      %dma_start3A_60 = arith.constant 0 : i32
      %dma_start3A_61 = tpu.memref_slice %arg2[%run_scoped3A_4, %mul3A_2, %dma_start3A_60] : memref<2x2560x128xi32, #tpu.memory_space<hbm>> -> memref<1x16x128xi32, #tpu.memory_space<hbm>>
      %dma_start3A_62 = tpu.memref_squeeze %dma_start3A_61 : memref<1x16x128xi32, #tpu.memory_space<hbm>> -> memref<16x128xi32, #tpu.memory_space<hbm>>
      %dma_start3A_63 = arith.constant 0 : i32
      %dma_start3A_64 = arith.constant 0 : i32
      %dma_start3A_65 = tpu.memref_slice %arg7[%run_scoped3A_5, %dma_start3A_63, %dma_start3A_64] : memref<2x16x128xi32, #tpu.memory_space<vmem>> -> memref<1x16x128xi32, #tpu.memory_space<vmem>>
      %dma_start3A_66 = tpu.memref_squeeze %dma_start3A_65 : memref<1x16x128xi32, #tpu.memory_space<vmem>> -> memref<16x128xi32, #tpu.memory_space<vmem>>
      %dma_start3A_67 = arith.constant 0 : i32
      %dma_start3A_68 = tpu.memref_slice %arg2[%run_scoped3A_4, %mul3A_2, %dma_start3A_67] : memref<2x2560x128xi32, #tpu.memory_space<hbm>> -> memref<1x16x128xi32, #tpu.memory_space<hbm>>
      %dma_start3A_69 = tpu.memref_squeeze %dma_start3A_68 : memref<1x16x128xi32, #tpu.memory_space<hbm>> -> memref<16x128xi32, #tpu.memory_space<hbm>>
      tpu.enqueue_dma source(%dma_start3A_69 : memref<16x128xi32, #tpu.memory_space<hbm>>) target(%dma_start3A_66 : memref<16x128xi32, #tpu.memory_space<vmem>>) target_semaphore(%run_scoped3A_55 : memref<!tpu.dma_semaphore, #tpu.memory_space<semaphore_mem>>)
      %dma_wait3A = arith.constant 0 : i32
      %dma_wait3A_70 = arith.constant 0 : i32
      %dma_wait3A_71 = tpu.memref_slice %arg7[%run_scoped3A_5, %dma_wait3A, %dma_wait3A_70] : memref<2x16x128xi32, #tpu.memory_space<vmem>> -> memref<1x16x128xi32, #tpu.memory_space<vmem>>
      %dma_wait3A_72 = tpu.memref_squeeze %dma_wait3A_71 : memref<1x16x128xi32, #tpu.memory_space<vmem>> -> memref<16x128xi32, #tpu.memory_space<vmem>>
      %dma_wait3A_73 = arith.constant 0 : i32
      %dma_wait3A_74 = tpu.memref_slice %arg2[%run_scoped3A_4, %mul3A_2, %dma_wait3A_73] : memref<2x2560x128xi32, #tpu.memory_space<hbm>> -> memref<1x16x128xi32, #tpu.memory_space<hbm>>
      %dma_wait3A_75 = tpu.memref_squeeze %dma_wait3A_74 : memref<1x16x128xi32, #tpu.memory_space<hbm>> -> memref<16x128xi32, #tpu.memory_space<hbm>>
      %dma_wait3A_76 = arith.constant 0 : i32
      %dma_wait3A_77 = arith.constant 0 : i32
      %dma_wait3A_78 = tpu.memref_slice %arg7[%run_scoped3A_5, %dma_wait3A_76, %dma_wait3A_77] : memref<2x16x128xi32, #tpu.memory_space<vmem>> -> memref<1x16x128xi32, #tpu.memory_space<vmem>>
      %dma_wait3A_79 = tpu.memref_squeeze %dma_wait3A_78 : memref<1x16x128xi32, #tpu.memory_space<vmem>> -> memref<16x128xi32, #tpu.memory_space<vmem>>
      %dma_wait3A_80 = arith.constant 0 : i32
      %dma_wait3A_81 = tpu.memref_slice %arg2[%run_scoped3A_4, %mul3A_2, %dma_wait3A_80] : memref<2x2560x128xi32, #tpu.memory_space<hbm>> -> memref<1x16x128xi32, #tpu.memory_space<hbm>>
      %dma_wait3A_82 = tpu.memref_squeeze %dma_wait3A_81 : memref<1x16x128xi32, #tpu.memory_space<hbm>> -> memref<16x128xi32, #tpu.memory_space<hbm>>
      tpu.wait_dma2 semaphore(%run_scoped3A_55 : memref<!tpu.dma_semaphore, #tpu.memory_space<semaphore_mem>>) src(%dma_wait3A_82 : memref<16x128xi32, #tpu.memory_space<hbm>>) dst(%dma_wait3A_79 : memref<16x128xi32, #tpu.memory_space<vmem>>)
      tpu.yield
    }) : () -> ()
    %add3A_6 = arith.constant 16 : i32
    %add3A_7 = arith.addi %mul3A_2, %add3A_6 : i32
    %dma_start3A = arith.constant 0 : i32
    %dma_start3A_8 = arith.constant 1 : i32
    %dma_start3A_9 = arith.constant 0 : i32
    %dma_start3A_10 = arith.constant 0 : i32
    %dma_start3A_11 = tpu.memref_slice %arg6[%dma_start3A_8, %dma_start3A_9, %dma_start3A_10] : memref<2x16x128xi32, #tpu.memory_space<vmem>> -> memref<1x16x128xi32, #tpu.memory_space<vmem>>
    %dma_start3A_12 = tpu.memref_squeeze %dma_start3A_11 : memref<1x16x128xi32, #tpu.memory_space<vmem>> -> memref<16x128xi32, #tpu.memory_space<vmem>>
    %dma_start3A_13 = arith.constant 0 : i32
    %dma_start3A_14 = tpu.memref_slice %arg2[%dma_start3A, %add3A_7, %dma_start3A_13] : memref<2x2560x128xi32, #tpu.memory_space<hbm>> -> memref<1x16x128xi32, #tpu.memory_space<hbm>>
    %dma_start3A_15 = tpu.memref_squeeze %dma_start3A_14 : memref<1x16x128xi32, #tpu.memory_space<hbm>> -> memref<16x128xi32, #tpu.memory_space<hbm>>
    %dma_start3A_16 = arith.constant 0 : i32
    %dma_start3A_17 = arith.constant 0 : i32
    %dma_start3A_18 = tpu.memref_slice %arg6[%dma_start3A_8, %dma_start3A_16, %dma_start3A_17] : memref<2x16x128xi32, #tpu.memory_space<vmem>> -> memref<1x16x128xi32, #tpu.memory_space<vmem>>
    %dma_start3A_19 = tpu.memref_squeeze %dma_start3A_18 : memref<1x16x128xi32, #tpu.memory_space<vmem>> -> memref<16x128xi32, #tpu.memory_space<vmem>>
    %dma_start3A_20 = arith.constant 0 : i32
    %dma_start3A_21 = tpu.memref_slice %arg2[%dma_start3A, %add3A_7, %dma_start3A_20] : memref<2x2560x128xi32, #tpu.memory_space<hbm>> -> memref<1x16x128xi32, #tpu.memory_space<hbm>>
    %dma_start3A_22 = tpu.memref_squeeze %dma_start3A_21 : memref<1x16x128xi32, #tpu.memory_space<hbm>> -> memref<16x128xi32, #tpu.memory_space<hbm>>
    tpu.enqueue_dma source(%dma_start3A_22 : memref<16x128xi32, #tpu.memory_space<hbm>>) target(%dma_start3A_19 : memref<16x128xi32, #tpu.memory_space<vmem>>) target_semaphore(%arg12 : memref<!tpu.dma_semaphore, #tpu.memory_space<semaphore_mem>>)
    %add3A_23 = arith.constant 16 : i32
    %add3A_24 = arith.addi %mul3A_2, %add3A_23 : i32
    %dma_start3A_25 = arith.constant 1 : i32
    %dma_start3A_26 = arith.constant 1 : i32
    %dma_start3A_27 = arith.constant 0 : i32
    %dma_start3A_28 = arith.constant 0 : i32
    %dma_start3A_29 = tpu.memref_slice %arg7[%dma_start3A_26, %dma_start3A_27, %dma_start3A_28] : memref<2x16x128xi32, #tpu.memory_space<vmem>> -> memref<1x16x128xi32, #tpu.memory_space<vmem>>
    %dma_start3A_30 = tpu.memref_squeeze %dma_start3A_29 : memref<1x16x128xi32, #tpu.memory_space<vmem>> -> memref<16x128xi32, #tpu.memory_space<vmem>>
    %dma_start3A_31 = arith.constant 0 : i32
    %dma_start3A_32 = tpu.memref_slice %arg2[%dma_start3A_25, %add3A_24, %dma_start3A_31] : memref<2x2560x128xi32, #tpu.memory_space<hbm>> -> memref<1x16x128xi32, #tpu.memory_space<hbm>>
    %dma_start3A_33 = tpu.memref_squeeze %dma_start3A_32 : memref<1x16x128xi32, #tpu.memory_space<hbm>> -> memref<16x128xi32, #tpu.memory_space<hbm>>
    %dma_start3A_34 = arith.constant 0 : i32
    %dma_start3A_35 = arith.constant 0 : i32
    %dma_start3A_36 = tpu.memref_slice %arg7[%dma_start3A_26, %dma_start3A_34, %dma_start3A_35] : memref<2x16x128xi32, #tpu.memory_space<vmem>> -> memref<1x16x128xi32, #tpu.memory_space<vmem>>
    %dma_start3A_37 = tpu.memref_squeeze %dma_start3A_36 : memref<1x16x128xi32, #tpu.memory_space<vmem>> -> memref<16x128xi32, #tpu.memory_space<vmem>>
    %dma_start3A_38 = arith.constant 0 : i32
    %dma_start3A_39 = tpu.memref_slice %arg2[%dma_start3A_25, %add3A_24, %dma_start3A_38] : memref<2x2560x128xi32, #tpu.memory_space<hbm>> -> memref<1x16x128xi32, #tpu.memory_space<hbm>>
    %dma_start3A_40 = tpu.memref_squeeze %dma_start3A_39 : memref<1x16x128xi32, #tpu.memory_space<hbm>> -> memref<16x128xi32, #tpu.memory_space<hbm>>
    tpu.enqueue_dma source(%dma_start3A_40 : memref<16x128xi32, #tpu.memory_space<hbm>>) target(%dma_start3A_37 : memref<16x128xi32, #tpu.memory_space<vmem>>) target_semaphore(%arg12 : memref<!tpu.dma_semaphore, #tpu.memory_space<semaphore_mem>>)
    %run_scoped3A_41 = arith.constant 0 : i32
    "tpu.region"() ({
      %run_scoped3A_55 = tpu.sem_alloc : memref<!tpu.dma_semaphore, #tpu.memory_space<semaphore_mem>>
      %dma_start3A_56 = arith.constant 0 : i32
      %dma_start3A_57 = arith.constant 0 : i32
      %dma_start3A_58 = tpu.memref_slice %arg3[%run_scoped3A_41, %dma_start3A_56, %dma_start3A_57] : memref<2x128x8xf32, #tpu.memory_space<hbm>> -> memref<1x128x8xf32, #tpu.memory_space<hbm>>
      %dma_start3A_59 = tpu.memref_squeeze %dma_start3A_58 : memref<1x128x8xf32, #tpu.memory_space<hbm>> -> memref<128x8xf32, #tpu.memory_space<hbm>>
      %dma_start3A_60 = arith.constant 0 : i32
      %dma_start3A_61 = arith.constant 0 : i32
      %dma_start3A_62 = tpu.memref_slice %arg3[%run_scoped3A_41, %dma_start3A_60, %dma_start3A_61] : memref<2x128x8xf32, #tpu.memory_space<hbm>> -> memref<1x128x8xf32, #tpu.memory_space<hbm>>
      %dma_start3A_63 = tpu.memref_squeeze %dma_start3A_62 : memref<1x128x8xf32, #tpu.memory_space<hbm>> -> memref<128x8xf32, #tpu.memory_space<hbm>>
      tpu.enqueue_dma source(%dma_start3A_63 : memref<128x8xf32, #tpu.memory_space<hbm>>) target(%arg8 : memref<128x8xf32, #tpu.memory_space<vmem>>) target_semaphore(%run_scoped3A_55 : memref<!tpu.dma_semaphore, #tpu.memory_space<semaphore_mem>>)
      %dma_wait3A = arith.constant 0 : i32
      %dma_wait3A_64 = arith.constant 0 : i32
      %dma_wait3A_65 = tpu.memref_slice %arg3[%run_scoped3A_41, %dma_wait3A, %dma_wait3A_64] : memref<2x128x8xf32, #tpu.memory_space<hbm>> -> memref<1x128x8xf32, #tpu.memory_space<hbm>>
      %dma_wait3A_66 = tpu.memref_squeeze %dma_wait3A_65 : memref<1x128x8xf32, #tpu.memory_space<hbm>> -> memref<128x8xf32, #tpu.memory_space<hbm>>
      %dma_wait3A_67 = arith.constant 0 : i32
      %dma_wait3A_68 = arith.constant 0 : i32
      %dma_wait3A_69 = tpu.memref_slice %arg3[%run_scoped3A_41, %dma_wait3A_67, %dma_wait3A_68] : memref<2x128x8xf32, #tpu.memory_space<hbm>> -> memref<1x128x8xf32, #tpu.memory_space<hbm>>
      %dma_wait3A_70 = tpu.memref_squeeze %dma_wait3A_69 : memref<1x128x8xf32, #tpu.memory_space<hbm>> -> memref<128x8xf32, #tpu.memory_space<hbm>>
      tpu.wait_dma2 semaphore(%run_scoped3A_55 : memref<!tpu.dma_semaphore, #tpu.memory_space<semaphore_mem>>) src(%dma_wait3A_70 : memref<128x8xf32, #tpu.memory_space<hbm>>) dst(%arg8 : memref<128x8xf32, #tpu.memory_space<vmem>>)
      tpu.yield
    }) : () -> ()
    %run_scoped3A_42 = arith.constant 1 : i32
    "tpu.region"() ({
      %run_scoped3A_55 = tpu.sem_alloc : memref<!tpu.dma_semaphore, #tpu.memory_space<semaphore_mem>>
      %dma_start3A_56 = arith.constant 0 : i32
      %dma_start3A_57 = arith.constant 0 : i32
      %dma_start3A_58 = tpu.memref_slice %arg3[%run_scoped3A_42, %dma_start3A_56, %dma_start3A_57] : memref<2x128x8xf32, #tpu.memory_space<hbm>> -> memref<1x128x8xf32, #tpu.memory_space<hbm>>
      %dma_start3A_59 = tpu.memref_squeeze %dma_start3A_58 : memref<1x128x8xf32, #tpu.memory_space<hbm>> -> memref<128x8xf32, #tpu.memory_space<hbm>>
      %dma_start3A_60 = arith.constant 0 : i32
      %dma_start3A_61 = arith.constant 0 : i32
      %dma_start3A_62 = tpu.memref_slice %arg3[%run_scoped3A_42, %dma_start3A_60, %dma_start3A_61] : memref<2x128x8xf32, #tpu.memory_space<hbm>> -> memref<1x128x8xf32, #tpu.memory_space<hbm>>
      %dma_start3A_63 = tpu.memref_squeeze %dma_start3A_62 : memref<1x128x8xf32, #tpu.memory_space<hbm>> -> memref<128x8xf32, #tpu.memory_space<hbm>>
      tpu.enqueue_dma source(%dma_start3A_63 : memref<128x8xf32, #tpu.memory_space<hbm>>) target(%arg9 : memref<128x8xf32, #tpu.memory_space<vmem>>) target_semaphore(%run_scoped3A_55 : memref<!tpu.dma_semaphore, #tpu.memory_space<semaphore_mem>>)
      %dma_wait3A = arith.constant 0 : i32
      %dma_wait3A_64 = arith.constant 0 : i32
      %dma_wait3A_65 = tpu.memref_slice %arg3[%run_scoped3A_42, %dma_wait3A, %dma_wait3A_64] : memref<2x128x8xf32, #tpu.memory_space<hbm>> -> memref<1x128x8xf32, #tpu.memory_space<hbm>>
      %dma_wait3A_66 = tpu.memref_squeeze %dma_wait3A_65 : memref<1x128x8xf32, #tpu.memory_space<hbm>> -> memref<128x8xf32, #tpu.memory_space<hbm>>
      %dma_wait3A_67 = arith.constant 0 : i32
      %dma_wait3A_68 = arith.constant 0 : i32
      %dma_wait3A_69 = tpu.memref_slice %arg3[%run_scoped3A_42, %dma_wait3A_67, %dma_wait3A_68] : memref<2x128x8xf32, #tpu.memory_space<hbm>> -> memref<1x128x8xf32, #tpu.memory_space<hbm>>
      %dma_wait3A_70 = tpu.memref_squeeze %dma_wait3A_69 : memref<1x128x8xf32, #tpu.memory_space<hbm>> -> memref<128x8xf32, #tpu.memory_space<hbm>>
      tpu.wait_dma2 semaphore(%run_scoped3A_55 : memref<!tpu.dma_semaphore, #tpu.memory_space<semaphore_mem>>) src(%dma_wait3A_70 : memref<128x8xf32, #tpu.memory_space<hbm>>) dst(%arg9 : memref<128x8xf32, #tpu.memory_space<vmem>>)
      tpu.yield
    }) : () -> ()
    %mul3A_43 = arith.constant 640 : i32
    %mul3A_44 = arith.muli %arg1, %mul3A_43 : i32
    "tpu.region"() ({
      %run_scoped3A_55 = tpu.sem_alloc : memref<!tpu.dma_semaphore, #tpu.memory_space<semaphore_mem>>
      %dma_start3A_56 = arith.constant 0 : i32
      %dma_start3A_57 = tpu.memref_slice %arg10[%mul3A_44, %dma_start3A_56] : memref<10240x8xf32, #tpu.memory_space<vmem_shared>> -> memref<640x8xf32, #tpu.memory_space<vmem_shared>>
      tpu.enqueue_dma source(%arg4 : memref<640x8xf32, #tpu.memory_space<hbm>>) target(%dma_start3A_57 : memref<640x8xf32, #tpu.memory_space<vmem_shared>>) target_semaphore(%run_scoped3A_55 : memref<!tpu.dma_semaphore, #tpu.memory_space<semaphore_mem>>)
      %dma_wait3A = arith.constant 0 : i32
      %dma_wait3A_58 = tpu.memref_slice %arg10[%mul3A_44, %dma_wait3A] : memref<10240x8xf32, #tpu.memory_space<vmem_shared>> -> memref<640x8xf32, #tpu.memory_space<vmem_shared>>
      tpu.wait_dma2 semaphore(%run_scoped3A_55 : memref<!tpu.dma_semaphore, #tpu.memory_space<semaphore_mem>>) src(%arg4 : memref<640x8xf32, #tpu.memory_space<hbm>>) dst(%dma_wait3A_58 : memref<640x8xf32, #tpu.memory_space<vmem_shared>>)
      tpu.yield
    }) : () -> ()
    %barrier3A = arith.constant 0 : index
    tpu.barrier barrier_id(%barrier3A)
    %scan3A = arith.constant 0 : i32
    %scan3A_45 = arith.constant 0 : i32
    %scan3A_46 = arith.constant 5 : i32
    %scan3A_47 = arith.addi %scan3A_45, %scan3A_46 : i32
    %scan3A_48 = arith.constant 1 : i32
    scf.for %scan3A_55 = %scan3A_45 to %scan3A_47 step %scan3A_48  : i32 {
      %jit3A = arith.constant 2 : i32
      %eq3A = arith.constant 0 : i32
      %eq3A_56 = arith.cmpi eq, %jit3A, %eq3A : i32
      %jit3A_57 = arith.constant 1 : i32
      %select_n3A = arith.select %eq3A_56, %jit3A_57, %jit3A : i32
      %rem3A = arith.remsi %scan3A_55, %select_n3A : i32
      %ne3A = arith.constant 0 : i32
      %ne3A_58 = arith.cmpi ne, %rem3A, %ne3A : i32
      %lt3A = arith.constant 0 : i32
      %lt3A_59 = arith.cmpi slt, %rem3A, %lt3A : i32
      %lt3A_60 = arith.constant 0 : i32
      %lt3A_61 = arith.cmpi slt, %select_n3A, %lt3A_60 : i32
      %ne3A_62 = arith.xori %lt3A_59, %lt3A_61 : i1
      %and3A = arith.andi %ne3A_62, %ne3A_58 : i1
      %add3A_63 = arith.addi %rem3A, %select_n3A : i32
      %select_n3A_64 = arith.select %and3A, %add3A_63, %rem3A : i32
      %add3A_65 = arith.constant 1 : i32
      %add3A_66 = arith.addi %scan3A_55, %add3A_65 : i32
      %jit3A_67 = arith.constant 2 : i32
      %eq3A_68 = arith.constant 0 : i32
      %eq3A_69 = arith.cmpi eq, %jit3A_67, %eq3A_68 : i32
      %jit3A_70 = arith.constant 1 : i32
      %select_n3A_71 = arith.select %eq3A_69, %jit3A_70, %jit3A_67 : i32
      %rem3A_72 = arith.remsi %add3A_66, %select_n3A_71 : i32
      %ne3A_73 = arith.constant 0 : i32
      %ne3A_74 = arith.cmpi ne, %rem3A_72, %ne3A_73 : i32
      %lt3A_75 = arith.constant 0 : i32
      %lt3A_76 = arith.cmpi slt, %rem3A_72, %lt3A_75 : i32
      %lt3A_77 = arith.constant 0 : i32
      %lt3A_78 = arith.cmpi slt, %select_n3A_71, %lt3A_77 : i32
      %ne3A_79 = arith.xori %lt3A_76, %lt3A_78 : i1
      %and3A_80 = arith.andi %ne3A_79, %ne3A_74 : i1
      %add3A_81 = arith.addi %rem3A_72, %select_n3A_71 : i32
      %select_n3A_82 = arith.select %and3A_80, %add3A_81, %rem3A_72 : i32
      %dma_start3A_83 = arith.constant 0 : i32
      %dma_start3A_84 = arith.constant 0 : i32
      %dma_start3A_85 = tpu.memref_slice %arg6[%select_n3A_64, %dma_start3A_83, %dma_start3A_84] : memref<2x16x128xi32, #tpu.memory_space<vmem>> -> memref<1x1x128xi32, #tpu.memory_space<vmem>>
      %dma_start3A_86 = tpu.memref_squeeze %dma_start3A_85 : memref<1x1x128xi32, #tpu.memory_space<vmem>> -> memref<128xi32, #tpu.memory_space<vmem>>
      %dma_start3A_87 = arith.constant 0 : i32
      %dma_start3A_88 = arith.constant 0 : i32
      %dma_start3A_89 = tpu.memref_slice %arg10[%dma_start3A_87, %dma_start3A_88] : memref<10240x8xf32, #tpu.memory_space<vmem_shared>> -> memref<10240x8xf32, #tpu.memory_space<vmem_shared>>
      tpu.enqueue_indirect_dma source(%arg8 : memref<128x8xf32, #tpu.memory_space<vmem>>) target(%dma_start3A_89 : memref<10240x8xf32, #tpu.memory_space<vmem_shared>>) offsets(%dma_start3A_86 : memref<128xi32, #tpu.memory_space<vmem>>) semaphore(%arg11 : memref<!tpu.dma_semaphore, #tpu.memory_space<semaphore_mem>>) {add = true}
      %dma_start3A_90 = arith.constant 0 : i32
      %dma_start3A_91 = arith.constant 0 : i32
      %dma_start3A_92 = tpu.memref_slice %arg7[%select_n3A_64, %dma_start3A_90, %dma_start3A_91] : memref<2x16x128xi32, #tpu.memory_space<vmem>> -> memref<1x1x128xi32, #tpu.memory_space<vmem>>
      %dma_start3A_93 = tpu.memref_squeeze %dma_start3A_92 : memref<1x1x128xi32, #tpu.memory_space<vmem>> -> memref<128xi32, #tpu.memory_space<vmem>>
      %dma_start3A_94 = arith.constant 0 : i32
      %dma_start3A_95 = arith.constant 0 : i32
      %dma_start3A_96 = tpu.memref_slice %arg10[%dma_start3A_94, %dma_start3A_95] : memref<10240x8xf32, #tpu.memory_space<vmem_shared>> -> memref<10240x8xf32, #tpu.memory_space<vmem_shared>>
      tpu.enqueue_indirect_dma source(%arg9 : memref<128x8xf32, #tpu.memory_space<vmem>>) target(%dma_start3A_96 : memref<10240x8xf32, #tpu.memory_space<vmem_shared>>) offsets(%dma_start3A_93 : memref<128xi32, #tpu.memory_space<vmem>>) semaphore(%arg11 : memref<!tpu.dma_semaphore, #tpu.memory_space<semaphore_mem>>) {add = true}
      %dma_start3A_97 = arith.constant 1 : i32
      %dma_start3A_98 = arith.constant 0 : i32
      %dma_start3A_99 = tpu.memref_slice %arg6[%select_n3A_64, %dma_start3A_97, %dma_start3A_98] : memref<2x16x128xi32, #tpu.memory_space<vmem>> -> memref<1x1x128xi32, #tpu.memory_space<vmem>>
      %dma_start3A_100 = tpu.memref_squeeze %dma_start3A_99 : memref<1x1x128xi32, #tpu.memory_space<vmem>> -> memref<128xi32, #tpu.memory_space<vmem>>
      %dma_start3A_101 = arith.constant 0 : i32
      %dma_start3A_102 = arith.constant 0 : i32
      %dma_start3A_103 = tpu.memref_slice %arg10[%dma_start3A_101, %dma_start3A_102] : memref<10240x8xf32, #tpu.memory_space<vmem_shared>> -> memref<10240x8xf32, #tpu.memory_space<vmem_shared>>
      tpu.enqueue_indirect_dma source(%arg8 : memref<128x8xf32, #tpu.memory_space<vmem>>) target(%dma_start3A_103 : memref<10240x8xf32, #tpu.memory_space<vmem_shared>>) offsets(%dma_start3A_100 : memref<128xi32, #tpu.memory_space<vmem>>) semaphore(%arg11 : memref<!tpu.dma_semaphore, #tpu.memory_space<semaphore_mem>>) {add = true}
      %dma_start3A_104 = arith.constant 1 : i32
      %dma_start3A_105 = arith.constant 0 : i32
      %dma_start3A_106 = tpu.memref_slice %arg7[%select_n3A_64, %dma_start3A_104, %dma_start3A_105] : memref<2x16x128xi32, #tpu.memory_space<vmem>> -> memref<1x1x128xi32, #tpu.memory_space<vmem>>
      %dma_start3A_107 = tpu.memref_squeeze %dma_start3A_106 : memref<1x1x128xi32, #tpu.memory_space<vmem>> -> memref<128xi32, #tpu.memory_space<vmem>>
      %dma_start3A_108 = arith.constant 0 : i32
      %dma_start3A_109 = arith.constant 0 : i32
      %dma_start3A_110 = tpu.memref_slice %arg10[%dma_start3A_108, %dma_start3A_109] : memref<10240x8xf32, #tpu.memory_space<vmem_shared>> -> memref<10240x8xf32, #tpu.memory_space<vmem_shared>>
      tpu.enqueue_indirect_dma source(%arg9 : memref<128x8xf32, #tpu.memory_space<vmem>>) target(%dma_start3A_110 : memref<10240x8xf32, #tpu.memory_space<vmem_shared>>) offsets(%dma_start3A_107 : memref<128xi32, #tpu.memory_space<vmem>>) semaphore(%arg11 : memref<!tpu.dma_semaphore, #tpu.memory_space<semaphore_mem>>) {add = true}
      %dma_start3A_111 = arith.constant 2 : i32
      %dma_start3A_112 = arith.constant 0 : i32
      %dma_start3A_113 = tpu.memref_slice %arg6[%select_n3A_64, %dma_start3A_111, %dma_start3A_112] : memref<2x16x128xi32, #tpu.memory_space<vmem>> -> memref<1x1x128xi32, #tpu.memory_space<vmem>>
      %dma_start3A_114 = tpu.memref_squeeze %dma_start3A_113 : memref<1x1x128xi32, #tpu.memory_space<vmem>> -> memref<128xi32, #tpu.memory_space<vmem>>
      %dma_start3A_115 = arith.constant 0 : i32
      %dma_start3A_116 = arith.constant 0 : i32
      %dma_start3A_117 = tpu.memref_slice %arg10[%dma_start3A_115, %dma_start3A_116] : memref<10240x8xf32, #tpu.memory_space<vmem_shared>> -> memref<10240x8xf32, #tpu.memory_space<vmem_shared>>
      tpu.enqueue_indirect_dma source(%arg8 : memref<128x8xf32, #tpu.memory_space<vmem>>) target(%dma_start3A_117 : memref<10240x8xf32, #tpu.memory_space<vmem_shared>>) offsets(%dma_start3A_114 : memref<128xi32, #tpu.memory_space<vmem>>) semaphore(%arg11 : memref<!tpu.dma_semaphore, #tpu.memory_space<semaphore_mem>>) {add = true}
      %dma_start3A_118 = arith.constant 2 : i32
      %dma_start3A_119 = arith.constant 0 : i32
      %dma_start3A_120 = tpu.memref_slice %arg7[%select_n3A_64, %dma_start3A_118, %dma_start3A_119] : memref<2x16x128xi32, #tpu.memory_space<vmem>> -> memref<1x1x128xi32, #tpu.memory_space<vmem>>
      %dma_start3A_121 = tpu.memref_squeeze %dma_start3A_120 : memref<1x1x128xi32, #tpu.memory_space<vmem>> -> memref<128xi32, #tpu.memory_space<vmem>>
      %dma_start3A_122 = arith.constant 0 : i32
      %dma_start3A_123 = arith.constant 0 : i32
      %dma_start3A_124 = tpu.memref_slice %arg10[%dma_start3A_122, %dma_start3A_123] : memref<10240x8xf32, #tpu.memory_space<vmem_shared>> -> memref<10240x8xf32, #tpu.memory_space<vmem_shared>>
      tpu.enqueue_indirect_dma source(%arg9 : memref<128x8xf32, #tpu.memory_space<vmem>>) target(%dma_start3A_124 : memref<10240x8xf32, #tpu.memory_space<vmem_shared>>) offsets(%dma_start3A_121 : memref<128xi32, #tpu.memory_space<vmem>>) semaphore(%arg11 : memref<!tpu.dma_semaphore, #tpu.memory_space<semaphore_mem>>) {add = true}
      %dma_start3A_125 = arith.constant 3 : i32
      %dma_start3A_126 = arith.constant 0 : i32
      %dma_start3A_127 = tpu.memref_slice %arg6[%select_n3A_64, %dma_start3A_125, %dma_start3A_126] : memref<2x16x128xi32, #tpu.memory_space<vmem>> -> memref<1x1x128xi32, #tpu.memory_space<vmem>>
      %dma_start3A_128 = tpu.memref_squeeze %dma_start3A_127 : memref<1x1x128xi32, #tpu.memory_space<vmem>> -> memref<128xi32, #tpu.memory_space<vmem>>
      %dma_start3A_129 = arith.constant 0 : i32
      %dma_start3A_130 = arith.constant 0 : i32
      %dma_start3A_131 = tpu.memref_slice %arg10[%dma_start3A_129, %dma_start3A_130] : memref<10240x8xf32, #tpu.memory_space<vmem_shared>> -> memref<10240x8xf32, #tpu.memory_space<vmem_shared>>
      tpu.enqueue_indirect_dma source(%arg8 : memref<128x8xf32, #tpu.memory_space<vmem>>) target(%dma_start3A_131 : memref<10240x8xf32, #tpu.memory_space<vmem_shared>>) offsets(%dma_start3A_128 : memref<128xi32, #tpu.memory_space<vmem>>) semaphore(%arg11 : memref<!tpu.dma_semaphore, #tpu.memory_space<semaphore_mem>>) {add = true}
      %dma_start3A_132 = arith.constant 3 : i32
      %dma_start3A_133 = arith.constant 0 : i32
      %dma_start3A_134 = tpu.memref_slice %arg7[%select_n3A_64, %dma_start3A_132, %dma_start3A_133] : memref<2x16x128xi32, #tpu.memory_space<vmem>> -> memref<1x1x128xi32, #tpu.memory_space<vmem>>
      %dma_start3A_135 = tpu.memref_squeeze %dma_start3A_134 : memref<1x1x128xi32, #tpu.memory_space<vmem>> -> memref<128xi32, #tpu.memory_space<vmem>>
      %dma_start3A_136 = arith.constant 0 : i32
      %dma_start3A_137 = arith.constant 0 : i32
      %dma_start3A_138 = tpu.memref_slice %arg10[%dma_start3A_136, %dma_start3A_137] : memref<10240x8xf32, #tpu.memory_space<vmem_shared>> -> memref<10240x8xf32, #tpu.memory_space<vmem_shared>>
      tpu.enqueue_indirect_dma source(%arg9 : memref<128x8xf32, #tpu.memory_space<vmem>>) target(%dma_start3A_138 : memref<10240x8xf32, #tpu.memory_space<vmem_shared>>) offsets(%dma_start3A_135 : memref<128xi32, #tpu.memory_space<vmem>>) semaphore(%arg11 : memref<!tpu.dma_semaphore, #tpu.memory_space<semaphore_mem>>) {add = true}
      %dma_start3A_139 = arith.constant 4 : i32
      %dma_start3A_140 = arith.constant 0 : i32
      %dma_start3A_141 = tpu.memref_slice %arg6[%select_n3A_64, %dma_start3A_139, %dma_start3A_140] : memref<2x16x128xi32, #tpu.memory_space<vmem>> -> memref<1x1x128xi32, #tpu.memory_space<vmem>>
      %dma_start3A_142 = tpu.memref_squeeze %dma_start3A_141 : memref<1x1x128xi32, #tpu.memory_space<vmem>> -> memref<128xi32, #tpu.memory_space<vmem>>
      %dma_start3A_143 = arith.constant 0 : i32
      %dma_start3A_144 = arith.constant 0 : i32
      %dma_start3A_145 = tpu.memref_slice %arg10[%dma_start3A_143, %dma_start3A_144] : memref<10240x8xf32, #tpu.memory_space<vmem_shared>> -> memref<10240x8xf32, #tpu.memory_space<vmem_shared>>
      tpu.enqueue_indirect_dma source(%arg8 : memref<128x8xf32, #tpu.memory_space<vmem>>) target(%dma_start3A_145 : memref<10240x8xf32, #tpu.memory_space<vmem_shared>>) offsets(%dma_start3A_142 : memref<128xi32, #tpu.memory_space<vmem>>) semaphore(%arg11 : memref<!tpu.dma_semaphore, #tpu.memory_space<semaphore_mem>>) {add = true}
      %dma_start3A_146 = arith.constant 4 : i32
      %dma_start3A_147 = arith.constant 0 : i32
      %dma_start3A_148 = tpu.memref_slice %arg7[%select_n3A_64, %dma_start3A_146, %dma_start3A_147] : memref<2x16x128xi32, #tpu.memory_space<vmem>> -> memref<1x1x128xi32, #tpu.memory_space<vmem>>
      %dma_start3A_149 = tpu.memref_squeeze %dma_start3A_148 : memref<1x1x128xi32, #tpu.memory_space<vmem>> -> memref<128xi32, #tpu.memory_space<vmem>>
      %dma_start3A_150 = arith.constant 0 : i32
      %dma_start3A_151 = arith.constant 0 : i32
      %dma_start3A_152 = tpu.memref_slice %arg10[%dma_start3A_150, %dma_start3A_151] : memref<10240x8xf32, #tpu.memory_space<vmem_shared>> -> memref<10240x8xf32, #tpu.memory_space<vmem_shared>>
      tpu.enqueue_indirect_dma source(%arg9 : memref<128x8xf32, #tpu.memory_space<vmem>>) target(%dma_start3A_152 : memref<10240x8xf32, #tpu.memory_space<vmem_shared>>) offsets(%dma_start3A_149 : memref<128xi32, #tpu.memory_space<vmem>>) semaphore(%arg11 : memref<!tpu.dma_semaphore, #tpu.memory_space<semaphore_mem>>) {add = true}
      %dma_start3A_153 = arith.constant 5 : i32
      %dma_start3A_154 = arith.constant 0 : i32
      %dma_start3A_155 = tpu.memref_slice %arg6[%select_n3A_64, %dma_start3A_153, %dma_start3A_154] : memref<2x16x128xi32, #tpu.memory_space<vmem>> -> memref<1x1x128xi32, #tpu.memory_space<vmem>>
      %dma_start3A_156 = tpu.memref_squeeze %dma_start3A_155 : memref<1x1x128xi32, #tpu.memory_space<vmem>> -> memref<128xi32, #tpu.memory_space<vmem>>
      %dma_start3A_157 = arith.constant 0 : i32
      %dma_start3A_158 = arith.constant 0 : i32
      %dma_start3A_159 = tpu.memref_slice %arg10[%dma_start3A_157, %dma_start3A_158] : memref<10240x8xf32, #tpu.memory_space<vmem_shared>> -> memref<10240x8xf32, #tpu.memory_space<vmem_shared>>
      tpu.enqueue_indirect_dma source(%arg8 : memref<128x8xf32, #tpu.memory_space<vmem>>) target(%dma_start3A_159 : memref<10240x8xf32, #tpu.memory_space<vmem_shared>>) offsets(%dma_start3A_156 : memref<128xi32, #tpu.memory_space<vmem>>) semaphore(%arg11 : memref<!tpu.dma_semaphore, #tpu.memory_space<semaphore_mem>>) {add = true}
      %dma_start3A_160 = arith.constant 5 : i32
      %dma_start3A_161 = arith.constant 0 : i32
      %dma_start3A_162 = tpu.memref_slice %arg7[%select_n3A_64, %dma_start3A_160, %dma_start3A_161] : memref<2x16x128xi32, #tpu.memory_space<vmem>> -> memref<1x1x128xi32, #tpu.memory_space<vmem>>
      %dma_start3A_163 = tpu.memref_squeeze %dma_start3A_162 : memref<1x1x128xi32, #tpu.memory_space<vmem>> -> memref<128xi32, #tpu.memory_space<vmem>>
      %dma_start3A_164 = arith.constant 0 : i32
      %dma_start3A_165 = arith.constant 0 : i32
      %dma_start3A_166 = tpu.memref_slice %arg10[%dma_start3A_164, %dma_start3A_165] : memref<10240x8xf32, #tpu.memory_space<vmem_shared>> -> memref<10240x8xf32, #tpu.memory_space<vmem_shared>>
      tpu.enqueue_indirect_dma source(%arg9 : memref<128x8xf32, #tpu.memory_space<vmem>>) target(%dma_start3A_166 : memref<10240x8xf32, #tpu.memory_space<vmem_shared>>) offsets(%dma_start3A_163 : memref<128xi32, #tpu.memory_space<vmem>>) semaphore(%arg11 : memref<!tpu.dma_semaphore, #tpu.memory_space<semaphore_mem>>) {add = true}
      %dma_start3A_167 = arith.constant 6 : i32
      %dma_start3A_168 = arith.constant 0 : i32
      %dma_start3A_169 = tpu.memref_slice %arg6[%select_n3A_64, %dma_start3A_167, %dma_start3A_168] : memref<2x16x128xi32, #tpu.memory_space<vmem>> -> memref<1x1x128xi32, #tpu.memory_space<vmem>>
      %dma_start3A_170 = tpu.memref_squeeze %dma_start3A_169 : memref<1x1x128xi32, #tpu.memory_space<vmem>> -> memref<128xi32, #tpu.memory_space<vmem>>
      %dma_start3A_171 = arith.constant 0 : i32
      %dma_start3A_172 = arith.constant 0 : i32
      %dma_start3A_173 = tpu.memref_slice %arg10[%dma_start3A_171, %dma_start3A_172] : memref<10240x8xf32, #tpu.memory_space<vmem_shared>> -> memref<10240x8xf32, #tpu.memory_space<vmem_shared>>
      tpu.enqueue_indirect_dma source(%arg8 : memref<128x8xf32, #tpu.memory_space<vmem>>) target(%dma_start3A_173 : memref<10240x8xf32, #tpu.memory_space<vmem_shared>>) offsets(%dma_start3A_170 : memref<128xi32, #tpu.memory_space<vmem>>) semaphore(%arg11 : memref<!tpu.dma_semaphore, #tpu.memory_space<semaphore_mem>>) {add = true}
      %dma_start3A_174 = arith.constant 6 : i32
      %dma_start3A_175 = arith.constant 0 : i32
      %dma_start3A_176 = tpu.memref_slice %arg7[%select_n3A_64, %dma_start3A_174, %dma_start3A_175] : memref<2x16x128xi32, #tpu.memory_space<vmem>> -> memref<1x1x128xi32, #tpu.memory_space<vmem>>
      %dma_start3A_177 = tpu.memref_squeeze %dma_start3A_176 : memref<1x1x128xi32, #tpu.memory_space<vmem>> -> memref<128xi32, #tpu.memory_space<vmem>>
      %dma_start3A_178 = arith.constant 0 : i32
      %dma_start3A_179 = arith.constant 0 : i32
      %dma_start3A_180 = tpu.memref_slice %arg10[%dma_start3A_178, %dma_start3A_179] : memref<10240x8xf32, #tpu.memory_space<vmem_shared>> -> memref<10240x8xf32, #tpu.memory_space<vmem_shared>>
      tpu.enqueue_indirect_dma source(%arg9 : memref<128x8xf32, #tpu.memory_space<vmem>>) target(%dma_start3A_180 : memref<10240x8xf32, #tpu.memory_space<vmem_shared>>) offsets(%dma_start3A_177 : memref<128xi32, #tpu.memory_space<vmem>>) semaphore(%arg11 : memref<!tpu.dma_semaphore, #tpu.memory_space<semaphore_mem>>) {add = true}
      %dma_start3A_181 = arith.constant 7 : i32
      %dma_start3A_182 = arith.constant 0 : i32
      %dma_start3A_183 = tpu.memref_slice %arg6[%select_n3A_64, %dma_start3A_181, %dma_start3A_182] : memref<2x16x128xi32, #tpu.memory_space<vmem>> -> memref<1x1x128xi32, #tpu.memory_space<vmem>>
      %dma_start3A_184 = tpu.memref_squeeze %dma_start3A_183 : memref<1x1x128xi32, #tpu.memory_space<vmem>> -> memref<128xi32, #tpu.memory_space<vmem>>
      %dma_start3A_185 = arith.constant 0 : i32
      %dma_start3A_186 = arith.constant 0 : i32
      %dma_start3A_187 = tpu.memref_slice %arg10[%dma_start3A_185, %dma_start3A_186] : memref<10240x8xf32, #tpu.memory_space<vmem_shared>> -> memref<10240x8xf32, #tpu.memory_space<vmem_shared>>
      tpu.enqueue_indirect_dma source(%arg8 : memref<128x8xf32, #tpu.memory_space<vmem>>) target(%dma_start3A_187 : memref<10240x8xf32, #tpu.memory_space<vmem_shared>>) offsets(%dma_start3A_184 : memref<128xi32, #tpu.memory_space<vmem>>) semaphore(%arg11 : memref<!tpu.dma_semaphore, #tpu.memory_space<semaphore_mem>>) {add = true}
      %dma_start3A_188 = arith.constant 7 : i32
      %dma_start3A_189 = arith.constant 0 : i32
      %dma_start3A_190 = tpu.memref_slice %arg7[%select_n3A_64, %dma_start3A_188, %dma_start3A_189] : memref<2x16x128xi32, #tpu.memory_space<vmem>> -> memref<1x1x128xi32, #tpu.memory_space<vmem>>
      %dma_start3A_191 = tpu.memref_squeeze %dma_start3A_190 : memref<1x1x128xi32, #tpu.memory_space<vmem>> -> memref<128xi32, #tpu.memory_space<vmem>>
      %dma_start3A_192 = arith.constant 0 : i32
      %dma_start3A_193 = arith.constant 0 : i32
      %dma_start3A_194 = tpu.memref_slice %arg10[%dma_start3A_192, %dma_start3A_193] : memref<10240x8xf32, #tpu.memory_space<vmem_shared>> -> memref<10240x8xf32, #tpu.memory_space<vmem_shared>>
      tpu.enqueue_indirect_dma source(%arg9 : memref<128x8xf32, #tpu.memory_space<vmem>>) target(%dma_start3A_194 : memref<10240x8xf32, #tpu.memory_space<vmem_shared>>) offsets(%dma_start3A_191 : memref<128xi32, #tpu.memory_space<vmem>>) semaphore(%arg11 : memref<!tpu.dma_semaphore, #tpu.memory_space<semaphore_mem>>) {add = true}
      %dma_start3A_195 = arith.constant 8 : i32
      %dma_start3A_196 = arith.constant 0 : i32
      %dma_start3A_197 = tpu.memref_slice %arg6[%select_n3A_64, %dma_start3A_195, %dma_start3A_196] : memref<2x16x128xi32, #tpu.memory_space<vmem>> -> memref<1x1x128xi32, #tpu.memory_space<vmem>>
      %dma_start3A_198 = tpu.memref_squeeze %dma_start3A_197 : memref<1x1x128xi32, #tpu.memory_space<vmem>> -> memref<128xi32, #tpu.memory_space<vmem>>
      %dma_start3A_199 = arith.constant 0 : i32
      %dma_start3A_200 = arith.constant 0 : i32
      %dma_start3A_201 = tpu.memref_slice %arg10[%dma_start3A_199, %dma_start3A_200] : memref<10240x8xf32, #tpu.memory_space<vmem_shared>> -> memref<10240x8xf32, #tpu.memory_space<vmem_shared>>
      tpu.enqueue_indirect_dma source(%arg8 : memref<128x8xf32, #tpu.memory_space<vmem>>) target(%dma_start3A_201 : memref<10240x8xf32, #tpu.memory_space<vmem_shared>>) offsets(%dma_start3A_198 : memref<128xi32, #tpu.memory_space<vmem>>) semaphore(%arg11 : memref<!tpu.dma_semaphore, #tpu.memory_space<semaphore_mem>>) {add = true}
      %dma_start3A_202 = arith.constant 8 : i32
      %dma_start3A_203 = arith.constant 0 : i32
      %dma_start3A_204 = tpu.memref_slice %arg7[%select_n3A_64, %dma_start3A_202, %dma_start3A_203] : memref<2x16x128xi32, #tpu.memory_space<vmem>> -> memref<1x1x128xi32, #tpu.memory_space<vmem>>
      %dma_start3A_205 = tpu.memref_squeeze %dma_start3A_204 : memref<1x1x128xi32, #tpu.memory_space<vmem>> -> memref<128xi32, #tpu.memory_space<vmem>>
      %dma_start3A_206 = arith.constant 0 : i32
      %dma_start3A_207 = arith.constant 0 : i32
      %dma_start3A_208 = tpu.memref_slice %arg10[%dma_start3A_206, %dma_start3A_207] : memref<10240x8xf32, #tpu.memory_space<vmem_shared>> -> memref<10240x8xf32, #tpu.memory_space<vmem_shared>>
      tpu.enqueue_indirect_dma source(%arg9 : memref<128x8xf32, #tpu.memory_space<vmem>>) target(%dma_start3A_208 : memref<10240x8xf32, #tpu.memory_space<vmem_shared>>) offsets(%dma_start3A_205 : memref<128xi32, #tpu.memory_space<vmem>>) semaphore(%arg11 : memref<!tpu.dma_semaphore, #tpu.memory_space<semaphore_mem>>) {add = true}
      %dma_start3A_209 = arith.constant 9 : i32
      %dma_start3A_210 = arith.constant 0 : i32
      %dma_start3A_211 = tpu.memref_slice %arg6[%select_n3A_64, %dma_start3A_209, %dma_start3A_210] : memref<2x16x128xi32, #tpu.memory_space<vmem>> -> memref<1x1x128xi32, #tpu.memory_space<vmem>>
      %dma_start3A_212 = tpu.memref_squeeze %dma_start3A_211 : memref<1x1x128xi32, #tpu.memory_space<vmem>> -> memref<128xi32, #tpu.memory_space<vmem>>
      %dma_start3A_213 = arith.constant 0 : i32
      %dma_start3A_214 = arith.constant 0 : i32
      %dma_start3A_215 = tpu.memref_slice %arg10[%dma_start3A_213, %dma_start3A_214] : memref<10240x8xf32, #tpu.memory_space<vmem_shared>> -> memref<10240x8xf32, #tpu.memory_space<vmem_shared>>
      tpu.enqueue_indirect_dma source(%arg8 : memref<128x8xf32, #tpu.memory_space<vmem>>) target(%dma_start3A_215 : memref<10240x8xf32, #tpu.memory_space<vmem_shared>>) offsets(%dma_start3A_212 : memref<128xi32, #tpu.memory_space<vmem>>) semaphore(%arg11 : memref<!tpu.dma_semaphore, #tpu.memory_space<semaphore_mem>>) {add = true}
      %dma_start3A_216 = arith.constant 9 : i32
      %dma_start3A_217 = arith.constant 0 : i32
      %dma_start3A_218 = tpu.memref_slice %arg7[%select_n3A_64, %dma_start3A_216, %dma_start3A_217] : memref<2x16x128xi32, #tpu.memory_space<vmem>> -> memref<1x1x128xi32, #tpu.memory_space<vmem>>
      %dma_start3A_219 = tpu.memref_squeeze %dma_start3A_218 : memref<1x1x128xi32, #tpu.memory_space<vmem>> -> memref<128xi32, #tpu.memory_space<vmem>>
      %dma_start3A_220 = arith.constant 0 : i32
      %dma_start3A_221 = arith.constant 0 : i32
      %dma_start3A_222 = tpu.memref_slice %arg10[%dma_start3A_220, %dma_start3A_221] : memref<10240x8xf32, #tpu.memory_space<vmem_shared>> -> memref<10240x8xf32, #tpu.memory_space<vmem_shared>>
      tpu.enqueue_indirect_dma source(%arg9 : memref<128x8xf32, #tpu.memory_space<vmem>>) target(%dma_start3A_222 : memref<10240x8xf32, #tpu.memory_space<vmem_shared>>) offsets(%dma_start3A_219 : memref<128xi32, #tpu.memory_space<vmem>>) semaphore(%arg11 : memref<!tpu.dma_semaphore, #tpu.memory_space<semaphore_mem>>) {add = true}
      %dma_start3A_223 = arith.constant 10 : i32
      %dma_start3A_224 = arith.constant 0 : i32
      %dma_start3A_225 = tpu.memref_slice %arg6[%select_n3A_64, %dma_start3A_223, %dma_start3A_224] : memref<2x16x128xi32, #tpu.memory_space<vmem>> -> memref<1x1x128xi32, #tpu.memory_space<vmem>>
      %dma_start3A_226 = tpu.memref_squeeze %dma_start3A_225 : memref<1x1x128xi32, #tpu.memory_space<vmem>> -> memref<128xi32, #tpu.memory_space<vmem>>
      %dma_start3A_227 = arith.constant 0 : i32
      %dma_start3A_228 = arith.constant 0 : i32
      %dma_start3A_229 = tpu.memref_slice %arg10[%dma_start3A_227, %dma_start3A_228] : memref<10240x8xf32, #tpu.memory_space<vmem_shared>> -> memref<10240x8xf32, #tpu.memory_space<vmem_shared>>
      tpu.enqueue_indirect_dma source(%arg8 : memref<128x8xf32, #tpu.memory_space<vmem>>) target(%dma_start3A_229 : memref<10240x8xf32, #tpu.memory_space<vmem_shared>>) offsets(%dma_start3A_226 : memref<128xi32, #tpu.memory_space<vmem>>) semaphore(%arg11 : memref<!tpu.dma_semaphore, #tpu.memory_space<semaphore_mem>>) {add = true}
      %dma_start3A_230 = arith.constant 10 : i32
      %dma_start3A_231 = arith.constant 0 : i32
      %dma_start3A_232 = tpu.memref_slice %arg7[%select_n3A_64, %dma_start3A_230, %dma_start3A_231] : memref<2x16x128xi32, #tpu.memory_space<vmem>> -> memref<1x1x128xi32, #tpu.memory_space<vmem>>
      %dma_start3A_233 = tpu.memref_squeeze %dma_start3A_232 : memref<1x1x128xi32, #tpu.memory_space<vmem>> -> memref<128xi32, #tpu.memory_space<vmem>>
      %dma_start3A_234 = arith.constant 0 : i32
      %dma_start3A_235 = arith.constant 0 : i32
      %dma_start3A_236 = tpu.memref_slice %arg10[%dma_start3A_234, %dma_start3A_235] : memref<10240x8xf32, #tpu.memory_space<vmem_shared>> -> memref<10240x8xf32, #tpu.memory_space<vmem_shared>>
      tpu.enqueue_indirect_dma source(%arg9 : memref<128x8xf32, #tpu.memory_space<vmem>>) target(%dma_start3A_236 : memref<10240x8xf32, #tpu.memory_space<vmem_shared>>) offsets(%dma_start3A_233 : memref<128xi32, #tpu.memory_space<vmem>>) semaphore(%arg11 : memref<!tpu.dma_semaphore, #tpu.memory_space<semaphore_mem>>) {add = true}
      %dma_start3A_237 = arith.constant 11 : i32
      %dma_start3A_238 = arith.constant 0 : i32
      %dma_start3A_239 = tpu.memref_slice %arg6[%select_n3A_64, %dma_start3A_237, %dma_start3A_238] : memref<2x16x128xi32, #tpu.memory_space<vmem>> -> memref<1x1x128xi32, #tpu.memory_space<vmem>>
      %dma_start3A_240 = tpu.memref_squeeze %dma_start3A_239 : memref<1x1x128xi32, #tpu.memory_space<vmem>> -> memref<128xi32, #tpu.memory_space<vmem>>
      %dma_start3A_241 = arith.constant 0 : i32
      %dma_start3A_242 = arith.constant 0 : i32
      %dma_start3A_243 = tpu.memref_slice %arg10[%dma_start3A_241, %dma_start3A_242] : memref<10240x8xf32, #tpu.memory_space<vmem_shared>> -> memref<10240x8xf32, #tpu.memory_space<vmem_shared>>
      tpu.enqueue_indirect_dma source(%arg8 : memref<128x8xf32, #tpu.memory_space<vmem>>) target(%dma_start3A_243 : memref<10240x8xf32, #tpu.memory_space<vmem_shared>>) offsets(%dma_start3A_240 : memref<128xi32, #tpu.memory_space<vmem>>) semaphore(%arg11 : memref<!tpu.dma_semaphore, #tpu.memory_space<semaphore_mem>>) {add = true}
      %dma_start3A_244 = arith.constant 11 : i32
      %dma_start3A_245 = arith.constant 0 : i32
      %dma_start3A_246 = tpu.memref_slice %arg7[%select_n3A_64, %dma_start3A_244, %dma_start3A_245] : memref<2x16x128xi32, #tpu.memory_space<vmem>> -> memref<1x1x128xi32, #tpu.memory_space<vmem>>
      %dma_start3A_247 = tpu.memref_squeeze %dma_start3A_246 : memref<1x1x128xi32, #tpu.memory_space<vmem>> -> memref<128xi32, #tpu.memory_space<vmem>>
      %dma_start3A_248 = arith.constant 0 : i32
      %dma_start3A_249 = arith.constant 0 : i32
      %dma_start3A_250 = tpu.memref_slice %arg10[%dma_start3A_248, %dma_start3A_249] : memref<10240x8xf32, #tpu.memory_space<vmem_shared>> -> memref<10240x8xf32, #tpu.memory_space<vmem_shared>>
      tpu.enqueue_indirect_dma source(%arg9 : memref<128x8xf32, #tpu.memory_space<vmem>>) target(%dma_start3A_250 : memref<10240x8xf32, #tpu.memory_space<vmem_shared>>) offsets(%dma_start3A_247 : memref<128xi32, #tpu.memory_space<vmem>>) semaphore(%arg11 : memref<!tpu.dma_semaphore, #tpu.memory_space<semaphore_mem>>) {add = true}
      %dma_start3A_251 = arith.constant 12 : i32
      %dma_start3A_252 = arith.constant 0 : i32
      %dma_start3A_253 = tpu.memref_slice %arg6[%select_n3A_64, %dma_start3A_251, %dma_start3A_252] : memref<2x16x128xi32, #tpu.memory_space<vmem>> -> memref<1x1x128xi32, #tpu.memory_space<vmem>>
      %dma_start3A_254 = tpu.memref_squeeze %dma_start3A_253 : memref<1x1x128xi32, #tpu.memory_space<vmem>> -> memref<128xi32, #tpu.memory_space<vmem>>
      %dma_start3A_255 = arith.constant 0 : i32
      %dma_start3A_256 = arith.constant 0 : i32
      %dma_start3A_257 = tpu.memref_slice %arg10[%dma_start3A_255, %dma_start3A_256] : memref<10240x8xf32, #tpu.memory_space<vmem_shared>> -> memref<10240x8xf32, #tpu.memory_space<vmem_shared>>
      tpu.enqueue_indirect_dma source(%arg8 : memref<128x8xf32, #tpu.memory_space<vmem>>) target(%dma_start3A_257 : memref<10240x8xf32, #tpu.memory_space<vmem_shared>>) offsets(%dma_start3A_254 : memref<128xi32, #tpu.memory_space<vmem>>) semaphore(%arg11 : memref<!tpu.dma_semaphore, #tpu.memory_space<semaphore_mem>>) {add = true}
      %dma_start3A_258 = arith.constant 12 : i32
      %dma_start3A_259 = arith.constant 0 : i32
      %dma_start3A_260 = tpu.memref_slice %arg7[%select_n3A_64, %dma_start3A_258, %dma_start3A_259] : memref<2x16x128xi32, #tpu.memory_space<vmem>> -> memref<1x1x128xi32, #tpu.memory_space<vmem>>
      %dma_start3A_261 = tpu.memref_squeeze %dma_start3A_260 : memref<1x1x128xi32, #tpu.memory_space<vmem>> -> memref<128xi32, #tpu.memory_space<vmem>>
      %dma_start3A_262 = arith.constant 0 : i32
      %dma_start3A_263 = arith.constant 0 : i32
      %dma_start3A_264 = tpu.memref_slice %arg10[%dma_start3A_262, %dma_start3A_263] : memref<10240x8xf32, #tpu.memory_space<vmem_shared>> -> memref<10240x8xf32, #tpu.memory_space<vmem_shared>>
      tpu.enqueue_indirect_dma source(%arg9 : memref<128x8xf32, #tpu.memory_space<vmem>>) target(%dma_start3A_264 : memref<10240x8xf32, #tpu.memory_space<vmem_shared>>) offsets(%dma_start3A_261 : memref<128xi32, #tpu.memory_space<vmem>>) semaphore(%arg11 : memref<!tpu.dma_semaphore, #tpu.memory_space<semaphore_mem>>) {add = true}
      %dma_start3A_265 = arith.constant 13 : i32
      %dma_start3A_266 = arith.constant 0 : i32
      %dma_start3A_267 = tpu.memref_slice %arg6[%select_n3A_64, %dma_start3A_265, %dma_start3A_266] : memref<2x16x128xi32, #tpu.memory_space<vmem>> -> memref<1x1x128xi32, #tpu.memory_space<vmem>>
      %dma_start3A_268 = tpu.memref_squeeze %dma_start3A_267 : memref<1x1x128xi32, #tpu.memory_space<vmem>> -> memref<128xi32, #tpu.memory_space<vmem>>
      %dma_start3A_269 = arith.constant 0 : i32
      %dma_start3A_270 = arith.constant 0 : i32
      %dma_start3A_271 = tpu.memref_slice %arg10[%dma_start3A_269, %dma_start3A_270] : memref<10240x8xf32, #tpu.memory_space<vmem_shared>> -> memref<10240x8xf32, #tpu.memory_space<vmem_shared>>
      tpu.enqueue_indirect_dma source(%arg8 : memref<128x8xf32, #tpu.memory_space<vmem>>) target(%dma_start3A_271 : memref<10240x8xf32, #tpu.memory_space<vmem_shared>>) offsets(%dma_start3A_268 : memref<128xi32, #tpu.memory_space<vmem>>) semaphore(%arg11 : memref<!tpu.dma_semaphore, #tpu.memory_space<semaphore_mem>>) {add = true}
      %dma_start3A_272 = arith.constant 13 : i32
      %dma_start3A_273 = arith.constant 0 : i32
      %dma_start3A_274 = tpu.memref_slice %arg7[%select_n3A_64, %dma_start3A_272, %dma_start3A_273] : memref<2x16x128xi32, #tpu.memory_space<vmem>> -> memref<1x1x128xi32, #tpu.memory_space<vmem>>
      %dma_start3A_275 = tpu.memref_squeeze %dma_start3A_274 : memref<1x1x128xi32, #tpu.memory_space<vmem>> -> memref<128xi32, #tpu.memory_space<vmem>>
      %dma_start3A_276 = arith.constant 0 : i32
      %dma_start3A_277 = arith.constant 0 : i32
      %dma_start3A_278 = tpu.memref_slice %arg10[%dma_start3A_276, %dma_start3A_277] : memref<10240x8xf32, #tpu.memory_space<vmem_shared>> -> memref<10240x8xf32, #tpu.memory_space<vmem_shared>>
      tpu.enqueue_indirect_dma source(%arg9 : memref<128x8xf32, #tpu.memory_space<vmem>>) target(%dma_start3A_278 : memref<10240x8xf32, #tpu.memory_space<vmem_shared>>) offsets(%dma_start3A_275 : memref<128xi32, #tpu.memory_space<vmem>>) semaphore(%arg11 : memref<!tpu.dma_semaphore, #tpu.memory_space<semaphore_mem>>) {add = true}
      %dma_start3A_279 = arith.constant 14 : i32
      %dma_start3A_280 = arith.constant 0 : i32
      %dma_start3A_281 = tpu.memref_slice %arg6[%select_n3A_64, %dma_start3A_279, %dma_start3A_280] : memref<2x16x128xi32, #tpu.memory_space<vmem>> -> memref<1x1x128xi32, #tpu.memory_space<vmem>>
      %dma_start3A_282 = tpu.memref_squeeze %dma_start3A_281 : memref<1x1x128xi32, #tpu.memory_space<vmem>> -> memref<128xi32, #tpu.memory_space<vmem>>
      %dma_start3A_283 = arith.constant 0 : i32
      %dma_start3A_284 = arith.constant 0 : i32
      %dma_start3A_285 = tpu.memref_slice %arg10[%dma_start3A_283, %dma_start3A_284] : memref<10240x8xf32, #tpu.memory_space<vmem_shared>> -> memref<10240x8xf32, #tpu.memory_space<vmem_shared>>
      tpu.enqueue_indirect_dma source(%arg8 : memref<128x8xf32, #tpu.memory_space<vmem>>) target(%dma_start3A_285 : memref<10240x8xf32, #tpu.memory_space<vmem_shared>>) offsets(%dma_start3A_282 : memref<128xi32, #tpu.memory_space<vmem>>) semaphore(%arg11 : memref<!tpu.dma_semaphore, #tpu.memory_space<semaphore_mem>>) {add = true}
      %dma_start3A_286 = arith.constant 14 : i32
      %dma_start3A_287 = arith.constant 0 : i32
      %dma_start3A_288 = tpu.memref_slice %arg7[%select_n3A_64, %dma_start3A_286, %dma_start3A_287] : memref<2x16x128xi32, #tpu.memory_space<vmem>> -> memref<1x1x128xi32, #tpu.memory_space<vmem>>
      %dma_start3A_289 = tpu.memref_squeeze %dma_start3A_288 : memref<1x1x128xi32, #tpu.memory_space<vmem>> -> memref<128xi32, #tpu.memory_space<vmem>>
      %dma_start3A_290 = arith.constant 0 : i32
      %dma_start3A_291 = arith.constant 0 : i32
      %dma_start3A_292 = tpu.memref_slice %arg10[%dma_start3A_290, %dma_start3A_291] : memref<10240x8xf32, #tpu.memory_space<vmem_shared>> -> memref<10240x8xf32, #tpu.memory_space<vmem_shared>>
      tpu.enqueue_indirect_dma source(%arg9 : memref<128x8xf32, #tpu.memory_space<vmem>>) target(%dma_start3A_292 : memref<10240x8xf32, #tpu.memory_space<vmem_shared>>) offsets(%dma_start3A_289 : memref<128xi32, #tpu.memory_space<vmem>>) semaphore(%arg11 : memref<!tpu.dma_semaphore, #tpu.memory_space<semaphore_mem>>) {add = true}
      %dma_start3A_293 = arith.constant 15 : i32
      %dma_start3A_294 = arith.constant 0 : i32
      %dma_start3A_295 = tpu.memref_slice %arg6[%select_n3A_64, %dma_start3A_293, %dma_start3A_294] : memref<2x16x128xi32, #tpu.memory_space<vmem>> -> memref<1x1x128xi32, #tpu.memory_space<vmem>>
      %dma_start3A_296 = tpu.memref_squeeze %dma_start3A_295 : memref<1x1x128xi32, #tpu.memory_space<vmem>> -> memref<128xi32, #tpu.memory_space<vmem>>
      %dma_start3A_297 = arith.constant 0 : i32
      %dma_start3A_298 = arith.constant 0 : i32
      %dma_start3A_299 = tpu.memref_slice %arg10[%dma_start3A_297, %dma_start3A_298] : memref<10240x8xf32, #tpu.memory_space<vmem_shared>> -> memref<10240x8xf32, #tpu.memory_space<vmem_shared>>
      tpu.enqueue_indirect_dma source(%arg8 : memref<128x8xf32, #tpu.memory_space<vmem>>) target(%dma_start3A_299 : memref<10240x8xf32, #tpu.memory_space<vmem_shared>>) offsets(%dma_start3A_296 : memref<128xi32, #tpu.memory_space<vmem>>) semaphore(%arg11 : memref<!tpu.dma_semaphore, #tpu.memory_space<semaphore_mem>>) {add = true}
      %dma_start3A_300 = arith.constant 15 : i32
      %dma_start3A_301 = arith.constant 0 : i32
      %dma_start3A_302 = tpu.memref_slice %arg7[%select_n3A_64, %dma_start3A_300, %dma_start3A_301] : memref<2x16x128xi32, #tpu.memory_space<vmem>> -> memref<1x1x128xi32, #tpu.memory_space<vmem>>
      %dma_start3A_303 = tpu.memref_squeeze %dma_start3A_302 : memref<1x1x128xi32, #tpu.memory_space<vmem>> -> memref<128xi32, #tpu.memory_space<vmem>>
      %dma_start3A_304 = arith.constant 0 : i32
      %dma_start3A_305 = arith.constant 0 : i32
      %dma_start3A_306 = tpu.memref_slice %arg10[%dma_start3A_304, %dma_start3A_305] : memref<10240x8xf32, #tpu.memory_space<vmem_shared>> -> memref<10240x8xf32, #tpu.memory_space<vmem_shared>>
      tpu.enqueue_indirect_dma source(%arg9 : memref<128x8xf32, #tpu.memory_space<vmem>>) target(%dma_start3A_306 : memref<10240x8xf32, #tpu.memory_space<vmem_shared>>) offsets(%dma_start3A_303 : memref<128xi32, #tpu.memory_space<vmem>>) semaphore(%arg11 : memref<!tpu.dma_semaphore, #tpu.memory_space<semaphore_mem>>) {add = true}
      %scan3A_307 = arith.constant 0 : i32
      %scan3A_308 = arith.constant 0 : i32
      %scan3A_309 = arith.constant 16 : i32
      %scan3A_310 = arith.addi %scan3A_308, %scan3A_309 : i32
      %scan3A_311 = arith.constant 1 : i32
      scf.for %scan3A_325 = %scan3A_308 to %scan3A_310 step %scan3A_311  : i32 {
        %dma_wait3A = arith.constant 0 : i32
        %dma_wait3A_326 = arith.constant 0 : i32
        %dma_wait3A_327 = arith.constant 0 : i32
        %dma_wait3A_328 = tpu.memref_slice %arg6[%dma_wait3A, %dma_wait3A_326, %dma_wait3A_327] : memref<2x16x128xi32, #tpu.memory_space<vmem>> -> memref<1x1x128xi32, #tpu.memory_space<vmem>>
        %dma_wait3A_329 = tpu.memref_squeeze %dma_wait3A_328 : memref<1x1x128xi32, #tpu.memory_space<vmem>> -> memref<128xi32, #tpu.memory_space<vmem>>
        %dma_wait3A_330 = arith.constant 0 : i32
        %dma_wait3A_331 = arith.constant 0 : i32
        %dma_wait3A_332 = tpu.memref_slice %arg10[%dma_wait3A_330, %dma_wait3A_331] : memref<10240x8xf32, #tpu.memory_space<vmem_shared>> -> memref<10240x8xf32, #tpu.memory_space<vmem_shared>>
        tpu.wait_indirect_dma semaphore(%arg11 : memref<!tpu.dma_semaphore, #tpu.memory_space<semaphore_mem>>) src(%arg8 : memref<128x8xf32, #tpu.memory_space<vmem>>) dst(%dma_wait3A_332 : memref<10240x8xf32, #tpu.memory_space<vmem_shared>>)
        %dma_wait3A_333 = arith.constant 0 : i32
        %dma_wait3A_334 = arith.constant 0 : i32
        %dma_wait3A_335 = arith.constant 0 : i32
        %dma_wait3A_336 = tpu.memref_slice %arg7[%dma_wait3A_333, %dma_wait3A_334, %dma_wait3A_335] : memref<2x16x128xi32, #tpu.memory_space<vmem>> -> memref<1x1x128xi32, #tpu.memory_space<vmem>>
        %dma_wait3A_337 = tpu.memref_squeeze %dma_wait3A_336 : memref<1x1x128xi32, #tpu.memory_space<vmem>> -> memref<128xi32, #tpu.memory_space<vmem>>
        %dma_wait3A_338 = arith.constant 0 : i32
        %dma_wait3A_339 = arith.constant 0 : i32
        %dma_wait3A_340 = tpu.memref_slice %arg10[%dma_wait3A_338, %dma_wait3A_339] : memref<10240x8xf32, #tpu.memory_space<vmem_shared>> -> memref<10240x8xf32, #tpu.memory_space<vmem_shared>>
        tpu.wait_indirect_dma semaphore(%arg11 : memref<!tpu.dma_semaphore, #tpu.memory_space<semaphore_mem>>) src(%arg9 : memref<128x8xf32, #tpu.memory_space<vmem>>) dst(%dma_wait3A_340 : memref<10240x8xf32, #tpu.memory_space<vmem_shared>>)
      }
      %scan3A_312 = arith.constant 16 : i32
      %add3A_313 = arith.constant 1 : i32
      %add3A_314 = arith.addi %scan3A_55, %add3A_313 : i32
      %lt3A_315 = arith.constant 5 : i32
      %lt3A_316 = arith.cmpi slt, %add3A_314, %lt3A_315 : i32
      %convert_element_type3A = arith.extui %lt3A_316 : i1 to i32
      %cond3A = arith.constant 0 : i32
      %cond3A_317 = arith.cmpi ne, %convert_element_type3A, %cond3A : i32
      scf.if %cond3A_317 {
        %dma_wait3A = arith.constant 0 : i32
        %dma_wait3A_325 = arith.constant 0 : i32
        %dma_wait3A_326 = arith.constant 0 : i32
        %dma_wait3A_327 = tpu.memref_slice %arg6[%select_n3A_82, %dma_wait3A_325, %dma_wait3A_326] : memref<2x16x128xi32, #tpu.memory_space<vmem>> -> memref<1x16x128xi32, #tpu.memory_space<vmem>>
        %dma_wait3A_328 = tpu.memref_squeeze %dma_wait3A_327 : memref<1x16x128xi32, #tpu.memory_space<vmem>> -> memref<16x128xi32, #tpu.memory_space<vmem>>
        %dma_wait3A_329 = arith.constant 0 : i32
        %dma_wait3A_330 = tpu.memref_slice %arg2[%dma_wait3A, %mul3A_2, %dma_wait3A_329] : memref<2x2560x128xi32, #tpu.memory_space<hbm>> -> memref<1x16x128xi32, #tpu.memory_space<hbm>>
        %dma_wait3A_331 = tpu.memref_squeeze %dma_wait3A_330 : memref<1x16x128xi32, #tpu.memory_space<hbm>> -> memref<16x128xi32, #tpu.memory_space<hbm>>
        %dma_wait3A_332 = arith.constant 0 : i32
        %dma_wait3A_333 = arith.constant 0 : i32
        %dma_wait3A_334 = tpu.memref_slice %arg6[%select_n3A_82, %dma_wait3A_332, %dma_wait3A_333] : memref<2x16x128xi32, #tpu.memory_space<vmem>> -> memref<1x16x128xi32, #tpu.memory_space<vmem>>
        %dma_wait3A_335 = tpu.memref_squeeze %dma_wait3A_334 : memref<1x16x128xi32, #tpu.memory_space<vmem>> -> memref<16x128xi32, #tpu.memory_space<vmem>>
        %dma_wait3A_336 = arith.constant 0 : i32
        %dma_wait3A_337 = tpu.memref_slice %arg2[%dma_wait3A, %mul3A_2, %dma_wait3A_336] : memref<2x2560x128xi32, #tpu.memory_space<hbm>> -> memref<1x16x128xi32, #tpu.memory_space<hbm>>
        %dma_wait3A_338 = tpu.memref_squeeze %dma_wait3A_337 : memref<1x16x128xi32, #tpu.memory_space<hbm>> -> memref<16x128xi32, #tpu.memory_space<hbm>>
        tpu.wait_dma2 semaphore(%arg12 : memref<!tpu.dma_semaphore, #tpu.memory_space<semaphore_mem>>) src(%dma_wait3A_338 : memref<16x128xi32, #tpu.memory_space<hbm>>) dst(%dma_wait3A_335 : memref<16x128xi32, #tpu.memory_space<vmem>>)
        %dma_wait3A_339 = arith.constant 1 : i32
        %dma_wait3A_340 = arith.constant 0 : i32
        %dma_wait3A_341 = arith.constant 0 : i32
        %dma_wait3A_342 = tpu.memref_slice %arg7[%select_n3A_82, %dma_wait3A_340, %dma_wait3A_341] : memref<2x16x128xi32, #tpu.memory_space<vmem>> -> memref<1x16x128xi32, #tpu.memory_space<vmem>>
        %dma_wait3A_343 = tpu.memref_squeeze %dma_wait3A_342 : memref<1x16x128xi32, #tpu.memory_space<vmem>> -> memref<16x128xi32, #tpu.memory_space<vmem>>
        %dma_wait3A_344 = arith.constant 0 : i32
        %dma_wait3A_345 = tpu.memref_slice %arg2[%dma_wait3A_339, %mul3A_2, %dma_wait3A_344] : memref<2x2560x128xi32, #tpu.memory_space<hbm>> -> memref<1x16x128xi32, #tpu.memory_space<hbm>>
        %dma_wait3A_346 = tpu.memref_squeeze %dma_wait3A_345 : memref<1x16x128xi32, #tpu.memory_space<hbm>> -> memref<16x128xi32, #tpu.memory_space<hbm>>
        %dma_wait3A_347 = arith.constant 0 : i32
        %dma_wait3A_348 = arith.constant 0 : i32
        %dma_wait3A_349 = tpu.memref_slice %arg7[%select_n3A_82, %dma_wait3A_347, %dma_wait3A_348] : memref<2x16x128xi32, #tpu.memory_space<vmem>> -> memref<1x16x128xi32, #tpu.memory_space<vmem>>
        %dma_wait3A_350 = tpu.memref_squeeze %dma_wait3A_349 : memref<1x16x128xi32, #tpu.memory_space<vmem>> -> memref<16x128xi32, #tpu.memory_space<vmem>>
        %dma_wait3A_351 = arith.constant 0 : i32
        %dma_wait3A_352 = tpu.memref_slice %arg2[%dma_wait3A_339, %mul3A_2, %dma_wait3A_351] : memref<2x2560x128xi32, #tpu.memory_space<hbm>> -> memref<1x16x128xi32, #tpu.memory_space<hbm>>
        %dma_wait3A_353 = tpu.memref_squeeze %dma_wait3A_352 : memref<1x16x128xi32, #tpu.memory_space<hbm>> -> memref<16x128xi32, #tpu.memory_space<hbm>>
        tpu.wait_dma2 semaphore(%arg12 : memref<!tpu.dma_semaphore, #tpu.memory_space<semaphore_mem>>) src(%dma_wait3A_353 : memref<16x128xi32, #tpu.memory_space<hbm>>) dst(%dma_wait3A_350 : memref<16x128xi32, #tpu.memory_space<vmem>>)
      } else {
      }
      %add3A_318 = arith.constant 2 : i32
      %add3A_319 = arith.addi %scan3A_55, %add3A_318 : i32
      %lt3A_320 = arith.constant 5 : i32
      %lt3A_321 = arith.cmpi slt, %add3A_319, %lt3A_320 : i32
      %convert_element_type3A_322 = arith.extui %lt3A_321 : i1 to i32
      %cond3A_323 = arith.constant 0 : i32
      %cond3A_324 = arith.cmpi ne, %convert_element_type3A_322, %cond3A_323 : i32
      scf.if %cond3A_324 {
        %add3A_325 = arith.constant 2 : i32
        %add3A_326 = arith.addi %scan3A_55, %add3A_325 : i32
        %mul3A_327 = arith.constant 16 : i32
        %mul3A_328 = arith.muli %add3A_326, %mul3A_327 : i32
        %add3A_329 = arith.addi %mul3A_2, %mul3A_328 : i32
        %dma_start3A_330 = arith.constant 0 : i32
        %dma_start3A_331 = arith.constant 0 : i32
        %dma_start3A_332 = arith.constant 0 : i32
        %dma_start3A_333 = tpu.memref_slice %arg6[%select_n3A_64, %dma_start3A_331, %dma_start3A_332] : memref<2x16x128xi32, #tpu.memory_space<vmem>> -> memref<1x16x128xi32, #tpu.memory_space<vmem>>
        %dma_start3A_334 = tpu.memref_squeeze %dma_start3A_333 : memref<1x16x128xi32, #tpu.memory_space<vmem>> -> memref<16x128xi32, #tpu.memory_space<vmem>>
        %dma_start3A_335 = arith.constant 0 : i32
        %dma_start3A_336 = tpu.memref_slice %arg2[%dma_start3A_330, %add3A_329, %dma_start3A_335] : memref<2x2560x128xi32, #tpu.memory_space<hbm>> -> memref<1x16x128xi32, #tpu.memory_space<hbm>>
        %dma_start3A_337 = tpu.memref_squeeze %dma_start3A_336 : memref<1x16x128xi32, #tpu.memory_space<hbm>> -> memref<16x128xi32, #tpu.memory_space<hbm>>
        %dma_start3A_338 = arith.constant 0 : i32
        %dma_start3A_339 = arith.constant 0 : i32
        %dma_start3A_340 = tpu.memref_slice %arg6[%select_n3A_64, %dma_start3A_338, %dma_start3A_339] : memref<2x16x128xi32, #tpu.memory_space<vmem>> -> memref<1x16x128xi32, #tpu.memory_space<vmem>>
        %dma_start3A_341 = tpu.memref_squeeze %dma_start3A_340 : memref<1x16x128xi32, #tpu.memory_space<vmem>> -> memref<16x128xi32, #tpu.memory_space<vmem>>
        %dma_start3A_342 = arith.constant 0 : i32
        %dma_start3A_343 = tpu.memref_slice %arg2[%dma_start3A_330, %add3A_329, %dma_start3A_342] : memref<2x2560x128xi32, #tpu.memory_space<hbm>> -> memref<1x16x128xi32, #tpu.memory_space<hbm>>
        %dma_start3A_344 = tpu.memref_squeeze %dma_start3A_343 : memref<1x16x128xi32, #tpu.memory_space<hbm>> -> memref<16x128xi32, #tpu.memory_space<hbm>>
        tpu.enqueue_dma source(%dma_start3A_344 : memref<16x128xi32, #tpu.memory_space<hbm>>) target(%dma_start3A_341 : memref<16x128xi32, #tpu.memory_space<vmem>>) target_semaphore(%arg12 : memref<!tpu.dma_semaphore, #tpu.memory_space<semaphore_mem>>)
        %add3A_345 = arith.constant 2 : i32
        %add3A_346 = arith.addi %scan3A_55, %add3A_345 : i32
        %mul3A_347 = arith.constant 16 : i32
        %mul3A_348 = arith.muli %add3A_346, %mul3A_347 : i32
        %add3A_349 = arith.addi %mul3A_2, %mul3A_348 : i32
        %dma_start3A_350 = arith.constant 1 : i32
        %dma_start3A_351 = arith.constant 0 : i32
        %dma_start3A_352 = arith.constant 0 : i32
        %dma_start3A_353 = tpu.memref_slice %arg7[%select_n3A_64, %dma_start3A_351, %dma_start3A_352] : memref<2x16x128xi32, #tpu.memory_space<vmem>> -> memref<1x16x128xi32, #tpu.memory_space<vmem>>
        %dma_start3A_354 = tpu.memref_squeeze %dma_start3A_353 : memref<1x16x128xi32, #tpu.memory_space<vmem>> -> memref<16x128xi32, #tpu.memory_space<vmem>>
        %dma_start3A_355 = arith.constant 0 : i32
        %dma_start3A_356 = tpu.memref_slice %arg2[%dma_start3A_350, %add3A_349, %dma_start3A_355] : memref<2x2560x128xi32, #tpu.memory_space<hbm>> -> memref<1x16x128xi32, #tpu.memory_space<hbm>>
        %dma_start3A_357 = tpu.memref_squeeze %dma_start3A_356 : memref<1x16x128xi32, #tpu.memory_space<hbm>> -> memref<16x128xi32, #tpu.memory_space<hbm>>
        %dma_start3A_358 = arith.constant 0 : i32
        %dma_start3A_359 = arith.constant 0 : i32
        %dma_start3A_360 = tpu.memref_slice %arg7[%select_n3A_64, %dma_start3A_358, %dma_start3A_359] : memref<2x16x128xi32, #tpu.memory_space<vmem>> -> memref<1x16x128xi32, #tpu.memory_space<vmem>>
        %dma_start3A_361 = tpu.memref_squeeze %dma_start3A_360 : memref<1x16x128xi32, #tpu.memory_space<vmem>> -> memref<16x128xi32, #tpu.memory_space<vmem>>
        %dma_start3A_362 = arith.constant 0 : i32
        %dma_start3A_363 = tpu.memref_slice %arg2[%dma_start3A_350, %add3A_349, %dma_start3A_362] : memref<2x2560x128xi32, #tpu.memory_space<hbm>> -> memref<1x16x128xi32, #tpu.memory_space<hbm>>
        %dma_start3A_364 = tpu.memref_squeeze %dma_start3A_363 : memref<1x16x128xi32, #tpu.memory_space<hbm>> -> memref<16x128xi32, #tpu.memory_space<hbm>>
        tpu.enqueue_dma source(%dma_start3A_364 : memref<16x128xi32, #tpu.memory_space<hbm>>) target(%dma_start3A_361 : memref<16x128xi32, #tpu.memory_space<vmem>>) target_semaphore(%arg12 : memref<!tpu.dma_semaphore, #tpu.memory_space<semaphore_mem>>)
      } else {
      }
    }
    %scan3A_49 = arith.constant 5 : i32
    %barrier3A_50 = arith.constant 0 : index
    tpu.barrier barrier_id(%barrier3A_50)
    %mul3A_51 = arith.constant 640 : i32
    %mul3A_52 = arith.muli %arg1, %mul3A_51 : i32
    %mul3A_53 = arith.constant 640 : i32
    %mul3A_54 = arith.muli %arg1, %mul3A_53 : i32
    "tpu.region"() ({
      %run_scoped3A_55 = tpu.sem_alloc : memref<!tpu.dma_semaphore, #tpu.memory_space<semaphore_mem>>
      %dma_start3A_56 = arith.constant 0 : i32
      %dma_start3A_57 = tpu.memref_slice %arg5[%arg0, %mul3A_54, %dma_start3A_56] : memref<2x10240x8xf32, #tpu.memory_space<hbm>> -> memref<1x640x8xf32, #tpu.memory_space<hbm>>
      %dma_start3A_58 = tpu.memref_squeeze %dma_start3A_57 : memref<1x640x8xf32, #tpu.memory_space<hbm>> -> memref<640x8xf32, #tpu.memory_space<hbm>>
      %dma_start3A_59 = arith.constant 0 : i32
      %dma_start3A_60 = tpu.memref_slice %arg10[%mul3A_52, %dma_start3A_59] : memref<10240x8xf32, #tpu.memory_space<vmem_shared>> -> memref<640x8xf32, #tpu.memory_space<vmem_shared>>
      tpu.enqueue_dma source(%dma_start3A_60 : memref<640x8xf32, #tpu.memory_space<vmem_shared>>) target(%dma_start3A_58 : memref<640x8xf32, #tpu.memory_space<hbm>>) target_semaphore(%run_scoped3A_55 : memref<!tpu.dma_semaphore, #tpu.memory_space<semaphore_mem>>)
      %dma_wait3A = arith.constant 0 : i32
      %dma_wait3A_61 = tpu.memref_slice %arg5[%arg0, %mul3A_54, %dma_wait3A] : memref<2x10240x8xf32, #tpu.memory_space<hbm>> -> memref<1x640x8xf32, #tpu.memory_space<hbm>>
      %dma_wait3A_62 = tpu.memref_squeeze %dma_wait3A_61 : memref<1x640x8xf32, #tpu.memory_space<hbm>> -> memref<640x8xf32, #tpu.memory_space<hbm>>
      %dma_wait3A_63 = arith.constant 0 : i32
      %dma_wait3A_64 = tpu.memref_slice %arg10[%mul3A_52, %dma_wait3A_63] : memref<10240x8xf32, #tpu.memory_space<vmem_shared>> -> memref<640x8xf32, #tpu.memory_space<vmem_shared>>
      tpu.wait_dma2 semaphore(%run_scoped3A_55 : memref<!tpu.dma_semaphore, #tpu.memory_space<semaphore_mem>>) src(%dma_wait3A_64 : memref<640x8xf32, #tpu.memory_space<vmem_shared>>) dst(%dma_wait3A_62 : memref<640x8xf32, #tpu.memory_space<hbm>>)
      tpu.yield
    }) : () -> ()
    return
  }
}

#map = affine_map<(d0, d1) -> (0, 0, 0)>
#map1 = affine_map<(d0, d1) -> (0, 0)>
module attributes {stable_mosaic.version = 14 : i64} {
  func.func @scat_kernel(%arg0: i32, %arg1: i32, %arg2: memref<2x10240x64xbf16, #tpu.memory_space<hbm>>, %arg3: memref<2x2560x128xi32, #tpu.memory_space<hbm>>, %arg4: memref<640x64xbf16, #tpu.memory_space<hbm>>, %arg5: memref<2x10240x64xbf16, #tpu.memory_space<hbm>>, %arg6: memref<2x8x128xi32, #tpu.memory_space<vmem>>, %arg7: memref<160x128xi32, #tpu.memory_space<vmem>>, %arg8: memref<4x128x64xbf16, #tpu.memory_space<vmem>>, %arg9: memref<10240x64xbf16, #tpu.memory_space<vmem_shared>>, %arg10: memref<10240x64xbf16, #tpu.memory_space<vmem_shared>>, %arg11: memref<!tpu.dma_semaphore, #tpu.memory_space<semaphore_mem>>, %arg12: memref<!tpu.dma_semaphore, #tpu.memory_space<semaphore_mem>>, %arg13: memref<!tpu.dma_semaphore, #tpu.memory_space<semaphore_mem>>) attributes {dimension_semantics = [#tpu.dimension_semantics<core_parallel>, #tpu.dimension_semantics<subcore_parallel>], iteration_bounds = array<i64: 2, 16>, scalar_prefetch = 0 : i64, scratch_operands = 8 : i64, tpu.core_type = #tpu.core_type<sc_vector_subcore>, window_params = [{transform_indices = #map}, {transform_indices = #map}, {transform_indices = #map1}, {transform_indices = #map}]} {
    %mul3A = arith.constant 160 : i32
    %mul3A_0 = arith.muli %arg1, %mul3A : i32
    %run_scoped3A = arith.constant 1 : i32
    "tpu.region"() ({
      %run_scoped3A_108 = tpu.sem_alloc : memref<!tpu.dma_semaphore, #tpu.memory_space<semaphore_mem>>
      %dma_start3A_109 = arith.constant 0 : i32
      %dma_start3A_110 = tpu.memref_slice %arg3[%run_scoped3A, %mul3A_0, %dma_start3A_109] : memref<2x2560x128xi32, #tpu.memory_space<hbm>> -> memref<1x160x128xi32, #tpu.memory_space<hbm>>
      %dma_start3A_111 = tpu.memref_squeeze %dma_start3A_110 : memref<1x160x128xi32, #tpu.memory_space<hbm>> -> memref<160x128xi32, #tpu.memory_space<hbm>>
      %dma_start3A_112 = arith.constant 0 : i32
      %dma_start3A_113 = tpu.memref_slice %arg3[%run_scoped3A, %mul3A_0, %dma_start3A_112] : memref<2x2560x128xi32, #tpu.memory_space<hbm>> -> memref<1x160x128xi32, #tpu.memory_space<hbm>>
      %dma_start3A_114 = tpu.memref_squeeze %dma_start3A_113 : memref<1x160x128xi32, #tpu.memory_space<hbm>> -> memref<160x128xi32, #tpu.memory_space<hbm>>
      tpu.enqueue_dma source(%dma_start3A_114 : memref<160x128xi32, #tpu.memory_space<hbm>>) target(%arg7 : memref<160x128xi32, #tpu.memory_space<vmem>>) target_semaphore(%run_scoped3A_108 : memref<!tpu.dma_semaphore, #tpu.memory_space<semaphore_mem>>)
      %dma_wait3A_115 = arith.constant 0 : i32
      %dma_wait3A_116 = tpu.memref_slice %arg3[%run_scoped3A, %mul3A_0, %dma_wait3A_115] : memref<2x2560x128xi32, #tpu.memory_space<hbm>> -> memref<1x160x128xi32, #tpu.memory_space<hbm>>
      %dma_wait3A_117 = tpu.memref_squeeze %dma_wait3A_116 : memref<1x160x128xi32, #tpu.memory_space<hbm>> -> memref<160x128xi32, #tpu.memory_space<hbm>>
      %dma_wait3A_118 = arith.constant 0 : i32
      %dma_wait3A_119 = tpu.memref_slice %arg3[%run_scoped3A, %mul3A_0, %dma_wait3A_118] : memref<2x2560x128xi32, #tpu.memory_space<hbm>> -> memref<1x160x128xi32, #tpu.memory_space<hbm>>
      %dma_wait3A_120 = tpu.memref_squeeze %dma_wait3A_119 : memref<1x160x128xi32, #tpu.memory_space<hbm>> -> memref<160x128xi32, #tpu.memory_space<hbm>>
      tpu.wait_dma2 semaphore(%run_scoped3A_108 : memref<!tpu.dma_semaphore, #tpu.memory_space<semaphore_mem>>) src(%dma_wait3A_120 : memref<160x128xi32, #tpu.memory_space<hbm>>) dst(%arg7 : memref<160x128xi32, #tpu.memory_space<vmem>>)
      tpu.yield
    }) : () -> ()
    %run_scoped3A_1 = arith.constant 0 : i32
    %run_scoped3A_2 = arith.constant 0 : i32
    "tpu.region"() ({
      %run_scoped3A_108 = tpu.sem_alloc : memref<!tpu.dma_semaphore, #tpu.memory_space<semaphore_mem>>
      %dma_start3A_109 = arith.constant 0 : i32
      %dma_start3A_110 = arith.constant 0 : i32
      %dma_start3A_111 = tpu.memref_slice %arg6[%run_scoped3A_2, %dma_start3A_109, %dma_start3A_110] : memref<2x8x128xi32, #tpu.memory_space<vmem>> -> memref<1x8x128xi32, #tpu.memory_space<vmem>>
      %dma_start3A_112 = tpu.memref_squeeze %dma_start3A_111 : memref<1x8x128xi32, #tpu.memory_space<vmem>> -> memref<8x128xi32, #tpu.memory_space<vmem>>
      %dma_start3A_113 = arith.constant 0 : i32
      %dma_start3A_114 = tpu.memref_slice %arg3[%run_scoped3A_1, %mul3A_0, %dma_start3A_113] : memref<2x2560x128xi32, #tpu.memory_space<hbm>> -> memref<1x8x128xi32, #tpu.memory_space<hbm>>
      %dma_start3A_115 = tpu.memref_squeeze %dma_start3A_114 : memref<1x8x128xi32, #tpu.memory_space<hbm>> -> memref<8x128xi32, #tpu.memory_space<hbm>>
      %dma_start3A_116 = arith.constant 0 : i32
      %dma_start3A_117 = arith.constant 0 : i32
      %dma_start3A_118 = tpu.memref_slice %arg6[%run_scoped3A_2, %dma_start3A_116, %dma_start3A_117] : memref<2x8x128xi32, #tpu.memory_space<vmem>> -> memref<1x8x128xi32, #tpu.memory_space<vmem>>
      %dma_start3A_119 = tpu.memref_squeeze %dma_start3A_118 : memref<1x8x128xi32, #tpu.memory_space<vmem>> -> memref<8x128xi32, #tpu.memory_space<vmem>>
      %dma_start3A_120 = arith.constant 0 : i32
      %dma_start3A_121 = tpu.memref_slice %arg3[%run_scoped3A_1, %mul3A_0, %dma_start3A_120] : memref<2x2560x128xi32, #tpu.memory_space<hbm>> -> memref<1x8x128xi32, #tpu.memory_space<hbm>>
      %dma_start3A_122 = tpu.memref_squeeze %dma_start3A_121 : memref<1x8x128xi32, #tpu.memory_space<hbm>> -> memref<8x128xi32, #tpu.memory_space<hbm>>
      tpu.enqueue_dma source(%dma_start3A_122 : memref<8x128xi32, #tpu.memory_space<hbm>>) target(%dma_start3A_119 : memref<8x128xi32, #tpu.memory_space<vmem>>) target_semaphore(%run_scoped3A_108 : memref<!tpu.dma_semaphore, #tpu.memory_space<semaphore_mem>>)
      %dma_wait3A_123 = arith.constant 0 : i32
      %dma_wait3A_124 = arith.constant 0 : i32
      %dma_wait3A_125 = tpu.memref_slice %arg6[%run_scoped3A_2, %dma_wait3A_123, %dma_wait3A_124] : memref<2x8x128xi32, #tpu.memory_space<vmem>> -> memref<1x8x128xi32, #tpu.memory_space<vmem>>
      %dma_wait3A_126 = tpu.memref_squeeze %dma_wait3A_125 : memref<1x8x128xi32, #tpu.memory_space<vmem>> -> memref<8x128xi32, #tpu.memory_space<vmem>>
      %dma_wait3A_127 = arith.constant 0 : i32
      %dma_wait3A_128 = tpu.memref_slice %arg3[%run_scoped3A_1, %mul3A_0, %dma_wait3A_127] : memref<2x2560x128xi32, #tpu.memory_space<hbm>> -> memref<1x8x128xi32, #tpu.memory_space<hbm>>
      %dma_wait3A_129 = tpu.memref_squeeze %dma_wait3A_128 : memref<1x8x128xi32, #tpu.memory_space<hbm>> -> memref<8x128xi32, #tpu.memory_space<hbm>>
      %dma_wait3A_130 = arith.constant 0 : i32
      %dma_wait3A_131 = arith.constant 0 : i32
      %dma_wait3A_132 = tpu.memref_slice %arg6[%run_scoped3A_2, %dma_wait3A_130, %dma_wait3A_131] : memref<2x8x128xi32, #tpu.memory_space<vmem>> -> memref<1x8x128xi32, #tpu.memory_space<vmem>>
      %dma_wait3A_133 = tpu.memref_squeeze %dma_wait3A_132 : memref<1x8x128xi32, #tpu.memory_space<vmem>> -> memref<8x128xi32, #tpu.memory_space<vmem>>
      %dma_wait3A_134 = arith.constant 0 : i32
      %dma_wait3A_135 = tpu.memref_slice %arg3[%run_scoped3A_1, %mul3A_0, %dma_wait3A_134] : memref<2x2560x128xi32, #tpu.memory_space<hbm>> -> memref<1x8x128xi32, #tpu.memory_space<hbm>>
      %dma_wait3A_136 = tpu.memref_squeeze %dma_wait3A_135 : memref<1x8x128xi32, #tpu.memory_space<hbm>> -> memref<8x128xi32, #tpu.memory_space<hbm>>
      tpu.wait_dma2 semaphore(%run_scoped3A_108 : memref<!tpu.dma_semaphore, #tpu.memory_space<semaphore_mem>>) src(%dma_wait3A_136 : memref<8x128xi32, #tpu.memory_space<hbm>>) dst(%dma_wait3A_133 : memref<8x128xi32, #tpu.memory_space<vmem>>)
      tpu.yield
    }) : () -> ()
    %add3A = arith.constant 8 : i32
    %add3A_3 = arith.addi %mul3A_0, %add3A : i32
    %dma_start3A = arith.constant 0 : i32
    %dma_start3A_4 = arith.constant 1 : i32
    %dma_start3A_5 = arith.constant 0 : i32
    %dma_start3A_6 = arith.constant 0 : i32
    %dma_start3A_7 = tpu.memref_slice %arg6[%dma_start3A_4, %dma_start3A_5, %dma_start3A_6] : memref<2x8x128xi32, #tpu.memory_space<vmem>> -> memref<1x8x128xi32, #tpu.memory_space<vmem>>
    %dma_start3A_8 = tpu.memref_squeeze %dma_start3A_7 : memref<1x8x128xi32, #tpu.memory_space<vmem>> -> memref<8x128xi32, #tpu.memory_space<vmem>>
    %dma_start3A_9 = arith.constant 0 : i32
    %dma_start3A_10 = tpu.memref_slice %arg3[%dma_start3A, %add3A_3, %dma_start3A_9] : memref<2x2560x128xi32, #tpu.memory_space<hbm>> -> memref<1x8x128xi32, #tpu.memory_space<hbm>>
    %dma_start3A_11 = tpu.memref_squeeze %dma_start3A_10 : memref<1x8x128xi32, #tpu.memory_space<hbm>> -> memref<8x128xi32, #tpu.memory_space<hbm>>
    %dma_start3A_12 = arith.constant 0 : i32
    %dma_start3A_13 = arith.constant 0 : i32
    %dma_start3A_14 = tpu.memref_slice %arg6[%dma_start3A_4, %dma_start3A_12, %dma_start3A_13] : memref<2x8x128xi32, #tpu.memory_space<vmem>> -> memref<1x8x128xi32, #tpu.memory_space<vmem>>
    %dma_start3A_15 = tpu.memref_squeeze %dma_start3A_14 : memref<1x8x128xi32, #tpu.memory_space<vmem>> -> memref<8x128xi32, #tpu.memory_space<vmem>>
    %dma_start3A_16 = arith.constant 0 : i32
    %dma_start3A_17 = tpu.memref_slice %arg3[%dma_start3A, %add3A_3, %dma_start3A_16] : memref<2x2560x128xi32, #tpu.memory_space<hbm>> -> memref<1x8x128xi32, #tpu.memory_space<hbm>>
    %dma_start3A_18 = tpu.memref_squeeze %dma_start3A_17 : memref<1x8x128xi32, #tpu.memory_space<hbm>> -> memref<8x128xi32, #tpu.memory_space<hbm>>
    tpu.enqueue_dma source(%dma_start3A_18 : memref<8x128xi32, #tpu.memory_space<hbm>>) target(%dma_start3A_15 : memref<8x128xi32, #tpu.memory_space<vmem>>) target_semaphore(%arg13 : memref<!tpu.dma_semaphore, #tpu.memory_space<semaphore_mem>>)
    %mul3A_19 = arith.constant 640 : i32
    %mul3A_20 = arith.muli %arg1, %mul3A_19 : i32
    "tpu.region"() ({
      %run_scoped3A_108 = tpu.sem_alloc : memref<!tpu.dma_semaphore, #tpu.memory_space<semaphore_mem>>
      %dma_start3A_109 = arith.constant 0 : i32
      %dma_start3A_110 = tpu.memref_slice %arg9[%mul3A_20, %dma_start3A_109] : memref<10240x64xbf16, #tpu.memory_space<vmem_shared>> -> memref<640x64xbf16, #tpu.memory_space<vmem_shared>>
      tpu.enqueue_dma source(%arg4 : memref<640x64xbf16, #tpu.memory_space<hbm>>) target(%dma_start3A_110 : memref<640x64xbf16, #tpu.memory_space<vmem_shared>>) target_semaphore(%run_scoped3A_108 : memref<!tpu.dma_semaphore, #tpu.memory_space<semaphore_mem>>)
      %dma_wait3A_111 = arith.constant 0 : i32
      %dma_wait3A_112 = tpu.memref_slice %arg9[%mul3A_20, %dma_wait3A_111] : memref<10240x64xbf16, #tpu.memory_space<vmem_shared>> -> memref<640x64xbf16, #tpu.memory_space<vmem_shared>>
      tpu.wait_dma2 semaphore(%run_scoped3A_108 : memref<!tpu.dma_semaphore, #tpu.memory_space<semaphore_mem>>) src(%arg4 : memref<640x64xbf16, #tpu.memory_space<hbm>>) dst(%dma_wait3A_112 : memref<640x64xbf16, #tpu.memory_space<vmem_shared>>)
      tpu.yield
    }) : () -> ()
    %mul3A_21 = arith.constant 640 : i32
    %mul3A_22 = arith.muli %arg1, %mul3A_21 : i32
    %mul3A_23 = arith.constant 640 : i32
    %mul3A_24 = arith.muli %arg1, %mul3A_23 : i32
    "tpu.region"() ({
      %run_scoped3A_108 = tpu.sem_alloc : memref<!tpu.dma_semaphore, #tpu.memory_space<semaphore_mem>>
      %dma_start3A_109 = arith.constant 0 : i32
      %dma_start3A_110 = tpu.memref_slice %arg10[%mul3A_24, %dma_start3A_109] : memref<10240x64xbf16, #tpu.memory_space<vmem_shared>> -> memref<640x64xbf16, #tpu.memory_space<vmem_shared>>
      %dma_start3A_111 = arith.constant 0 : i32
      %dma_start3A_112 = tpu.memref_slice %arg2[%arg0, %mul3A_22, %dma_start3A_111] : memref<2x10240x64xbf16, #tpu.memory_space<hbm>> -> memref<1x640x64xbf16, #tpu.memory_space<hbm>>
      %dma_start3A_113 = tpu.memref_squeeze %dma_start3A_112 : memref<1x640x64xbf16, #tpu.memory_space<hbm>> -> memref<640x64xbf16, #tpu.memory_space<hbm>>
      tpu.enqueue_dma source(%dma_start3A_113 : memref<640x64xbf16, #tpu.memory_space<hbm>>) target(%dma_start3A_110 : memref<640x64xbf16, #tpu.memory_space<vmem_shared>>) target_semaphore(%run_scoped3A_108 : memref<!tpu.dma_semaphore, #tpu.memory_space<semaphore_mem>>)
      %dma_wait3A_114 = arith.constant 0 : i32
      %dma_wait3A_115 = tpu.memref_slice %arg10[%mul3A_24, %dma_wait3A_114] : memref<10240x64xbf16, #tpu.memory_space<vmem_shared>> -> memref<640x64xbf16, #tpu.memory_space<vmem_shared>>
      %dma_wait3A_116 = arith.constant 0 : i32
      %dma_wait3A_117 = tpu.memref_slice %arg2[%arg0, %mul3A_22, %dma_wait3A_116] : memref<2x10240x64xbf16, #tpu.memory_space<hbm>> -> memref<1x640x64xbf16, #tpu.memory_space<hbm>>
      %dma_wait3A_118 = tpu.memref_squeeze %dma_wait3A_117 : memref<1x640x64xbf16, #tpu.memory_space<hbm>> -> memref<640x64xbf16, #tpu.memory_space<hbm>>
      tpu.wait_dma2 semaphore(%run_scoped3A_108 : memref<!tpu.dma_semaphore, #tpu.memory_space<semaphore_mem>>) src(%dma_wait3A_118 : memref<640x64xbf16, #tpu.memory_space<hbm>>) dst(%dma_wait3A_115 : memref<640x64xbf16, #tpu.memory_space<vmem_shared>>)
      tpu.yield
    }) : () -> ()
    %barrier3A = arith.constant 0 : index
    tpu.barrier barrier_id(%barrier3A)
    %dma_start3A_25 = arith.constant 0 : i32
    %dma_start3A_26 = arith.constant 0 : i32
    %dma_start3A_27 = arith.constant 0 : i32
    %dma_start3A_28 = arith.constant 0 : i32
    %dma_start3A_29 = arith.constant 0 : i32
    %dma_start3A_30 = tpu.memref_slice %arg8[%dma_start3A_27, %dma_start3A_28, %dma_start3A_29] : memref<4x128x64xbf16, #tpu.memory_space<vmem>> -> memref<1x128x64xbf16, #tpu.memory_space<vmem>>
    %dma_start3A_31 = tpu.memref_squeeze %dma_start3A_30 : memref<1x128x64xbf16, #tpu.memory_space<vmem>> -> memref<128x64xbf16, #tpu.memory_space<vmem>>
    %dma_start3A_32 = arith.constant 0 : i32
    %dma_start3A_33 = tpu.memref_slice %arg6[%dma_start3A_25, %dma_start3A_26, %dma_start3A_32] : memref<2x8x128xi32, #tpu.memory_space<vmem>> -> memref<1x1x128xi32, #tpu.memory_space<vmem>>
    %dma_start3A_34 = tpu.memref_squeeze %dma_start3A_33 : memref<1x1x128xi32, #tpu.memory_space<vmem>> -> memref<128xi32, #tpu.memory_space<vmem>>
    %dma_start3A_35 = arith.constant 0 : i32
    %dma_start3A_36 = arith.constant 0 : i32
    %dma_start3A_37 = tpu.memref_slice %arg10[%dma_start3A_35, %dma_start3A_36] : memref<10240x64xbf16, #tpu.memory_space<vmem_shared>> -> memref<10240x64xbf16, #tpu.memory_space<vmem_shared>>
    tpu.enqueue_indirect_dma source(%dma_start3A_37 : memref<10240x64xbf16, #tpu.memory_space<vmem_shared>>) target(%dma_start3A_31 : memref<128x64xbf16, #tpu.memory_space<vmem>>) offsets(%dma_start3A_34 : memref<128xi32, #tpu.memory_space<vmem>>) semaphore(%arg11 : memref<!tpu.dma_semaphore, #tpu.memory_space<semaphore_mem>>)
    %dma_start3A_38 = arith.constant 0 : i32
    %dma_start3A_39 = arith.constant 1 : i32
    %dma_start3A_40 = arith.constant 1 : i32
    %dma_start3A_41 = arith.constant 0 : i32
    %dma_start3A_42 = arith.constant 0 : i32
    %dma_start3A_43 = tpu.memref_slice %arg8[%dma_start3A_40, %dma_start3A_41, %dma_start3A_42] : memref<4x128x64xbf16, #tpu.memory_space<vmem>> -> memref<1x128x64xbf16, #tpu.memory_space<vmem>>
    %dma_start3A_44 = tpu.memref_squeeze %dma_start3A_43 : memref<1x128x64xbf16, #tpu.memory_space<vmem>> -> memref<128x64xbf16, #tpu.memory_space<vmem>>
    %dma_start3A_45 = arith.constant 0 : i32
    %dma_start3A_46 = tpu.memref_slice %arg6[%dma_start3A_38, %dma_start3A_39, %dma_start3A_45] : memref<2x8x128xi32, #tpu.memory_space<vmem>> -> memref<1x1x128xi32, #tpu.memory_space<vmem>>
    %dma_start3A_47 = tpu.memref_squeeze %dma_start3A_46 : memref<1x1x128xi32, #tpu.memory_space<vmem>> -> memref<128xi32, #tpu.memory_space<vmem>>
    %dma_start3A_48 = arith.constant 0 : i32
    %dma_start3A_49 = arith.constant 0 : i32
    %dma_start3A_50 = tpu.memref_slice %arg10[%dma_start3A_48, %dma_start3A_49] : memref<10240x64xbf16, #tpu.memory_space<vmem_shared>> -> memref<10240x64xbf16, #tpu.memory_space<vmem_shared>>
    tpu.enqueue_indirect_dma source(%dma_start3A_50 : memref<10240x64xbf16, #tpu.memory_space<vmem_shared>>) target(%dma_start3A_44 : memref<128x64xbf16, #tpu.memory_space<vmem>>) offsets(%dma_start3A_47 : memref<128xi32, #tpu.memory_space<vmem>>) semaphore(%arg11 : memref<!tpu.dma_semaphore, #tpu.memory_space<semaphore_mem>>)
    %scan3A = arith.constant 0 : i32
    %scan3A_51 = arith.constant 0 : i32
    %scan3A_52 = arith.constant 20 : i32
    %scan3A_53 = arith.addi %scan3A_51, %scan3A_52 : i32
    %scan3A_54 = arith.constant 1 : i32
    scf.for %scan3A_108 = %scan3A_51 to %scan3A_53 step %scan3A_54  : i32 {
      %jit3A = arith.constant 2 : i32
      %eq3A = arith.constant 0 : i32
      %eq3A_109 = arith.cmpi eq, %jit3A, %eq3A : i32
      %jit3A_110 = arith.constant 1 : i32
      %select_n3A = arith.select %eq3A_109, %jit3A_110, %jit3A : i32
      %rem3A = arith.remsi %scan3A_108, %select_n3A : i32
      %ne3A = arith.constant 0 : i32
      %ne3A_111 = arith.cmpi ne, %rem3A, %ne3A : i32
      %lt3A = arith.constant 0 : i32
      %lt3A_112 = arith.cmpi slt, %rem3A, %lt3A : i32
      %lt3A_113 = arith.constant 0 : i32
      %lt3A_114 = arith.cmpi slt, %select_n3A, %lt3A_113 : i32
      %ne3A_115 = arith.xori %lt3A_112, %lt3A_114 : i1
      %and3A = arith.andi %ne3A_115, %ne3A_111 : i1
      %add3A_116 = arith.addi %rem3A, %select_n3A : i32
      %select_n3A_117 = arith.select %and3A, %add3A_116, %rem3A : i32
      %add3A_118 = arith.constant 1 : i32
      %add3A_119 = arith.addi %scan3A_108, %add3A_118 : i32
      %jit3A_120 = arith.constant 2 : i32
      %eq3A_121 = arith.constant 0 : i32
      %eq3A_122 = arith.cmpi eq, %jit3A_120, %eq3A_121 : i32
      %jit3A_123 = arith.constant 1 : i32
      %select_n3A_124 = arith.select %eq3A_122, %jit3A_123, %jit3A_120 : i32
      %rem3A_125 = arith.remsi %add3A_119, %select_n3A_124 : i32
      %ne3A_126 = arith.constant 0 : i32
      %ne3A_127 = arith.cmpi ne, %rem3A_125, %ne3A_126 : i32
      %lt3A_128 = arith.constant 0 : i32
      %lt3A_129 = arith.cmpi slt, %rem3A_125, %lt3A_128 : i32
      %lt3A_130 = arith.constant 0 : i32
      %lt3A_131 = arith.cmpi slt, %select_n3A_124, %lt3A_130 : i32
      %ne3A_132 = arith.xori %lt3A_129, %lt3A_131 : i1
      %and3A_133 = arith.andi %ne3A_132, %ne3A_127 : i1
      %add3A_134 = arith.addi %rem3A_125, %select_n3A_124 : i32
      %select_n3A_135 = arith.select %and3A_133, %add3A_134, %rem3A_125 : i32
      %mul3A_136 = arith.constant 8 : i32
      %mul3A_137 = arith.muli %scan3A_108, %mul3A_136 : i32
      %add3A_138 = arith.constant 0 : i32
      %add3A_139 = arith.addi %mul3A_137, %add3A_138 : i32
      %dma_wait3A_140 = arith.constant 0 : i32
      %dma_wait3A_141 = arith.constant 0 : i32
      %dma_wait3A_142 = arith.constant 0 : i32
      %dma_wait3A_143 = arith.constant 0 : i32
      %dma_wait3A_144 = tpu.memref_slice %arg8[%dma_wait3A_141, %dma_wait3A_142, %dma_wait3A_143] : memref<4x128x64xbf16, #tpu.memory_space<vmem>> -> memref<1x128x64xbf16, #tpu.memory_space<vmem>>
      %dma_wait3A_145 = tpu.memref_squeeze %dma_wait3A_144 : memref<1x128x64xbf16, #tpu.memory_space<vmem>> -> memref<128x64xbf16, #tpu.memory_space<vmem>>
      %dma_wait3A_146 = arith.constant 0 : i32
      %dma_wait3A_147 = tpu.memref_slice %arg6[%select_n3A_117, %dma_wait3A_140, %dma_wait3A_146] : memref<2x8x128xi32, #tpu.memory_space<vmem>> -> memref<1x1x128xi32, #tpu.memory_space<vmem>>
      %dma_wait3A_148 = tpu.memref_squeeze %dma_wait3A_147 : memref<1x1x128xi32, #tpu.memory_space<vmem>> -> memref<128xi32, #tpu.memory_space<vmem>>
      %dma_wait3A_149 = arith.constant 0 : i32
      %dma_wait3A_150 = arith.constant 0 : i32
      %dma_wait3A_151 = tpu.memref_slice %arg10[%dma_wait3A_149, %dma_wait3A_150] : memref<10240x64xbf16, #tpu.memory_space<vmem_shared>> -> memref<10240x64xbf16, #tpu.memory_space<vmem_shared>>
      tpu.wait_indirect_dma semaphore(%arg11 : memref<!tpu.dma_semaphore, #tpu.memory_space<semaphore_mem>>) src(%dma_wait3A_151 : memref<10240x64xbf16, #tpu.memory_space<vmem_shared>>) dst(%dma_wait3A_145 : memref<128x64xbf16, #tpu.memory_space<vmem>>)
      %dma_start3A_152 = arith.constant 0 : i32
      %dma_start3A_153 = arith.constant 0 : i32
      %dma_start3A_154 = arith.constant 0 : i32
      %dma_start3A_155 = tpu.memref_slice %arg8[%dma_start3A_152, %dma_start3A_153, %dma_start3A_154] : memref<4x128x64xbf16, #tpu.memory_space<vmem>> -> memref<1x128x64xbf16, #tpu.memory_space<vmem>>
      %dma_start3A_156 = tpu.memref_squeeze %dma_start3A_155 : memref<1x128x64xbf16, #tpu.memory_space<vmem>> -> memref<128x64xbf16, #tpu.memory_space<vmem>>
      %dma_start3A_157 = arith.constant 0 : i32
      %dma_start3A_158 = tpu.memref_slice %arg7[%add3A_139, %dma_start3A_157] : memref<160x128xi32, #tpu.memory_space<vmem>> -> memref<1x128xi32, #tpu.memory_space<vmem>>
      %dma_start3A_159 = tpu.memref_squeeze %dma_start3A_158 : memref<1x128xi32, #tpu.memory_space<vmem>> -> memref<128xi32, #tpu.memory_space<vmem>>
      %dma_start3A_160 = arith.constant 0 : i32
      %dma_start3A_161 = arith.constant 0 : i32
      %dma_start3A_162 = tpu.memref_slice %arg9[%dma_start3A_160, %dma_start3A_161] : memref<10240x64xbf16, #tpu.memory_space<vmem_shared>> -> memref<10240x64xbf16, #tpu.memory_space<vmem_shared>>
      tpu.enqueue_indirect_dma source(%dma_start3A_156 : memref<128x64xbf16, #tpu.memory_space<vmem>>) target(%dma_start3A_162 : memref<10240x64xbf16, #tpu.memory_space<vmem_shared>>) offsets(%dma_start3A_159 : memref<128xi32, #tpu.memory_space<vmem>>) semaphore(%arg12 : memref<!tpu.dma_semaphore, #tpu.memory_space<semaphore_mem>>) {add = true}
      %gt3A = arith.constant 0 : i32
      %gt3A_163 = arith.cmpi sgt, %scan3A_108, %gt3A : i32
      %convert_element_type3A = arith.extui %gt3A_163 : i1 to i32
      %cond3A = arith.constant 0 : i32
      %cond3A_164 = arith.cmpi ne, %convert_element_type3A, %cond3A : i32
      scf.if %cond3A_164 {
        %dma_wait3A_502 = arith.constant 0 : i32
        %dma_wait3A_503 = arith.constant 0 : i32
        %dma_wait3A_504 = arith.constant 0 : i32
        %dma_wait3A_505 = arith.constant 0 : i32
        %dma_wait3A_506 = tpu.memref_slice %arg8[%dma_wait3A_502, %dma_wait3A_504, %dma_wait3A_505] : memref<4x128x64xbf16, #tpu.memory_space<vmem>> -> memref<1x128x64xbf16, #tpu.memory_space<vmem>>
        %dma_wait3A_507 = tpu.memref_squeeze %dma_wait3A_506 : memref<1x128x64xbf16, #tpu.memory_space<vmem>> -> memref<128x64xbf16, #tpu.memory_space<vmem>>
        %dma_wait3A_508 = arith.constant 0 : i32
        %dma_wait3A_509 = tpu.memref_slice %arg7[%dma_wait3A_503, %dma_wait3A_508] : memref<160x128xi32, #tpu.memory_space<vmem>> -> memref<1x128xi32, #tpu.memory_space<vmem>>
        %dma_wait3A_510 = tpu.memref_squeeze %dma_wait3A_509 : memref<1x128xi32, #tpu.memory_space<vmem>> -> memref<128xi32, #tpu.memory_space<vmem>>
        %dma_wait3A_511 = arith.constant 0 : i32
        %dma_wait3A_512 = arith.constant 0 : i32
        %dma_wait3A_513 = tpu.memref_slice %arg9[%dma_wait3A_511, %dma_wait3A_512] : memref<10240x64xbf16, #tpu.memory_space<vmem_shared>> -> memref<10240x64xbf16, #tpu.memory_space<vmem_shared>>
        tpu.wait_indirect_dma semaphore(%arg12 : memref<!tpu.dma_semaphore, #tpu.memory_space<semaphore_mem>>) src(%dma_wait3A_507 : memref<128x64xbf16, #tpu.memory_space<vmem>>) dst(%dma_wait3A_513 : memref<10240x64xbf16, #tpu.memory_space<vmem_shared>>)
      } else {
      }
      %dma_start3A_165 = arith.constant 2 : i32
      %dma_start3A_166 = arith.constant 2 : i32
      %dma_start3A_167 = arith.constant 0 : i32
      %dma_start3A_168 = arith.constant 0 : i32
      %dma_start3A_169 = tpu.memref_slice %arg8[%dma_start3A_166, %dma_start3A_167, %dma_start3A_168] : memref<4x128x64xbf16, #tpu.memory_space<vmem>> -> memref<1x128x64xbf16, #tpu.memory_space<vmem>>
      %dma_start3A_170 = tpu.memref_squeeze %dma_start3A_169 : memref<1x128x64xbf16, #tpu.memory_space<vmem>> -> memref<128x64xbf16, #tpu.memory_space<vmem>>
      %dma_start3A_171 = arith.constant 0 : i32
      %dma_start3A_172 = tpu.memref_slice %arg6[%select_n3A_117, %dma_start3A_165, %dma_start3A_171] : memref<2x8x128xi32, #tpu.memory_space<vmem>> -> memref<1x1x128xi32, #tpu.memory_space<vmem>>
      %dma_start3A_173 = tpu.memref_squeeze %dma_start3A_172 : memref<1x1x128xi32, #tpu.memory_space<vmem>> -> memref<128xi32, #tpu.memory_space<vmem>>
      %dma_start3A_174 = arith.constant 0 : i32
      %dma_start3A_175 = arith.constant 0 : i32
      %dma_start3A_176 = tpu.memref_slice %arg10[%dma_start3A_174, %dma_start3A_175] : memref<10240x64xbf16, #tpu.memory_space<vmem_shared>> -> memref<10240x64xbf16, #tpu.memory_space<vmem_shared>>
      tpu.enqueue_indirect_dma source(%dma_start3A_176 : memref<10240x64xbf16, #tpu.memory_space<vmem_shared>>) target(%dma_start3A_170 : memref<128x64xbf16, #tpu.memory_space<vmem>>) offsets(%dma_start3A_173 : memref<128xi32, #tpu.memory_space<vmem>>) semaphore(%arg11 : memref<!tpu.dma_semaphore, #tpu.memory_space<semaphore_mem>>)
      %mul3A_177 = arith.constant 8 : i32
      %mul3A_178 = arith.muli %scan3A_108, %mul3A_177 : i32
      %add3A_179 = arith.constant 1 : i32
      %add3A_180 = arith.addi %mul3A_178, %add3A_179 : i32
      %dma_wait3A_181 = arith.constant 1 : i32
      %dma_wait3A_182 = arith.constant 1 : i32
      %dma_wait3A_183 = arith.constant 0 : i32
      %dma_wait3A_184 = arith.constant 0 : i32
      %dma_wait3A_185 = tpu.memref_slice %arg8[%dma_wait3A_182, %dma_wait3A_183, %dma_wait3A_184] : memref<4x128x64xbf16, #tpu.memory_space<vmem>> -> memref<1x128x64xbf16, #tpu.memory_space<vmem>>
      %dma_wait3A_186 = tpu.memref_squeeze %dma_wait3A_185 : memref<1x128x64xbf16, #tpu.memory_space<vmem>> -> memref<128x64xbf16, #tpu.memory_space<vmem>>
      %dma_wait3A_187 = arith.constant 0 : i32
      %dma_wait3A_188 = tpu.memref_slice %arg6[%select_n3A_117, %dma_wait3A_181, %dma_wait3A_187] : memref<2x8x128xi32, #tpu.memory_space<vmem>> -> memref<1x1x128xi32, #tpu.memory_space<vmem>>
      %dma_wait3A_189 = tpu.memref_squeeze %dma_wait3A_188 : memref<1x1x128xi32, #tpu.memory_space<vmem>> -> memref<128xi32, #tpu.memory_space<vmem>>
      %dma_wait3A_190 = arith.constant 0 : i32
      %dma_wait3A_191 = arith.constant 0 : i32
      %dma_wait3A_192 = tpu.memref_slice %arg10[%dma_wait3A_190, %dma_wait3A_191] : memref<10240x64xbf16, #tpu.memory_space<vmem_shared>> -> memref<10240x64xbf16, #tpu.memory_space<vmem_shared>>
      tpu.wait_indirect_dma semaphore(%arg11 : memref<!tpu.dma_semaphore, #tpu.memory_space<semaphore_mem>>) src(%dma_wait3A_192 : memref<10240x64xbf16, #tpu.memory_space<vmem_shared>>) dst(%dma_wait3A_186 : memref<128x64xbf16, #tpu.memory_space<vmem>>)
      %dma_start3A_193 = arith.constant 1 : i32
      %dma_start3A_194 = arith.constant 0 : i32
      %dma_start3A_195 = arith.constant 0 : i32
      %dma_start3A_196 = tpu.memref_slice %arg8[%dma_start3A_193, %dma_start3A_194, %dma_start3A_195] : memref<4x128x64xbf16, #tpu.memory_space<vmem>> -> memref<1x128x64xbf16, #tpu.memory_space<vmem>>
      %dma_start3A_197 = tpu.memref_squeeze %dma_start3A_196 : memref<1x128x64xbf16, #tpu.memory_space<vmem>> -> memref<128x64xbf16, #tpu.memory_space<vmem>>
      %dma_start3A_198 = arith.constant 0 : i32
      %dma_start3A_199 = tpu.memref_slice %arg7[%add3A_180, %dma_start3A_198] : memref<160x128xi32, #tpu.memory_space<vmem>> -> memref<1x128xi32, #tpu.memory_space<vmem>>
      %dma_start3A_200 = tpu.memref_squeeze %dma_start3A_199 : memref<1x128xi32, #tpu.memory_space<vmem>> -> memref<128xi32, #tpu.memory_space<vmem>>
      %dma_start3A_201 = arith.constant 0 : i32
      %dma_start3A_202 = arith.constant 0 : i32
      %dma_start3A_203 = tpu.memref_slice %arg9[%dma_start3A_201, %dma_start3A_202] : memref<10240x64xbf16, #tpu.memory_space<vmem_shared>> -> memref<10240x64xbf16, #tpu.memory_space<vmem_shared>>
      tpu.enqueue_indirect_dma source(%dma_start3A_197 : memref<128x64xbf16, #tpu.memory_space<vmem>>) target(%dma_start3A_203 : memref<10240x64xbf16, #tpu.memory_space<vmem_shared>>) offsets(%dma_start3A_200 : memref<128xi32, #tpu.memory_space<vmem>>) semaphore(%arg12 : memref<!tpu.dma_semaphore, #tpu.memory_space<semaphore_mem>>) {add = true}
      %gt3A_204 = arith.constant 0 : i32
      %gt3A_205 = arith.cmpi sgt, %scan3A_108, %gt3A_204 : i32
      %convert_element_type3A_206 = arith.extui %gt3A_205 : i1 to i32
      %cond3A_207 = arith.constant 0 : i32
      %cond3A_208 = arith.cmpi ne, %convert_element_type3A_206, %cond3A_207 : i32
      scf.if %cond3A_208 {
        %dma_wait3A_502 = arith.constant 0 : i32
        %dma_wait3A_503 = arith.constant 0 : i32
        %dma_wait3A_504 = arith.constant 0 : i32
        %dma_wait3A_505 = arith.constant 0 : i32
        %dma_wait3A_506 = tpu.memref_slice %arg8[%dma_wait3A_502, %dma_wait3A_504, %dma_wait3A_505] : memref<4x128x64xbf16, #tpu.memory_space<vmem>> -> memref<1x128x64xbf16, #tpu.memory_space<vmem>>
        %dma_wait3A_507 = tpu.memref_squeeze %dma_wait3A_506 : memref<1x128x64xbf16, #tpu.memory_space<vmem>> -> memref<128x64xbf16, #tpu.memory_space<vmem>>
        %dma_wait3A_508 = arith.constant 0 : i32
        %dma_wait3A_509 = tpu.memref_slice %arg7[%dma_wait3A_503, %dma_wait3A_508] : memref<160x128xi32, #tpu.memory_space<vmem>> -> memref<1x128xi32, #tpu.memory_space<vmem>>
        %dma_wait3A_510 = tpu.memref_squeeze %dma_wait3A_509 : memref<1x128xi32, #tpu.memory_space<vmem>> -> memref<128xi32, #tpu.memory_space<vmem>>
        %dma_wait3A_511 = arith.constant 0 : i32
        %dma_wait3A_512 = arith.constant 0 : i32
        %dma_wait3A_513 = tpu.memref_slice %arg9[%dma_wait3A_511, %dma_wait3A_512] : memref<10240x64xbf16, #tpu.memory_space<vmem_shared>> -> memref<10240x64xbf16, #tpu.memory_space<vmem_shared>>
        tpu.wait_indirect_dma semaphore(%arg12 : memref<!tpu.dma_semaphore, #tpu.memory_space<semaphore_mem>>) src(%dma_wait3A_507 : memref<128x64xbf16, #tpu.memory_space<vmem>>) dst(%dma_wait3A_513 : memref<10240x64xbf16, #tpu.memory_space<vmem_shared>>)
      } else {
      }
      %dma_start3A_209 = arith.constant 3 : i32
      %dma_start3A_210 = arith.constant 3 : i32
      %dma_start3A_211 = arith.constant 0 : i32
      %dma_start3A_212 = arith.constant 0 : i32
      %dma_start3A_213 = tpu.memref_slice %arg8[%dma_start3A_210, %dma_start3A_211, %dma_start3A_212] : memref<4x128x64xbf16, #tpu.memory_space<vmem>> -> memref<1x128x64xbf16, #tpu.memory_space<vmem>>
      %dma_start3A_214 = tpu.memref_squeeze %dma_start3A_213 : memref<1x128x64xbf16, #tpu.memory_space<vmem>> -> memref<128x64xbf16, #tpu.memory_space<vmem>>
      %dma_start3A_215 = arith.constant 0 : i32
      %dma_start3A_216 = tpu.memref_slice %arg6[%select_n3A_117, %dma_start3A_209, %dma_start3A_215] : memref<2x8x128xi32, #tpu.memory_space<vmem>> -> memref<1x1x128xi32, #tpu.memory_space<vmem>>
      %dma_start3A_217 = tpu.memref_squeeze %dma_start3A_216 : memref<1x1x128xi32, #tpu.memory_space<vmem>> -> memref<128xi32, #tpu.memory_space<vmem>>
      %dma_start3A_218 = arith.constant 0 : i32
      %dma_start3A_219 = arith.constant 0 : i32
      %dma_start3A_220 = tpu.memref_slice %arg10[%dma_start3A_218, %dma_start3A_219] : memref<10240x64xbf16, #tpu.memory_space<vmem_shared>> -> memref<10240x64xbf16, #tpu.memory_space<vmem_shared>>
      tpu.enqueue_indirect_dma source(%dma_start3A_220 : memref<10240x64xbf16, #tpu.memory_space<vmem_shared>>) target(%dma_start3A_214 : memref<128x64xbf16, #tpu.memory_space<vmem>>) offsets(%dma_start3A_217 : memref<128xi32, #tpu.memory_space<vmem>>) semaphore(%arg11 : memref<!tpu.dma_semaphore, #tpu.memory_space<semaphore_mem>>)
      %mul3A_221 = arith.constant 8 : i32
      %mul3A_222 = arith.muli %scan3A_108, %mul3A_221 : i32
      %add3A_223 = arith.constant 2 : i32
      %add3A_224 = arith.addi %mul3A_222, %add3A_223 : i32
      %dma_wait3A_225 = arith.constant 2 : i32
      %dma_wait3A_226 = arith.constant 2 : i32
      %dma_wait3A_227 = arith.constant 0 : i32
      %dma_wait3A_228 = arith.constant 0 : i32
      %dma_wait3A_229 = tpu.memref_slice %arg8[%dma_wait3A_226, %dma_wait3A_227, %dma_wait3A_228] : memref<4x128x64xbf16, #tpu.memory_space<vmem>> -> memref<1x128x64xbf16, #tpu.memory_space<vmem>>
      %dma_wait3A_230 = tpu.memref_squeeze %dma_wait3A_229 : memref<1x128x64xbf16, #tpu.memory_space<vmem>> -> memref<128x64xbf16, #tpu.memory_space<vmem>>
      %dma_wait3A_231 = arith.constant 0 : i32
      %dma_wait3A_232 = tpu.memref_slice %arg6[%select_n3A_117, %dma_wait3A_225, %dma_wait3A_231] : memref<2x8x128xi32, #tpu.memory_space<vmem>> -> memref<1x1x128xi32, #tpu.memory_space<vmem>>
      %dma_wait3A_233 = tpu.memref_squeeze %dma_wait3A_232 : memref<1x1x128xi32, #tpu.memory_space<vmem>> -> memref<128xi32, #tpu.memory_space<vmem>>
      %dma_wait3A_234 = arith.constant 0 : i32
      %dma_wait3A_235 = arith.constant 0 : i32
      %dma_wait3A_236 = tpu.memref_slice %arg10[%dma_wait3A_234, %dma_wait3A_235] : memref<10240x64xbf16, #tpu.memory_space<vmem_shared>> -> memref<10240x64xbf16, #tpu.memory_space<vmem_shared>>
      tpu.wait_indirect_dma semaphore(%arg11 : memref<!tpu.dma_semaphore, #tpu.memory_space<semaphore_mem>>) src(%dma_wait3A_236 : memref<10240x64xbf16, #tpu.memory_space<vmem_shared>>) dst(%dma_wait3A_230 : memref<128x64xbf16, #tpu.memory_space<vmem>>)
      %dma_start3A_237 = arith.constant 2 : i32
      %dma_start3A_238 = arith.constant 0 : i32
      %dma_start3A_239 = arith.constant 0 : i32
      %dma_start3A_240 = tpu.memref_slice %arg8[%dma_start3A_237, %dma_start3A_238, %dma_start3A_239] : memref<4x128x64xbf16, #tpu.memory_space<vmem>> -> memref<1x128x64xbf16, #tpu.memory_space<vmem>>
      %dma_start3A_241 = tpu.memref_squeeze %dma_start3A_240 : memref<1x128x64xbf16, #tpu.memory_space<vmem>> -> memref<128x64xbf16, #tpu.memory_space<vmem>>
      %dma_start3A_242 = arith.constant 0 : i32
      %dma_start3A_243 = tpu.memref_slice %arg7[%add3A_224, %dma_start3A_242] : memref<160x128xi32, #tpu.memory_space<vmem>> -> memref<1x128xi32, #tpu.memory_space<vmem>>
      %dma_start3A_244 = tpu.memref_squeeze %dma_start3A_243 : memref<1x128xi32, #tpu.memory_space<vmem>> -> memref<128xi32, #tpu.memory_space<vmem>>
      %dma_start3A_245 = arith.constant 0 : i32
      %dma_start3A_246 = arith.constant 0 : i32
      %dma_start3A_247 = tpu.memref_slice %arg9[%dma_start3A_245, %dma_start3A_246] : memref<10240x64xbf16, #tpu.memory_space<vmem_shared>> -> memref<10240x64xbf16, #tpu.memory_space<vmem_shared>>
      tpu.enqueue_indirect_dma source(%dma_start3A_241 : memref<128x64xbf16, #tpu.memory_space<vmem>>) target(%dma_start3A_247 : memref<10240x64xbf16, #tpu.memory_space<vmem_shared>>) offsets(%dma_start3A_244 : memref<128xi32, #tpu.memory_space<vmem>>) semaphore(%arg12 : memref<!tpu.dma_semaphore, #tpu.memory_space<semaphore_mem>>) {add = true}
      %dma_wait3A_248 = arith.constant 0 : i32
      %dma_wait3A_249 = arith.constant 0 : i32
      %dma_wait3A_250 = arith.constant 0 : i32
      %dma_wait3A_251 = arith.constant 0 : i32
      %dma_wait3A_252 = tpu.memref_slice %arg8[%dma_wait3A_248, %dma_wait3A_250, %dma_wait3A_251] : memref<4x128x64xbf16, #tpu.memory_space<vmem>> -> memref<1x128x64xbf16, #tpu.memory_space<vmem>>
      %dma_wait3A_253 = tpu.memref_squeeze %dma_wait3A_252 : memref<1x128x64xbf16, #tpu.memory_space<vmem>> -> memref<128x64xbf16, #tpu.memory_space<vmem>>
      %dma_wait3A_254 = arith.constant 0 : i32
      %dma_wait3A_255 = tpu.memref_slice %arg7[%dma_wait3A_249, %dma_wait3A_254] : memref<160x128xi32, #tpu.memory_space<vmem>> -> memref<1x128xi32, #tpu.memory_space<vmem>>
      %dma_wait3A_256 = tpu.memref_squeeze %dma_wait3A_255 : memref<1x128xi32, #tpu.memory_space<vmem>> -> memref<128xi32, #tpu.memory_space<vmem>>
      %dma_wait3A_257 = arith.constant 0 : i32
      %dma_wait3A_258 = arith.constant 0 : i32
      %dma_wait3A_259 = tpu.memref_slice %arg9[%dma_wait3A_257, %dma_wait3A_258] : memref<10240x64xbf16, #tpu.memory_space<vmem_shared>> -> memref<10240x64xbf16, #tpu.memory_space<vmem_shared>>
      tpu.wait_indirect_dma semaphore(%arg12 : memref<!tpu.dma_semaphore, #tpu.memory_space<semaphore_mem>>) src(%dma_wait3A_253 : memref<128x64xbf16, #tpu.memory_space<vmem>>) dst(%dma_wait3A_259 : memref<10240x64xbf16, #tpu.memory_space<vmem_shared>>)
      %dma_start3A_260 = arith.constant 4 : i32
      %dma_start3A_261 = arith.constant 0 : i32
      %dma_start3A_262 = arith.constant 0 : i32
      %dma_start3A_263 = arith.constant 0 : i32
      %dma_start3A_264 = tpu.memref_slice %arg8[%dma_start3A_261, %dma_start3A_262, %dma_start3A_263] : memref<4x128x64xbf16, #tpu.memory_space<vmem>> -> memref<1x128x64xbf16, #tpu.memory_space<vmem>>
      %dma_start3A_265 = tpu.memref_squeeze %dma_start3A_264 : memref<1x128x64xbf16, #tpu.memory_space<vmem>> -> memref<128x64xbf16, #tpu.memory_space<vmem>>
      %dma_start3A_266 = arith.constant 0 : i32
      %dma_start3A_267 = tpu.memref_slice %arg6[%select_n3A_117, %dma_start3A_260, %dma_start3A_266] : memref<2x8x128xi32, #tpu.memory_space<vmem>> -> memref<1x1x128xi32, #tpu.memory_space<vmem>>
      %dma_start3A_268 = tpu.memref_squeeze %dma_start3A_267 : memref<1x1x128xi32, #tpu.memory_space<vmem>> -> memref<128xi32, #tpu.memory_space<vmem>>
      %dma_start3A_269 = arith.constant 0 : i32
      %dma_start3A_270 = arith.constant 0 : i32
      %dma_start3A_271 = tpu.memref_slice %arg10[%dma_start3A_269, %dma_start3A_270] : memref<10240x64xbf16, #tpu.memory_space<vmem_shared>> -> memref<10240x64xbf16, #tpu.memory_space<vmem_shared>>
      tpu.enqueue_indirect_dma source(%dma_start3A_271 : memref<10240x64xbf16, #tpu.memory_space<vmem_shared>>) target(%dma_start3A_265 : memref<128x64xbf16, #tpu.memory_space<vmem>>) offsets(%dma_start3A_268 : memref<128xi32, #tpu.memory_space<vmem>>) semaphore(%arg11 : memref<!tpu.dma_semaphore, #tpu.memory_space<semaphore_mem>>)
      %mul3A_272 = arith.constant 8 : i32
      %mul3A_273 = arith.muli %scan3A_108, %mul3A_272 : i32
      %add3A_274 = arith.constant 3 : i32
      %add3A_275 = arith.addi %mul3A_273, %add3A_274 : i32
      %dma_wait3A_276 = arith.constant 3 : i32
      %dma_wait3A_277 = arith.constant 3 : i32
      %dma_wait3A_278 = arith.constant 0 : i32
      %dma_wait3A_279 = arith.constant 0 : i32
      %dma_wait3A_280 = tpu.memref_slice %arg8[%dma_wait3A_277, %dma_wait3A_278, %dma_wait3A_279] : memref<4x128x64xbf16, #tpu.memory_space<vmem>> -> memref<1x128x64xbf16, #tpu.memory_space<vmem>>
      %dma_wait3A_281 = tpu.memref_squeeze %dma_wait3A_280 : memref<1x128x64xbf16, #tpu.memory_space<vmem>> -> memref<128x64xbf16, #tpu.memory_space<vmem>>
      %dma_wait3A_282 = arith.constant 0 : i32
      %dma_wait3A_283 = tpu.memref_slice %arg6[%select_n3A_117, %dma_wait3A_276, %dma_wait3A_282] : memref<2x8x128xi32, #tpu.memory_space<vmem>> -> memref<1x1x128xi32, #tpu.memory_space<vmem>>
      %dma_wait3A_284 = tpu.memref_squeeze %dma_wait3A_283 : memref<1x1x128xi32, #tpu.memory_space<vmem>> -> memref<128xi32, #tpu.memory_space<vmem>>
      %dma_wait3A_285 = arith.constant 0 : i32
      %dma_wait3A_286 = arith.constant 0 : i32
      %dma_wait3A_287 = tpu.memref_slice %arg10[%dma_wait3A_285, %dma_wait3A_286] : memref<10240x64xbf16, #tpu.memory_space<vmem_shared>> -> memref<10240x64xbf16, #tpu.memory_space<vmem_shared>>
      tpu.wait_indirect_dma semaphore(%arg11 : memref<!tpu.dma_semaphore, #tpu.memory_space<semaphore_mem>>) src(%dma_wait3A_287 : memref<10240x64xbf16, #tpu.memory_space<vmem_shared>>) dst(%dma_wait3A_281 : memref<128x64xbf16, #tpu.memory_space<vmem>>)
      %dma_start3A_288 = arith.constant 3 : i32
      %dma_start3A_289 = arith.constant 0 : i32
      %dma_start3A_290 = arith.constant 0 : i32
      %dma_start3A_291 = tpu.memref_slice %arg8[%dma_start3A_288, %dma_start3A_289, %dma_start3A_290] : memref<4x128x64xbf16, #tpu.memory_space<vmem>> -> memref<1x128x64xbf16, #tpu.memory_space<vmem>>
      %dma_start3A_292 = tpu.memref_squeeze %dma_start3A_291 : memref<1x128x64xbf16, #tpu.memory_space<vmem>> -> memref<128x64xbf16, #tpu.memory_space<vmem>>
      %dma_start3A_293 = arith.constant 0 : i32
      %dma_start3A_294 = tpu.memref_slice %arg7[%add3A_275, %dma_start3A_293] : memref<160x128xi32, #tpu.memory_space<vmem>> -> memref<1x128xi32, #tpu.memory_space<vmem>>
      %dma_start3A_295 = tpu.memref_squeeze %dma_start3A_294 : memref<1x128xi32, #tpu.memory_space<vmem>> -> memref<128xi32, #tpu.memory_space<vmem>>
      %dma_start3A_296 = arith.constant 0 : i32
      %dma_start3A_297 = arith.constant 0 : i32
      %dma_start3A_298 = tpu.memref_slice %arg9[%dma_start3A_296, %dma_start3A_297] : memref<10240x64xbf16, #tpu.memory_space<vmem_shared>> -> memref<10240x64xbf16, #tpu.memory_space<vmem_shared>>
      tpu.enqueue_indirect_dma source(%dma_start3A_292 : memref<128x64xbf16, #tpu.memory_space<vmem>>) target(%dma_start3A_298 : memref<10240x64xbf16, #tpu.memory_space<vmem_shared>>) offsets(%dma_start3A_295 : memref<128xi32, #tpu.memory_space<vmem>>) semaphore(%arg12 : memref<!tpu.dma_semaphore, #tpu.memory_space<semaphore_mem>>) {add = true}
      %dma_wait3A_299 = arith.constant 0 : i32
      %dma_wait3A_300 = arith.constant 0 : i32
      %dma_wait3A_301 = arith.constant 0 : i32
      %dma_wait3A_302 = arith.constant 0 : i32
      %dma_wait3A_303 = tpu.memref_slice %arg8[%dma_wait3A_299, %dma_wait3A_301, %dma_wait3A_302] : memref<4x128x64xbf16, #tpu.memory_space<vmem>> -> memref<1x128x64xbf16, #tpu.memory_space<vmem>>
      %dma_wait3A_304 = tpu.memref_squeeze %dma_wait3A_303 : memref<1x128x64xbf16, #tpu.memory_space<vmem>> -> memref<128x64xbf16, #tpu.memory_space<vmem>>
      %dma_wait3A_305 = arith.constant 0 : i32
      %dma_wait3A_306 = tpu.memref_slice %arg7[%dma_wait3A_300, %dma_wait3A_305] : memref<160x128xi32, #tpu.memory_space<vmem>> -> memref<1x128xi32, #tpu.memory_space<vmem>>
      %dma_wait3A_307 = tpu.memref_squeeze %dma_wait3A_306 : memref<1x128xi32, #tpu.memory_space<vmem>> -> memref<128xi32, #tpu.memory_space<vmem>>
      %dma_wait3A_308 = arith.constant 0 : i32
      %dma_wait3A_309 = arith.constant 0 : i32
      %dma_wait3A_310 = tpu.memref_slice %arg9[%dma_wait3A_308, %dma_wait3A_309] : memref<10240x64xbf16, #tpu.memory_space<vmem_shared>> -> memref<10240x64xbf16, #tpu.memory_space<vmem_shared>>
      tpu.wait_indirect_dma semaphore(%arg12 : memref<!tpu.dma_semaphore, #tpu.memory_space<semaphore_mem>>) src(%dma_wait3A_304 : memref<128x64xbf16, #tpu.memory_space<vmem>>) dst(%dma_wait3A_310 : memref<10240x64xbf16, #tpu.memory_space<vmem_shared>>)
      %dma_start3A_311 = arith.constant 5 : i32
      %dma_start3A_312 = arith.constant 1 : i32
      %dma_start3A_313 = arith.constant 0 : i32
      %dma_start3A_314 = arith.constant 0 : i32
      %dma_start3A_315 = tpu.memref_slice %arg8[%dma_start3A_312, %dma_start3A_313, %dma_start3A_314] : memref<4x128x64xbf16, #tpu.memory_space<vmem>> -> memref<1x128x64xbf16, #tpu.memory_space<vmem>>
      %dma_start3A_316 = tpu.memref_squeeze %dma_start3A_315 : memref<1x128x64xbf16, #tpu.memory_space<vmem>> -> memref<128x64xbf16, #tpu.memory_space<vmem>>
      %dma_start3A_317 = arith.constant 0 : i32
      %dma_start3A_318 = tpu.memref_slice %arg6[%select_n3A_117, %dma_start3A_311, %dma_start3A_317] : memref<2x8x128xi32, #tpu.memory_space<vmem>> -> memref<1x1x128xi32, #tpu.memory_space<vmem>>
      %dma_start3A_319 = tpu.memref_squeeze %dma_start3A_318 : memref<1x1x128xi32, #tpu.memory_space<vmem>> -> memref<128xi32, #tpu.memory_space<vmem>>
      %dma_start3A_320 = arith.constant 0 : i32
      %dma_start3A_321 = arith.constant 0 : i32
      %dma_start3A_322 = tpu.memref_slice %arg10[%dma_start3A_320, %dma_start3A_321] : memref<10240x64xbf16, #tpu.memory_space<vmem_shared>> -> memref<10240x64xbf16, #tpu.memory_space<vmem_shared>>
      tpu.enqueue_indirect_dma source(%dma_start3A_322 : memref<10240x64xbf16, #tpu.memory_space<vmem_shared>>) target(%dma_start3A_316 : memref<128x64xbf16, #tpu.memory_space<vmem>>) offsets(%dma_start3A_319 : memref<128xi32, #tpu.memory_space<vmem>>) semaphore(%arg11 : memref<!tpu.dma_semaphore, #tpu.memory_space<semaphore_mem>>)
      %mul3A_323 = arith.constant 8 : i32
      %mul3A_324 = arith.muli %scan3A_108, %mul3A_323 : i32
      %add3A_325 = arith.constant 4 : i32
      %add3A_326 = arith.addi %mul3A_324, %add3A_325 : i32
      %dma_wait3A_327 = arith.constant 4 : i32
      %dma_wait3A_328 = arith.constant 0 : i32
      %dma_wait3A_329 = arith.constant 0 : i32
      %dma_wait3A_330 = arith.constant 0 : i32
      %dma_wait3A_331 = tpu.memref_slice %arg8[%dma_wait3A_328, %dma_wait3A_329, %dma_wait3A_330] : memref<4x128x64xbf16, #tpu.memory_space<vmem>> -> memref<1x128x64xbf16, #tpu.memory_space<vmem>>
      %dma_wait3A_332 = tpu.memref_squeeze %dma_wait3A_331 : memref<1x128x64xbf16, #tpu.memory_space<vmem>> -> memref<128x64xbf16, #tpu.memory_space<vmem>>
      %dma_wait3A_333 = arith.constant 0 : i32
      %dma_wait3A_334 = tpu.memref_slice %arg6[%select_n3A_117, %dma_wait3A_327, %dma_wait3A_333] : memref<2x8x128xi32, #tpu.memory_space<vmem>> -> memref<1x1x128xi32, #tpu.memory_space<vmem>>
      %dma_wait3A_335 = tpu.memref_squeeze %dma_wait3A_334 : memref<1x1x128xi32, #tpu.memory_space<vmem>> -> memref<128xi32, #tpu.memory_space<vmem>>
      %dma_wait3A_336 = arith.constant 0 : i32
      %dma_wait3A_337 = arith.constant 0 : i32
      %dma_wait3A_338 = tpu.memref_slice %arg10[%dma_wait3A_336, %dma_wait3A_337] : memref<10240x64xbf16, #tpu.memory_space<vmem_shared>> -> memref<10240x64xbf16, #tpu.memory_space<vmem_shared>>
      tpu.wait_indirect_dma semaphore(%arg11 : memref<!tpu.dma_semaphore, #tpu.memory_space<semaphore_mem>>) src(%dma_wait3A_338 : memref<10240x64xbf16, #tpu.memory_space<vmem_shared>>) dst(%dma_wait3A_332 : memref<128x64xbf16, #tpu.memory_space<vmem>>)
      %dma_start3A_339 = arith.constant 0 : i32
      %dma_start3A_340 = arith.constant 0 : i32
      %dma_start3A_341 = arith.constant 0 : i32
      %dma_start3A_342 = tpu.memref_slice %arg8[%dma_start3A_339, %dma_start3A_340, %dma_start3A_341] : memref<4x128x64xbf16, #tpu.memory_space<vmem>> -> memref<1x128x64xbf16, #tpu.memory_space<vmem>>
      %dma_start3A_343 = tpu.memref_squeeze %dma_start3A_342 : memref<1x128x64xbf16, #tpu.memory_space<vmem>> -> memref<128x64xbf16, #tpu.memory_space<vmem>>
      %dma_start3A_344 = arith.constant 0 : i32
      %dma_start3A_345 = tpu.memref_slice %arg7[%add3A_326, %dma_start3A_344] : memref<160x128xi32, #tpu.memory_space<vmem>> -> memref<1x128xi32, #tpu.memory_space<vmem>>
      %dma_start3A_346 = tpu.memref_squeeze %dma_start3A_345 : memref<1x128xi32, #tpu.memory_space<vmem>> -> memref<128xi32, #tpu.memory_space<vmem>>
      %dma_start3A_347 = arith.constant 0 : i32
      %dma_start3A_348 = arith.constant 0 : i32
      %dma_start3A_349 = tpu.memref_slice %arg9[%dma_start3A_347, %dma_start3A_348] : memref<10240x64xbf16, #tpu.memory_space<vmem_shared>> -> memref<10240x64xbf16, #tpu.memory_space<vmem_shared>>
      tpu.enqueue_indirect_dma source(%dma_start3A_343 : memref<128x64xbf16, #tpu.memory_space<vmem>>) target(%dma_start3A_349 : memref<10240x64xbf16, #tpu.memory_space<vmem_shared>>) offsets(%dma_start3A_346 : memref<128xi32, #tpu.memory_space<vmem>>) semaphore(%arg12 : memref<!tpu.dma_semaphore, #tpu.memory_space<semaphore_mem>>) {add = true}
      %dma_wait3A_350 = arith.constant 0 : i32
      %dma_wait3A_351 = arith.constant 0 : i32
      %dma_wait3A_352 = arith.constant 0 : i32
      %dma_wait3A_353 = arith.constant 0 : i32
      %dma_wait3A_354 = tpu.memref_slice %arg8[%dma_wait3A_350, %dma_wait3A_352, %dma_wait3A_353] : memref<4x128x64xbf16, #tpu.memory_space<vmem>> -> memref<1x128x64xbf16, #tpu.memory_space<vmem>>
      %dma_wait3A_355 = tpu.memref_squeeze %dma_wait3A_354 : memref<1x128x64xbf16, #tpu.memory_space<vmem>> -> memref<128x64xbf16, #tpu.memory_space<vmem>>
      %dma_wait3A_356 = arith.constant 0 : i32
      %dma_wait3A_357 = tpu.memref_slice %arg7[%dma_wait3A_351, %dma_wait3A_356] : memref<160x128xi32, #tpu.memory_space<vmem>> -> memref<1x128xi32, #tpu.memory_space<vmem>>
      %dma_wait3A_358 = tpu.memref_squeeze %dma_wait3A_357 : memref<1x128xi32, #tpu.memory_space<vmem>> -> memref<128xi32, #tpu.memory_space<vmem>>
      %dma_wait3A_359 = arith.constant 0 : i32
      %dma_wait3A_360 = arith.constant 0 : i32
      %dma_wait3A_361 = tpu.memref_slice %arg9[%dma_wait3A_359, %dma_wait3A_360] : memref<10240x64xbf16, #tpu.memory_space<vmem_shared>> -> memref<10240x64xbf16, #tpu.memory_space<vmem_shared>>
      tpu.wait_indirect_dma semaphore(%arg12 : memref<!tpu.dma_semaphore, #tpu.memory_space<semaphore_mem>>) src(%dma_wait3A_355 : memref<128x64xbf16, #tpu.memory_space<vmem>>) dst(%dma_wait3A_361 : memref<10240x64xbf16, #tpu.memory_space<vmem_shared>>)
      %dma_start3A_362 = arith.constant 6 : i32
      %dma_start3A_363 = arith.constant 2 : i32
      %dma_start3A_364 = arith.constant 0 : i32
      %dma_start3A_365 = arith.constant 0 : i32
      %dma_start3A_366 = tpu.memref_slice %arg8[%dma_start3A_363, %dma_start3A_364, %dma_start3A_365] : memref<4x128x64xbf16, #tpu.memory_space<vmem>> -> memref<1x128x64xbf16, #tpu.memory_space<vmem>>
      %dma_start3A_367 = tpu.memref_squeeze %dma_start3A_366 : memref<1x128x64xbf16, #tpu.memory_space<vmem>> -> memref<128x64xbf16, #tpu.memory_space<vmem>>
      %dma_start3A_368 = arith.constant 0 : i32
      %dma_start3A_369 = tpu.memref_slice %arg6[%select_n3A_117, %dma_start3A_362, %dma_start3A_368] : memref<2x8x128xi32, #tpu.memory_space<vmem>> -> memref<1x1x128xi32, #tpu.memory_space<vmem>>
      %dma_start3A_370 = tpu.memref_squeeze %dma_start3A_369 : memref<1x1x128xi32, #tpu.memory_space<vmem>> -> memref<128xi32, #tpu.memory_space<vmem>>
      %dma_start3A_371 = arith.constant 0 : i32
      %dma_start3A_372 = arith.constant 0 : i32
      %dma_start3A_373 = tpu.memref_slice %arg10[%dma_start3A_371, %dma_start3A_372] : memref<10240x64xbf16, #tpu.memory_space<vmem_shared>> -> memref<10240x64xbf16, #tpu.memory_space<vmem_shared>>
      tpu.enqueue_indirect_dma source(%dma_start3A_373 : memref<10240x64xbf16, #tpu.memory_space<vmem_shared>>) target(%dma_start3A_367 : memref<128x64xbf16, #tpu.memory_space<vmem>>) offsets(%dma_start3A_370 : memref<128xi32, #tpu.memory_space<vmem>>) semaphore(%arg11 : memref<!tpu.dma_semaphore, #tpu.memory_space<semaphore_mem>>)
      %mul3A_374 = arith.constant 8 : i32
      %mul3A_375 = arith.muli %scan3A_108, %mul3A_374 : i32
      %add3A_376 = arith.constant 5 : i32
      %add3A_377 = arith.addi %mul3A_375, %add3A_376 : i32
      %dma_wait3A_378 = arith.constant 5 : i32
      %dma_wait3A_379 = arith.constant 1 : i32
      %dma_wait3A_380 = arith.constant 0 : i32
      %dma_wait3A_381 = arith.constant 0 : i32
      %dma_wait3A_382 = tpu.memref_slice %arg8[%dma_wait3A_379, %dma_wait3A_380, %dma_wait3A_381] : memref<4x128x64xbf16, #tpu.memory_space<vmem>> -> memref<1x128x64xbf16, #tpu.memory_space<vmem>>
      %dma_wait3A_383 = tpu.memref_squeeze %dma_wait3A_382 : memref<1x128x64xbf16, #tpu.memory_space<vmem>> -> memref<128x64xbf16, #tpu.memory_space<vmem>>
      %dma_wait3A_384 = arith.constant 0 : i32
      %dma_wait3A_385 = tpu.memref_slice %arg6[%select_n3A_117, %dma_wait3A_378, %dma_wait3A_384] : memref<2x8x128xi32, #tpu.memory_space<vmem>> -> memref<1x1x128xi32, #tpu.memory_space<vmem>>
      %dma_wait3A_386 = tpu.memref_squeeze %dma_wait3A_385 : memref<1x1x128xi32, #tpu.memory_space<vmem>> -> memref<128xi32, #tpu.memory_space<vmem>>
      %dma_wait3A_387 = arith.constant 0 : i32
      %dma_wait3A_388 = arith.constant 0 : i32
      %dma_wait3A_389 = tpu.memref_slice %arg10[%dma_wait3A_387, %dma_wait3A_388] : memref<10240x64xbf16, #tpu.memory_space<vmem_shared>> -> memref<10240x64xbf16, #tpu.memory_space<vmem_shared>>
      tpu.wait_indirect_dma semaphore(%arg11 : memref<!tpu.dma_semaphore, #tpu.memory_space<semaphore_mem>>) src(%dma_wait3A_389 : memref<10240x64xbf16, #tpu.memory_space<vmem_shared>>) dst(%dma_wait3A_383 : memref<128x64xbf16, #tpu.memory_space<vmem>>)
      %dma_start3A_390 = arith.constant 1 : i32
      %dma_start3A_391 = arith.constant 0 : i32
      %dma_start3A_392 = arith.constant 0 : i32
      %dma_start3A_393 = tpu.memref_slice %arg8[%dma_start3A_390, %dma_start3A_391, %dma_start3A_392] : memref<4x128x64xbf16, #tpu.memory_space<vmem>> -> memref<1x128x64xbf16, #tpu.memory_space<vmem>>
      %dma_start3A_394 = tpu.memref_squeeze %dma_start3A_393 : memref<1x128x64xbf16, #tpu.memory_space<vmem>> -> memref<128x64xbf16, #tpu.memory_space<vmem>>
      %dma_start3A_395 = arith.constant 0 : i32
      %dma_start3A_396 = tpu.memref_slice %arg7[%add3A_377, %dma_start3A_395] : memref<160x128xi32, #tpu.memory_space<vmem>> -> memref<1x128xi32, #tpu.memory_space<vmem>>
      %dma_start3A_397 = tpu.memref_squeeze %dma_start3A_396 : memref<1x128xi32, #tpu.memory_space<vmem>> -> memref<128xi32, #tpu.memory_space<vmem>>
      %dma_start3A_398 = arith.constant 0 : i32
      %dma_start3A_399 = arith.constant 0 : i32
      %dma_start3A_400 = tpu.memref_slice %arg9[%dma_start3A_398, %dma_start3A_399] : memref<10240x64xbf16, #tpu.memory_space<vmem_shared>> -> memref<10240x64xbf16, #tpu.memory_space<vmem_shared>>
      tpu.enqueue_indirect_dma source(%dma_start3A_394 : memref<128x64xbf16, #tpu.memory_space<vmem>>) target(%dma_start3A_400 : memref<10240x64xbf16, #tpu.memory_space<vmem_shared>>) offsets(%dma_start3A_397 : memref<128xi32, #tpu.memory_space<vmem>>) semaphore(%arg12 : memref<!tpu.dma_semaphore, #tpu.memory_space<semaphore_mem>>) {add = true}
      %dma_wait3A_401 = arith.constant 0 : i32
      %dma_wait3A_402 = arith.constant 0 : i32
      %dma_wait3A_403 = arith.constant 0 : i32
      %dma_wait3A_404 = arith.constant 0 : i32
      %dma_wait3A_405 = tpu.memref_slice %arg8[%dma_wait3A_401, %dma_wait3A_403, %dma_wait3A_404] : memref<4x128x64xbf16, #tpu.memory_space<vmem>> -> memref<1x128x64xbf16, #tpu.memory_space<vmem>>
      %dma_wait3A_406 = tpu.memref_squeeze %dma_wait3A_405 : memref<1x128x64xbf16, #tpu.memory_space<vmem>> -> memref<128x64xbf16, #tpu.memory_space<vmem>>
      %dma_wait3A_407 = arith.constant 0 : i32
      %dma_wait3A_408 = tpu.memref_slice %arg7[%dma_wait3A_402, %dma_wait3A_407] : memref<160x128xi32, #tpu.memory_space<vmem>> -> memref<1x128xi32, #tpu.memory_space<vmem>>
      %dma_wait3A_409 = tpu.memref_squeeze %dma_wait3A_408 : memref<1x128xi32, #tpu.memory_space<vmem>> -> memref<128xi32, #tpu.memory_space<vmem>>
      %dma_wait3A_410 = arith.constant 0 : i32
      %dma_wait3A_411 = arith.constant 0 : i32
      %dma_wait3A_412 = tpu.memref_slice %arg9[%dma_wait3A_410, %dma_wait3A_411] : memref<10240x64xbf16, #tpu.memory_space<vmem_shared>> -> memref<10240x64xbf16, #tpu.memory_space<vmem_shared>>
      tpu.wait_indirect_dma semaphore(%arg12 : memref<!tpu.dma_semaphore, #tpu.memory_space<semaphore_mem>>) src(%dma_wait3A_406 : memref<128x64xbf16, #tpu.memory_space<vmem>>) dst(%dma_wait3A_412 : memref<10240x64xbf16, #tpu.memory_space<vmem_shared>>)
      %dma_start3A_413 = arith.constant 7 : i32
      %dma_start3A_414 = arith.constant 3 : i32
      %dma_start3A_415 = arith.constant 0 : i32
      %dma_start3A_416 = arith.constant 0 : i32
      %dma_start3A_417 = tpu.memref_slice %arg8[%dma_start3A_414, %dma_start3A_415, %dma_start3A_416] : memref<4x128x64xbf16, #tpu.memory_space<vmem>> -> memref<1x128x64xbf16, #tpu.memory_space<vmem>>
      %dma_start3A_418 = tpu.memref_squeeze %dma_start3A_417 : memref<1x128x64xbf16, #tpu.memory_space<vmem>> -> memref<128x64xbf16, #tpu.memory_space<vmem>>
      %dma_start3A_419 = arith.constant 0 : i32
      %dma_start3A_420 = tpu.memref_slice %arg6[%select_n3A_117, %dma_start3A_413, %dma_start3A_419] : memref<2x8x128xi32, #tpu.memory_space<vmem>> -> memref<1x1x128xi32, #tpu.memory_space<vmem>>
      %dma_start3A_421 = tpu.memref_squeeze %dma_start3A_420 : memref<1x1x128xi32, #tpu.memory_space<vmem>> -> memref<128xi32, #tpu.memory_space<vmem>>
      %dma_start3A_422 = arith.constant 0 : i32
      %dma_start3A_423 = arith.constant 0 : i32
      %dma_start3A_424 = tpu.memref_slice %arg10[%dma_start3A_422, %dma_start3A_423] : memref<10240x64xbf16, #tpu.memory_space<vmem_shared>> -> memref<10240x64xbf16, #tpu.memory_space<vmem_shared>>
      tpu.enqueue_indirect_dma source(%dma_start3A_424 : memref<10240x64xbf16, #tpu.memory_space<vmem_shared>>) target(%dma_start3A_418 : memref<128x64xbf16, #tpu.memory_space<vmem>>) offsets(%dma_start3A_421 : memref<128xi32, #tpu.memory_space<vmem>>) semaphore(%arg11 : memref<!tpu.dma_semaphore, #tpu.memory_space<semaphore_mem>>)
      %mul3A_425 = arith.constant 8 : i32
      %mul3A_426 = arith.muli %scan3A_108, %mul3A_425 : i32
      %add3A_427 = arith.constant 6 : i32
      %add3A_428 = arith.addi %mul3A_426, %add3A_427 : i32
      %dma_wait3A_429 = arith.constant 6 : i32
      %dma_wait3A_430 = arith.constant 2 : i32
      %dma_wait3A_431 = arith.constant 0 : i32
      %dma_wait3A_432 = arith.constant 0 : i32
      %dma_wait3A_433 = tpu.memref_slice %arg8[%dma_wait3A_430, %dma_wait3A_431, %dma_wait3A_432] : memref<4x128x64xbf16, #tpu.memory_space<vmem>> -> memref<1x128x64xbf16, #tpu.memory_space<vmem>>
      %dma_wait3A_434 = tpu.memref_squeeze %dma_wait3A_433 : memref<1x128x64xbf16, #tpu.memory_space<vmem>> -> memref<128x64xbf16, #tpu.memory_space<vmem>>
      %dma_wait3A_435 = arith.constant 0 : i32
      %dma_wait3A_436 = tpu.memref_slice %arg6[%select_n3A_117, %dma_wait3A_429, %dma_wait3A_435] : memref<2x8x128xi32, #tpu.memory_space<vmem>> -> memref<1x1x128xi32, #tpu.memory_space<vmem>>
      %dma_wait3A_437 = tpu.memref_squeeze %dma_wait3A_436 : memref<1x1x128xi32, #tpu.memory_space<vmem>> -> memref<128xi32, #tpu.memory_space<vmem>>
      %dma_wait3A_438 = arith.constant 0 : i32
      %dma_wait3A_439 = arith.constant 0 : i32
      %dma_wait3A_440 = tpu.memref_slice %arg10[%dma_wait3A_438, %dma_wait3A_439] : memref<10240x64xbf16, #tpu.memory_space<vmem_shared>> -> memref<10240x64xbf16, #tpu.memory_space<vmem_shared>>
      tpu.wait_indirect_dma semaphore(%arg11 : memref<!tpu.dma_semaphore, #tpu.memory_space<semaphore_mem>>) src(%dma_wait3A_440 : memref<10240x64xbf16, #tpu.memory_space<vmem_shared>>) dst(%dma_wait3A_434 : memref<128x64xbf16, #tpu.memory_space<vmem>>)
      %dma_start3A_441 = arith.constant 2 : i32
      %dma_start3A_442 = arith.constant 0 : i32
      %dma_start3A_443 = arith.constant 0 : i32
      %dma_start3A_444 = tpu.memref_slice %arg8[%dma_start3A_441, %dma_start3A_442, %dma_start3A_443] : memref<4x128x64xbf16, #tpu.memory_space<vmem>> -> memref<1x128x64xbf16, #tpu.memory_space<vmem>>
      %dma_start3A_445 = tpu.memref_squeeze %dma_start3A_444 : memref<1x128x64xbf16, #tpu.memory_space<vmem>> -> memref<128x64xbf16, #tpu.memory_space<vmem>>
      %dma_start3A_446 = arith.constant 0 : i32
      %dma_start3A_447 = tpu.memref_slice %arg7[%add3A_428, %dma_start3A_446] : memref<160x128xi32, #tpu.memory_space<vmem>> -> memref<1x128xi32, #tpu.memory_space<vmem>>
      %dma_start3A_448 = tpu.memref_squeeze %dma_start3A_447 : memref<1x128xi32, #tpu.memory_space<vmem>> -> memref<128xi32, #tpu.memory_space<vmem>>
      %dma_start3A_449 = arith.constant 0 : i32
      %dma_start3A_450 = arith.constant 0 : i32
      %dma_start3A_451 = tpu.memref_slice %arg9[%dma_start3A_449, %dma_start3A_450] : memref<10240x64xbf16, #tpu.memory_space<vmem_shared>> -> memref<10240x64xbf16, #tpu.memory_space<vmem_shared>>
      tpu.enqueue_indirect_dma source(%dma_start3A_445 : memref<128x64xbf16, #tpu.memory_space<vmem>>) target(%dma_start3A_451 : memref<10240x64xbf16, #tpu.memory_space<vmem_shared>>) offsets(%dma_start3A_448 : memref<128xi32, #tpu.memory_space<vmem>>) semaphore(%arg12 : memref<!tpu.dma_semaphore, #tpu.memory_space<semaphore_mem>>) {add = true}
      %add3A_452 = arith.constant 1 : i32
      %add3A_453 = arith.addi %scan3A_108, %add3A_452 : i32
      %lt3A_454 = arith.constant 20 : i32
      %lt3A_455 = arith.cmpi slt, %add3A_453, %lt3A_454 : i32
      %convert_element_type3A_456 = arith.extui %lt3A_455 : i1 to i32
      %cond3A_457 = arith.constant 0 : i32
      %cond3A_458 = arith.constant 0 : i32
      %cond3A_459 = arith.cmpi ne, %convert_element_type3A_456, %cond3A_458 : i32
      scf.if %cond3A_459 {
        %dma_wait3A_502 = arith.constant 0 : i32
        %dma_wait3A_503 = arith.constant 0 : i32
        %dma_wait3A_504 = arith.constant 0 : i32
        %dma_wait3A_505 = tpu.memref_slice %arg6[%select_n3A_135, %dma_wait3A_503, %dma_wait3A_504] : memref<2x8x128xi32, #tpu.memory_space<vmem>> -> memref<1x8x128xi32, #tpu.memory_space<vmem>>
        %dma_wait3A_506 = tpu.memref_squeeze %dma_wait3A_505 : memref<1x8x128xi32, #tpu.memory_space<vmem>> -> memref<8x128xi32, #tpu.memory_space<vmem>>
        %dma_wait3A_507 = arith.constant 0 : i32
        %dma_wait3A_508 = tpu.memref_slice %arg3[%dma_wait3A_502, %mul3A_0, %dma_wait3A_507] : memref<2x2560x128xi32, #tpu.memory_space<hbm>> -> memref<1x8x128xi32, #tpu.memory_space<hbm>>
        %dma_wait3A_509 = tpu.memref_squeeze %dma_wait3A_508 : memref<1x8x128xi32, #tpu.memory_space<hbm>> -> memref<8x128xi32, #tpu.memory_space<hbm>>
        %dma_wait3A_510 = arith.constant 0 : i32
        %dma_wait3A_511 = arith.constant 0 : i32
        %dma_wait3A_512 = tpu.memref_slice %arg6[%select_n3A_135, %dma_wait3A_510, %dma_wait3A_511] : memref<2x8x128xi32, #tpu.memory_space<vmem>> -> memref<1x8x128xi32, #tpu.memory_space<vmem>>
        %dma_wait3A_513 = tpu.memref_squeeze %dma_wait3A_512 : memref<1x8x128xi32, #tpu.memory_space<vmem>> -> memref<8x128xi32, #tpu.memory_space<vmem>>
        %dma_wait3A_514 = arith.constant 0 : i32
        %dma_wait3A_515 = tpu.memref_slice %arg3[%dma_wait3A_502, %mul3A_0, %dma_wait3A_514] : memref<2x2560x128xi32, #tpu.memory_space<hbm>> -> memref<1x8x128xi32, #tpu.memory_space<hbm>>
        %dma_wait3A_516 = tpu.memref_squeeze %dma_wait3A_515 : memref<1x8x128xi32, #tpu.memory_space<hbm>> -> memref<8x128xi32, #tpu.memory_space<hbm>>
        tpu.wait_dma2 semaphore(%arg13 : memref<!tpu.dma_semaphore, #tpu.memory_space<semaphore_mem>>) src(%dma_wait3A_516 : memref<8x128xi32, #tpu.memory_space<hbm>>) dst(%dma_wait3A_513 : memref<8x128xi32, #tpu.memory_space<vmem>>)
        %dma_wait3A_517 = arith.constant 0 : i32
        %dma_wait3A_518 = arith.constant 0 : i32
        %dma_wait3A_519 = arith.constant 0 : i32
        %dma_wait3A_520 = arith.constant 0 : i32
        %dma_wait3A_521 = tpu.memref_slice %arg8[%dma_wait3A_517, %dma_wait3A_519, %dma_wait3A_520] : memref<4x128x64xbf16, #tpu.memory_space<vmem>> -> memref<1x128x64xbf16, #tpu.memory_space<vmem>>
        %dma_wait3A_522 = tpu.memref_squeeze %dma_wait3A_521 : memref<1x128x64xbf16, #tpu.memory_space<vmem>> -> memref<128x64xbf16, #tpu.memory_space<vmem>>
        %dma_wait3A_523 = arith.constant 0 : i32
        %dma_wait3A_524 = tpu.memref_slice %arg7[%dma_wait3A_518, %dma_wait3A_523] : memref<160x128xi32, #tpu.memory_space<vmem>> -> memref<1x128xi32, #tpu.memory_space<vmem>>
        %dma_wait3A_525 = tpu.memref_squeeze %dma_wait3A_524 : memref<1x128xi32, #tpu.memory_space<vmem>> -> memref<128xi32, #tpu.memory_space<vmem>>
        %dma_wait3A_526 = arith.constant 0 : i32
        %dma_wait3A_527 = arith.constant 0 : i32
        %dma_wait3A_528 = tpu.memref_slice %arg9[%dma_wait3A_526, %dma_wait3A_527] : memref<10240x64xbf16, #tpu.memory_space<vmem_shared>> -> memref<10240x64xbf16, #tpu.memory_space<vmem_shared>>
        tpu.wait_indirect_dma semaphore(%arg12 : memref<!tpu.dma_semaphore, #tpu.memory_space<semaphore_mem>>) src(%dma_wait3A_522 : memref<128x64xbf16, #tpu.memory_space<vmem>>) dst(%dma_wait3A_528 : memref<10240x64xbf16, #tpu.memory_space<vmem_shared>>)
        %dma_start3A_529 = arith.constant 0 : i32
        %dma_start3A_530 = arith.constant 0 : i32
        %dma_start3A_531 = arith.constant 0 : i32
        %dma_start3A_532 = tpu.memref_slice %arg8[%cond3A_457, %dma_start3A_530, %dma_start3A_531] : memref<4x128x64xbf16, #tpu.memory_space<vmem>> -> memref<1x128x64xbf16, #tpu.memory_space<vmem>>
        %dma_start3A_533 = tpu.memref_squeeze %dma_start3A_532 : memref<1x128x64xbf16, #tpu.memory_space<vmem>> -> memref<128x64xbf16, #tpu.memory_space<vmem>>
        %dma_start3A_534 = arith.constant 0 : i32
        %dma_start3A_535 = tpu.memref_slice %arg6[%select_n3A_135, %dma_start3A_529, %dma_start3A_534] : memref<2x8x128xi32, #tpu.memory_space<vmem>> -> memref<1x1x128xi32, #tpu.memory_space<vmem>>
        %dma_start3A_536 = tpu.memref_squeeze %dma_start3A_535 : memref<1x1x128xi32, #tpu.memory_space<vmem>> -> memref<128xi32, #tpu.memory_space<vmem>>
        %dma_start3A_537 = arith.constant 0 : i32
        %dma_start3A_538 = arith.constant 0 : i32
        %dma_start3A_539 = tpu.memref_slice %arg10[%dma_start3A_537, %dma_start3A_538] : memref<10240x64xbf16, #tpu.memory_space<vmem_shared>> -> memref<10240x64xbf16, #tpu.memory_space<vmem_shared>>
        tpu.enqueue_indirect_dma source(%dma_start3A_539 : memref<10240x64xbf16, #tpu.memory_space<vmem_shared>>) target(%dma_start3A_533 : memref<128x64xbf16, #tpu.memory_space<vmem>>) offsets(%dma_start3A_536 : memref<128xi32, #tpu.memory_space<vmem>>) semaphore(%arg11 : memref<!tpu.dma_semaphore, #tpu.memory_space<semaphore_mem>>)
      } else {
      }
      %mul3A_460 = arith.constant 8 : i32
      %mul3A_461 = arith.muli %scan3A_108, %mul3A_460 : i32
      %add3A_462 = arith.constant 7 : i32
      %add3A_463 = arith.addi %mul3A_461, %add3A_462 : i32
      %dma_wait3A_464 = arith.constant 7 : i32
      %dma_wait3A_465 = arith.constant 3 : i32
      %dma_wait3A_466 = arith.constant 0 : i32
      %dma_wait3A_467 = arith.constant 0 : i32
      %dma_wait3A_468 = tpu.memref_slice %arg8[%dma_wait3A_465, %dma_wait3A_466, %dma_wait3A_467] : memref<4x128x64xbf16, #tpu.memory_space<vmem>> -> memref<1x128x64xbf16, #tpu.memory_space<vmem>>
      %dma_wait3A_469 = tpu.memref_squeeze %dma_wait3A_468 : memref<1x128x64xbf16, #tpu.memory_space<vmem>> -> memref<128x64xbf16, #tpu.memory_space<vmem>>
      %dma_wait3A_470 = arith.constant 0 : i32
      %dma_wait3A_471 = tpu.memref_slice %arg6[%select_n3A_117, %dma_wait3A_464, %dma_wait3A_470] : memref<2x8x128xi32, #tpu.memory_space<vmem>> -> memref<1x1x128xi32, #tpu.memory_space<vmem>>
      %dma_wait3A_472 = tpu.memref_squeeze %dma_wait3A_471 : memref<1x1x128xi32, #tpu.memory_space<vmem>> -> memref<128xi32, #tpu.memory_space<vmem>>
      %dma_wait3A_473 = arith.constant 0 : i32
      %dma_wait3A_474 = arith.constant 0 : i32
      %dma_wait3A_475 = tpu.memref_slice %arg10[%dma_wait3A_473, %dma_wait3A_474] : memref<10240x64xbf16, #tpu.memory_space<vmem_shared>> -> memref<10240x64xbf16, #tpu.memory_space<vmem_shared>>
      tpu.wait_indirect_dma semaphore(%arg11 : memref<!tpu.dma_semaphore, #tpu.memory_space<semaphore_mem>>) src(%dma_wait3A_475 : memref<10240x64xbf16, #tpu.memory_space<vmem_shared>>) dst(%dma_wait3A_469 : memref<128x64xbf16, #tpu.memory_space<vmem>>)
      %dma_start3A_476 = arith.constant 3 : i32
      %dma_start3A_477 = arith.constant 0 : i32
      %dma_start3A_478 = arith.constant 0 : i32
      %dma_start3A_479 = tpu.memref_slice %arg8[%dma_start3A_476, %dma_start3A_477, %dma_start3A_478] : memref<4x128x64xbf16, #tpu.memory_space<vmem>> -> memref<1x128x64xbf16, #tpu.memory_space<vmem>>
      %dma_start3A_480 = tpu.memref_squeeze %dma_start3A_479 : memref<1x128x64xbf16, #tpu.memory_space<vmem>> -> memref<128x64xbf16, #tpu.memory_space<vmem>>
      %dma_start3A_481 = arith.constant 0 : i32
      %dma_start3A_482 = tpu.memref_slice %arg7[%add3A_463, %dma_start3A_481] : memref<160x128xi32, #tpu.memory_space<vmem>> -> memref<1x128xi32, #tpu.memory_space<vmem>>
      %dma_start3A_483 = tpu.memref_squeeze %dma_start3A_482 : memref<1x128xi32, #tpu.memory_space<vmem>> -> memref<128xi32, #tpu.memory_space<vmem>>
      %dma_start3A_484 = arith.constant 0 : i32
      %dma_start3A_485 = arith.constant 0 : i32
      %dma_start3A_486 = tpu.memref_slice %arg9[%dma_start3A_484, %dma_start3A_485] : memref<10240x64xbf16, #tpu.memory_space<vmem_shared>> -> memref<10240x64xbf16, #tpu.memory_space<vmem_shared>>
      tpu.enqueue_indirect_dma source(%dma_start3A_480 : memref<128x64xbf16, #tpu.memory_space<vmem>>) target(%dma_start3A_486 : memref<10240x64xbf16, #tpu.memory_space<vmem_shared>>) offsets(%dma_start3A_483 : memref<128xi32, #tpu.memory_space<vmem>>) semaphore(%arg12 : memref<!tpu.dma_semaphore, #tpu.memory_space<semaphore_mem>>) {add = true}
      %add3A_487 = arith.constant 1 : i32
      %add3A_488 = arith.addi %scan3A_108, %add3A_487 : i32
      %lt3A_489 = arith.constant 20 : i32
      %lt3A_490 = arith.cmpi slt, %add3A_488, %lt3A_489 : i32
      %convert_element_type3A_491 = arith.extui %lt3A_490 : i1 to i32
      %cond3A_492 = arith.constant 1 : i32
      %cond3A_493 = arith.constant 0 : i32
      %cond3A_494 = arith.cmpi ne, %convert_element_type3A_491, %cond3A_493 : i32
      scf.if %cond3A_494 {
        %dma_wait3A_502 = arith.constant 0 : i32
        %dma_wait3A_503 = arith.constant 0 : i32
        %dma_wait3A_504 = arith.constant 0 : i32
        %dma_wait3A_505 = arith.constant 0 : i32
        %dma_wait3A_506 = tpu.memref_slice %arg8[%dma_wait3A_502, %dma_wait3A_504, %dma_wait3A_505] : memref<4x128x64xbf16, #tpu.memory_space<vmem>> -> memref<1x128x64xbf16, #tpu.memory_space<vmem>>
        %dma_wait3A_507 = tpu.memref_squeeze %dma_wait3A_506 : memref<1x128x64xbf16, #tpu.memory_space<vmem>> -> memref<128x64xbf16, #tpu.memory_space<vmem>>
        %dma_wait3A_508 = arith.constant 0 : i32
        %dma_wait3A_509 = tpu.memref_slice %arg7[%dma_wait3A_503, %dma_wait3A_508] : memref<160x128xi32, #tpu.memory_space<vmem>> -> memref<1x128xi32, #tpu.memory_space<vmem>>
        %dma_wait3A_510 = tpu.memref_squeeze %dma_wait3A_509 : memref<1x128xi32, #tpu.memory_space<vmem>> -> memref<128xi32, #tpu.memory_space<vmem>>
        %dma_wait3A_511 = arith.constant 0 : i32
        %dma_wait3A_512 = arith.constant 0 : i32
        %dma_wait3A_513 = tpu.memref_slice %arg9[%dma_wait3A_511, %dma_wait3A_512] : memref<10240x64xbf16, #tpu.memory_space<vmem_shared>> -> memref<10240x64xbf16, #tpu.memory_space<vmem_shared>>
        tpu.wait_indirect_dma semaphore(%arg12 : memref<!tpu.dma_semaphore, #tpu.memory_space<semaphore_mem>>) src(%dma_wait3A_507 : memref<128x64xbf16, #tpu.memory_space<vmem>>) dst(%dma_wait3A_513 : memref<10240x64xbf16, #tpu.memory_space<vmem_shared>>)
        %dma_start3A_514 = arith.constant 1 : i32
        %dma_start3A_515 = arith.constant 0 : i32
        %dma_start3A_516 = arith.constant 0 : i32
        %dma_start3A_517 = tpu.memref_slice %arg8[%cond3A_492, %dma_start3A_515, %dma_start3A_516] : memref<4x128x64xbf16, #tpu.memory_space<vmem>> -> memref<1x128x64xbf16, #tpu.memory_space<vmem>>
        %dma_start3A_518 = tpu.memref_squeeze %dma_start3A_517 : memref<1x128x64xbf16, #tpu.memory_space<vmem>> -> memref<128x64xbf16, #tpu.memory_space<vmem>>
        %dma_start3A_519 = arith.constant 0 : i32
        %dma_start3A_520 = tpu.memref_slice %arg6[%select_n3A_135, %dma_start3A_514, %dma_start3A_519] : memref<2x8x128xi32, #tpu.memory_space<vmem>> -> memref<1x1x128xi32, #tpu.memory_space<vmem>>
        %dma_start3A_521 = tpu.memref_squeeze %dma_start3A_520 : memref<1x1x128xi32, #tpu.memory_space<vmem>> -> memref<128xi32, #tpu.memory_space<vmem>>
        %dma_start3A_522 = arith.constant 0 : i32
        %dma_start3A_523 = arith.constant 0 : i32
        %dma_start3A_524 = tpu.memref_slice %arg10[%dma_start3A_522, %dma_start3A_523] : memref<10240x64xbf16, #tpu.memory_space<vmem_shared>> -> memref<10240x64xbf16, #tpu.memory_space<vmem_shared>>
        tpu.enqueue_indirect_dma source(%dma_start3A_524 : memref<10240x64xbf16, #tpu.memory_space<vmem_shared>>) target(%dma_start3A_518 : memref<128x64xbf16, #tpu.memory_space<vmem>>) offsets(%dma_start3A_521 : memref<128xi32, #tpu.memory_space<vmem>>) semaphore(%arg11 : memref<!tpu.dma_semaphore, #tpu.memory_space<semaphore_mem>>)
      } else {
      }
      %add3A_495 = arith.constant 2 : i32
      %add3A_496 = arith.addi %scan3A_108, %add3A_495 : i32
      %lt3A_497 = arith.constant 20 : i32
      %lt3A_498 = arith.cmpi slt, %add3A_496, %lt3A_497 : i32
      %convert_element_type3A_499 = arith.extui %lt3A_498 : i1 to i32
      %cond3A_500 = arith.constant 0 : i32
      %cond3A_501 = arith.cmpi ne, %convert_element_type3A_499, %cond3A_500 : i32
      scf.if %cond3A_501 {
        %add3A_502 = arith.constant 2 : i32
        %add3A_503 = arith.addi %scan3A_108, %add3A_502 : i32
        %mul3A_504 = arith.constant 8 : i32
        %mul3A_505 = arith.muli %add3A_503, %mul3A_504 : i32
        %add3A_506 = arith.addi %mul3A_0, %mul3A_505 : i32
        %dma_start3A_507 = arith.constant 0 : i32
        %dma_start3A_508 = arith.constant 0 : i32
        %dma_start3A_509 = arith.constant 0 : i32
        %dma_start3A_510 = tpu.memref_slice %arg6[%select_n3A_117, %dma_start3A_508, %dma_start3A_509] : memref<2x8x128xi32, #tpu.memory_space<vmem>> -> memref<1x8x128xi32, #tpu.memory_space<vmem>>
        %dma_start3A_511 = tpu.memref_squeeze %dma_start3A_510 : memref<1x8x128xi32, #tpu.memory_space<vmem>> -> memref<8x128xi32, #tpu.memory_space<vmem>>
        %dma_start3A_512 = arith.constant 0 : i32
        %dma_start3A_513 = tpu.memref_slice %arg3[%dma_start3A_507, %add3A_506, %dma_start3A_512] : memref<2x2560x128xi32, #tpu.memory_space<hbm>> -> memref<1x8x128xi32, #tpu.memory_space<hbm>>
        %dma_start3A_514 = tpu.memref_squeeze %dma_start3A_513 : memref<1x8x128xi32, #tpu.memory_space<hbm>> -> memref<8x128xi32, #tpu.memory_space<hbm>>
        %dma_start3A_515 = arith.constant 0 : i32
        %dma_start3A_516 = arith.constant 0 : i32
        %dma_start3A_517 = tpu.memref_slice %arg6[%select_n3A_117, %dma_start3A_515, %dma_start3A_516] : memref<2x8x128xi32, #tpu.memory_space<vmem>> -> memref<1x8x128xi32, #tpu.memory_space<vmem>>
        %dma_start3A_518 = tpu.memref_squeeze %dma_start3A_517 : memref<1x8x128xi32, #tpu.memory_space<vmem>> -> memref<8x128xi32, #tpu.memory_space<vmem>>
        %dma_start3A_519 = arith.constant 0 : i32
        %dma_start3A_520 = tpu.memref_slice %arg3[%dma_start3A_507, %add3A_506, %dma_start3A_519] : memref<2x2560x128xi32, #tpu.memory_space<hbm>> -> memref<1x8x128xi32, #tpu.memory_space<hbm>>
        %dma_start3A_521 = tpu.memref_squeeze %dma_start3A_520 : memref<1x8x128xi32, #tpu.memory_space<hbm>> -> memref<8x128xi32, #tpu.memory_space<hbm>>
        tpu.enqueue_dma source(%dma_start3A_521 : memref<8x128xi32, #tpu.memory_space<hbm>>) target(%dma_start3A_518 : memref<8x128xi32, #tpu.memory_space<vmem>>) target_semaphore(%arg13 : memref<!tpu.dma_semaphore, #tpu.memory_space<semaphore_mem>>)
      } else {
      }
    }
    %scan3A_55 = arith.constant 20 : i32
    %dma_wait3A = arith.constant 0 : i32
    %dma_wait3A_56 = arith.constant 0 : i32
    %dma_wait3A_57 = arith.constant 0 : i32
    %dma_wait3A_58 = arith.constant 0 : i32
    %dma_wait3A_59 = tpu.memref_slice %arg8[%dma_wait3A, %dma_wait3A_57, %dma_wait3A_58] : memref<4x128x64xbf16, #tpu.memory_space<vmem>> -> memref<1x128x64xbf16, #tpu.memory_space<vmem>>
    %dma_wait3A_60 = tpu.memref_squeeze %dma_wait3A_59 : memref<1x128x64xbf16, #tpu.memory_space<vmem>> -> memref<128x64xbf16, #tpu.memory_space<vmem>>
    %dma_wait3A_61 = arith.constant 0 : i32
    %dma_wait3A_62 = tpu.memref_slice %arg7[%dma_wait3A_56, %dma_wait3A_61] : memref<160x128xi32, #tpu.memory_space<vmem>> -> memref<1x128xi32, #tpu.memory_space<vmem>>
    %dma_wait3A_63 = tpu.memref_squeeze %dma_wait3A_62 : memref<1x128xi32, #tpu.memory_space<vmem>> -> memref<128xi32, #tpu.memory_space<vmem>>
    %dma_wait3A_64 = arith.constant 0 : i32
    %dma_wait3A_65 = arith.constant 0 : i32
    %dma_wait3A_66 = tpu.memref_slice %arg9[%dma_wait3A_64, %dma_wait3A_65] : memref<10240x64xbf16, #tpu.memory_space<vmem_shared>> -> memref<10240x64xbf16, #tpu.memory_space<vmem_shared>>
    tpu.wait_indirect_dma semaphore(%arg12 : memref<!tpu.dma_semaphore, #tpu.memory_space<semaphore_mem>>) src(%dma_wait3A_60 : memref<128x64xbf16, #tpu.memory_space<vmem>>) dst(%dma_wait3A_66 : memref<10240x64xbf16, #tpu.memory_space<vmem_shared>>)
    %dma_wait3A_67 = arith.constant 0 : i32
    %dma_wait3A_68 = arith.constant 0 : i32
    %dma_wait3A_69 = arith.constant 0 : i32
    %dma_wait3A_70 = arith.constant 0 : i32
    %dma_wait3A_71 = tpu.memref_slice %arg8[%dma_wait3A_67, %dma_wait3A_69, %dma_wait3A_70] : memref<4x128x64xbf16, #tpu.memory_space<vmem>> -> memref<1x128x64xbf16, #tpu.memory_space<vmem>>
    %dma_wait3A_72 = tpu.memref_squeeze %dma_wait3A_71 : memref<1x128x64xbf16, #tpu.memory_space<vmem>> -> memref<128x64xbf16, #tpu.memory_space<vmem>>
    %dma_wait3A_73 = arith.constant 0 : i32
    %dma_wait3A_74 = tpu.memref_slice %arg7[%dma_wait3A_68, %dma_wait3A_73] : memref<160x128xi32, #tpu.memory_space<vmem>> -> memref<1x128xi32, #tpu.memory_space<vmem>>
    %dma_wait3A_75 = tpu.memref_squeeze %dma_wait3A_74 : memref<1x128xi32, #tpu.memory_space<vmem>> -> memref<128xi32, #tpu.memory_space<vmem>>
    %dma_wait3A_76 = arith.constant 0 : i32
    %dma_wait3A_77 = arith.constant 0 : i32
    %dma_wait3A_78 = tpu.memref_slice %arg9[%dma_wait3A_76, %dma_wait3A_77] : memref<10240x64xbf16, #tpu.memory_space<vmem_shared>> -> memref<10240x64xbf16, #tpu.memory_space<vmem_shared>>
    tpu.wait_indirect_dma semaphore(%arg12 : memref<!tpu.dma_semaphore, #tpu.memory_space<semaphore_mem>>) src(%dma_wait3A_72 : memref<128x64xbf16, #tpu.memory_space<vmem>>) dst(%dma_wait3A_78 : memref<10240x64xbf16, #tpu.memory_space<vmem_shared>>)
    %dma_wait3A_79 = arith.constant 0 : i32
    %dma_wait3A_80 = arith.constant 0 : i32
    %dma_wait3A_81 = arith.constant 0 : i32
    %dma_wait3A_82 = arith.constant 0 : i32
    %dma_wait3A_83 = tpu.memref_slice %arg8[%dma_wait3A_79, %dma_wait3A_81, %dma_wait3A_82] : memref<4x128x64xbf16, #tpu.memory_space<vmem>> -> memref<1x128x64xbf16, #tpu.memory_space<vmem>>
    %dma_wait3A_84 = tpu.memref_squeeze %dma_wait3A_83 : memref<1x128x64xbf16, #tpu.memory_space<vmem>> -> memref<128x64xbf16, #tpu.memory_space<vmem>>
    %dma_wait3A_85 = arith.constant 0 : i32
    %dma_wait3A_86 = tpu.memref_slice %arg7[%dma_wait3A_80, %dma_wait3A_85] : memref<160x128xi32, #tpu.memory_space<vmem>> -> memref<1x128xi32, #tpu.memory_space<vmem>>
    %dma_wait3A_87 = tpu.memref_squeeze %dma_wait3A_86 : memref<1x128xi32, #tpu.memory_space<vmem>> -> memref<128xi32, #tpu.memory_space<vmem>>
    %dma_wait3A_88 = arith.constant 0 : i32
    %dma_wait3A_89 = arith.constant 0 : i32
    %dma_wait3A_90 = tpu.memref_slice %arg9[%dma_wait3A_88, %dma_wait3A_89] : memref<10240x64xbf16, #tpu.memory_space<vmem_shared>> -> memref<10240x64xbf16, #tpu.memory_space<vmem_shared>>
    tpu.wait_indirect_dma semaphore(%arg12 : memref<!tpu.dma_semaphore, #tpu.memory_space<semaphore_mem>>) src(%dma_wait3A_84 : memref<128x64xbf16, #tpu.memory_space<vmem>>) dst(%dma_wait3A_90 : memref<10240x64xbf16, #tpu.memory_space<vmem_shared>>)
    %dma_wait3A_91 = arith.constant 0 : i32
    %dma_wait3A_92 = arith.constant 0 : i32
    %dma_wait3A_93 = arith.constant 0 : i32
    %dma_wait3A_94 = arith.constant 0 : i32
    %dma_wait3A_95 = tpu.memref_slice %arg8[%dma_wait3A_91, %dma_wait3A_93, %dma_wait3A_94] : memref<4x128x64xbf16, #tpu.memory_space<vmem>> -> memref<1x128x64xbf16, #tpu.memory_space<vmem>>
    %dma_wait3A_96 = tpu.memref_squeeze %dma_wait3A_95 : memref<1x128x64xbf16, #tpu.memory_space<vmem>> -> memref<128x64xbf16, #tpu.memory_space<vmem>>
    %dma_wait3A_97 = arith.constant 0 : i32
    %dma_wait3A_98 = tpu.memref_slice %arg7[%dma_wait3A_92, %dma_wait3A_97] : memref<160x128xi32, #tpu.memory_space<vmem>> -> memref<1x128xi32, #tpu.memory_space<vmem>>
    %dma_wait3A_99 = tpu.memref_squeeze %dma_wait3A_98 : memref<1x128xi32, #tpu.memory_space<vmem>> -> memref<128xi32, #tpu.memory_space<vmem>>
    %dma_wait3A_100 = arith.constant 0 : i32
    %dma_wait3A_101 = arith.constant 0 : i32
    %dma_wait3A_102 = tpu.memref_slice %arg9[%dma_wait3A_100, %dma_wait3A_101] : memref<10240x64xbf16, #tpu.memory_space<vmem_shared>> -> memref<10240x64xbf16, #tpu.memory_space<vmem_shared>>
    tpu.wait_indirect_dma semaphore(%arg12 : memref<!tpu.dma_semaphore, #tpu.memory_space<semaphore_mem>>) src(%dma_wait3A_96 : memref<128x64xbf16, #tpu.memory_space<vmem>>) dst(%dma_wait3A_102 : memref<10240x64xbf16, #tpu.memory_space<vmem_shared>>)
    %barrier3A_103 = arith.constant 0 : index
    tpu.barrier barrier_id(%barrier3A_103)
    %mul3A_104 = arith.constant 640 : i32
    %mul3A_105 = arith.muli %arg1, %mul3A_104 : i32
    %mul3A_106 = arith.constant 640 : i32
    %mul3A_107 = arith.muli %arg1, %mul3A_106 : i32
    "tpu.region"() ({
      %run_scoped3A_108 = tpu.sem_alloc : memref<!tpu.dma_semaphore, #tpu.memory_space<semaphore_mem>>
      %dma_start3A_109 = arith.constant 0 : i32
      %dma_start3A_110 = tpu.memref_slice %arg5[%arg0, %mul3A_107, %dma_start3A_109] : memref<2x10240x64xbf16, #tpu.memory_space<hbm>> -> memref<1x640x64xbf16, #tpu.memory_space<hbm>>
      %dma_start3A_111 = tpu.memref_squeeze %dma_start3A_110 : memref<1x640x64xbf16, #tpu.memory_space<hbm>> -> memref<640x64xbf16, #tpu.memory_space<hbm>>
      %dma_start3A_112 = arith.constant 0 : i32
      %dma_start3A_113 = tpu.memref_slice %arg9[%mul3A_105, %dma_start3A_112] : memref<10240x64xbf16, #tpu.memory_space<vmem_shared>> -> memref<640x64xbf16, #tpu.memory_space<vmem_shared>>
      tpu.enqueue_dma source(%dma_start3A_113 : memref<640x64xbf16, #tpu.memory_space<vmem_shared>>) target(%dma_start3A_111 : memref<640x64xbf16, #tpu.memory_space<hbm>>) target_semaphore(%run_scoped3A_108 : memref<!tpu.dma_semaphore, #tpu.memory_space<semaphore_mem>>)
      %dma_wait3A_114 = arith.constant 0 : i32
      %dma_wait3A_115 = tpu.memref_slice %arg5[%arg0, %mul3A_107, %dma_wait3A_114] : memref<2x10240x64xbf16, #tpu.memory_space<hbm>> -> memref<1x640x64xbf16, #tpu.memory_space<hbm>>
      %dma_wait3A_116 = tpu.memref_squeeze %dma_wait3A_115 : memref<1x640x64xbf16, #tpu.memory_space<hbm>> -> memref<640x64xbf16, #tpu.memory_space<hbm>>
      %dma_wait3A_117 = arith.constant 0 : i32
      %dma_wait3A_118 = tpu.memref_slice %arg9[%mul3A_105, %dma_wait3A_117] : memref<10240x64xbf16, #tpu.memory_space<vmem_shared>> -> memref<640x64xbf16, #tpu.memory_space<vmem_shared>>
      tpu.wait_dma2 semaphore(%run_scoped3A_108 : memref<!tpu.dma_semaphore, #tpu.memory_space<semaphore_mem>>) src(%dma_wait3A_118 : memref<640x64xbf16, #tpu.memory_space<vmem_shared>>) dst(%dma_wait3A_116 : memref<640x64xbf16, #tpu.memory_space<hbm>>)
      tpu.yield
    }) : () -> ()
    return
  }
}

#map = affine_map<(d0, d1) -> (0, 0)>
#map1 = affine_map<(d0, d1) -> (0, 0, 0)>
module attributes {stable_mosaic.version = 14 : i64} {
  func.func @scat_kernel(%arg0: i32, %arg1: i32, %arg2: memref<10240x48xbf16, #tpu.memory_space<hbm>>, %arg3: memref<2x2560x128xi32, #tpu.memory_space<hbm>>, %arg4: memref<640x48xbf16, #tpu.memory_space<hbm>>, %arg5: memref<2x10240x48xbf16, #tpu.memory_space<hbm>>, %arg6: memref<2x8x128xi32, #tpu.memory_space<vmem>>, %arg7: memref<80x128xi32, #tpu.memory_space<vmem>>, %arg8: memref<4x128x48xbf16, #tpu.memory_space<vmem>>, %arg9: memref<10240x48xbf16, #tpu.memory_space<vmem_shared>>, %arg10: memref<!tpu.dma_semaphore, #tpu.memory_space<semaphore_mem>>, %arg11: memref<!tpu.dma_semaphore, #tpu.memory_space<semaphore_mem>>, %arg12: memref<!tpu.dma_semaphore, #tpu.memory_space<semaphore_mem>>, %arg13: memref<10240x48xbf16, #tpu.memory_space<vmem_shared>>) attributes {dimension_semantics = [#tpu.dimension_semantics<core_parallel>, #tpu.dimension_semantics<subcore_parallel>], iteration_bounds = array<i64: 2, 16>, scalar_prefetch = 0 : i64, scratch_operands = 8 : i64, tpu.core_type = #tpu.core_type<sc_vector_subcore>, window_params = [{transform_indices = #map}, {transform_indices = #map1}, {transform_indices = #map}, {transform_indices = #map1}]} {
    %mul3A = arith.constant 2 : i32
    %mul3A_0 = arith.muli %arg1, %mul3A : i32
    %add3A = arith.addi %mul3A_0, %arg0 : i32
    %mul3A_1 = arith.constant 80 : i32
    %mul3A_2 = arith.muli %add3A, %mul3A_1 : i32
    %run_scoped3A = arith.constant 1 : i32
    "tpu.region"() ({
      %run_scoped3A_111 = tpu.sem_alloc : memref<!tpu.dma_semaphore, #tpu.memory_space<semaphore_mem>>
      %dma_start3A_112 = arith.constant 0 : i32
      %dma_start3A_113 = tpu.memref_slice %arg3[%run_scoped3A, %mul3A_2, %dma_start3A_112] : memref<2x2560x128xi32, #tpu.memory_space<hbm>> -> memref<1x80x128xi32, #tpu.memory_space<hbm>>
      %dma_start3A_114 = tpu.memref_squeeze %dma_start3A_113 : memref<1x80x128xi32, #tpu.memory_space<hbm>> -> memref<80x128xi32, #tpu.memory_space<hbm>>
      %dma_start3A_115 = arith.constant 0 : i32
      %dma_start3A_116 = tpu.memref_slice %arg3[%run_scoped3A, %mul3A_2, %dma_start3A_115] : memref<2x2560x128xi32, #tpu.memory_space<hbm>> -> memref<1x80x128xi32, #tpu.memory_space<hbm>>
      %dma_start3A_117 = tpu.memref_squeeze %dma_start3A_116 : memref<1x80x128xi32, #tpu.memory_space<hbm>> -> memref<80x128xi32, #tpu.memory_space<hbm>>
      tpu.enqueue_dma source(%dma_start3A_117 : memref<80x128xi32, #tpu.memory_space<hbm>>) target(%arg7 : memref<80x128xi32, #tpu.memory_space<vmem>>) target_semaphore(%run_scoped3A_111 : memref<!tpu.dma_semaphore, #tpu.memory_space<semaphore_mem>>)
      %dma_wait3A_118 = arith.constant 0 : i32
      %dma_wait3A_119 = tpu.memref_slice %arg3[%run_scoped3A, %mul3A_2, %dma_wait3A_118] : memref<2x2560x128xi32, #tpu.memory_space<hbm>> -> memref<1x80x128xi32, #tpu.memory_space<hbm>>
      %dma_wait3A_120 = tpu.memref_squeeze %dma_wait3A_119 : memref<1x80x128xi32, #tpu.memory_space<hbm>> -> memref<80x128xi32, #tpu.memory_space<hbm>>
      %dma_wait3A_121 = arith.constant 0 : i32
      %dma_wait3A_122 = tpu.memref_slice %arg3[%run_scoped3A, %mul3A_2, %dma_wait3A_121] : memref<2x2560x128xi32, #tpu.memory_space<hbm>> -> memref<1x80x128xi32, #tpu.memory_space<hbm>>
      %dma_wait3A_123 = tpu.memref_squeeze %dma_wait3A_122 : memref<1x80x128xi32, #tpu.memory_space<hbm>> -> memref<80x128xi32, #tpu.memory_space<hbm>>
      tpu.wait_dma2 semaphore(%run_scoped3A_111 : memref<!tpu.dma_semaphore, #tpu.memory_space<semaphore_mem>>) src(%dma_wait3A_123 : memref<80x128xi32, #tpu.memory_space<hbm>>) dst(%arg7 : memref<80x128xi32, #tpu.memory_space<vmem>>)
      tpu.yield
    }) : () -> ()
    %run_scoped3A_3 = arith.constant 0 : i32
    %run_scoped3A_4 = arith.constant 0 : i32
    "tpu.region"() ({
      %run_scoped3A_111 = tpu.sem_alloc : memref<!tpu.dma_semaphore, #tpu.memory_space<semaphore_mem>>
      %dma_start3A_112 = arith.constant 0 : i32
      %dma_start3A_113 = arith.constant 0 : i32
      %dma_start3A_114 = tpu.memref_slice %arg6[%run_scoped3A_4, %dma_start3A_112, %dma_start3A_113] : memref<2x8x128xi32, #tpu.memory_space<vmem>> -> memref<1x8x128xi32, #tpu.memory_space<vmem>>
      %dma_start3A_115 = tpu.memref_squeeze %dma_start3A_114 : memref<1x8x128xi32, #tpu.memory_space<vmem>> -> memref<8x128xi32, #tpu.memory_space<vmem>>
      %dma_start3A_116 = arith.constant 0 : i32
      %dma_start3A_117 = tpu.memref_slice %arg3[%run_scoped3A_3, %mul3A_2, %dma_start3A_116] : memref<2x2560x128xi32, #tpu.memory_space<hbm>> -> memref<1x8x128xi32, #tpu.memory_space<hbm>>
      %dma_start3A_118 = tpu.memref_squeeze %dma_start3A_117 : memref<1x8x128xi32, #tpu.memory_space<hbm>> -> memref<8x128xi32, #tpu.memory_space<hbm>>
      %dma_start3A_119 = arith.constant 0 : i32
      %dma_start3A_120 = arith.constant 0 : i32
      %dma_start3A_121 = tpu.memref_slice %arg6[%run_scoped3A_4, %dma_start3A_119, %dma_start3A_120] : memref<2x8x128xi32, #tpu.memory_space<vmem>> -> memref<1x8x128xi32, #tpu.memory_space<vmem>>
      %dma_start3A_122 = tpu.memref_squeeze %dma_start3A_121 : memref<1x8x128xi32, #tpu.memory_space<vmem>> -> memref<8x128xi32, #tpu.memory_space<vmem>>
      %dma_start3A_123 = arith.constant 0 : i32
      %dma_start3A_124 = tpu.memref_slice %arg3[%run_scoped3A_3, %mul3A_2, %dma_start3A_123] : memref<2x2560x128xi32, #tpu.memory_space<hbm>> -> memref<1x8x128xi32, #tpu.memory_space<hbm>>
      %dma_start3A_125 = tpu.memref_squeeze %dma_start3A_124 : memref<1x8x128xi32, #tpu.memory_space<hbm>> -> memref<8x128xi32, #tpu.memory_space<hbm>>
      tpu.enqueue_dma source(%dma_start3A_125 : memref<8x128xi32, #tpu.memory_space<hbm>>) target(%dma_start3A_122 : memref<8x128xi32, #tpu.memory_space<vmem>>) target_semaphore(%run_scoped3A_111 : memref<!tpu.dma_semaphore, #tpu.memory_space<semaphore_mem>>)
      %dma_wait3A_126 = arith.constant 0 : i32
      %dma_wait3A_127 = arith.constant 0 : i32
      %dma_wait3A_128 = tpu.memref_slice %arg6[%run_scoped3A_4, %dma_wait3A_126, %dma_wait3A_127] : memref<2x8x128xi32, #tpu.memory_space<vmem>> -> memref<1x8x128xi32, #tpu.memory_space<vmem>>
      %dma_wait3A_129 = tpu.memref_squeeze %dma_wait3A_128 : memref<1x8x128xi32, #tpu.memory_space<vmem>> -> memref<8x128xi32, #tpu.memory_space<vmem>>
      %dma_wait3A_130 = arith.constant 0 : i32
      %dma_wait3A_131 = tpu.memref_slice %arg3[%run_scoped3A_3, %mul3A_2, %dma_wait3A_130] : memref<2x2560x128xi32, #tpu.memory_space<hbm>> -> memref<1x8x128xi32, #tpu.memory_space<hbm>>
      %dma_wait3A_132 = tpu.memref_squeeze %dma_wait3A_131 : memref<1x8x128xi32, #tpu.memory_space<hbm>> -> memref<8x128xi32, #tpu.memory_space<hbm>>
      %dma_wait3A_133 = arith.constant 0 : i32
      %dma_wait3A_134 = arith.constant 0 : i32
      %dma_wait3A_135 = tpu.memref_slice %arg6[%run_scoped3A_4, %dma_wait3A_133, %dma_wait3A_134] : memref<2x8x128xi32, #tpu.memory_space<vmem>> -> memref<1x8x128xi32, #tpu.memory_space<vmem>>
      %dma_wait3A_136 = tpu.memref_squeeze %dma_wait3A_135 : memref<1x8x128xi32, #tpu.memory_space<vmem>> -> memref<8x128xi32, #tpu.memory_space<vmem>>
      %dma_wait3A_137 = arith.constant 0 : i32
      %dma_wait3A_138 = tpu.memref_slice %arg3[%run_scoped3A_3, %mul3A_2, %dma_wait3A_137] : memref<2x2560x128xi32, #tpu.memory_space<hbm>> -> memref<1x8x128xi32, #tpu.memory_space<hbm>>
      %dma_wait3A_139 = tpu.memref_squeeze %dma_wait3A_138 : memref<1x8x128xi32, #tpu.memory_space<hbm>> -> memref<8x128xi32, #tpu.memory_space<hbm>>
      tpu.wait_dma2 semaphore(%run_scoped3A_111 : memref<!tpu.dma_semaphore, #tpu.memory_space<semaphore_mem>>) src(%dma_wait3A_139 : memref<8x128xi32, #tpu.memory_space<hbm>>) dst(%dma_wait3A_136 : memref<8x128xi32, #tpu.memory_space<vmem>>)
      tpu.yield
    }) : () -> ()
    %add3A_5 = arith.constant 8 : i32
    %add3A_6 = arith.addi %mul3A_2, %add3A_5 : i32
    %dma_start3A = arith.constant 0 : i32
    %dma_start3A_7 = arith.constant 1 : i32
    %dma_start3A_8 = arith.constant 0 : i32
    %dma_start3A_9 = arith.constant 0 : i32
    %dma_start3A_10 = tpu.memref_slice %arg6[%dma_start3A_7, %dma_start3A_8, %dma_start3A_9] : memref<2x8x128xi32, #tpu.memory_space<vmem>> -> memref<1x8x128xi32, #tpu.memory_space<vmem>>
    %dma_start3A_11 = tpu.memref_squeeze %dma_start3A_10 : memref<1x8x128xi32, #tpu.memory_space<vmem>> -> memref<8x128xi32, #tpu.memory_space<vmem>>
    %dma_start3A_12 = arith.constant 0 : i32
    %dma_start3A_13 = tpu.memref_slice %arg3[%dma_start3A, %add3A_6, %dma_start3A_12] : memref<2x2560x128xi32, #tpu.memory_space<hbm>> -> memref<1x8x128xi32, #tpu.memory_space<hbm>>
    %dma_start3A_14 = tpu.memref_squeeze %dma_start3A_13 : memref<1x8x128xi32, #tpu.memory_space<hbm>> -> memref<8x128xi32, #tpu.memory_space<hbm>>
    %dma_start3A_15 = arith.constant 0 : i32
    %dma_start3A_16 = arith.constant 0 : i32
    %dma_start3A_17 = tpu.memref_slice %arg6[%dma_start3A_7, %dma_start3A_15, %dma_start3A_16] : memref<2x8x128xi32, #tpu.memory_space<vmem>> -> memref<1x8x128xi32, #tpu.memory_space<vmem>>
    %dma_start3A_18 = tpu.memref_squeeze %dma_start3A_17 : memref<1x8x128xi32, #tpu.memory_space<vmem>> -> memref<8x128xi32, #tpu.memory_space<vmem>>
    %dma_start3A_19 = arith.constant 0 : i32
    %dma_start3A_20 = tpu.memref_slice %arg3[%dma_start3A, %add3A_6, %dma_start3A_19] : memref<2x2560x128xi32, #tpu.memory_space<hbm>> -> memref<1x8x128xi32, #tpu.memory_space<hbm>>
    %dma_start3A_21 = tpu.memref_squeeze %dma_start3A_20 : memref<1x8x128xi32, #tpu.memory_space<hbm>> -> memref<8x128xi32, #tpu.memory_space<hbm>>
    tpu.enqueue_dma source(%dma_start3A_21 : memref<8x128xi32, #tpu.memory_space<hbm>>) target(%dma_start3A_18 : memref<8x128xi32, #tpu.memory_space<vmem>>) target_semaphore(%arg12 : memref<!tpu.dma_semaphore, #tpu.memory_space<semaphore_mem>>)
    %mul3A_22 = arith.constant 640 : i32
    %mul3A_23 = arith.muli %arg1, %mul3A_22 : i32
    "tpu.region"() ({
      %run_scoped3A_111 = tpu.sem_alloc : memref<!tpu.dma_semaphore, #tpu.memory_space<semaphore_mem>>
      %dma_start3A_112 = arith.constant 0 : i32
      %dma_start3A_113 = tpu.memref_slice %arg9[%mul3A_23, %dma_start3A_112] : memref<10240x48xbf16, #tpu.memory_space<vmem_shared>> -> memref<640x48xbf16, #tpu.memory_space<vmem_shared>>
      tpu.enqueue_dma source(%arg4 : memref<640x48xbf16, #tpu.memory_space<hbm>>) target(%dma_start3A_113 : memref<640x48xbf16, #tpu.memory_space<vmem_shared>>) target_semaphore(%run_scoped3A_111 : memref<!tpu.dma_semaphore, #tpu.memory_space<semaphore_mem>>)
      %dma_wait3A_114 = arith.constant 0 : i32
      %dma_wait3A_115 = tpu.memref_slice %arg9[%mul3A_23, %dma_wait3A_114] : memref<10240x48xbf16, #tpu.memory_space<vmem_shared>> -> memref<640x48xbf16, #tpu.memory_space<vmem_shared>>
      tpu.wait_dma2 semaphore(%run_scoped3A_111 : memref<!tpu.dma_semaphore, #tpu.memory_space<semaphore_mem>>) src(%arg4 : memref<640x48xbf16, #tpu.memory_space<hbm>>) dst(%dma_wait3A_115 : memref<640x48xbf16, #tpu.memory_space<vmem_shared>>)
      tpu.yield
    }) : () -> ()
    %mul3A_24 = arith.constant 640 : i32
    %mul3A_25 = arith.muli %arg1, %mul3A_24 : i32
    %mul3A_26 = arith.constant 640 : i32
    %mul3A_27 = arith.muli %arg1, %mul3A_26 : i32
    "tpu.region"() ({
      %run_scoped3A_111 = tpu.sem_alloc : memref<!tpu.dma_semaphore, #tpu.memory_space<semaphore_mem>>
      %dma_start3A_112 = arith.constant 0 : i32
      %dma_start3A_113 = tpu.memref_slice %arg13[%mul3A_27, %dma_start3A_112] : memref<10240x48xbf16, #tpu.memory_space<vmem_shared>> -> memref<640x48xbf16, #tpu.memory_space<vmem_shared>>
      %dma_start3A_114 = arith.constant 0 : i32
      %dma_start3A_115 = tpu.memref_slice %arg2[%mul3A_25, %dma_start3A_114] : memref<10240x48xbf16, #tpu.memory_space<hbm>> -> memref<640x48xbf16, #tpu.memory_space<hbm>>
      tpu.enqueue_dma source(%dma_start3A_115 : memref<640x48xbf16, #tpu.memory_space<hbm>>) target(%dma_start3A_113 : memref<640x48xbf16, #tpu.memory_space<vmem_shared>>) target_semaphore(%run_scoped3A_111 : memref<!tpu.dma_semaphore, #tpu.memory_space<semaphore_mem>>)
      %dma_wait3A_116 = arith.constant 0 : i32
      %dma_wait3A_117 = tpu.memref_slice %arg13[%mul3A_27, %dma_wait3A_116] : memref<10240x48xbf16, #tpu.memory_space<vmem_shared>> -> memref<640x48xbf16, #tpu.memory_space<vmem_shared>>
      %dma_wait3A_118 = arith.constant 0 : i32
      %dma_wait3A_119 = tpu.memref_slice %arg2[%mul3A_25, %dma_wait3A_118] : memref<10240x48xbf16, #tpu.memory_space<hbm>> -> memref<640x48xbf16, #tpu.memory_space<hbm>>
      tpu.wait_dma2 semaphore(%run_scoped3A_111 : memref<!tpu.dma_semaphore, #tpu.memory_space<semaphore_mem>>) src(%dma_wait3A_119 : memref<640x48xbf16, #tpu.memory_space<hbm>>) dst(%dma_wait3A_117 : memref<640x48xbf16, #tpu.memory_space<vmem_shared>>)
      tpu.yield
    }) : () -> ()
    %barrier3A = arith.constant 0 : index
    tpu.barrier barrier_id(%barrier3A)
    %dma_start3A_28 = arith.constant 0 : i32
    %dma_start3A_29 = arith.constant 0 : i32
    %dma_start3A_30 = arith.constant 0 : i32
    %dma_start3A_31 = arith.constant 0 : i32
    %dma_start3A_32 = arith.constant 0 : i32
    %dma_start3A_33 = tpu.memref_slice %arg8[%dma_start3A_30, %dma_start3A_31, %dma_start3A_32] : memref<4x128x48xbf16, #tpu.memory_space<vmem>> -> memref<1x128x48xbf16, #tpu.memory_space<vmem>>
    %dma_start3A_34 = tpu.memref_squeeze %dma_start3A_33 : memref<1x128x48xbf16, #tpu.memory_space<vmem>> -> memref<128x48xbf16, #tpu.memory_space<vmem>>
    %dma_start3A_35 = arith.constant 0 : i32
    %dma_start3A_36 = tpu.memref_slice %arg6[%dma_start3A_28, %dma_start3A_29, %dma_start3A_35] : memref<2x8x128xi32, #tpu.memory_space<vmem>> -> memref<1x1x128xi32, #tpu.memory_space<vmem>>
    %dma_start3A_37 = tpu.memref_squeeze %dma_start3A_36 : memref<1x1x128xi32, #tpu.memory_space<vmem>> -> memref<128xi32, #tpu.memory_space<vmem>>
    %dma_start3A_38 = arith.constant 0 : i32
    %dma_start3A_39 = arith.constant 0 : i32
    %dma_start3A_40 = tpu.memref_slice %arg13[%dma_start3A_38, %dma_start3A_39] : memref<10240x48xbf16, #tpu.memory_space<vmem_shared>> -> memref<10240x48xbf16, #tpu.memory_space<vmem_shared>>
    tpu.enqueue_indirect_dma source(%dma_start3A_40 : memref<10240x48xbf16, #tpu.memory_space<vmem_shared>>) target(%dma_start3A_34 : memref<128x48xbf16, #tpu.memory_space<vmem>>) offsets(%dma_start3A_37 : memref<128xi32, #tpu.memory_space<vmem>>) semaphore(%arg10 : memref<!tpu.dma_semaphore, #tpu.memory_space<semaphore_mem>>)
    %dma_start3A_41 = arith.constant 0 : i32
    %dma_start3A_42 = arith.constant 1 : i32
    %dma_start3A_43 = arith.constant 1 : i32
    %dma_start3A_44 = arith.constant 0 : i32
    %dma_start3A_45 = arith.constant 0 : i32
    %dma_start3A_46 = tpu.memref_slice %arg8[%dma_start3A_43, %dma_start3A_44, %dma_start3A_45] : memref<4x128x48xbf16, #tpu.memory_space<vmem>> -> memref<1x128x48xbf16, #tpu.memory_space<vmem>>
    %dma_start3A_47 = tpu.memref_squeeze %dma_start3A_46 : memref<1x128x48xbf16, #tpu.memory_space<vmem>> -> memref<128x48xbf16, #tpu.memory_space<vmem>>
    %dma_start3A_48 = arith.constant 0 : i32
    %dma_start3A_49 = tpu.memref_slice %arg6[%dma_start3A_41, %dma_start3A_42, %dma_start3A_48] : memref<2x8x128xi32, #tpu.memory_space<vmem>> -> memref<1x1x128xi32, #tpu.memory_space<vmem>>
    %dma_start3A_50 = tpu.memref_squeeze %dma_start3A_49 : memref<1x1x128xi32, #tpu.memory_space<vmem>> -> memref<128xi32, #tpu.memory_space<vmem>>
    %dma_start3A_51 = arith.constant 0 : i32
    %dma_start3A_52 = arith.constant 0 : i32
    %dma_start3A_53 = tpu.memref_slice %arg13[%dma_start3A_51, %dma_start3A_52] : memref<10240x48xbf16, #tpu.memory_space<vmem_shared>> -> memref<10240x48xbf16, #tpu.memory_space<vmem_shared>>
    tpu.enqueue_indirect_dma source(%dma_start3A_53 : memref<10240x48xbf16, #tpu.memory_space<vmem_shared>>) target(%dma_start3A_47 : memref<128x48xbf16, #tpu.memory_space<vmem>>) offsets(%dma_start3A_50 : memref<128xi32, #tpu.memory_space<vmem>>) semaphore(%arg10 : memref<!tpu.dma_semaphore, #tpu.memory_space<semaphore_mem>>)
    %scan3A = arith.constant 0 : i32
    %scan3A_54 = arith.constant 0 : i32
    %scan3A_55 = arith.constant 10 : i32
    %scan3A_56 = arith.addi %scan3A_54, %scan3A_55 : i32
    %scan3A_57 = arith.constant 1 : i32
    scf.for %scan3A_111 = %scan3A_54 to %scan3A_56 step %scan3A_57  : i32 {
      %jit3A = arith.constant 2 : i32
      %eq3A = arith.constant 0 : i32
      %eq3A_112 = arith.cmpi eq, %jit3A, %eq3A : i32
      %jit3A_113 = arith.constant 1 : i32
      %select_n3A = arith.select %eq3A_112, %jit3A_113, %jit3A : i32
      %rem3A = arith.remsi %scan3A_111, %select_n3A : i32
      %ne3A = arith.constant 0 : i32
      %ne3A_114 = arith.cmpi ne, %rem3A, %ne3A : i32
      %lt3A = arith.constant 0 : i32
      %lt3A_115 = arith.cmpi slt, %rem3A, %lt3A : i32
      %lt3A_116 = arith.constant 0 : i32
      %lt3A_117 = arith.cmpi slt, %select_n3A, %lt3A_116 : i32
      %ne3A_118 = arith.xori %lt3A_115, %lt3A_117 : i1
      %and3A = arith.andi %ne3A_118, %ne3A_114 : i1
      %add3A_119 = arith.addi %rem3A, %select_n3A : i32
      %select_n3A_120 = arith.select %and3A, %add3A_119, %rem3A : i32
      %add3A_121 = arith.constant 1 : i32
      %add3A_122 = arith.addi %scan3A_111, %add3A_121 : i32
      %jit3A_123 = arith.constant 2 : i32
      %eq3A_124 = arith.constant 0 : i32
      %eq3A_125 = arith.cmpi eq, %jit3A_123, %eq3A_124 : i32
      %jit3A_126 = arith.constant 1 : i32
      %select_n3A_127 = arith.select %eq3A_125, %jit3A_126, %jit3A_123 : i32
      %rem3A_128 = arith.remsi %add3A_122, %select_n3A_127 : i32
      %ne3A_129 = arith.constant 0 : i32
      %ne3A_130 = arith.cmpi ne, %rem3A_128, %ne3A_129 : i32
      %lt3A_131 = arith.constant 0 : i32
      %lt3A_132 = arith.cmpi slt, %rem3A_128, %lt3A_131 : i32
      %lt3A_133 = arith.constant 0 : i32
      %lt3A_134 = arith.cmpi slt, %select_n3A_127, %lt3A_133 : i32
      %ne3A_135 = arith.xori %lt3A_132, %lt3A_134 : i1
      %and3A_136 = arith.andi %ne3A_135, %ne3A_130 : i1
      %add3A_137 = arith.addi %rem3A_128, %select_n3A_127 : i32
      %select_n3A_138 = arith.select %and3A_136, %add3A_137, %rem3A_128 : i32
      %mul3A_139 = arith.constant 8 : i32
      %mul3A_140 = arith.muli %scan3A_111, %mul3A_139 : i32
      %add3A_141 = arith.constant 0 : i32
      %add3A_142 = arith.addi %mul3A_140, %add3A_141 : i32
      %dma_wait3A_143 = arith.constant 0 : i32
      %dma_wait3A_144 = arith.constant 0 : i32
      %dma_wait3A_145 = arith.constant 0 : i32
      %dma_wait3A_146 = arith.constant 0 : i32
      %dma_wait3A_147 = tpu.memref_slice %arg8[%dma_wait3A_144, %dma_wait3A_145, %dma_wait3A_146] : memref<4x128x48xbf16, #tpu.memory_space<vmem>> -> memref<1x128x48xbf16, #tpu.memory_space<vmem>>
      %dma_wait3A_148 = tpu.memref_squeeze %dma_wait3A_147 : memref<1x128x48xbf16, #tpu.memory_space<vmem>> -> memref<128x48xbf16, #tpu.memory_space<vmem>>
      %dma_wait3A_149 = arith.constant 0 : i32
      %dma_wait3A_150 = tpu.memref_slice %arg6[%select_n3A_120, %dma_wait3A_143, %dma_wait3A_149] : memref<2x8x128xi32, #tpu.memory_space<vmem>> -> memref<1x1x128xi32, #tpu.memory_space<vmem>>
      %dma_wait3A_151 = tpu.memref_squeeze %dma_wait3A_150 : memref<1x1x128xi32, #tpu.memory_space<vmem>> -> memref<128xi32, #tpu.memory_space<vmem>>
      %dma_wait3A_152 = arith.constant 0 : i32
      %dma_wait3A_153 = arith.constant 0 : i32
      %dma_wait3A_154 = tpu.memref_slice %arg13[%dma_wait3A_152, %dma_wait3A_153] : memref<10240x48xbf16, #tpu.memory_space<vmem_shared>> -> memref<10240x48xbf16, #tpu.memory_space<vmem_shared>>
      tpu.wait_indirect_dma semaphore(%arg10 : memref<!tpu.dma_semaphore, #tpu.memory_space<semaphore_mem>>) src(%dma_wait3A_154 : memref<10240x48xbf16, #tpu.memory_space<vmem_shared>>) dst(%dma_wait3A_148 : memref<128x48xbf16, #tpu.memory_space<vmem>>)
      %dma_start3A_155 = arith.constant 0 : i32
      %dma_start3A_156 = arith.constant 0 : i32
      %dma_start3A_157 = arith.constant 0 : i32
      %dma_start3A_158 = tpu.memref_slice %arg8[%dma_start3A_155, %dma_start3A_156, %dma_start3A_157] : memref<4x128x48xbf16, #tpu.memory_space<vmem>> -> memref<1x128x48xbf16, #tpu.memory_space<vmem>>
      %dma_start3A_159 = tpu.memref_squeeze %dma_start3A_158 : memref<1x128x48xbf16, #tpu.memory_space<vmem>> -> memref<128x48xbf16, #tpu.memory_space<vmem>>
      %dma_start3A_160 = arith.constant 0 : i32
      %dma_start3A_161 = tpu.memref_slice %arg7[%add3A_142, %dma_start3A_160] : memref<80x128xi32, #tpu.memory_space<vmem>> -> memref<1x128xi32, #tpu.memory_space<vmem>>
      %dma_start3A_162 = tpu.memref_squeeze %dma_start3A_161 : memref<1x128xi32, #tpu.memory_space<vmem>> -> memref<128xi32, #tpu.memory_space<vmem>>
      %dma_start3A_163 = arith.constant 0 : i32
      %dma_start3A_164 = arith.constant 0 : i32
      %dma_start3A_165 = tpu.memref_slice %arg9[%dma_start3A_163, %dma_start3A_164] : memref<10240x48xbf16, #tpu.memory_space<vmem_shared>> -> memref<10240x48xbf16, #tpu.memory_space<vmem_shared>>
      tpu.enqueue_indirect_dma source(%dma_start3A_159 : memref<128x48xbf16, #tpu.memory_space<vmem>>) target(%dma_start3A_165 : memref<10240x48xbf16, #tpu.memory_space<vmem_shared>>) offsets(%dma_start3A_162 : memref<128xi32, #tpu.memory_space<vmem>>) semaphore(%arg11 : memref<!tpu.dma_semaphore, #tpu.memory_space<semaphore_mem>>) {add = true}
      %gt3A = arith.constant 0 : i32
      %gt3A_166 = arith.cmpi sgt, %scan3A_111, %gt3A : i32
      %convert_element_type3A = arith.extui %gt3A_166 : i1 to i32
      %cond3A = arith.constant 0 : i32
      %cond3A_167 = arith.cmpi ne, %convert_element_type3A, %cond3A : i32
      scf.if %cond3A_167 {
        %dma_wait3A_505 = arith.constant 0 : i32
        %dma_wait3A_506 = arith.constant 0 : i32
        %dma_wait3A_507 = arith.constant 0 : i32
        %dma_wait3A_508 = arith.constant 0 : i32
        %dma_wait3A_509 = tpu.memref_slice %arg8[%dma_wait3A_505, %dma_wait3A_507, %dma_wait3A_508] : memref<4x128x48xbf16, #tpu.memory_space<vmem>> -> memref<1x128x48xbf16, #tpu.memory_space<vmem>>
        %dma_wait3A_510 = tpu.memref_squeeze %dma_wait3A_509 : memref<1x128x48xbf16, #tpu.memory_space<vmem>> -> memref<128x48xbf16, #tpu.memory_space<vmem>>
        %dma_wait3A_511 = arith.constant 0 : i32
        %dma_wait3A_512 = tpu.memref_slice %arg7[%dma_wait3A_506, %dma_wait3A_511] : memref<80x128xi32, #tpu.memory_space<vmem>> -> memref<1x128xi32, #tpu.memory_space<vmem>>
        %dma_wait3A_513 = tpu.memref_squeeze %dma_wait3A_512 : memref<1x128xi32, #tpu.memory_space<vmem>> -> memref<128xi32, #tpu.memory_space<vmem>>
        %dma_wait3A_514 = arith.constant 0 : i32
        %dma_wait3A_515 = arith.constant 0 : i32
        %dma_wait3A_516 = tpu.memref_slice %arg9[%dma_wait3A_514, %dma_wait3A_515] : memref<10240x48xbf16, #tpu.memory_space<vmem_shared>> -> memref<10240x48xbf16, #tpu.memory_space<vmem_shared>>
        tpu.wait_indirect_dma semaphore(%arg11 : memref<!tpu.dma_semaphore, #tpu.memory_space<semaphore_mem>>) src(%dma_wait3A_510 : memref<128x48xbf16, #tpu.memory_space<vmem>>) dst(%dma_wait3A_516 : memref<10240x48xbf16, #tpu.memory_space<vmem_shared>>)
      } else {
      }
      %dma_start3A_168 = arith.constant 2 : i32
      %dma_start3A_169 = arith.constant 2 : i32
      %dma_start3A_170 = arith.constant 0 : i32
      %dma_start3A_171 = arith.constant 0 : i32
      %dma_start3A_172 = tpu.memref_slice %arg8[%dma_start3A_169, %dma_start3A_170, %dma_start3A_171] : memref<4x128x48xbf16, #tpu.memory_space<vmem>> -> memref<1x128x48xbf16, #tpu.memory_space<vmem>>
      %dma_start3A_173 = tpu.memref_squeeze %dma_start3A_172 : memref<1x128x48xbf16, #tpu.memory_space<vmem>> -> memref<128x48xbf16, #tpu.memory_space<vmem>>
      %dma_start3A_174 = arith.constant 0 : i32
      %dma_start3A_175 = tpu.memref_slice %arg6[%select_n3A_120, %dma_start3A_168, %dma_start3A_174] : memref<2x8x128xi32, #tpu.memory_space<vmem>> -> memref<1x1x128xi32, #tpu.memory_space<vmem>>
      %dma_start3A_176 = tpu.memref_squeeze %dma_start3A_175 : memref<1x1x128xi32, #tpu.memory_space<vmem>> -> memref<128xi32, #tpu.memory_space<vmem>>
      %dma_start3A_177 = arith.constant 0 : i32
      %dma_start3A_178 = arith.constant 0 : i32
      %dma_start3A_179 = tpu.memref_slice %arg13[%dma_start3A_177, %dma_start3A_178] : memref<10240x48xbf16, #tpu.memory_space<vmem_shared>> -> memref<10240x48xbf16, #tpu.memory_space<vmem_shared>>
      tpu.enqueue_indirect_dma source(%dma_start3A_179 : memref<10240x48xbf16, #tpu.memory_space<vmem_shared>>) target(%dma_start3A_173 : memref<128x48xbf16, #tpu.memory_space<vmem>>) offsets(%dma_start3A_176 : memref<128xi32, #tpu.memory_space<vmem>>) semaphore(%arg10 : memref<!tpu.dma_semaphore, #tpu.memory_space<semaphore_mem>>)
      %mul3A_180 = arith.constant 8 : i32
      %mul3A_181 = arith.muli %scan3A_111, %mul3A_180 : i32
      %add3A_182 = arith.constant 1 : i32
      %add3A_183 = arith.addi %mul3A_181, %add3A_182 : i32
      %dma_wait3A_184 = arith.constant 1 : i32
      %dma_wait3A_185 = arith.constant 1 : i32
      %dma_wait3A_186 = arith.constant 0 : i32
      %dma_wait3A_187 = arith.constant 0 : i32
      %dma_wait3A_188 = tpu.memref_slice %arg8[%dma_wait3A_185, %dma_wait3A_186, %dma_wait3A_187] : memref<4x128x48xbf16, #tpu.memory_space<vmem>> -> memref<1x128x48xbf16, #tpu.memory_space<vmem>>
      %dma_wait3A_189 = tpu.memref_squeeze %dma_wait3A_188 : memref<1x128x48xbf16, #tpu.memory_space<vmem>> -> memref<128x48xbf16, #tpu.memory_space<vmem>>
      %dma_wait3A_190 = arith.constant 0 : i32
      %dma_wait3A_191 = tpu.memref_slice %arg6[%select_n3A_120, %dma_wait3A_184, %dma_wait3A_190] : memref<2x8x128xi32, #tpu.memory_space<vmem>> -> memref<1x1x128xi32, #tpu.memory_space<vmem>>
      %dma_wait3A_192 = tpu.memref_squeeze %dma_wait3A_191 : memref<1x1x128xi32, #tpu.memory_space<vmem>> -> memref<128xi32, #tpu.memory_space<vmem>>
      %dma_wait3A_193 = arith.constant 0 : i32
      %dma_wait3A_194 = arith.constant 0 : i32
      %dma_wait3A_195 = tpu.memref_slice %arg13[%dma_wait3A_193, %dma_wait3A_194] : memref<10240x48xbf16, #tpu.memory_space<vmem_shared>> -> memref<10240x48xbf16, #tpu.memory_space<vmem_shared>>
      tpu.wait_indirect_dma semaphore(%arg10 : memref<!tpu.dma_semaphore, #tpu.memory_space<semaphore_mem>>) src(%dma_wait3A_195 : memref<10240x48xbf16, #tpu.memory_space<vmem_shared>>) dst(%dma_wait3A_189 : memref<128x48xbf16, #tpu.memory_space<vmem>>)
      %dma_start3A_196 = arith.constant 1 : i32
      %dma_start3A_197 = arith.constant 0 : i32
      %dma_start3A_198 = arith.constant 0 : i32
      %dma_start3A_199 = tpu.memref_slice %arg8[%dma_start3A_196, %dma_start3A_197, %dma_start3A_198] : memref<4x128x48xbf16, #tpu.memory_space<vmem>> -> memref<1x128x48xbf16, #tpu.memory_space<vmem>>
      %dma_start3A_200 = tpu.memref_squeeze %dma_start3A_199 : memref<1x128x48xbf16, #tpu.memory_space<vmem>> -> memref<128x48xbf16, #tpu.memory_space<vmem>>
      %dma_start3A_201 = arith.constant 0 : i32
      %dma_start3A_202 = tpu.memref_slice %arg7[%add3A_183, %dma_start3A_201] : memref<80x128xi32, #tpu.memory_space<vmem>> -> memref<1x128xi32, #tpu.memory_space<vmem>>
      %dma_start3A_203 = tpu.memref_squeeze %dma_start3A_202 : memref<1x128xi32, #tpu.memory_space<vmem>> -> memref<128xi32, #tpu.memory_space<vmem>>
      %dma_start3A_204 = arith.constant 0 : i32
      %dma_start3A_205 = arith.constant 0 : i32
      %dma_start3A_206 = tpu.memref_slice %arg9[%dma_start3A_204, %dma_start3A_205] : memref<10240x48xbf16, #tpu.memory_space<vmem_shared>> -> memref<10240x48xbf16, #tpu.memory_space<vmem_shared>>
      tpu.enqueue_indirect_dma source(%dma_start3A_200 : memref<128x48xbf16, #tpu.memory_space<vmem>>) target(%dma_start3A_206 : memref<10240x48xbf16, #tpu.memory_space<vmem_shared>>) offsets(%dma_start3A_203 : memref<128xi32, #tpu.memory_space<vmem>>) semaphore(%arg11 : memref<!tpu.dma_semaphore, #tpu.memory_space<semaphore_mem>>) {add = true}
      %gt3A_207 = arith.constant 0 : i32
      %gt3A_208 = arith.cmpi sgt, %scan3A_111, %gt3A_207 : i32
      %convert_element_type3A_209 = arith.extui %gt3A_208 : i1 to i32
      %cond3A_210 = arith.constant 0 : i32
      %cond3A_211 = arith.cmpi ne, %convert_element_type3A_209, %cond3A_210 : i32
      scf.if %cond3A_211 {
        %dma_wait3A_505 = arith.constant 0 : i32
        %dma_wait3A_506 = arith.constant 0 : i32
        %dma_wait3A_507 = arith.constant 0 : i32
        %dma_wait3A_508 = arith.constant 0 : i32
        %dma_wait3A_509 = tpu.memref_slice %arg8[%dma_wait3A_505, %dma_wait3A_507, %dma_wait3A_508] : memref<4x128x48xbf16, #tpu.memory_space<vmem>> -> memref<1x128x48xbf16, #tpu.memory_space<vmem>>
        %dma_wait3A_510 = tpu.memref_squeeze %dma_wait3A_509 : memref<1x128x48xbf16, #tpu.memory_space<vmem>> -> memref<128x48xbf16, #tpu.memory_space<vmem>>
        %dma_wait3A_511 = arith.constant 0 : i32
        %dma_wait3A_512 = tpu.memref_slice %arg7[%dma_wait3A_506, %dma_wait3A_511] : memref<80x128xi32, #tpu.memory_space<vmem>> -> memref<1x128xi32, #tpu.memory_space<vmem>>
        %dma_wait3A_513 = tpu.memref_squeeze %dma_wait3A_512 : memref<1x128xi32, #tpu.memory_space<vmem>> -> memref<128xi32, #tpu.memory_space<vmem>>
        %dma_wait3A_514 = arith.constant 0 : i32
        %dma_wait3A_515 = arith.constant 0 : i32
        %dma_wait3A_516 = tpu.memref_slice %arg9[%dma_wait3A_514, %dma_wait3A_515] : memref<10240x48xbf16, #tpu.memory_space<vmem_shared>> -> memref<10240x48xbf16, #tpu.memory_space<vmem_shared>>
        tpu.wait_indirect_dma semaphore(%arg11 : memref<!tpu.dma_semaphore, #tpu.memory_space<semaphore_mem>>) src(%dma_wait3A_510 : memref<128x48xbf16, #tpu.memory_space<vmem>>) dst(%dma_wait3A_516 : memref<10240x48xbf16, #tpu.memory_space<vmem_shared>>)
      } else {
      }
      %dma_start3A_212 = arith.constant 3 : i32
      %dma_start3A_213 = arith.constant 3 : i32
      %dma_start3A_214 = arith.constant 0 : i32
      %dma_start3A_215 = arith.constant 0 : i32
      %dma_start3A_216 = tpu.memref_slice %arg8[%dma_start3A_213, %dma_start3A_214, %dma_start3A_215] : memref<4x128x48xbf16, #tpu.memory_space<vmem>> -> memref<1x128x48xbf16, #tpu.memory_space<vmem>>
      %dma_start3A_217 = tpu.memref_squeeze %dma_start3A_216 : memref<1x128x48xbf16, #tpu.memory_space<vmem>> -> memref<128x48xbf16, #tpu.memory_space<vmem>>
      %dma_start3A_218 = arith.constant 0 : i32
      %dma_start3A_219 = tpu.memref_slice %arg6[%select_n3A_120, %dma_start3A_212, %dma_start3A_218] : memref<2x8x128xi32, #tpu.memory_space<vmem>> -> memref<1x1x128xi32, #tpu.memory_space<vmem>>
      %dma_start3A_220 = tpu.memref_squeeze %dma_start3A_219 : memref<1x1x128xi32, #tpu.memory_space<vmem>> -> memref<128xi32, #tpu.memory_space<vmem>>
      %dma_start3A_221 = arith.constant 0 : i32
      %dma_start3A_222 = arith.constant 0 : i32
      %dma_start3A_223 = tpu.memref_slice %arg13[%dma_start3A_221, %dma_start3A_222] : memref<10240x48xbf16, #tpu.memory_space<vmem_shared>> -> memref<10240x48xbf16, #tpu.memory_space<vmem_shared>>
      tpu.enqueue_indirect_dma source(%dma_start3A_223 : memref<10240x48xbf16, #tpu.memory_space<vmem_shared>>) target(%dma_start3A_217 : memref<128x48xbf16, #tpu.memory_space<vmem>>) offsets(%dma_start3A_220 : memref<128xi32, #tpu.memory_space<vmem>>) semaphore(%arg10 : memref<!tpu.dma_semaphore, #tpu.memory_space<semaphore_mem>>)
      %mul3A_224 = arith.constant 8 : i32
      %mul3A_225 = arith.muli %scan3A_111, %mul3A_224 : i32
      %add3A_226 = arith.constant 2 : i32
      %add3A_227 = arith.addi %mul3A_225, %add3A_226 : i32
      %dma_wait3A_228 = arith.constant 2 : i32
      %dma_wait3A_229 = arith.constant 2 : i32
      %dma_wait3A_230 = arith.constant 0 : i32
      %dma_wait3A_231 = arith.constant 0 : i32
      %dma_wait3A_232 = tpu.memref_slice %arg8[%dma_wait3A_229, %dma_wait3A_230, %dma_wait3A_231] : memref<4x128x48xbf16, #tpu.memory_space<vmem>> -> memref<1x128x48xbf16, #tpu.memory_space<vmem>>
      %dma_wait3A_233 = tpu.memref_squeeze %dma_wait3A_232 : memref<1x128x48xbf16, #tpu.memory_space<vmem>> -> memref<128x48xbf16, #tpu.memory_space<vmem>>
      %dma_wait3A_234 = arith.constant 0 : i32
      %dma_wait3A_235 = tpu.memref_slice %arg6[%select_n3A_120, %dma_wait3A_228, %dma_wait3A_234] : memref<2x8x128xi32, #tpu.memory_space<vmem>> -> memref<1x1x128xi32, #tpu.memory_space<vmem>>
      %dma_wait3A_236 = tpu.memref_squeeze %dma_wait3A_235 : memref<1x1x128xi32, #tpu.memory_space<vmem>> -> memref<128xi32, #tpu.memory_space<vmem>>
      %dma_wait3A_237 = arith.constant 0 : i32
      %dma_wait3A_238 = arith.constant 0 : i32
      %dma_wait3A_239 = tpu.memref_slice %arg13[%dma_wait3A_237, %dma_wait3A_238] : memref<10240x48xbf16, #tpu.memory_space<vmem_shared>> -> memref<10240x48xbf16, #tpu.memory_space<vmem_shared>>
      tpu.wait_indirect_dma semaphore(%arg10 : memref<!tpu.dma_semaphore, #tpu.memory_space<semaphore_mem>>) src(%dma_wait3A_239 : memref<10240x48xbf16, #tpu.memory_space<vmem_shared>>) dst(%dma_wait3A_233 : memref<128x48xbf16, #tpu.memory_space<vmem>>)
      %dma_start3A_240 = arith.constant 2 : i32
      %dma_start3A_241 = arith.constant 0 : i32
      %dma_start3A_242 = arith.constant 0 : i32
      %dma_start3A_243 = tpu.memref_slice %arg8[%dma_start3A_240, %dma_start3A_241, %dma_start3A_242] : memref<4x128x48xbf16, #tpu.memory_space<vmem>> -> memref<1x128x48xbf16, #tpu.memory_space<vmem>>
      %dma_start3A_244 = tpu.memref_squeeze %dma_start3A_243 : memref<1x128x48xbf16, #tpu.memory_space<vmem>> -> memref<128x48xbf16, #tpu.memory_space<vmem>>
      %dma_start3A_245 = arith.constant 0 : i32
      %dma_start3A_246 = tpu.memref_slice %arg7[%add3A_227, %dma_start3A_245] : memref<80x128xi32, #tpu.memory_space<vmem>> -> memref<1x128xi32, #tpu.memory_space<vmem>>
      %dma_start3A_247 = tpu.memref_squeeze %dma_start3A_246 : memref<1x128xi32, #tpu.memory_space<vmem>> -> memref<128xi32, #tpu.memory_space<vmem>>
      %dma_start3A_248 = arith.constant 0 : i32
      %dma_start3A_249 = arith.constant 0 : i32
      %dma_start3A_250 = tpu.memref_slice %arg9[%dma_start3A_248, %dma_start3A_249] : memref<10240x48xbf16, #tpu.memory_space<vmem_shared>> -> memref<10240x48xbf16, #tpu.memory_space<vmem_shared>>
      tpu.enqueue_indirect_dma source(%dma_start3A_244 : memref<128x48xbf16, #tpu.memory_space<vmem>>) target(%dma_start3A_250 : memref<10240x48xbf16, #tpu.memory_space<vmem_shared>>) offsets(%dma_start3A_247 : memref<128xi32, #tpu.memory_space<vmem>>) semaphore(%arg11 : memref<!tpu.dma_semaphore, #tpu.memory_space<semaphore_mem>>) {add = true}
      %dma_wait3A_251 = arith.constant 0 : i32
      %dma_wait3A_252 = arith.constant 0 : i32
      %dma_wait3A_253 = arith.constant 0 : i32
      %dma_wait3A_254 = arith.constant 0 : i32
      %dma_wait3A_255 = tpu.memref_slice %arg8[%dma_wait3A_251, %dma_wait3A_253, %dma_wait3A_254] : memref<4x128x48xbf16, #tpu.memory_space<vmem>> -> memref<1x128x48xbf16, #tpu.memory_space<vmem>>
      %dma_wait3A_256 = tpu.memref_squeeze %dma_wait3A_255 : memref<1x128x48xbf16, #tpu.memory_space<vmem>> -> memref<128x48xbf16, #tpu.memory_space<vmem>>
      %dma_wait3A_257 = arith.constant 0 : i32
      %dma_wait3A_258 = tpu.memref_slice %arg7[%dma_wait3A_252, %dma_wait3A_257] : memref<80x128xi32, #tpu.memory_space<vmem>> -> memref<1x128xi32, #tpu.memory_space<vmem>>
      %dma_wait3A_259 = tpu.memref_squeeze %dma_wait3A_258 : memref<1x128xi32, #tpu.memory_space<vmem>> -> memref<128xi32, #tpu.memory_space<vmem>>
      %dma_wait3A_260 = arith.constant 0 : i32
      %dma_wait3A_261 = arith.constant 0 : i32
      %dma_wait3A_262 = tpu.memref_slice %arg9[%dma_wait3A_260, %dma_wait3A_261] : memref<10240x48xbf16, #tpu.memory_space<vmem_shared>> -> memref<10240x48xbf16, #tpu.memory_space<vmem_shared>>
      tpu.wait_indirect_dma semaphore(%arg11 : memref<!tpu.dma_semaphore, #tpu.memory_space<semaphore_mem>>) src(%dma_wait3A_256 : memref<128x48xbf16, #tpu.memory_space<vmem>>) dst(%dma_wait3A_262 : memref<10240x48xbf16, #tpu.memory_space<vmem_shared>>)
      %dma_start3A_263 = arith.constant 4 : i32
      %dma_start3A_264 = arith.constant 0 : i32
      %dma_start3A_265 = arith.constant 0 : i32
      %dma_start3A_266 = arith.constant 0 : i32
      %dma_start3A_267 = tpu.memref_slice %arg8[%dma_start3A_264, %dma_start3A_265, %dma_start3A_266] : memref<4x128x48xbf16, #tpu.memory_space<vmem>> -> memref<1x128x48xbf16, #tpu.memory_space<vmem>>
      %dma_start3A_268 = tpu.memref_squeeze %dma_start3A_267 : memref<1x128x48xbf16, #tpu.memory_space<vmem>> -> memref<128x48xbf16, #tpu.memory_space<vmem>>
      %dma_start3A_269 = arith.constant 0 : i32
      %dma_start3A_270 = tpu.memref_slice %arg6[%select_n3A_120, %dma_start3A_263, %dma_start3A_269] : memref<2x8x128xi32, #tpu.memory_space<vmem>> -> memref<1x1x128xi32, #tpu.memory_space<vmem>>
      %dma_start3A_271 = tpu.memref_squeeze %dma_start3A_270 : memref<1x1x128xi32, #tpu.memory_space<vmem>> -> memref<128xi32, #tpu.memory_space<vmem>>
      %dma_start3A_272 = arith.constant 0 : i32
      %dma_start3A_273 = arith.constant 0 : i32
      %dma_start3A_274 = tpu.memref_slice %arg13[%dma_start3A_272, %dma_start3A_273] : memref<10240x48xbf16, #tpu.memory_space<vmem_shared>> -> memref<10240x48xbf16, #tpu.memory_space<vmem_shared>>
      tpu.enqueue_indirect_dma source(%dma_start3A_274 : memref<10240x48xbf16, #tpu.memory_space<vmem_shared>>) target(%dma_start3A_268 : memref<128x48xbf16, #tpu.memory_space<vmem>>) offsets(%dma_start3A_271 : memref<128xi32, #tpu.memory_space<vmem>>) semaphore(%arg10 : memref<!tpu.dma_semaphore, #tpu.memory_space<semaphore_mem>>)
      %mul3A_275 = arith.constant 8 : i32
      %mul3A_276 = arith.muli %scan3A_111, %mul3A_275 : i32
      %add3A_277 = arith.constant 3 : i32
      %add3A_278 = arith.addi %mul3A_276, %add3A_277 : i32
      %dma_wait3A_279 = arith.constant 3 : i32
      %dma_wait3A_280 = arith.constant 3 : i32
      %dma_wait3A_281 = arith.constant 0 : i32
      %dma_wait3A_282 = arith.constant 0 : i32
      %dma_wait3A_283 = tpu.memref_slice %arg8[%dma_wait3A_280, %dma_wait3A_281, %dma_wait3A_282] : memref<4x128x48xbf16, #tpu.memory_space<vmem>> -> memref<1x128x48xbf16, #tpu.memory_space<vmem>>
      %dma_wait3A_284 = tpu.memref_squeeze %dma_wait3A_283 : memref<1x128x48xbf16, #tpu.memory_space<vmem>> -> memref<128x48xbf16, #tpu.memory_space<vmem>>
      %dma_wait3A_285 = arith.constant 0 : i32
      %dma_wait3A_286 = tpu.memref_slice %arg6[%select_n3A_120, %dma_wait3A_279, %dma_wait3A_285] : memref<2x8x128xi32, #tpu.memory_space<vmem>> -> memref<1x1x128xi32, #tpu.memory_space<vmem>>
      %dma_wait3A_287 = tpu.memref_squeeze %dma_wait3A_286 : memref<1x1x128xi32, #tpu.memory_space<vmem>> -> memref<128xi32, #tpu.memory_space<vmem>>
      %dma_wait3A_288 = arith.constant 0 : i32
      %dma_wait3A_289 = arith.constant 0 : i32
      %dma_wait3A_290 = tpu.memref_slice %arg13[%dma_wait3A_288, %dma_wait3A_289] : memref<10240x48xbf16, #tpu.memory_space<vmem_shared>> -> memref<10240x48xbf16, #tpu.memory_space<vmem_shared>>
      tpu.wait_indirect_dma semaphore(%arg10 : memref<!tpu.dma_semaphore, #tpu.memory_space<semaphore_mem>>) src(%dma_wait3A_290 : memref<10240x48xbf16, #tpu.memory_space<vmem_shared>>) dst(%dma_wait3A_284 : memref<128x48xbf16, #tpu.memory_space<vmem>>)
      %dma_start3A_291 = arith.constant 3 : i32
      %dma_start3A_292 = arith.constant 0 : i32
      %dma_start3A_293 = arith.constant 0 : i32
      %dma_start3A_294 = tpu.memref_slice %arg8[%dma_start3A_291, %dma_start3A_292, %dma_start3A_293] : memref<4x128x48xbf16, #tpu.memory_space<vmem>> -> memref<1x128x48xbf16, #tpu.memory_space<vmem>>
      %dma_start3A_295 = tpu.memref_squeeze %dma_start3A_294 : memref<1x128x48xbf16, #tpu.memory_space<vmem>> -> memref<128x48xbf16, #tpu.memory_space<vmem>>
      %dma_start3A_296 = arith.constant 0 : i32
      %dma_start3A_297 = tpu.memref_slice %arg7[%add3A_278, %dma_start3A_296] : memref<80x128xi32, #tpu.memory_space<vmem>> -> memref<1x128xi32, #tpu.memory_space<vmem>>
      %dma_start3A_298 = tpu.memref_squeeze %dma_start3A_297 : memref<1x128xi32, #tpu.memory_space<vmem>> -> memref<128xi32, #tpu.memory_space<vmem>>
      %dma_start3A_299 = arith.constant 0 : i32
      %dma_start3A_300 = arith.constant 0 : i32
      %dma_start3A_301 = tpu.memref_slice %arg9[%dma_start3A_299, %dma_start3A_300] : memref<10240x48xbf16, #tpu.memory_space<vmem_shared>> -> memref<10240x48xbf16, #tpu.memory_space<vmem_shared>>
      tpu.enqueue_indirect_dma source(%dma_start3A_295 : memref<128x48xbf16, #tpu.memory_space<vmem>>) target(%dma_start3A_301 : memref<10240x48xbf16, #tpu.memory_space<vmem_shared>>) offsets(%dma_start3A_298 : memref<128xi32, #tpu.memory_space<vmem>>) semaphore(%arg11 : memref<!tpu.dma_semaphore, #tpu.memory_space<semaphore_mem>>) {add = true}
      %dma_wait3A_302 = arith.constant 0 : i32
      %dma_wait3A_303 = arith.constant 0 : i32
      %dma_wait3A_304 = arith.constant 0 : i32
      %dma_wait3A_305 = arith.constant 0 : i32
      %dma_wait3A_306 = tpu.memref_slice %arg8[%dma_wait3A_302, %dma_wait3A_304, %dma_wait3A_305] : memref<4x128x48xbf16, #tpu.memory_space<vmem>> -> memref<1x128x48xbf16, #tpu.memory_space<vmem>>
      %dma_wait3A_307 = tpu.memref_squeeze %dma_wait3A_306 : memref<1x128x48xbf16, #tpu.memory_space<vmem>> -> memref<128x48xbf16, #tpu.memory_space<vmem>>
      %dma_wait3A_308 = arith.constant 0 : i32
      %dma_wait3A_309 = tpu.memref_slice %arg7[%dma_wait3A_303, %dma_wait3A_308] : memref<80x128xi32, #tpu.memory_space<vmem>> -> memref<1x128xi32, #tpu.memory_space<vmem>>
      %dma_wait3A_310 = tpu.memref_squeeze %dma_wait3A_309 : memref<1x128xi32, #tpu.memory_space<vmem>> -> memref<128xi32, #tpu.memory_space<vmem>>
      %dma_wait3A_311 = arith.constant 0 : i32
      %dma_wait3A_312 = arith.constant 0 : i32
      %dma_wait3A_313 = tpu.memref_slice %arg9[%dma_wait3A_311, %dma_wait3A_312] : memref<10240x48xbf16, #tpu.memory_space<vmem_shared>> -> memref<10240x48xbf16, #tpu.memory_space<vmem_shared>>
      tpu.wait_indirect_dma semaphore(%arg11 : memref<!tpu.dma_semaphore, #tpu.memory_space<semaphore_mem>>) src(%dma_wait3A_307 : memref<128x48xbf16, #tpu.memory_space<vmem>>) dst(%dma_wait3A_313 : memref<10240x48xbf16, #tpu.memory_space<vmem_shared>>)
      %dma_start3A_314 = arith.constant 5 : i32
      %dma_start3A_315 = arith.constant 1 : i32
      %dma_start3A_316 = arith.constant 0 : i32
      %dma_start3A_317 = arith.constant 0 : i32
      %dma_start3A_318 = tpu.memref_slice %arg8[%dma_start3A_315, %dma_start3A_316, %dma_start3A_317] : memref<4x128x48xbf16, #tpu.memory_space<vmem>> -> memref<1x128x48xbf16, #tpu.memory_space<vmem>>
      %dma_start3A_319 = tpu.memref_squeeze %dma_start3A_318 : memref<1x128x48xbf16, #tpu.memory_space<vmem>> -> memref<128x48xbf16, #tpu.memory_space<vmem>>
      %dma_start3A_320 = arith.constant 0 : i32
      %dma_start3A_321 = tpu.memref_slice %arg6[%select_n3A_120, %dma_start3A_314, %dma_start3A_320] : memref<2x8x128xi32, #tpu.memory_space<vmem>> -> memref<1x1x128xi32, #tpu.memory_space<vmem>>
      %dma_start3A_322 = tpu.memref_squeeze %dma_start3A_321 : memref<1x1x128xi32, #tpu.memory_space<vmem>> -> memref<128xi32, #tpu.memory_space<vmem>>
      %dma_start3A_323 = arith.constant 0 : i32
      %dma_start3A_324 = arith.constant 0 : i32
      %dma_start3A_325 = tpu.memref_slice %arg13[%dma_start3A_323, %dma_start3A_324] : memref<10240x48xbf16, #tpu.memory_space<vmem_shared>> -> memref<10240x48xbf16, #tpu.memory_space<vmem_shared>>
      tpu.enqueue_indirect_dma source(%dma_start3A_325 : memref<10240x48xbf16, #tpu.memory_space<vmem_shared>>) target(%dma_start3A_319 : memref<128x48xbf16, #tpu.memory_space<vmem>>) offsets(%dma_start3A_322 : memref<128xi32, #tpu.memory_space<vmem>>) semaphore(%arg10 : memref<!tpu.dma_semaphore, #tpu.memory_space<semaphore_mem>>)
      %mul3A_326 = arith.constant 8 : i32
      %mul3A_327 = arith.muli %scan3A_111, %mul3A_326 : i32
      %add3A_328 = arith.constant 4 : i32
      %add3A_329 = arith.addi %mul3A_327, %add3A_328 : i32
      %dma_wait3A_330 = arith.constant 4 : i32
      %dma_wait3A_331 = arith.constant 0 : i32
      %dma_wait3A_332 = arith.constant 0 : i32
      %dma_wait3A_333 = arith.constant 0 : i32
      %dma_wait3A_334 = tpu.memref_slice %arg8[%dma_wait3A_331, %dma_wait3A_332, %dma_wait3A_333] : memref<4x128x48xbf16, #tpu.memory_space<vmem>> -> memref<1x128x48xbf16, #tpu.memory_space<vmem>>
      %dma_wait3A_335 = tpu.memref_squeeze %dma_wait3A_334 : memref<1x128x48xbf16, #tpu.memory_space<vmem>> -> memref<128x48xbf16, #tpu.memory_space<vmem>>
      %dma_wait3A_336 = arith.constant 0 : i32
      %dma_wait3A_337 = tpu.memref_slice %arg6[%select_n3A_120, %dma_wait3A_330, %dma_wait3A_336] : memref<2x8x128xi32, #tpu.memory_space<vmem>> -> memref<1x1x128xi32, #tpu.memory_space<vmem>>
      %dma_wait3A_338 = tpu.memref_squeeze %dma_wait3A_337 : memref<1x1x128xi32, #tpu.memory_space<vmem>> -> memref<128xi32, #tpu.memory_space<vmem>>
      %dma_wait3A_339 = arith.constant 0 : i32
      %dma_wait3A_340 = arith.constant 0 : i32
      %dma_wait3A_341 = tpu.memref_slice %arg13[%dma_wait3A_339, %dma_wait3A_340] : memref<10240x48xbf16, #tpu.memory_space<vmem_shared>> -> memref<10240x48xbf16, #tpu.memory_space<vmem_shared>>
      tpu.wait_indirect_dma semaphore(%arg10 : memref<!tpu.dma_semaphore, #tpu.memory_space<semaphore_mem>>) src(%dma_wait3A_341 : memref<10240x48xbf16, #tpu.memory_space<vmem_shared>>) dst(%dma_wait3A_335 : memref<128x48xbf16, #tpu.memory_space<vmem>>)
      %dma_start3A_342 = arith.constant 0 : i32
      %dma_start3A_343 = arith.constant 0 : i32
      %dma_start3A_344 = arith.constant 0 : i32
      %dma_start3A_345 = tpu.memref_slice %arg8[%dma_start3A_342, %dma_start3A_343, %dma_start3A_344] : memref<4x128x48xbf16, #tpu.memory_space<vmem>> -> memref<1x128x48xbf16, #tpu.memory_space<vmem>>
      %dma_start3A_346 = tpu.memref_squeeze %dma_start3A_345 : memref<1x128x48xbf16, #tpu.memory_space<vmem>> -> memref<128x48xbf16, #tpu.memory_space<vmem>>
      %dma_start3A_347 = arith.constant 0 : i32
      %dma_start3A_348 = tpu.memref_slice %arg7[%add3A_329, %dma_start3A_347] : memref<80x128xi32, #tpu.memory_space<vmem>> -> memref<1x128xi32, #tpu.memory_space<vmem>>
      %dma_start3A_349 = tpu.memref_squeeze %dma_start3A_348 : memref<1x128xi32, #tpu.memory_space<vmem>> -> memref<128xi32, #tpu.memory_space<vmem>>
      %dma_start3A_350 = arith.constant 0 : i32
      %dma_start3A_351 = arith.constant 0 : i32
      %dma_start3A_352 = tpu.memref_slice %arg9[%dma_start3A_350, %dma_start3A_351] : memref<10240x48xbf16, #tpu.memory_space<vmem_shared>> -> memref<10240x48xbf16, #tpu.memory_space<vmem_shared>>
      tpu.enqueue_indirect_dma source(%dma_start3A_346 : memref<128x48xbf16, #tpu.memory_space<vmem>>) target(%dma_start3A_352 : memref<10240x48xbf16, #tpu.memory_space<vmem_shared>>) offsets(%dma_start3A_349 : memref<128xi32, #tpu.memory_space<vmem>>) semaphore(%arg11 : memref<!tpu.dma_semaphore, #tpu.memory_space<semaphore_mem>>) {add = true}
      %dma_wait3A_353 = arith.constant 0 : i32
      %dma_wait3A_354 = arith.constant 0 : i32
      %dma_wait3A_355 = arith.constant 0 : i32
      %dma_wait3A_356 = arith.constant 0 : i32
      %dma_wait3A_357 = tpu.memref_slice %arg8[%dma_wait3A_353, %dma_wait3A_355, %dma_wait3A_356] : memref<4x128x48xbf16, #tpu.memory_space<vmem>> -> memref<1x128x48xbf16, #tpu.memory_space<vmem>>
      %dma_wait3A_358 = tpu.memref_squeeze %dma_wait3A_357 : memref<1x128x48xbf16, #tpu.memory_space<vmem>> -> memref<128x48xbf16, #tpu.memory_space<vmem>>
      %dma_wait3A_359 = arith.constant 0 : i32
      %dma_wait3A_360 = tpu.memref_slice %arg7[%dma_wait3A_354, %dma_wait3A_359] : memref<80x128xi32, #tpu.memory_space<vmem>> -> memref<1x128xi32, #tpu.memory_space<vmem>>
      %dma_wait3A_361 = tpu.memref_squeeze %dma_wait3A_360 : memref<1x128xi32, #tpu.memory_space<vmem>> -> memref<128xi32, #tpu.memory_space<vmem>>
      %dma_wait3A_362 = arith.constant 0 : i32
      %dma_wait3A_363 = arith.constant 0 : i32
      %dma_wait3A_364 = tpu.memref_slice %arg9[%dma_wait3A_362, %dma_wait3A_363] : memref<10240x48xbf16, #tpu.memory_space<vmem_shared>> -> memref<10240x48xbf16, #tpu.memory_space<vmem_shared>>
      tpu.wait_indirect_dma semaphore(%arg11 : memref<!tpu.dma_semaphore, #tpu.memory_space<semaphore_mem>>) src(%dma_wait3A_358 : memref<128x48xbf16, #tpu.memory_space<vmem>>) dst(%dma_wait3A_364 : memref<10240x48xbf16, #tpu.memory_space<vmem_shared>>)
      %dma_start3A_365 = arith.constant 6 : i32
      %dma_start3A_366 = arith.constant 2 : i32
      %dma_start3A_367 = arith.constant 0 : i32
      %dma_start3A_368 = arith.constant 0 : i32
      %dma_start3A_369 = tpu.memref_slice %arg8[%dma_start3A_366, %dma_start3A_367, %dma_start3A_368] : memref<4x128x48xbf16, #tpu.memory_space<vmem>> -> memref<1x128x48xbf16, #tpu.memory_space<vmem>>
      %dma_start3A_370 = tpu.memref_squeeze %dma_start3A_369 : memref<1x128x48xbf16, #tpu.memory_space<vmem>> -> memref<128x48xbf16, #tpu.memory_space<vmem>>
      %dma_start3A_371 = arith.constant 0 : i32
      %dma_start3A_372 = tpu.memref_slice %arg6[%select_n3A_120, %dma_start3A_365, %dma_start3A_371] : memref<2x8x128xi32, #tpu.memory_space<vmem>> -> memref<1x1x128xi32, #tpu.memory_space<vmem>>
      %dma_start3A_373 = tpu.memref_squeeze %dma_start3A_372 : memref<1x1x128xi32, #tpu.memory_space<vmem>> -> memref<128xi32, #tpu.memory_space<vmem>>
      %dma_start3A_374 = arith.constant 0 : i32
      %dma_start3A_375 = arith.constant 0 : i32
      %dma_start3A_376 = tpu.memref_slice %arg13[%dma_start3A_374, %dma_start3A_375] : memref<10240x48xbf16, #tpu.memory_space<vmem_shared>> -> memref<10240x48xbf16, #tpu.memory_space<vmem_shared>>
      tpu.enqueue_indirect_dma source(%dma_start3A_376 : memref<10240x48xbf16, #tpu.memory_space<vmem_shared>>) target(%dma_start3A_370 : memref<128x48xbf16, #tpu.memory_space<vmem>>) offsets(%dma_start3A_373 : memref<128xi32, #tpu.memory_space<vmem>>) semaphore(%arg10 : memref<!tpu.dma_semaphore, #tpu.memory_space<semaphore_mem>>)
      %mul3A_377 = arith.constant 8 : i32
      %mul3A_378 = arith.muli %scan3A_111, %mul3A_377 : i32
      %add3A_379 = arith.constant 5 : i32
      %add3A_380 = arith.addi %mul3A_378, %add3A_379 : i32
      %dma_wait3A_381 = arith.constant 5 : i32
      %dma_wait3A_382 = arith.constant 1 : i32
      %dma_wait3A_383 = arith.constant 0 : i32
      %dma_wait3A_384 = arith.constant 0 : i32
      %dma_wait3A_385 = tpu.memref_slice %arg8[%dma_wait3A_382, %dma_wait3A_383, %dma_wait3A_384] : memref<4x128x48xbf16, #tpu.memory_space<vmem>> -> memref<1x128x48xbf16, #tpu.memory_space<vmem>>
      %dma_wait3A_386 = tpu.memref_squeeze %dma_wait3A_385 : memref<1x128x48xbf16, #tpu.memory_space<vmem>> -> memref<128x48xbf16, #tpu.memory_space<vmem>>
      %dma_wait3A_387 = arith.constant 0 : i32
      %dma_wait3A_388 = tpu.memref_slice %arg6[%select_n3A_120, %dma_wait3A_381, %dma_wait3A_387] : memref<2x8x128xi32, #tpu.memory_space<vmem>> -> memref<1x1x128xi32, #tpu.memory_space<vmem>>
      %dma_wait3A_389 = tpu.memref_squeeze %dma_wait3A_388 : memref<1x1x128xi32, #tpu.memory_space<vmem>> -> memref<128xi32, #tpu.memory_space<vmem>>
      %dma_wait3A_390 = arith.constant 0 : i32
      %dma_wait3A_391 = arith.constant 0 : i32
      %dma_wait3A_392 = tpu.memref_slice %arg13[%dma_wait3A_390, %dma_wait3A_391] : memref<10240x48xbf16, #tpu.memory_space<vmem_shared>> -> memref<10240x48xbf16, #tpu.memory_space<vmem_shared>>
      tpu.wait_indirect_dma semaphore(%arg10 : memref<!tpu.dma_semaphore, #tpu.memory_space<semaphore_mem>>) src(%dma_wait3A_392 : memref<10240x48xbf16, #tpu.memory_space<vmem_shared>>) dst(%dma_wait3A_386 : memref<128x48xbf16, #tpu.memory_space<vmem>>)
      %dma_start3A_393 = arith.constant 1 : i32
      %dma_start3A_394 = arith.constant 0 : i32
      %dma_start3A_395 = arith.constant 0 : i32
      %dma_start3A_396 = tpu.memref_slice %arg8[%dma_start3A_393, %dma_start3A_394, %dma_start3A_395] : memref<4x128x48xbf16, #tpu.memory_space<vmem>> -> memref<1x128x48xbf16, #tpu.memory_space<vmem>>
      %dma_start3A_397 = tpu.memref_squeeze %dma_start3A_396 : memref<1x128x48xbf16, #tpu.memory_space<vmem>> -> memref<128x48xbf16, #tpu.memory_space<vmem>>
      %dma_start3A_398 = arith.constant 0 : i32
      %dma_start3A_399 = tpu.memref_slice %arg7[%add3A_380, %dma_start3A_398] : memref<80x128xi32, #tpu.memory_space<vmem>> -> memref<1x128xi32, #tpu.memory_space<vmem>>
      %dma_start3A_400 = tpu.memref_squeeze %dma_start3A_399 : memref<1x128xi32, #tpu.memory_space<vmem>> -> memref<128xi32, #tpu.memory_space<vmem>>
      %dma_start3A_401 = arith.constant 0 : i32
      %dma_start3A_402 = arith.constant 0 : i32
      %dma_start3A_403 = tpu.memref_slice %arg9[%dma_start3A_401, %dma_start3A_402] : memref<10240x48xbf16, #tpu.memory_space<vmem_shared>> -> memref<10240x48xbf16, #tpu.memory_space<vmem_shared>>
      tpu.enqueue_indirect_dma source(%dma_start3A_397 : memref<128x48xbf16, #tpu.memory_space<vmem>>) target(%dma_start3A_403 : memref<10240x48xbf16, #tpu.memory_space<vmem_shared>>) offsets(%dma_start3A_400 : memref<128xi32, #tpu.memory_space<vmem>>) semaphore(%arg11 : memref<!tpu.dma_semaphore, #tpu.memory_space<semaphore_mem>>) {add = true}
      %dma_wait3A_404 = arith.constant 0 : i32
      %dma_wait3A_405 = arith.constant 0 : i32
      %dma_wait3A_406 = arith.constant 0 : i32
      %dma_wait3A_407 = arith.constant 0 : i32
      %dma_wait3A_408 = tpu.memref_slice %arg8[%dma_wait3A_404, %dma_wait3A_406, %dma_wait3A_407] : memref<4x128x48xbf16, #tpu.memory_space<vmem>> -> memref<1x128x48xbf16, #tpu.memory_space<vmem>>
      %dma_wait3A_409 = tpu.memref_squeeze %dma_wait3A_408 : memref<1x128x48xbf16, #tpu.memory_space<vmem>> -> memref<128x48xbf16, #tpu.memory_space<vmem>>
      %dma_wait3A_410 = arith.constant 0 : i32
      %dma_wait3A_411 = tpu.memref_slice %arg7[%dma_wait3A_405, %dma_wait3A_410] : memref<80x128xi32, #tpu.memory_space<vmem>> -> memref<1x128xi32, #tpu.memory_space<vmem>>
      %dma_wait3A_412 = tpu.memref_squeeze %dma_wait3A_411 : memref<1x128xi32, #tpu.memory_space<vmem>> -> memref<128xi32, #tpu.memory_space<vmem>>
      %dma_wait3A_413 = arith.constant 0 : i32
      %dma_wait3A_414 = arith.constant 0 : i32
      %dma_wait3A_415 = tpu.memref_slice %arg9[%dma_wait3A_413, %dma_wait3A_414] : memref<10240x48xbf16, #tpu.memory_space<vmem_shared>> -> memref<10240x48xbf16, #tpu.memory_space<vmem_shared>>
      tpu.wait_indirect_dma semaphore(%arg11 : memref<!tpu.dma_semaphore, #tpu.memory_space<semaphore_mem>>) src(%dma_wait3A_409 : memref<128x48xbf16, #tpu.memory_space<vmem>>) dst(%dma_wait3A_415 : memref<10240x48xbf16, #tpu.memory_space<vmem_shared>>)
      %dma_start3A_416 = arith.constant 7 : i32
      %dma_start3A_417 = arith.constant 3 : i32
      %dma_start3A_418 = arith.constant 0 : i32
      %dma_start3A_419 = arith.constant 0 : i32
      %dma_start3A_420 = tpu.memref_slice %arg8[%dma_start3A_417, %dma_start3A_418, %dma_start3A_419] : memref<4x128x48xbf16, #tpu.memory_space<vmem>> -> memref<1x128x48xbf16, #tpu.memory_space<vmem>>
      %dma_start3A_421 = tpu.memref_squeeze %dma_start3A_420 : memref<1x128x48xbf16, #tpu.memory_space<vmem>> -> memref<128x48xbf16, #tpu.memory_space<vmem>>
      %dma_start3A_422 = arith.constant 0 : i32
      %dma_start3A_423 = tpu.memref_slice %arg6[%select_n3A_120, %dma_start3A_416, %dma_start3A_422] : memref<2x8x128xi32, #tpu.memory_space<vmem>> -> memref<1x1x128xi32, #tpu.memory_space<vmem>>
      %dma_start3A_424 = tpu.memref_squeeze %dma_start3A_423 : memref<1x1x128xi32, #tpu.memory_space<vmem>> -> memref<128xi32, #tpu.memory_space<vmem>>
      %dma_start3A_425 = arith.constant 0 : i32
      %dma_start3A_426 = arith.constant 0 : i32
      %dma_start3A_427 = tpu.memref_slice %arg13[%dma_start3A_425, %dma_start3A_426] : memref<10240x48xbf16, #tpu.memory_space<vmem_shared>> -> memref<10240x48xbf16, #tpu.memory_space<vmem_shared>>
      tpu.enqueue_indirect_dma source(%dma_start3A_427 : memref<10240x48xbf16, #tpu.memory_space<vmem_shared>>) target(%dma_start3A_421 : memref<128x48xbf16, #tpu.memory_space<vmem>>) offsets(%dma_start3A_424 : memref<128xi32, #tpu.memory_space<vmem>>) semaphore(%arg10 : memref<!tpu.dma_semaphore, #tpu.memory_space<semaphore_mem>>)
      %mul3A_428 = arith.constant 8 : i32
      %mul3A_429 = arith.muli %scan3A_111, %mul3A_428 : i32
      %add3A_430 = arith.constant 6 : i32
      %add3A_431 = arith.addi %mul3A_429, %add3A_430 : i32
      %dma_wait3A_432 = arith.constant 6 : i32
      %dma_wait3A_433 = arith.constant 2 : i32
      %dma_wait3A_434 = arith.constant 0 : i32
      %dma_wait3A_435 = arith.constant 0 : i32
      %dma_wait3A_436 = tpu.memref_slice %arg8[%dma_wait3A_433, %dma_wait3A_434, %dma_wait3A_435] : memref<4x128x48xbf16, #tpu.memory_space<vmem>> -> memref<1x128x48xbf16, #tpu.memory_space<vmem>>
      %dma_wait3A_437 = tpu.memref_squeeze %dma_wait3A_436 : memref<1x128x48xbf16, #tpu.memory_space<vmem>> -> memref<128x48xbf16, #tpu.memory_space<vmem>>
      %dma_wait3A_438 = arith.constant 0 : i32
      %dma_wait3A_439 = tpu.memref_slice %arg6[%select_n3A_120, %dma_wait3A_432, %dma_wait3A_438] : memref<2x8x128xi32, #tpu.memory_space<vmem>> -> memref<1x1x128xi32, #tpu.memory_space<vmem>>
      %dma_wait3A_440 = tpu.memref_squeeze %dma_wait3A_439 : memref<1x1x128xi32, #tpu.memory_space<vmem>> -> memref<128xi32, #tpu.memory_space<vmem>>
      %dma_wait3A_441 = arith.constant 0 : i32
      %dma_wait3A_442 = arith.constant 0 : i32
      %dma_wait3A_443 = tpu.memref_slice %arg13[%dma_wait3A_441, %dma_wait3A_442] : memref<10240x48xbf16, #tpu.memory_space<vmem_shared>> -> memref<10240x48xbf16, #tpu.memory_space<vmem_shared>>
      tpu.wait_indirect_dma semaphore(%arg10 : memref<!tpu.dma_semaphore, #tpu.memory_space<semaphore_mem>>) src(%dma_wait3A_443 : memref<10240x48xbf16, #tpu.memory_space<vmem_shared>>) dst(%dma_wait3A_437 : memref<128x48xbf16, #tpu.memory_space<vmem>>)
      %dma_start3A_444 = arith.constant 2 : i32
      %dma_start3A_445 = arith.constant 0 : i32
      %dma_start3A_446 = arith.constant 0 : i32
      %dma_start3A_447 = tpu.memref_slice %arg8[%dma_start3A_444, %dma_start3A_445, %dma_start3A_446] : memref<4x128x48xbf16, #tpu.memory_space<vmem>> -> memref<1x128x48xbf16, #tpu.memory_space<vmem>>
      %dma_start3A_448 = tpu.memref_squeeze %dma_start3A_447 : memref<1x128x48xbf16, #tpu.memory_space<vmem>> -> memref<128x48xbf16, #tpu.memory_space<vmem>>
      %dma_start3A_449 = arith.constant 0 : i32
      %dma_start3A_450 = tpu.memref_slice %arg7[%add3A_431, %dma_start3A_449] : memref<80x128xi32, #tpu.memory_space<vmem>> -> memref<1x128xi32, #tpu.memory_space<vmem>>
      %dma_start3A_451 = tpu.memref_squeeze %dma_start3A_450 : memref<1x128xi32, #tpu.memory_space<vmem>> -> memref<128xi32, #tpu.memory_space<vmem>>
      %dma_start3A_452 = arith.constant 0 : i32
      %dma_start3A_453 = arith.constant 0 : i32
      %dma_start3A_454 = tpu.memref_slice %arg9[%dma_start3A_452, %dma_start3A_453] : memref<10240x48xbf16, #tpu.memory_space<vmem_shared>> -> memref<10240x48xbf16, #tpu.memory_space<vmem_shared>>
      tpu.enqueue_indirect_dma source(%dma_start3A_448 : memref<128x48xbf16, #tpu.memory_space<vmem>>) target(%dma_start3A_454 : memref<10240x48xbf16, #tpu.memory_space<vmem_shared>>) offsets(%dma_start3A_451 : memref<128xi32, #tpu.memory_space<vmem>>) semaphore(%arg11 : memref<!tpu.dma_semaphore, #tpu.memory_space<semaphore_mem>>) {add = true}
      %add3A_455 = arith.constant 1 : i32
      %add3A_456 = arith.addi %scan3A_111, %add3A_455 : i32
      %lt3A_457 = arith.constant 10 : i32
      %lt3A_458 = arith.cmpi slt, %add3A_456, %lt3A_457 : i32
      %convert_element_type3A_459 = arith.extui %lt3A_458 : i1 to i32
      %cond3A_460 = arith.constant 0 : i32
      %cond3A_461 = arith.constant 0 : i32
      %cond3A_462 = arith.cmpi ne, %convert_element_type3A_459, %cond3A_461 : i32
      scf.if %cond3A_462 {
        %dma_wait3A_505 = arith.constant 0 : i32
        %dma_wait3A_506 = arith.constant 0 : i32
        %dma_wait3A_507 = arith.constant 0 : i32
        %dma_wait3A_508 = tpu.memref_slice %arg6[%select_n3A_138, %dma_wait3A_506, %dma_wait3A_507] : memref<2x8x128xi32, #tpu.memory_space<vmem>> -> memref<1x8x128xi32, #tpu.memory_space<vmem>>
        %dma_wait3A_509 = tpu.memref_squeeze %dma_wait3A_508 : memref<1x8x128xi32, #tpu.memory_space<vmem>> -> memref<8x128xi32, #tpu.memory_space<vmem>>
        %dma_wait3A_510 = arith.constant 0 : i32
        %dma_wait3A_511 = tpu.memref_slice %arg3[%dma_wait3A_505, %mul3A_2, %dma_wait3A_510] : memref<2x2560x128xi32, #tpu.memory_space<hbm>> -> memref<1x8x128xi32, #tpu.memory_space<hbm>>
        %dma_wait3A_512 = tpu.memref_squeeze %dma_wait3A_511 : memref<1x8x128xi32, #tpu.memory_space<hbm>> -> memref<8x128xi32, #tpu.memory_space<hbm>>
        %dma_wait3A_513 = arith.constant 0 : i32
        %dma_wait3A_514 = arith.constant 0 : i32
        %dma_wait3A_515 = tpu.memref_slice %arg6[%select_n3A_138, %dma_wait3A_513, %dma_wait3A_514] : memref<2x8x128xi32, #tpu.memory_space<vmem>> -> memref<1x8x128xi32, #tpu.memory_space<vmem>>
        %dma_wait3A_516 = tpu.memref_squeeze %dma_wait3A_515 : memref<1x8x128xi32, #tpu.memory_space<vmem>> -> memref<8x128xi32, #tpu.memory_space<vmem>>
        %dma_wait3A_517 = arith.constant 0 : i32
        %dma_wait3A_518 = tpu.memref_slice %arg3[%dma_wait3A_505, %mul3A_2, %dma_wait3A_517] : memref<2x2560x128xi32, #tpu.memory_space<hbm>> -> memref<1x8x128xi32, #tpu.memory_space<hbm>>
        %dma_wait3A_519 = tpu.memref_squeeze %dma_wait3A_518 : memref<1x8x128xi32, #tpu.memory_space<hbm>> -> memref<8x128xi32, #tpu.memory_space<hbm>>
        tpu.wait_dma2 semaphore(%arg12 : memref<!tpu.dma_semaphore, #tpu.memory_space<semaphore_mem>>) src(%dma_wait3A_519 : memref<8x128xi32, #tpu.memory_space<hbm>>) dst(%dma_wait3A_516 : memref<8x128xi32, #tpu.memory_space<vmem>>)
        %dma_wait3A_520 = arith.constant 0 : i32
        %dma_wait3A_521 = arith.constant 0 : i32
        %dma_wait3A_522 = arith.constant 0 : i32
        %dma_wait3A_523 = arith.constant 0 : i32
        %dma_wait3A_524 = tpu.memref_slice %arg8[%dma_wait3A_520, %dma_wait3A_522, %dma_wait3A_523] : memref<4x128x48xbf16, #tpu.memory_space<vmem>> -> memref<1x128x48xbf16, #tpu.memory_space<vmem>>
        %dma_wait3A_525 = tpu.memref_squeeze %dma_wait3A_524 : memref<1x128x48xbf16, #tpu.memory_space<vmem>> -> memref<128x48xbf16, #tpu.memory_space<vmem>>
        %dma_wait3A_526 = arith.constant 0 : i32
        %dma_wait3A_527 = tpu.memref_slice %arg7[%dma_wait3A_521, %dma_wait3A_526] : memref<80x128xi32, #tpu.memory_space<vmem>> -> memref<1x128xi32, #tpu.memory_space<vmem>>
        %dma_wait3A_528 = tpu.memref_squeeze %dma_wait3A_527 : memref<1x128xi32, #tpu.memory_space<vmem>> -> memref<128xi32, #tpu.memory_space<vmem>>
        %dma_wait3A_529 = arith.constant 0 : i32
        %dma_wait3A_530 = arith.constant 0 : i32
        %dma_wait3A_531 = tpu.memref_slice %arg9[%dma_wait3A_529, %dma_wait3A_530] : memref<10240x48xbf16, #tpu.memory_space<vmem_shared>> -> memref<10240x48xbf16, #tpu.memory_space<vmem_shared>>
        tpu.wait_indirect_dma semaphore(%arg11 : memref<!tpu.dma_semaphore, #tpu.memory_space<semaphore_mem>>) src(%dma_wait3A_525 : memref<128x48xbf16, #tpu.memory_space<vmem>>) dst(%dma_wait3A_531 : memref<10240x48xbf16, #tpu.memory_space<vmem_shared>>)
        %dma_start3A_532 = arith.constant 0 : i32
        %dma_start3A_533 = arith.constant 0 : i32
        %dma_start3A_534 = arith.constant 0 : i32
        %dma_start3A_535 = tpu.memref_slice %arg8[%cond3A_460, %dma_start3A_533, %dma_start3A_534] : memref<4x128x48xbf16, #tpu.memory_space<vmem>> -> memref<1x128x48xbf16, #tpu.memory_space<vmem>>
        %dma_start3A_536 = tpu.memref_squeeze %dma_start3A_535 : memref<1x128x48xbf16, #tpu.memory_space<vmem>> -> memref<128x48xbf16, #tpu.memory_space<vmem>>
        %dma_start3A_537 = arith.constant 0 : i32
        %dma_start3A_538 = tpu.memref_slice %arg6[%select_n3A_138, %dma_start3A_532, %dma_start3A_537] : memref<2x8x128xi32, #tpu.memory_space<vmem>> -> memref<1x1x128xi32, #tpu.memory_space<vmem>>
        %dma_start3A_539 = tpu.memref_squeeze %dma_start3A_538 : memref<1x1x128xi32, #tpu.memory_space<vmem>> -> memref<128xi32, #tpu.memory_space<vmem>>
        %dma_start3A_540 = arith.constant 0 : i32
        %dma_start3A_541 = arith.constant 0 : i32
        %dma_start3A_542 = tpu.memref_slice %arg13[%dma_start3A_540, %dma_start3A_541] : memref<10240x48xbf16, #tpu.memory_space<vmem_shared>> -> memref<10240x48xbf16, #tpu.memory_space<vmem_shared>>
        tpu.enqueue_indirect_dma source(%dma_start3A_542 : memref<10240x48xbf16, #tpu.memory_space<vmem_shared>>) target(%dma_start3A_536 : memref<128x48xbf16, #tpu.memory_space<vmem>>) offsets(%dma_start3A_539 : memref<128xi32, #tpu.memory_space<vmem>>) semaphore(%arg10 : memref<!tpu.dma_semaphore, #tpu.memory_space<semaphore_mem>>)
      } else {
      }
      %mul3A_463 = arith.constant 8 : i32
      %mul3A_464 = arith.muli %scan3A_111, %mul3A_463 : i32
      %add3A_465 = arith.constant 7 : i32
      %add3A_466 = arith.addi %mul3A_464, %add3A_465 : i32
      %dma_wait3A_467 = arith.constant 7 : i32
      %dma_wait3A_468 = arith.constant 3 : i32
      %dma_wait3A_469 = arith.constant 0 : i32
      %dma_wait3A_470 = arith.constant 0 : i32
      %dma_wait3A_471 = tpu.memref_slice %arg8[%dma_wait3A_468, %dma_wait3A_469, %dma_wait3A_470] : memref<4x128x48xbf16, #tpu.memory_space<vmem>> -> memref<1x128x48xbf16, #tpu.memory_space<vmem>>
      %dma_wait3A_472 = tpu.memref_squeeze %dma_wait3A_471 : memref<1x128x48xbf16, #tpu.memory_space<vmem>> -> memref<128x48xbf16, #tpu.memory_space<vmem>>
      %dma_wait3A_473 = arith.constant 0 : i32
      %dma_wait3A_474 = tpu.memref_slice %arg6[%select_n3A_120, %dma_wait3A_467, %dma_wait3A_473] : memref<2x8x128xi32, #tpu.memory_space<vmem>> -> memref<1x1x128xi32, #tpu.memory_space<vmem>>
      %dma_wait3A_475 = tpu.memref_squeeze %dma_wait3A_474 : memref<1x1x128xi32, #tpu.memory_space<vmem>> -> memref<128xi32, #tpu.memory_space<vmem>>
      %dma_wait3A_476 = arith.constant 0 : i32
      %dma_wait3A_477 = arith.constant 0 : i32
      %dma_wait3A_478 = tpu.memref_slice %arg13[%dma_wait3A_476, %dma_wait3A_477] : memref<10240x48xbf16, #tpu.memory_space<vmem_shared>> -> memref<10240x48xbf16, #tpu.memory_space<vmem_shared>>
      tpu.wait_indirect_dma semaphore(%arg10 : memref<!tpu.dma_semaphore, #tpu.memory_space<semaphore_mem>>) src(%dma_wait3A_478 : memref<10240x48xbf16, #tpu.memory_space<vmem_shared>>) dst(%dma_wait3A_472 : memref<128x48xbf16, #tpu.memory_space<vmem>>)
      %dma_start3A_479 = arith.constant 3 : i32
      %dma_start3A_480 = arith.constant 0 : i32
      %dma_start3A_481 = arith.constant 0 : i32
      %dma_start3A_482 = tpu.memref_slice %arg8[%dma_start3A_479, %dma_start3A_480, %dma_start3A_481] : memref<4x128x48xbf16, #tpu.memory_space<vmem>> -> memref<1x128x48xbf16, #tpu.memory_space<vmem>>
      %dma_start3A_483 = tpu.memref_squeeze %dma_start3A_482 : memref<1x128x48xbf16, #tpu.memory_space<vmem>> -> memref<128x48xbf16, #tpu.memory_space<vmem>>
      %dma_start3A_484 = arith.constant 0 : i32
      %dma_start3A_485 = tpu.memref_slice %arg7[%add3A_466, %dma_start3A_484] : memref<80x128xi32, #tpu.memory_space<vmem>> -> memref<1x128xi32, #tpu.memory_space<vmem>>
      %dma_start3A_486 = tpu.memref_squeeze %dma_start3A_485 : memref<1x128xi32, #tpu.memory_space<vmem>> -> memref<128xi32, #tpu.memory_space<vmem>>
      %dma_start3A_487 = arith.constant 0 : i32
      %dma_start3A_488 = arith.constant 0 : i32
      %dma_start3A_489 = tpu.memref_slice %arg9[%dma_start3A_487, %dma_start3A_488] : memref<10240x48xbf16, #tpu.memory_space<vmem_shared>> -> memref<10240x48xbf16, #tpu.memory_space<vmem_shared>>
      tpu.enqueue_indirect_dma source(%dma_start3A_483 : memref<128x48xbf16, #tpu.memory_space<vmem>>) target(%dma_start3A_489 : memref<10240x48xbf16, #tpu.memory_space<vmem_shared>>) offsets(%dma_start3A_486 : memref<128xi32, #tpu.memory_space<vmem>>) semaphore(%arg11 : memref<!tpu.dma_semaphore, #tpu.memory_space<semaphore_mem>>) {add = true}
      %add3A_490 = arith.constant 1 : i32
      %add3A_491 = arith.addi %scan3A_111, %add3A_490 : i32
      %lt3A_492 = arith.constant 10 : i32
      %lt3A_493 = arith.cmpi slt, %add3A_491, %lt3A_492 : i32
      %convert_element_type3A_494 = arith.extui %lt3A_493 : i1 to i32
      %cond3A_495 = arith.constant 1 : i32
      %cond3A_496 = arith.constant 0 : i32
      %cond3A_497 = arith.cmpi ne, %convert_element_type3A_494, %cond3A_496 : i32
      scf.if %cond3A_497 {
        %dma_wait3A_505 = arith.constant 0 : i32
        %dma_wait3A_506 = arith.constant 0 : i32
        %dma_wait3A_507 = arith.constant 0 : i32
        %dma_wait3A_508 = arith.constant 0 : i32
        %dma_wait3A_509 = tpu.memref_slice %arg8[%dma_wait3A_505, %dma_wait3A_507, %dma_wait3A_508] : memref<4x128x48xbf16, #tpu.memory_space<vmem>> -> memref<1x128x48xbf16, #tpu.memory_space<vmem>>
        %dma_wait3A_510 = tpu.memref_squeeze %dma_wait3A_509 : memref<1x128x48xbf16, #tpu.memory_space<vmem>> -> memref<128x48xbf16, #tpu.memory_space<vmem>>
        %dma_wait3A_511 = arith.constant 0 : i32
        %dma_wait3A_512 = tpu.memref_slice %arg7[%dma_wait3A_506, %dma_wait3A_511] : memref<80x128xi32, #tpu.memory_space<vmem>> -> memref<1x128xi32, #tpu.memory_space<vmem>>
        %dma_wait3A_513 = tpu.memref_squeeze %dma_wait3A_512 : memref<1x128xi32, #tpu.memory_space<vmem>> -> memref<128xi32, #tpu.memory_space<vmem>>
        %dma_wait3A_514 = arith.constant 0 : i32
        %dma_wait3A_515 = arith.constant 0 : i32
        %dma_wait3A_516 = tpu.memref_slice %arg9[%dma_wait3A_514, %dma_wait3A_515] : memref<10240x48xbf16, #tpu.memory_space<vmem_shared>> -> memref<10240x48xbf16, #tpu.memory_space<vmem_shared>>
        tpu.wait_indirect_dma semaphore(%arg11 : memref<!tpu.dma_semaphore, #tpu.memory_space<semaphore_mem>>) src(%dma_wait3A_510 : memref<128x48xbf16, #tpu.memory_space<vmem>>) dst(%dma_wait3A_516 : memref<10240x48xbf16, #tpu.memory_space<vmem_shared>>)
        %dma_start3A_517 = arith.constant 1 : i32
        %dma_start3A_518 = arith.constant 0 : i32
        %dma_start3A_519 = arith.constant 0 : i32
        %dma_start3A_520 = tpu.memref_slice %arg8[%cond3A_495, %dma_start3A_518, %dma_start3A_519] : memref<4x128x48xbf16, #tpu.memory_space<vmem>> -> memref<1x128x48xbf16, #tpu.memory_space<vmem>>
        %dma_start3A_521 = tpu.memref_squeeze %dma_start3A_520 : memref<1x128x48xbf16, #tpu.memory_space<vmem>> -> memref<128x48xbf16, #tpu.memory_space<vmem>>
        %dma_start3A_522 = arith.constant 0 : i32
        %dma_start3A_523 = tpu.memref_slice %arg6[%select_n3A_138, %dma_start3A_517, %dma_start3A_522] : memref<2x8x128xi32, #tpu.memory_space<vmem>> -> memref<1x1x128xi32, #tpu.memory_space<vmem>>
        %dma_start3A_524 = tpu.memref_squeeze %dma_start3A_523 : memref<1x1x128xi32, #tpu.memory_space<vmem>> -> memref<128xi32, #tpu.memory_space<vmem>>
        %dma_start3A_525 = arith.constant 0 : i32
        %dma_start3A_526 = arith.constant 0 : i32
        %dma_start3A_527 = tpu.memref_slice %arg13[%dma_start3A_525, %dma_start3A_526] : memref<10240x48xbf16, #tpu.memory_space<vmem_shared>> -> memref<10240x48xbf16, #tpu.memory_space<vmem_shared>>
        tpu.enqueue_indirect_dma source(%dma_start3A_527 : memref<10240x48xbf16, #tpu.memory_space<vmem_shared>>) target(%dma_start3A_521 : memref<128x48xbf16, #tpu.memory_space<vmem>>) offsets(%dma_start3A_524 : memref<128xi32, #tpu.memory_space<vmem>>) semaphore(%arg10 : memref<!tpu.dma_semaphore, #tpu.memory_space<semaphore_mem>>)
      } else {
      }
      %add3A_498 = arith.constant 2 : i32
      %add3A_499 = arith.addi %scan3A_111, %add3A_498 : i32
      %lt3A_500 = arith.constant 10 : i32
      %lt3A_501 = arith.cmpi slt, %add3A_499, %lt3A_500 : i32
      %convert_element_type3A_502 = arith.extui %lt3A_501 : i1 to i32
      %cond3A_503 = arith.constant 0 : i32
      %cond3A_504 = arith.cmpi ne, %convert_element_type3A_502, %cond3A_503 : i32
      scf.if %cond3A_504 {
        %add3A_505 = arith.constant 2 : i32
        %add3A_506 = arith.addi %scan3A_111, %add3A_505 : i32
        %mul3A_507 = arith.constant 8 : i32
        %mul3A_508 = arith.muli %add3A_506, %mul3A_507 : i32
        %add3A_509 = arith.addi %mul3A_2, %mul3A_508 : i32
        %dma_start3A_510 = arith.constant 0 : i32
        %dma_start3A_511 = arith.constant 0 : i32
        %dma_start3A_512 = arith.constant 0 : i32
        %dma_start3A_513 = tpu.memref_slice %arg6[%select_n3A_120, %dma_start3A_511, %dma_start3A_512] : memref<2x8x128xi32, #tpu.memory_space<vmem>> -> memref<1x8x128xi32, #tpu.memory_space<vmem>>
        %dma_start3A_514 = tpu.memref_squeeze %dma_start3A_513 : memref<1x8x128xi32, #tpu.memory_space<vmem>> -> memref<8x128xi32, #tpu.memory_space<vmem>>
        %dma_start3A_515 = arith.constant 0 : i32
        %dma_start3A_516 = tpu.memref_slice %arg3[%dma_start3A_510, %add3A_509, %dma_start3A_515] : memref<2x2560x128xi32, #tpu.memory_space<hbm>> -> memref<1x8x128xi32, #tpu.memory_space<hbm>>
        %dma_start3A_517 = tpu.memref_squeeze %dma_start3A_516 : memref<1x8x128xi32, #tpu.memory_space<hbm>> -> memref<8x128xi32, #tpu.memory_space<hbm>>
        %dma_start3A_518 = arith.constant 0 : i32
        %dma_start3A_519 = arith.constant 0 : i32
        %dma_start3A_520 = tpu.memref_slice %arg6[%select_n3A_120, %dma_start3A_518, %dma_start3A_519] : memref<2x8x128xi32, #tpu.memory_space<vmem>> -> memref<1x8x128xi32, #tpu.memory_space<vmem>>
        %dma_start3A_521 = tpu.memref_squeeze %dma_start3A_520 : memref<1x8x128xi32, #tpu.memory_space<vmem>> -> memref<8x128xi32, #tpu.memory_space<vmem>>
        %dma_start3A_522 = arith.constant 0 : i32
        %dma_start3A_523 = tpu.memref_slice %arg3[%dma_start3A_510, %add3A_509, %dma_start3A_522] : memref<2x2560x128xi32, #tpu.memory_space<hbm>> -> memref<1x8x128xi32, #tpu.memory_space<hbm>>
        %dma_start3A_524 = tpu.memref_squeeze %dma_start3A_523 : memref<1x8x128xi32, #tpu.memory_space<hbm>> -> memref<8x128xi32, #tpu.memory_space<hbm>>
        tpu.enqueue_dma source(%dma_start3A_524 : memref<8x128xi32, #tpu.memory_space<hbm>>) target(%dma_start3A_521 : memref<8x128xi32, #tpu.memory_space<vmem>>) target_semaphore(%arg12 : memref<!tpu.dma_semaphore, #tpu.memory_space<semaphore_mem>>)
      } else {
      }
    }
    %scan3A_58 = arith.constant 10 : i32
    %dma_wait3A = arith.constant 0 : i32
    %dma_wait3A_59 = arith.constant 0 : i32
    %dma_wait3A_60 = arith.constant 0 : i32
    %dma_wait3A_61 = arith.constant 0 : i32
    %dma_wait3A_62 = tpu.memref_slice %arg8[%dma_wait3A, %dma_wait3A_60, %dma_wait3A_61] : memref<4x128x48xbf16, #tpu.memory_space<vmem>> -> memref<1x128x48xbf16, #tpu.memory_space<vmem>>
    %dma_wait3A_63 = tpu.memref_squeeze %dma_wait3A_62 : memref<1x128x48xbf16, #tpu.memory_space<vmem>> -> memref<128x48xbf16, #tpu.memory_space<vmem>>
    %dma_wait3A_64 = arith.constant 0 : i32
    %dma_wait3A_65 = tpu.memref_slice %arg7[%dma_wait3A_59, %dma_wait3A_64] : memref<80x128xi32, #tpu.memory_space<vmem>> -> memref<1x128xi32, #tpu.memory_space<vmem>>
    %dma_wait3A_66 = tpu.memref_squeeze %dma_wait3A_65 : memref<1x128xi32, #tpu.memory_space<vmem>> -> memref<128xi32, #tpu.memory_space<vmem>>
    %dma_wait3A_67 = arith.constant 0 : i32
    %dma_wait3A_68 = arith.constant 0 : i32
    %dma_wait3A_69 = tpu.memref_slice %arg9[%dma_wait3A_67, %dma_wait3A_68] : memref<10240x48xbf16, #tpu.memory_space<vmem_shared>> -> memref<10240x48xbf16, #tpu.memory_space<vmem_shared>>
    tpu.wait_indirect_dma semaphore(%arg11 : memref<!tpu.dma_semaphore, #tpu.memory_space<semaphore_mem>>) src(%dma_wait3A_63 : memref<128x48xbf16, #tpu.memory_space<vmem>>) dst(%dma_wait3A_69 : memref<10240x48xbf16, #tpu.memory_space<vmem_shared>>)
    %dma_wait3A_70 = arith.constant 0 : i32
    %dma_wait3A_71 = arith.constant 0 : i32
    %dma_wait3A_72 = arith.constant 0 : i32
    %dma_wait3A_73 = arith.constant 0 : i32
    %dma_wait3A_74 = tpu.memref_slice %arg8[%dma_wait3A_70, %dma_wait3A_72, %dma_wait3A_73] : memref<4x128x48xbf16, #tpu.memory_space<vmem>> -> memref<1x128x48xbf16, #tpu.memory_space<vmem>>
    %dma_wait3A_75 = tpu.memref_squeeze %dma_wait3A_74 : memref<1x128x48xbf16, #tpu.memory_space<vmem>> -> memref<128x48xbf16, #tpu.memory_space<vmem>>
    %dma_wait3A_76 = arith.constant 0 : i32
    %dma_wait3A_77 = tpu.memref_slice %arg7[%dma_wait3A_71, %dma_wait3A_76] : memref<80x128xi32, #tpu.memory_space<vmem>> -> memref<1x128xi32, #tpu.memory_space<vmem>>
    %dma_wait3A_78 = tpu.memref_squeeze %dma_wait3A_77 : memref<1x128xi32, #tpu.memory_space<vmem>> -> memref<128xi32, #tpu.memory_space<vmem>>
    %dma_wait3A_79 = arith.constant 0 : i32
    %dma_wait3A_80 = arith.constant 0 : i32
    %dma_wait3A_81 = tpu.memref_slice %arg9[%dma_wait3A_79, %dma_wait3A_80] : memref<10240x48xbf16, #tpu.memory_space<vmem_shared>> -> memref<10240x48xbf16, #tpu.memory_space<vmem_shared>>
    tpu.wait_indirect_dma semaphore(%arg11 : memref<!tpu.dma_semaphore, #tpu.memory_space<semaphore_mem>>) src(%dma_wait3A_75 : memref<128x48xbf16, #tpu.memory_space<vmem>>) dst(%dma_wait3A_81 : memref<10240x48xbf16, #tpu.memory_space<vmem_shared>>)
    %dma_wait3A_82 = arith.constant 0 : i32
    %dma_wait3A_83 = arith.constant 0 : i32
    %dma_wait3A_84 = arith.constant 0 : i32
    %dma_wait3A_85 = arith.constant 0 : i32
    %dma_wait3A_86 = tpu.memref_slice %arg8[%dma_wait3A_82, %dma_wait3A_84, %dma_wait3A_85] : memref<4x128x48xbf16, #tpu.memory_space<vmem>> -> memref<1x128x48xbf16, #tpu.memory_space<vmem>>
    %dma_wait3A_87 = tpu.memref_squeeze %dma_wait3A_86 : memref<1x128x48xbf16, #tpu.memory_space<vmem>> -> memref<128x48xbf16, #tpu.memory_space<vmem>>
    %dma_wait3A_88 = arith.constant 0 : i32
    %dma_wait3A_89 = tpu.memref_slice %arg7[%dma_wait3A_83, %dma_wait3A_88] : memref<80x128xi32, #tpu.memory_space<vmem>> -> memref<1x128xi32, #tpu.memory_space<vmem>>
    %dma_wait3A_90 = tpu.memref_squeeze %dma_wait3A_89 : memref<1x128xi32, #tpu.memory_space<vmem>> -> memref<128xi32, #tpu.memory_space<vmem>>
    %dma_wait3A_91 = arith.constant 0 : i32
    %dma_wait3A_92 = arith.constant 0 : i32
    %dma_wait3A_93 = tpu.memref_slice %arg9[%dma_wait3A_91, %dma_wait3A_92] : memref<10240x48xbf16, #tpu.memory_space<vmem_shared>> -> memref<10240x48xbf16, #tpu.memory_space<vmem_shared>>
    tpu.wait_indirect_dma semaphore(%arg11 : memref<!tpu.dma_semaphore, #tpu.memory_space<semaphore_mem>>) src(%dma_wait3A_87 : memref<128x48xbf16, #tpu.memory_space<vmem>>) dst(%dma_wait3A_93 : memref<10240x48xbf16, #tpu.memory_space<vmem_shared>>)
    %dma_wait3A_94 = arith.constant 0 : i32
    %dma_wait3A_95 = arith.constant 0 : i32
    %dma_wait3A_96 = arith.constant 0 : i32
    %dma_wait3A_97 = arith.constant 0 : i32
    %dma_wait3A_98 = tpu.memref_slice %arg8[%dma_wait3A_94, %dma_wait3A_96, %dma_wait3A_97] : memref<4x128x48xbf16, #tpu.memory_space<vmem>> -> memref<1x128x48xbf16, #tpu.memory_space<vmem>>
    %dma_wait3A_99 = tpu.memref_squeeze %dma_wait3A_98 : memref<1x128x48xbf16, #tpu.memory_space<vmem>> -> memref<128x48xbf16, #tpu.memory_space<vmem>>
    %dma_wait3A_100 = arith.constant 0 : i32
    %dma_wait3A_101 = tpu.memref_slice %arg7[%dma_wait3A_95, %dma_wait3A_100] : memref<80x128xi32, #tpu.memory_space<vmem>> -> memref<1x128xi32, #tpu.memory_space<vmem>>
    %dma_wait3A_102 = tpu.memref_squeeze %dma_wait3A_101 : memref<1x128xi32, #tpu.memory_space<vmem>> -> memref<128xi32, #tpu.memory_space<vmem>>
    %dma_wait3A_103 = arith.constant 0 : i32
    %dma_wait3A_104 = arith.constant 0 : i32
    %dma_wait3A_105 = tpu.memref_slice %arg9[%dma_wait3A_103, %dma_wait3A_104] : memref<10240x48xbf16, #tpu.memory_space<vmem_shared>> -> memref<10240x48xbf16, #tpu.memory_space<vmem_shared>>
    tpu.wait_indirect_dma semaphore(%arg11 : memref<!tpu.dma_semaphore, #tpu.memory_space<semaphore_mem>>) src(%dma_wait3A_99 : memref<128x48xbf16, #tpu.memory_space<vmem>>) dst(%dma_wait3A_105 : memref<10240x48xbf16, #tpu.memory_space<vmem_shared>>)
    %barrier3A_106 = arith.constant 0 : index
    tpu.barrier barrier_id(%barrier3A_106)
    %mul3A_107 = arith.constant 640 : i32
    %mul3A_108 = arith.muli %arg1, %mul3A_107 : i32
    %mul3A_109 = arith.constant 640 : i32
    %mul3A_110 = arith.muli %arg1, %mul3A_109 : i32
    "tpu.region"() ({
      %run_scoped3A_111 = tpu.sem_alloc : memref<!tpu.dma_semaphore, #tpu.memory_space<semaphore_mem>>
      %dma_start3A_112 = arith.constant 0 : i32
      %dma_start3A_113 = tpu.memref_slice %arg5[%arg0, %mul3A_110, %dma_start3A_112] : memref<2x10240x48xbf16, #tpu.memory_space<hbm>> -> memref<1x640x48xbf16, #tpu.memory_space<hbm>>
      %dma_start3A_114 = tpu.memref_squeeze %dma_start3A_113 : memref<1x640x48xbf16, #tpu.memory_space<hbm>> -> memref<640x48xbf16, #tpu.memory_space<hbm>>
      %dma_start3A_115 = arith.constant 0 : i32
      %dma_start3A_116 = tpu.memref_slice %arg9[%mul3A_108, %dma_start3A_115] : memref<10240x48xbf16, #tpu.memory_space<vmem_shared>> -> memref<640x48xbf16, #tpu.memory_space<vmem_shared>>
      tpu.enqueue_dma source(%dma_start3A_116 : memref<640x48xbf16, #tpu.memory_space<vmem_shared>>) target(%dma_start3A_114 : memref<640x48xbf16, #tpu.memory_space<hbm>>) target_semaphore(%run_scoped3A_111 : memref<!tpu.dma_semaphore, #tpu.memory_space<semaphore_mem>>)
      %dma_wait3A_117 = arith.constant 0 : i32
      %dma_wait3A_118 = tpu.memref_slice %arg5[%arg0, %mul3A_110, %dma_wait3A_117] : memref<2x10240x48xbf16, #tpu.memory_space<hbm>> -> memref<1x640x48xbf16, #tpu.memory_space<hbm>>
      %dma_wait3A_119 = tpu.memref_squeeze %dma_wait3A_118 : memref<1x640x48xbf16, #tpu.memory_space<hbm>> -> memref<640x48xbf16, #tpu.memory_space<hbm>>
      %dma_wait3A_120 = arith.constant 0 : i32
      %dma_wait3A_121 = tpu.memref_slice %arg9[%mul3A_108, %dma_wait3A_120] : memref<10240x48xbf16, #tpu.memory_space<vmem_shared>> -> memref<640x48xbf16, #tpu.memory_space<vmem_shared>>
      tpu.wait_dma2 semaphore(%run_scoped3A_111 : memref<!tpu.dma_semaphore, #tpu.memory_space<semaphore_mem>>) src(%dma_wait3A_121 : memref<640x48xbf16, #tpu.memory_space<vmem_shared>>) dst(%dma_wait3A_119 : memref<640x48xbf16, #tpu.memory_space<hbm>>)
      tpu.yield
    }) : () -> ()
    return
  }
}

module attributes {stable_mosaic.version = 14 : i64} {
  func.func @body(%arg0: i32, %arg1: memref<1024x128xf32, #tpu.memory_space<vmem>>, %arg2: memref<128x128xf32, #tpu.memory_space<vmem>>, %arg3: memref<2x1024x8xf32, #tpu.memory_space<vmem>>, %arg4: memref<2x1024x64xbf16, #tpu.memory_space<vmem>>) attributes {dimension_semantics = [#tpu.dimension_semantics<arbitrary>], iteration_bounds = array<i64: 10>, scalar_prefetch = 0 : i64, scratch_operands = 0 : i64, tpu.core_type = #tpu.core_type<tc>, window_params = [{transform_indices = @transform_0, window_bounds = array<i64: 1024, 128>}, {pipeline_mode = #tpu.pipeline_mode<synchronous>, transform_indices = @transform_1, window_bounds = array<i64: 128, 128>}, {transform_indices = @transform_2, window_bounds = array<i64: 2, 1024, 8>}, {transform_indices = @transform_3, window_bounds = array<i64: 2, 1024, 64>}]} {
    %get3A = arith.constant 0 : index
    %get3A_0 = arith.constant 0 : index
    %get3A_1 = arith.constant 0 : index
    %get3A_2 = vector.load %arg3[%get3A, %get3A_0, %get3A_1] : memref<2x1024x8xf32, #tpu.memory_space<vmem>>, vector<1x1024x8xf32>
    %get3A_3 = vector.shape_cast %get3A_2 : vector<1x1024x8xf32> to vector<1024x8xf32>
    %get3A_4 = arith.constant 1 : index
    %get3A_5 = arith.constant 0 : index
    %get3A_6 = arith.constant 0 : index
    %get3A_7 = vector.load %arg3[%get3A_4, %get3A_5, %get3A_6] : memref<2x1024x8xf32, #tpu.memory_space<vmem>>, vector<1x1024x8xf32>
    %get3A_8 = vector.shape_cast %get3A_7 : vector<1x1024x8xf32> to vector<1024x8xf32>
    %add3A = arith.addf %get3A_3, %get3A_8 : vector<1024x8xf32>
    %slice3A = vector.extract_strided_slice %add3A {offsets = [0, 0], sizes = [1024, 1], strides = [1, 1]} : vector<1024x8xf32> to vector<1024x1xf32>
    %max3A = arith.constant 1.000000e+00 : f32
    %max3A_9 = vector.broadcast %max3A : f32 to vector<1024x1xf32>
    %max3A_10 = arith.maximumf %slice3A, %max3A_9 : vector<1024x1xf32>
    %rsqrt3A = math.rsqrt %max3A_10 : vector<1024x1xf32>
    %get3A_11 = arith.constant 0 : index
    %get3A_12 = arith.constant 0 : index
    %get3A_13 = vector.load %arg1[%get3A_11, %get3A_12] : memref<1024x128xf32, #tpu.memory_space<vmem>>, vector<1024x128xf32>
    %get3A_14 = arith.constant 0 : index
    %get3A_15 = arith.constant 0 : index
    %get3A_16 = vector.load %arg2[%get3A_14, %get3A_15] : memref<128x128xf32, #tpu.memory_space<vmem>>, vector<128x128xf32>
    %dot_general3A = arith.constant dense<0.000000e+00> : vector<1024x128xf32>
    %dot_general3A_17 = tpu.matmul %get3A_13, %get3A_16, %dot_general3A {dimension_numbers = #tpu.dot_dimension_numbers<[1], [0], [0], [1], [0, 0, 1, 1], [], []>, transpose_lhs_hint = false} : vector<1024x128xf32>, vector<128x128xf32>, vector<1024x128xf32> -> vector<1024x128xf32>
    %mul3A = vector.broadcast %rsqrt3A : vector<1024x1xf32> to vector<1024x128xf32>
    %mul3A_18 = arith.mulf %dot_general3A_17, %mul3A : vector<1024x128xf32>
    %slice3A_19 = vector.extract_strided_slice %mul3A_18 {offsets = [0, 0], sizes = [1024, 64], strides = [1, 1]} : vector<1024x128xf32> to vector<1024x64xf32>
    %convert_element_type3A = arith.truncf %slice3A_19 : vector<1024x64xf32> to vector<1024x64xbf16>
    %swap3A = arith.constant 0 : index
    %swap3A_20 = arith.constant 0 : index
    %swap3A_21 = arith.constant 0 : index
    %swap3A_22 = vector.load %arg4[%swap3A, %swap3A_20, %swap3A_21] : memref<2x1024x64xbf16, #tpu.memory_space<vmem>>, vector<1x1024x64xbf16>
    %swap3A_23 = vector.shape_cast %swap3A_22 : vector<1x1024x64xbf16> to vector<1024x64xbf16>
    %swap3A_24 = vector.shape_cast %convert_element_type3A : vector<1024x64xbf16> to vector<1x1024x64xbf16>
    tpu.vector_store %arg4[%swap3A, %swap3A_20, %swap3A_21], %swap3A_24 {strides = array<i32>} : memref<2x1024x64xbf16, #tpu.memory_space<vmem>>, vector<1x1024x64xbf16>,
    %slice3A_25 = vector.extract_strided_slice %mul3A_18 {offsets = [0, 64], sizes = [1024, 64], strides = [1, 1]} : vector<1024x128xf32> to vector<1024x64xf32>
    %convert_element_type3A_26 = arith.truncf %slice3A_25 : vector<1024x64xf32> to vector<1024x64xbf16>
    %swap3A_27 = arith.constant 1 : index
    %swap3A_28 = arith.constant 0 : index
    %swap3A_29 = arith.constant 0 : index
    %swap3A_30 = vector.load %arg4[%swap3A_27, %swap3A_28, %swap3A_29] : memref<2x1024x64xbf16, #tpu.memory_space<vmem>>, vector<1x1024x64xbf16>
    %swap3A_31 = vector.shape_cast %swap3A_30 : vector<1x1024x64xbf16> to vector<1024x64xbf16>
    %swap3A_32 = vector.shape_cast %convert_element_type3A_26 : vector<1024x64xbf16> to vector<1x1024x64xbf16>
    tpu.vector_store %arg4[%swap3A_27, %swap3A_28, %swap3A_29], %swap3A_32 {strides = array<i32>} : memref<2x1024x64xbf16, #tpu.memory_space<vmem>>, vector<1x1024x64xbf16>,
    return
  }
  func.func @transform_0(%arg0: i32) -> (i32, i32) {
    %c0_i32 = arith.constant 0 : i32
    %c0_i32_0 = arith.constant 0 : i32
    return %arg0, %c0_i32 : i32, i32
  }
  func.func @transform_1(%arg0: i32) -> (i32, i32) {
    %c0_i32 = arith.constant 0 : i32
    %c0_i32_0 = arith.constant 0 : i32
    %c0_i32_1 = arith.constant 0 : i32
    return %c0_i32, %c0_i32_0 : i32, i32
  }
  func.func @transform_2(%arg0: i32) -> (i32, i32, i32) {
    %c0_i32 = arith.constant 0 : i32
    %c0_i32_0 = arith.constant 0 : i32
    %c0_i32_1 = arith.constant 0 : i32
    return %c0_i32, %arg0, %c0_i32_0 : i32, i32, i32
  }
  func.func @transform_3(%arg0: i32) -> (i32, i32, i32) {
    %c0_i32 = arith.constant 0 : i32
    %c0_i32_0 = arith.constant 0 : i32
    %c0_i32_1 = arith.constant 0 : i32
    return %c0_i32, %arg0, %c0_i32_0 : i32, i32, i32
  }
}

module attributes {stable_mosaic.version = 14 : i64} {
  func.func @body(%arg0: i32, %arg1: memref<2x1024x64xbf16, #tpu.memory_space<vmem>>, %arg2: memref<2x1024x8xf32, #tpu.memory_space<vmem>>, %arg3: memref<128x48xf32, #tpu.memory_space<vmem>>, %arg4: memref<1x128xf32, #tpu.memory_space<vmem>>, %arg5: memref<1024x48xbf16, #tpu.memory_space<vmem>>) attributes {dimension_semantics = [#tpu.dimension_semantics<arbitrary>], iteration_bounds = array<i64: 10>, scalar_prefetch = 0 : i64, scratch_operands = 0 : i64, tpu.core_type = #tpu.core_type<tc>, window_params = [{transform_indices = @transform_0, window_bounds = array<i64: 2, 1024, 64>}, {transform_indices = @transform_1, window_bounds = array<i64: 2, 1024, 8>}, {pipeline_mode = #tpu.pipeline_mode<synchronous>, transform_indices = @transform_2, window_bounds = array<i64: 128, 48>}, {pipeline_mode = #tpu.pipeline_mode<synchronous>, transform_indices = @transform_3, window_bounds = array<i64: 1, 128>}, {transform_indices = @transform_4, window_bounds = array<i64: 1024, 48>}]} {
    %get3A = arith.constant 0 : index
    %get3A_0 = arith.constant 0 : index
    %get3A_1 = arith.constant 0 : index
    %get3A_2 = vector.load %arg2[%get3A, %get3A_0, %get3A_1] : memref<2x1024x8xf32, #tpu.memory_space<vmem>>, vector<1x1024x8xf32>
    %get3A_3 = vector.shape_cast %get3A_2 : vector<1x1024x8xf32> to vector<1024x8xf32>
    %get3A_4 = arith.constant 1 : index
    %get3A_5 = arith.constant 0 : index
    %get3A_6 = arith.constant 0 : index
    %get3A_7 = vector.load %arg2[%get3A_4, %get3A_5, %get3A_6] : memref<2x1024x8xf32, #tpu.memory_space<vmem>>, vector<1x1024x8xf32>
    %get3A_8 = vector.shape_cast %get3A_7 : vector<1x1024x8xf32> to vector<1024x8xf32>
    %add3A = arith.addf %get3A_3, %get3A_8 : vector<1024x8xf32>
    %slice3A = vector.extract_strided_slice %add3A {offsets = [0, 0], sizes = [1024, 1], strides = [1, 1]} : vector<1024x8xf32> to vector<1024x1xf32>
    %max3A = arith.constant 1.000000e+00 : f32
    %max3A_9 = vector.broadcast %max3A : f32 to vector<1024x1xf32>
    %max3A_10 = arith.maximumf %slice3A, %max3A_9 : vector<1024x1xf32>
    %rsqrt3A = math.rsqrt %max3A_10 : vector<1024x1xf32>
    %slice3A_11 = vector.extract_strided_slice %add3A {offsets = [0, 1], sizes = [1024, 1], strides = [1, 1]} : vector<1024x8xf32> to vector<1024x1xf32>
    %max3A_12 = arith.constant 1.000000e+00 : f32
    %max3A_13 = vector.broadcast %max3A_12 : f32 to vector<1024x1xf32>
    %max3A_14 = arith.maximumf %slice3A_11, %max3A_13 : vector<1024x1xf32>
    %rsqrt3A_15 = math.rsqrt %max3A_14 : vector<1024x1xf32>
    %get3A_16 = arith.constant 0 : index
    %get3A_17 = arith.constant 0 : index
    %get3A_18 = arith.constant 0 : index
    %get3A_19 = vector.load %arg1[%get3A_16, %get3A_17, %get3A_18] : memref<2x1024x64xbf16, #tpu.memory_space<vmem>>, vector<1x1024x64xbf16>
    %get3A_20 = vector.shape_cast %get3A_19 : vector<1x1024x64xbf16> to vector<1024x64xbf16>
    %get3A_21 = arith.constant 1 : index
    %get3A_22 = arith.constant 0 : index
    %get3A_23 = arith.constant 0 : index
    %get3A_24 = vector.load %arg1[%get3A_21, %get3A_22, %get3A_23] : memref<2x1024x64xbf16, #tpu.memory_space<vmem>>, vector<1x1024x64xbf16>
    %get3A_25 = vector.shape_cast %get3A_24 : vector<1x1024x64xbf16> to vector<1024x64xbf16>
    %concatenate3A = tpu.concatenate %get3A_20, %get3A_25 in 1 : vector<1024x64xbf16>, vector<1024x64xbf16> -> vector<1024x128xbf16>
    %convert_element_type3A = arith.extf %concatenate3A : vector<1024x128xbf16> to vector<1024x128xf32>
    %mul3A = vector.broadcast %rsqrt3A_15 : vector<1024x1xf32> to vector<1024x128xf32>
    %mul3A_26 = arith.mulf %convert_element_type3A, %mul3A : vector<1024x128xf32>
    %get3A_27 = arith.constant 0 : index
    %get3A_28 = arith.constant 0 : index
    %get3A_29 = vector.load %arg4[%get3A_27, %get3A_28] : memref<1x128xf32, #tpu.memory_space<vmem>>, vector<1x128xf32>
    %add3A_30 = vector.broadcast %get3A_29 : vector<1x128xf32> to vector<1024x128xf32>
    %add3A_31 = arith.addf %mul3A_26, %add3A_30 : vector<1024x128xf32>
    %max3A_32 = arith.constant 0.000000e+00 : f32
    %max3A_33 = vector.broadcast %max3A_32 : f32 to vector<1024x128xf32>
    %max3A_34 = arith.maximumf %add3A_31, %max3A_33 : vector<1024x128xf32>
    %get3A_35 = arith.constant 0 : index
    %get3A_36 = arith.constant 0 : index
    %get3A_37 = vector.load %arg3[%get3A_35, %get3A_36] : memref<128x48xf32, #tpu.memory_space<vmem>>, vector<128x48xf32>
    %dot_general3A = arith.constant dense<0.000000e+00> : vector<1024x48xf32>
    %dot_general3A_38 = tpu.matmul %max3A_34, %get3A_37, %dot_general3A {dimension_numbers = #tpu.dot_dimension_numbers<[1], [0], [0], [1], [0, 0, 1, 1], [], []>, transpose_lhs_hint = false} : vector<1024x128xf32>, vector<128x48xf32>, vector<1024x48xf32> -> vector<1024x48xf32>
    %mul3A_39 = vector.broadcast %rsqrt3A : vector<1024x1xf32> to vector<1024x48xf32>
    %mul3A_40 = arith.mulf %dot_general3A_38, %mul3A_39 : vector<1024x48xf32>
    %convert_element_type3A_41 = arith.truncf %mul3A_40 : vector<1024x48xf32> to vector<1024x48xbf16>
    %swap3A = arith.constant 0 : index
    %swap3A_42 = arith.constant 0 : index
    %swap3A_43 = vector.load %arg5[%swap3A, %swap3A_42] : memref<1024x48xbf16, #tpu.memory_space<vmem>>, vector<1024x48xbf16>
    tpu.vector_store %arg5[%swap3A, %swap3A_42], %convert_element_type3A_41 {strides = array<i32>} : memref<1024x48xbf16, #tpu.memory_space<vmem>>, vector<1024x48xbf16>,
    return
  }
  func.func @transform_0(%arg0: i32) -> (i32, i32, i32) {
    %c0_i32 = arith.constant 0 : i32
    %c0_i32_0 = arith.constant 0 : i32
    %c0_i32_1 = arith.constant 0 : i32
    return %c0_i32, %arg0, %c0_i32_0 : i32, i32, i32
  }
  func.func @transform_1(%arg0: i32) -> (i32, i32, i32) {
    %c0_i32 = arith.constant 0 : i32
    %c0_i32_0 = arith.constant 0 : i32
    %c0_i32_1 = arith.constant 0 : i32
    return %c0_i32, %arg0, %c0_i32_0 : i32, i32, i32
  }
  func.func @transform_2(%arg0: i32) -> (i32, i32) {
    %c0_i32 = arith.constant 0 : i32
    %c0_i32_0 = arith.constant 0 : i32
    %c0_i32_1 = arith.constant 0 : i32
    return %c0_i32, %c0_i32_0 : i32, i32
  }
  func.func @transform_3(%arg0: i32) -> (i32, i32) {
    %c0_i32 = arith.constant 0 : i32
    %c0_i32_0 = arith.constant 0 : i32
    %c0_i32_1 = arith.constant 0 : i32
    return %c0_i32, %c0_i32_0 : i32, i32
  }
  func.func @transform_4(%arg0: i32) -> (i32, i32) {
    %c0_i32 = arith.constant 0 : i32
    %c0_i32_0 = arith.constant 0 : i32
    return %arg0, %c0_i32 : i32, i32
  }
}

module attributes {stable_mosaic.version = 14 : i64} {
  func.func @body(%arg0: i32, %arg1: memref<2x1024x48xbf16, #tpu.memory_space<vmem>>, %arg2: memref<2x1024x8xf32, #tpu.memory_space<vmem>>, %arg3: memref<1x40xf32, #tpu.memory_space<vmem>>, %arg4: memref<1024x40xf32, #tpu.memory_space<vmem>>) attributes {dimension_semantics = [#tpu.dimension_semantics<arbitrary>], iteration_bounds = array<i64: 10>, scalar_prefetch = 0 : i64, scratch_operands = 0 : i64, tpu.core_type = #tpu.core_type<tc>, window_params = [{transform_indices = @transform_0, window_bounds = array<i64: 2, 1024, 48>}, {transform_indices = @transform_1, window_bounds = array<i64: 2, 1024, 8>}, {pipeline_mode = #tpu.pipeline_mode<synchronous>, transform_indices = @transform_2, window_bounds = array<i64: 1, 40>}, {transform_indices = @transform_3, window_bounds = array<i64: 1024, 40>}]} {
    %get3A = arith.constant 0 : index
    %get3A_0 = arith.constant 0 : index
    %get3A_1 = arith.constant 0 : index
    %get3A_2 = vector.load %arg2[%get3A, %get3A_0, %get3A_1] : memref<2x1024x8xf32, #tpu.memory_space<vmem>>, vector<1x1024x8xf32>
    %get3A_3 = vector.shape_cast %get3A_2 : vector<1x1024x8xf32> to vector<1024x8xf32>
    %get3A_4 = arith.constant 1 : index
    %get3A_5 = arith.constant 0 : index
    %get3A_6 = arith.constant 0 : index
    %get3A_7 = vector.load %arg2[%get3A_4, %get3A_5, %get3A_6] : memref<2x1024x8xf32, #tpu.memory_space<vmem>>, vector<1x1024x8xf32>
    %get3A_8 = vector.shape_cast %get3A_7 : vector<1x1024x8xf32> to vector<1024x8xf32>
    %add3A = arith.addf %get3A_3, %get3A_8 : vector<1024x8xf32>
    %slice3A = vector.extract_strided_slice %add3A {offsets = [0, 1], sizes = [1024, 1], strides = [1, 1]} : vector<1024x8xf32> to vector<1024x1xf32>
    %max3A = arith.constant 1.000000e+00 : f32
    %max3A_9 = vector.broadcast %max3A : f32 to vector<1024x1xf32>
    %max3A_10 = arith.maximumf %slice3A, %max3A_9 : vector<1024x1xf32>
    %rsqrt3A = math.rsqrt %max3A_10 : vector<1024x1xf32>
    %get3A_11 = arith.constant 0 : index
    %get3A_12 = arith.constant 0 : index
    %get3A_13 = arith.constant 0 : index
    %get3A_14 = vector.load %arg1[%get3A_11, %get3A_12, %get3A_13] : memref<2x1024x48xbf16, #tpu.memory_space<vmem>>, vector<1x1024x48xbf16>
    %get3A_15 = vector.shape_cast %get3A_14 : vector<1x1024x48xbf16> to vector<1024x48xbf16>
    %convert_element_type3A = arith.extf %get3A_15 : vector<1024x48xbf16> to vector<1024x48xf32>
    %get3A_16 = arith.constant 1 : index
    %get3A_17 = arith.constant 0 : index
    %get3A_18 = arith.constant 0 : index
    %get3A_19 = vector.load %arg1[%get3A_16, %get3A_17, %get3A_18] : memref<2x1024x48xbf16, #tpu.memory_space<vmem>>, vector<1x1024x48xbf16>
    %get3A_20 = vector.shape_cast %get3A_19 : vector<1x1024x48xbf16> to vector<1024x48xbf16>
    %convert_element_type3A_21 = arith.extf %get3A_20 : vector<1024x48xbf16> to vector<1024x48xf32>
    %add3A_22 = arith.addf %convert_element_type3A, %convert_element_type3A_21 : vector<1024x48xf32>
    %slice3A_23 = vector.extract_strided_slice %add3A_22 {offsets = [0, 0], sizes = [1024, 40], strides = [1, 1]} : vector<1024x48xf32> to vector<1024x40xf32>
    %mul3A = vector.broadcast %rsqrt3A : vector<1024x1xf32> to vector<1024x40xf32>
    %mul3A_24 = arith.mulf %slice3A_23, %mul3A : vector<1024x40xf32>
    %get3A_25 = arith.constant 0 : index
    %get3A_26 = arith.constant 0 : index
    %get3A_27 = vector.load %arg3[%get3A_25, %get3A_26] : memref<1x40xf32, #tpu.memory_space<vmem>>, vector<1x40xf32>
    %add3A_28 = vector.broadcast %get3A_27 : vector<1x40xf32> to vector<1024x40xf32>
    %add3A_29 = arith.addf %mul3A_24, %add3A_28 : vector<1024x40xf32>
    %swap3A = arith.constant 0 : index
    %swap3A_30 = arith.constant 0 : index
    %swap3A_31 = vector.load %arg4[%swap3A, %swap3A_30] : memref<1024x40xf32, #tpu.memory_space<vmem>>, vector<1024x40xf32>
    tpu.vector_store %arg4[%swap3A, %swap3A_30], %add3A_29 {strides = array<i32>} : memref<1024x40xf32, #tpu.memory_space<vmem>>, vector<1024x40xf32>,
    return
  }
  func.func @transform_0(%arg0: i32) -> (i32, i32, i32) {
    %c0_i32 = arith.constant 0 : i32
    %c0_i32_0 = arith.constant 0 : i32
    %c0_i32_1 = arith.constant 0 : i32
    return %c0_i32, %arg0, %c0_i32_0 : i32, i32, i32
  }
  func.func @transform_1(%arg0: i32) -> (i32, i32, i32) {
    %c0_i32 = arith.constant 0 : i32
    %c0_i32_0 = arith.constant 0 : i32
    %c0_i32_1 = arith.constant 0 : i32
    return %c0_i32, %arg0, %c0_i32_0 : i32, i32, i32
  }
  func.func @transform_2(%arg0: i32) -> (i32, i32) {
    %c0_i32 = arith.constant 0 : i32
    %c0_i32_0 = arith.constant 0 : i32
    %c0_i32_1 = arith.constant 0 : i32
    return %c0_i32, %c0_i32_0 : i32, i32
  }
  func.func @transform_3(%arg0: i32) -> (i32, i32) {
    %c0_i32 = arith.constant 0 : i32
    %c0_i32_0 = arith.constant 0 : i32
    return %arg0, %c0_i32 : i32, i32
  }
}

</mosaic_0001>

<sc_bundles>
// kernel: kernel.11.cloned.1.call-start
scs
__scs_entry_jumppad:
0x0: {  	(pc) =	sbr.rel $0x88, $3  }
0x1: {  	(tag) =	ssettag $0x0;
	lr =	simm.s32 $0x1  }
0x2: {  	[smem:$0x3F9B] =	sst lr;
	_ =	strace $0xD0000000  }
0x3: {  	_ = 	snop  }
0x4: {  	_ = 	snop  }
0x5: {  	_ = 	snop  }
0x6: {  	_ = 	snop  }
0x7: {  	_ = 	snop  }
__scs_overlays_trampoline_lowered:
0x8: {  	[smem:$0x3FAA] =	sst s0  }
0x9: {  	[smem:$0x3FAB] =	sst s1  }
0xa: {  	[smem:$0x3FAC] =	sst s2  }
0xb: {  	[smem:$0x3FAD] =	sst s3  }
0xc: {  	[smem:$0x3FAE] =	sst s4  }
0xd: {  	[smem:$0x3FAF] =	sst s5  }
0xe: {  	[smem:$0x3FB0] =	sst s6  }
0xf: {  	[smem:$0x3FB1] =	sst s7  }
0x10: {  	[smem:$0x3FB2] =	sst s8  }
0x11: {  	[smem:$0x3FB3] =	sst s9;
	s0 =	simm.s32 @!p0 $0x0  }
0x12: {  	s1 =	sld [smem:$0x3F99];
	s0 =	simm.s32 @p0 $0x1  }
0x13: {  	[smem:$0x3FB4] =	sst s0;
	s0 =	simm.s32 @!p1 $0x0  }
0x14: {  	s2 =	sld [smem:$0x3F98];
	s0 =	simm.s32 @p1 $0x1  }
0x15: {  	[smem:$0x3FB5] =	sst s0;
	s0 =	simm.s32 @!p2 $0x0  }
0x16: {  	s3 =	sld [smem:$0x3FDB];
	s0 =	simm.s32 @p2 $0x1  }
0x17: {  	s4 =	simm.s32 $0x1BF5;
	[smem:$0x3FB7] =	sst s0  }
0x18: {  	s0 =	sld [smem:$0x3F9A];
	_ =	swait.ge [sflag:s4], $0x0  }
0x19: {  	s7 =	sld [smem:$0x3F9B]  }
0x1a: {  	s8 =	sadd.s32 $0xFFFFE003, lr  }
0x1b: {  	s9 =	sadd.s32 $0xFFFFFEF7, lr;
	s5 =	simm.s32 $0xFFFFFFFF;
	p2 =	slt.u32 s8, $0xFFFFF086  }
0x1c: {  	p1 =	slt.u32 s9, $0xF7A;
	s5 =	simm.s32 @!p2 $0x0  }
0x1d: {  	s5 =	simm.s32 @p1 $0x1;
	p0 =	seq.s32 s7, s2  }
0x1e: {  	s7 =	smul.u32 @!p0 $0xF7A, s2;
	p2 =	seq.s32 @!p0 s5, $0x0  }
0x1f: {  	s9 =	smul.u32 $0xF7A, s1;
	s8 =	simm.s32 @!p0 $0x1BF5;
	p2 =	por !p2, p0  }
0x20: {  	[sflag:s8] =	ssyncset.s32 @!p0 $0xFFFFF086;
	s6 =	sadd.s32 @!p0 s3, s7;
	s7 =	simm.s32 @!p0 $0x108  }
0x21: {  	s3 =	sadd.s32 s3, s9;
	s6 =	sadd.s32 @!p0 $0x88, s6;
	s7 =	simm.s32 @p2 $0x1082  }
0x22: {  	[simem:s7], [sflag:s8] =	dma.local @!p0 [hbm:s6], $0xF7A  }
0x23: {  	s9 =	sor.u32 $0xD0000000, s2;
	s6 =	simm.s32 $0x108;
	_ =	swait.ge @!p0 [sflag:s8], $0x0  }
0x24: {  	s3 =	sadd.s32 $0x88, s3;
	s6 =	simm.s32 @!p1 $0x1082;
	[sflag:s4] =	ssyncset.s32 $0xFFFFF086  }
0x25: {  	[simem:s6], [sflag:s4] =	dma.local [hbm:s3], $0xF7A  }
0x26: {  	[smem:$0x3F9B] =	sst s1;
	(tag) =	ssettag s2;
	_ =	strace s9  }
0x27: {  	s1 =	sld [smem:$0x3FAB]  }
0x28: {  	s2 =	sld [smem:$0x3FAC]  }
0x29: {  	s4 =	sld [smem:$0x3FAE]  }
0x2a: {  	p0 =	seq.s32 s5, $0x0;
	s5 =	sld [smem:$0x3FAF]  }
0x2b: {  	s6 =	sld [smem:$0x3FB0]  }
0x2c: {  	s7 =	sld [smem:$0x3FB1]  }
0x2d: {  	s3 =	simm.s32 $0x108;
	s8 =	sld [smem:$0x3FB2]  }
0x2e: {  	s3 =	simm.s32 @!p0 $0x1082;
	s9 =	sld [smem:$0x3FB3]  }
0x2f: {  	lr =	sadd.s32 s0, s3;
	s0 =	sld [smem:$0x3FAA]  }
0x30: {  	s3 =	sld [smem:$0x3FAD]  }
0x31: {  	[smem:$0x3FB6] =	sst s10  }
0x32: {  	s10 =	sld [smem:$0x3FB4];
	_ =	sdelay $0x3  }
0x33: {  	p0 =	seq.s32 s10, $0x1;
	s10 =	sld [smem:$0x3FB6];
	_ =	sdelay $0x3  }
0x34: {  	[smem:$0x3FB6] =	sst s10  }
0x35: {  	s10 =	sld [smem:$0x3FB5];
	_ =	sdelay $0x3  }
0x36: {  	p1 =	seq.s32 s10, $0x1;
	s10 =	sld [smem:$0x3FB6];
	_ =	sdelay $0x3  }
0x37: {  	[smem:$0x3FB6] =	sst s10  }
0x38: {  	s10 =	sld [smem:$0x3FB7]  }
0x39: {  	_ = 	snop;
	(pc) =	sbr.ind lr, $3  }
0x3a: {  	_ = 	snop  }
0x3b: {  	_ = 	snop  }
0x3c: {  	p2 =	seq.s32 s10, $0x1;
	s10 =	sld [smem:$0x3FB6]  }
0x3d: {  	_ =	shalt  }
0x3e: {  	_ =	shalt  }
0x3f: {  	_ =	shalt  }
0x40: {  	_ =	shalt  }
0x41: {  	_ =	shalt  }
0x42: {  	_ =	shalt  }
0x43: {  	_ =	shalt  }
0x44: {  	_ =	shalt  }
0x45: {  	_ =	shalt  }
0x46: {  	_ =	shalt  }
0x47: {  	_ =	shalt  }
0x48: {  	_ =	shalt  }
0x49: {  	_ =	shalt  }
0x4a: {  	_ =	shalt  }
0x4b: {  	_ =	shalt  }
0x4c: {  	_ =	shalt  }
0x4d: {  	_ =	shalt  }
0x4e: {  	_ =	shalt  }
0x4f: {  	_ =	shalt  }
0x50: {  	_ =	shalt  }
0x51: {  	_ =	shalt  }
0x52: {  	_ =	shalt  }
0x53: {  	_ =	shalt  }
0x54: {  	_ =	shalt  }
0x55: {  	_ =	shalt  }
0x56: {  	_ =	shalt  }
0x57: {  	_ =	shalt  }
0x58: {  	_ =	shalt  }
0x59: {  	_ =	shalt  }
0x5a: {  	_ =	shalt  }
0x5b: {  	_ =	shalt  }
0x5c: {  	_ =	shalt  }
0x5d: {  	_ =	shalt  }
0x5e: {  	_ =	shalt  }
0x5f: {  	_ =	shalt  }
0x60: {  	_ =	shalt  }
0x61: {  	_ =	shalt  }
0x62: {  	_ =	shalt  }
0x63: {  	_ =	shalt  }
0x64: {  	_ =	shalt  }
0x65: {  	_ =	shalt  }
0x66: {  	_ =	shalt  }
0x67: {  	_ =	shalt  }
0x68: {  	_ =	shalt  }
0x69: {  	_ =	shalt  }
0x6a: {  	_ =	shalt  }
0x6b: {  	_ =	shalt  }
0x6c: {  	_ =	shalt  }
0x6d: {  	_ =	shalt  }
0x6e: {  	_ =	shalt  }
0x6f: {  	_ =	shalt  }
0x70: {  	_ =	shalt  }
0x71: {  	_ =	shalt  }
0x72: {  	_ =	shalt  }
0x73: {  	_ =	shalt  }
0x74: {  	_ =	shalt  }
0x75: {  	_ =	shalt  }
0x76: {  	_ =	shalt  }
0x77: {  	_ =	shalt  }
0x78: {  	_ =	shalt  }
0x79: {  	_ =	shalt  }
0x7a: {  	_ =	shalt  }
0x7b: {  	_ =	shalt  }
0x7c: {  	_ =	shalt  }
0x7d: {  	_ =	shalt  }
0x7e: {  	_ =	shalt  }
0x7f: {  	_ =	shalt  }
0x80: {  	_ =	shalt  }
0x81: {  	_ =	shalt  }
0x82: {  	_ =	shalt  }
0x83: {  	_ =	shalt  }
0x84: {  	_ =	shalt  }
0x85: {  	_ =	shalt  }
0x86: {  	_ =	shalt  }
0x87: {  	_ =	shalt  }
.Lfunc_end0:
.L_simem_size_0:
called_computation.1_lowered:
.L_overlay_start_0:
0x88: {  	s2 =	sld [smem:$0x3FD9]  }
0x89: {  	s3 =	sld [smem:$0x3FFE];
	_ =	sdelay $0x1  }
0x8a: {  	s1 =	srdreg.scid  }
0x8b: {  	s0 =	sand.u32 $0x1, s1  }
0x8c: {  	s16 =	sshll.u32 s0, $0xA;
	s2 =	sadd.s32 s3, s2  }
0x8d: {  	s2 =	sadd.s32 s2, s16  }
0x8e: {  	[smem:$0x3FC2] =	sst s2  }
0x8f: {  	_ = 	snop  }
0x90: {  	(tm) =	ssettm $0x1  }
0x91: {  	s17 =	sld [smem:$0x3FFB];
	_ =	sdelay $0x3  }
0x92: {  	_ =	strace s17  }
0x93: {  	s2 =	sld [smem:$0x3FFC];
	_ =	sdelay $0x3  }
0x94: {  	_ =	strace s2  }
0x95: {  	s2 =	sld [smem:$0x3FFD];
	_ =	sdelay $0x3  }
0x96: {  	_ =	strace s2  }
0x97: {  	_ =	strace $0x8FFFFFFF  }
0x98: {  	s18 =	sld [smem:$0x3FDB];
	_ =	sdelay $0x1  }
0x99: {  	s19 =	simm.s32 $_scs_section_size  }
0x9a: {  	s4 =	simm.s32 $_size__tile_overlayer_lowered;
	s5 =	simm.s32 $_tile_overlayer_lowered  }
0x9b: {  	s22 =	simm.s32 $0x1BFF;
	s21 =	sshll.u32 s5, $0x1;
	s2 =	sadd.s32 s19, s18  }
0x9c: {  	s6 =	simm.s32 $0x0;
	s20 =	sshll.u32 s4, $0x1;
	s4 =	sadd.s32 s21, s2  }
0x9d: {  	[timem:s6], [sflag:s22] =	dma.local [hbm:s4], s20  }
0x9e: {  	_ =	swait.ge [sflag:s22], s20  }
0x9f: {  	s3 =	ssub.s32 $0x0, s20;
	[sflag:s22] =	ssyncset.done $0x0  }
0xa0: {  	[sflag:s22] =	ssyncadd.s32 s3;
	_ =	sdelay $0x1  }
0xa1: {  	s23 =	simm.s32 $0x1B8B  }
0xa2: {  	_ =	swait.ge [sflag:s23], $0x1  }
0xa3: {  	[sflag:s23] =	ssyncset.done $0x0  }
0xa4: {  	s25 =	simm.s32 $0x1B8E;
	s24 =	sld [smem:$0x3FFE];
	[sflag:s23] =	ssyncadd.s32 $0xFFFFFFFF  }
0xa5: {  	s26 =	simm.s32 $execute0_lowered;
	[smem:$0x3FD2] =	sst s25  }
0xa6: {  	s4 =	sshll.u32 s26, $0x1;
	_ =	strace $0x80000049;
	[dreg:$0x1] =	wrdreg $0xFFFFFFFF  }
0xa7: {  	s28 =	simm.s32 $_size_execute0_lowered;
	s2 =	sadd.s32 s2, s4;
	[dreg:$0x0] =	wrdreg $0x0  }
0xa8: {  	s4 =	sshll.u32 s28, $0x1;
	[dreg:$0x2] =	wrdreg s2  }
0xa9: {  	[dreg:$0x3] =	wrdreg s4  }
0xaa: {  	[dreg:$0x4] =	wrdreg $0xC0  }
0xab: {  	_ =	task [dreg:s6], $0x5FFFF  }
0xac: {  	[dreg:$0x1] =	wrdreg $0xFFFFFFFF  }
0xad: {  	[dreg:$0x0] =	wrdreg $0x60  }
0xae: {  	[dreg:$0x2] =	wrdreg s24  }
0xaf: {  	[dreg:$0x3] =	wrdreg $0x98000  }
0xb0: {  	[dreg:$0x4] =	wrdreg $0xE8000  }
0xb1: {  	[dreg:$0x5] =	wrdreg $0x9  }
0xb2: {  	_ =	task.clear_ibuf [dreg:s6], $0x6FFFF;
	_ =	strace $0x90000049  }
0xb3: {  	s29 =	simm.s32 $0x9;
	_ =	strace $0x8000004B  }
0xb4: {  	_ =	swait.ge [sflag:s29], $0x1  }
0xb5: {  	[sflag:s29] =	ssyncadd.s32 $0xFFFFFFFF  }
0xb6: {  	_ =	strace $0x9000004B  }
0xb7: {  	_ =	sfence  }
0xb8: {  	s30 =	sld [smem:$0x0];
	_ =	sdelay $0x2  }
0xb9: {  	s31 =	sshll.u32 s1, $0xD;
	s1 =	sshrl.u32 s1, $0x2  }
0xba: {  	s3 =	sand.u32 $0x4000, s31;
	s1 =	sadd.s32 s1, s30  }
0xbb: {  	s0 =	sor.u32 s3, s0;
	s1 =	sshll.u32 s1, $0x11  }
0xbc: {  	s0 =	sor.u32 s1, s0  }
0xbd: {  	s0 =	sadd.s32 $0x8F2B, s0  }
0xbe: {  	[sflag:s0] =	ssyncadd.remote.s32 $0x1  }
0xbf: {  	_ =	sfence.sel $0xFFFF  }
0xc0: {  	[dreg:$0x0] =	wrdreg $0xFFFFFFFF;
	(pc) =	sbr.abs _section_cstart, $3  }
0xc1: {  	[dreg:$0x1] =	wrdreg $0xFFFFFFFF  }
0xc2: {  	_ =	task.clear_ibuf [dreg:s6], $0x2FFFF;
	_ =	strace $0x9FFFFFFF  }
0xc3: {  	(tm) =	ssettm $0x7FFFFFFF  }
tec
execute0_lowered:
.L_overlay_start_1:
0x0: {  	(tag) =	ssettag $0x1  }
0x1: {  	s0 =	rddreg [dreg:$0x0]  }
0x2: {  	s2 =	rddreg [dreg:$0x1]  }
0x3: {  	s3 =	rddreg [dreg:$0x2];
	s1 =	srdreg.scid  }
0x4: {  	s5 =	stileid.u32;
	s4 =	simm.s32 $0x0;
	s14 =	simm.s32 $0x4  }
0x5: {  	s19 =	simm.s32 $0x80;
	s20 =	simm.s32 $0x5800;
	s21 =	simm.s32 $0x6800  }
0x6: {  	s22 =	simm.s32 $0x1;
	s23 =	simm.s32 $0x7800;
	s24 =	simm.s32 $0x8800  }
0x7: {  	s25 =	simm.s32 $0x2;
	s28 =	simm.s32 $0x0;
	s7 =	smul.u32 $0xA000, s5  }
0x8: {  	s1 =	sand.u32 $0x1, s1;
	[smem:$0x7FF] =	sst s4;
	s26 =	smul.u32 $0x5000, s5  }
0x9: {  	s8 =	sadd.s32 $0x66E00, s0;
	s9 =	sadd.s32 $0x7AE00, s0;
	s11 =	smul.u32 $0xA00, s5  }
0xa: {  	s31 =	sshll.u32 s5, $0x6;
	s6 =	smul.u32 $0xA0000, s1;
	_ =	strace $0x8000004A  }
0xb: {  	[dreg:$0x4] =	wrdreg s9;
	s1 =	ssub.s32 $0x2, s1;
	s16 =	sor.u32 $0x1C04, s31  }
0xc: {  	s10 =	sshrl.u32 s1, $0x1;
	s29 =	sshrl.u32 s26, $0x3;
	s12 =	sadd.s32 s11, s8  }
0xd: {  	s30 =	sshrl.u32 s7, $0x1;
	s26 =	simm.s32 $0x3;
	s6 =	sadd.s32 s7, s6  }
.Ltmp0:
0xe: {  	s1 =	ssub.s32 s1, s10;
	s13 =	sadd.s32 s30, s2;
	(pc) =	sbr.rel .LBB2_1-.Ltmp0, $4  }
0xf: {  	s18 =	sadd.s32 s30, s3;
	s6 =	sshrl.u32 s6, $0x4;
	s11 =	smax.u32 s1, $0x1  }
0x10: {  	s17 =	sshrl.u32 s13, $0x3;
	s18 =	sshrl.u32 s18, $0x3;
	s0 =	sadd.s32 s6, s0  }
0x11: {  	s6 =	sadd.s32 s8, s29;
	s8 =	sadd.s32 $0x80, s12;
	s12 =	sadd.s32 $0x100, s12  }
0x12: {  	s7 =	sadd.s32 $0xA000, s6;
	s9 =	sadd.s32 $0x1E00, s0;
	s10 =	sadd.s32 $0x15E00, s0  }
.LBB2_3:
0x13: {  	_ =	swait.ge [sflag:s22], $0x1000  }
0x14: {  	[sflag:s22] =	ssyncset.done $0x0  }
0x15: {  	s0 =	sadd.s32 $0x780, s1;
	[sflag:s22] =	ssyncadd.s32 $0xFFFFF000  }
0x16: {  	[spmem:s2] =	stream.indirect.scatter.add.bf16 [tilespmem:s24], [sflag:$0x2], $0x20, s0, s19, $0xb8;
	[tilespmem:$0x13800] =	vst v63  }
.LBB2_5:
0x17: {  	_ =	swait.ge [sflag:s25], $0x1000  }
0x18: {  	[sflag:s25] =	ssyncset.done $0x0  }
0x19: {  	[sflag:s25] =	ssyncadd.s32 $0xFFFFF000  }
0x1a: {  	_ =	swait.ge [sflag:s25], $0x1000  }
0x1b: {  	[sflag:s25] =	ssyncset.done $0x0  }
0x1c: {  	[sflag:s25] =	ssyncadd.s32 $0xFFFFF000  }
0x1d: {  	_ =	swait.ge [sflag:s25], $0x1000  }
0x1e: {  	[sflag:s25] =	ssyncset.done $0x0  }
0x1f: {  	[sflag:s25] =	ssyncadd.s32 $0xFFFFF000  }
0x20: {  	_ =	swait.ge [sflag:s25], $0x1000  }
0x21: {  	s28 =	sadd.s32 $0x1, s28;
	[sflag:s25] =	ssyncset.done $0x0  }
0x22: {  	p0 =	sne.s32 s28, s11;
	[sflag:s25] =	ssyncadd.s32 $0xFFFFF000  }
.Ltmp1:
0x23: {  	[bflag:$0x0] =	sbarrier.arrive $0xFFFF;
	(pc) =	sbr.rel @!p0 .LBB2_6-.Ltmp1, $4  }
0x24: {  	[hbm:s10], [sflag:s16] =	dma.local [spmem:s17], $0xA00  }
0x25: {  	_ =	swait.ge [sflag:s14], $0xA00  }
0x26: {  	[sflag:s14] =	ssyncset.done $0x0  }
0x27: {  	[sflag:s14] =	ssyncadd.s32 $0xFFFFF600  }
.LBB2_1:
0x28: {  	s0 =	simm.s32 $0x800  }
0x29: {  	[tilespmem:s0], [sflag:$0x4] =	stream.linear.gather [hbm4b:s7+s4], $0x5000, $0x38;
	[tilespmem:$0x13800] =	vst v63  }
0x2a: {  	_ =	swait.ge [sflag:s14], $0x5000  }
0x2b: {  	[sflag:s14] =	ssyncset.done $0x0  }
0x2c: {  	[sflag:s14] =	ssyncadd.s32 $0xFFFFB000  }
0x2d: {  	[tilespmem:s4], [sflag:$0x4] =	stream.linear.gather [hbm4b:s6+s4], $0x400, $0x38;
	[tilespmem:$0x13800] =	vst v63  }
0x2e: {  	_ =	swait.ge [sflag:s14], $0x400  }
0x2f: {  	[sflag:s14] =	ssyncset.done $0x0  }
0x30: {  	s13 =	simm.s32 $0x400;
	s15 =	rddreg [dreg:$0x4];
	[sflag:s14] =	ssyncadd.s32 $0xFFFFFC00  }
0x31: {  	[tilespmem:s13], [sflag:$0x3] =	stream.linear.gather [hbm4b:s8+s4], $0x400, $0x38;
	[tilespmem:$0x13800] =	vst v63  }
0x32: {  	[spmem:s17], [sflag:s16] =	dma.local [hbm:s15], $0xA00  }
0x33: {  	_ =	swait.ge [sflag:s14], $0xA00  }
0x34: {  	[sflag:s14] =	ssyncset.done $0x0  }
0x35: {  	[sflag:s14] =	ssyncadd.s32 $0xFFFFF600  }
0x36: {  	[spmem:s18], [sflag:s16] =	dma.local [hbm:s9], $0xA00  }
0x37: {  	_ =	swait.ge [sflag:s14], $0xA00  }
0x38: {  	[sflag:s14] =	ssyncset.done $0x0  }
0x39: {  	[sflag:s14] =	ssyncadd.s32 $0xFFFFF600  }
0x3a: {  	s29 =	simm.s32 $0x1000;
	[bflag:$0x0] =	sbarrier.arrive $0xFFFF  }
0x3b: {  	[tilespmem:s20], [sflag:$0x1] =	stream.indirect.gather [spmem:s3], $0x20, s4, s19, $0xb8;
	[tilespmem:$0x13800] =	vst v63  }
0x3c: {  	s30 =	simm.s32 $0x0;
	s31 =	smov.u32 s12;
	s0 =	simm.s32 $0x0  }
0x3d: {  	[tilespmem:s21], [sflag:$0x1] =	stream.indirect.gather [spmem:s3], $0x20, s19, s19, $0xb8;
	[tilespmem:$0x13800] =	vst v63  }
.LBB2_2:
0x3e: {  	_ =	swait.ge [sflag:s22], $0x1000  }
0x3f: {  	s1 =	sshra.s32 s29, $0x2;
	p0 =	seq.s32 s29, $0x1000;
	[sflag:s22] =	ssyncset.done $0x0  }
0x40: {  	s13 =	sadd.s32 $0x400, s1;
	s15 =	simm.s32 @!p0 $0x2;
	[sflag:s22] =	ssyncadd.s32 $0xFFFFF000  }
0x41: {  	[spmem:s2] =	stream.indirect.scatter.add.bf16 [tilespmem:s20], [sflag:$0x2], $0x20, s13, s19, $0xb8;
	[tilespmem:$0x13800] =	vst v63  }
0x42: {  	_ =	swait.ge @!p0 [sflag:s15], $0x1000  }
0x43: {  	s13 =	sand.u32 $0x400, s30;
	[sflag:s15] =	ssyncset.done @!p0 $0x0  }
0x44: {  	s5 =	sor.u32 $0x100, s13;
	[sflag:s15] =	ssyncadd.s32 @!p0 $0xFFFFF000  }
0x45: {  	[tilespmem:s23], [sflag:$0x1] =	stream.indirect.gather [spmem:s3], $0x20, s5, s19, $0xb8;
	[tilespmem:$0x13800] =	vst v63  }
0x46: {  	_ =	swait.ge [sflag:s22], $0x1000  }
0x47: {  	[sflag:s22] =	ssyncset.done $0x0  }
0x48: {  	s5 =	sadd.s32 $0x480, s1;
	[sflag:s22] =	ssyncadd.s32 $0xFFFFF000  }
0x49: {  	[spmem:s2] =	stream.indirect.scatter.add.bf16 [tilespmem:s21], [sflag:$0x2], $0x20, s5, s19, $0xb8;
	[tilespmem:$0x13800] =	vst v63  }
0x4a: {  	_ =	swait.ge @!p0 [sflag:s15], $0x1000  }
0x4b: {  	[sflag:s15] =	ssyncset.done @!p0 $0x0  }
0x4c: {  	[sflag:s15] =	ssyncadd.s32 @!p0 $0xFFFFF000;
	s15 =	sadd.s32 $0x180, s13  }
0x4d: {  	[tilespmem:s24], [sflag:$0x1] =	stream.indirect.gather [spmem:s3], $0x20, s15, s19, $0xb8;
	[tilespmem:$0x13800] =	vst v63  }
0x4e: {  	_ =	swait.ge [sflag:s22], $0x1000  }
0x4f: {  	[sflag:s22] =	ssyncset.done $0x0  }
0x50: {  	s15 =	sadd.s32 $0x500, s1;
	[sflag:s22] =	ssyncadd.s32 $0xFFFFF000  }
0x51: {  	[spmem:s2] =	stream.indirect.scatter.add.bf16 [tilespmem:s23], [sflag:$0x2], $0x20, s15, s19, $0xb8;
	[tilespmem:$0x13800] =	vst v63  }
0x52: {  	_ =	swait.ge [sflag:s25], $0x1000  }
0x53: {  	[sflag:s25] =	ssyncset.done $0x0  }
0x54: {  	s15 =	sadd.s32 $0x200, s13;
	[sflag:s25] =	ssyncadd.s32 $0xFFFFF000  }
0x55: {  	[tilespmem:s20], [sflag:$0x1] =	stream.indirect.gather [spmem:s3], $0x20, s15, s19, $0xb8;
	[tilespmem:$0x13800] =	vst v63  }
0x56: {  	_ =	swait.ge [sflag:s22], $0x1000  }
0x57: {  	[sflag:s22] =	ssyncset.done $0x0  }
0x58: {  	s15 =	sadd.s32 $0x580, s1;
	[sflag:s22] =	ssyncadd.s32 $0xFFFFF000  }
0x59: {  	[spmem:s2] =	stream.indirect.scatter.add.bf16 [tilespmem:s24], [sflag:$0x2], $0x20, s15, s19, $0xb8;
	[tilespmem:$0x13800] =	vst v63  }
0x5a: {  	_ =	swait.ge [sflag:s25], $0x1000  }
0x5b: {  	[sflag:s25] =	ssyncset.done $0x0  }
0x5c: {  	s15 =	sadd.s32 $0x280, s13;
	[sflag:s25] =	ssyncadd.s32 $0xFFFFF000  }
0x5d: {  	[tilespmem:s21], [sflag:$0x1] =	stream.indirect.gather [spmem:s3], $0x20, s15, s19, $0xb8;
	[tilespmem:$0x13800] =	vst v63  }
0x5e: {  	_ =	swait.ge [sflag:s22], $0x1000  }
0x5f: {  	[sflag:s22] =	ssyncset.done $0x0  }
0x60: {  	s15 =	sadd.s32 $0x600, s1;
	[sflag:s22] =	ssyncadd.s32 $0xFFFFF000  }
0x61: {  	[spmem:s2] =	stream.indirect.scatter.add.bf16 [tilespmem:s20], [sflag:$0x2], $0x20, s15, s19, $0xb8;
	[tilespmem:$0x13800] =	vst v63  }
0x62: {  	_ =	swait.ge [sflag:s25], $0x1000  }
0x63: {  	[sflag:s25] =	ssyncset.done $0x0  }
0x64: {  	s15 =	sadd.s32 $0x300, s13;
	[sflag:s25] =	ssyncadd.s32 $0xFFFFF000  }
0x65: {  	[tilespmem:s23], [sflag:$0x1] =	stream.indirect.gather [spmem:s3], $0x20, s15, s19, $0xb8;
	[tilespmem:$0x13800] =	vst v63  }
0x66: {  	_ =	swait.ge [sflag:s22], $0x1000  }
0x67: {  	[sflag:s22] =	ssyncset.done $0x0  }
0x68: {  	s15 =	sadd.s32 $0x680, s1;
	[sflag:s22] =	ssyncadd.s32 $0xFFFFF000  }
0x69: {  	[spmem:s2] =	stream.indirect.scatter.add.bf16 [tilespmem:s21], [sflag:$0x2], $0x20, s15, s19, $0xb8;
	[tilespmem:$0x13800] =	vst v63  }
0x6a: {  	_ =	swait.ge [sflag:s25], $0x1000  }
0x6b: {  	[sflag:s25] =	ssyncset.done $0x0  }
0x6c: {  	p0 =	sne.s32 s29, $0x14000;
	s15 =	sadd.s32 $0x380, s13;
	[sflag:s25] =	ssyncadd.s32 $0xFFFFF000  }
0x6d: {  	[tilespmem:s24], [sflag:$0x1] =	stream.indirect.gather [spmem:s3], $0x20, s15, s19, $0xb8;
	[tilespmem:$0x13800] =	vst v63  }
.Ltmp2:
0x6e: {  	_ = 	snop;
	(pc) =	sbr.rel @!p0 .LBB2_3-.Ltmp2, $4  }
0x6f: {  	_ =	swait.ge [sflag:s22], $0x1000  }
0x70: {  	[sflag:s22] =	ssyncset.done $0x0  }
0x71: {  	s15 =	sadd.s32 $0x700, s1;
	[sflag:s22] =	ssyncadd.s32 $0xFFFFF000  }
0x72: {  	[spmem:s2] =	stream.indirect.scatter.add.bf16 [tilespmem:s23], [sflag:$0x2], $0x20, s15, s19, $0xb8;
	[tilespmem:$0x13800] =	vst v63  }
0x73: {  	_ =	swait.ge [sflag:s26], $0x400  }
0x74: {  	[sflag:s26] =	ssyncset.done $0x0  }
0x75: {  	[sflag:s26] =	ssyncadd.s32 $0xFFFFFC00  }
0x76: {  	_ =	swait.ge [sflag:s25], $0x1000  }
0x77: {  	s5 =	sshrl.u32 s29, $0x2;
	[sflag:s25] =	ssyncset.done $0x0  }
0x78: {  	s5 =	sand.u32 $0x400, s5;
	[sflag:s25] =	ssyncadd.s32 $0xFFFFF000  }
0x79: {  	[tilespmem:s20], [sflag:$0x1] =	stream.indirect.gather [spmem:s3], $0x20, s5, s19, $0xb8;
	[tilespmem:$0x13800] =	vst v63  }
0x7a: {  	_ =	swait.ge [sflag:s22], $0x1000  }
0x7b: {  	[sflag:s22] =	ssyncset.done $0x0  }
0x7c: {  	s1 =	sadd.s32 $0x780, s1;
	[sflag:s22] =	ssyncadd.s32 $0xFFFFF000  }
0x7d: {  	[spmem:s2] =	stream.indirect.scatter.add.bf16 [tilespmem:s24], [sflag:$0x2], $0x20, s1, s19, $0xb8;
	[tilespmem:$0x13800] =	vst v63  }
0x7e: {  	_ =	swait.ge [sflag:s25], $0x1000  }
0x7f: {  	[sflag:s25] =	ssyncset.done $0x0  }
0x80: {  	p0 =	sgt.u32 s0, $0x11;
	s15 =	sor.u32 $0x80, s5;
	[sflag:s25] =	ssyncadd.s32 $0xFFFFF000  }
0x81: {  	[tilespmem:s21], [sflag:$0x1] =	stream.indirect.gather [spmem:s3], $0x20, s15, s19, $0xb8;
	[tilespmem:$0x13800] =	vst v63  }
0x82: {  	s29 =	sadd.s32 $0x1000, s29;
	s1 =	simm.s32 @!p0 $0x0  }
0x83: {  	[tilespmem:s13], [sflag:$0x3] =	stream.linear.gather @!p0 [hbm4b:s31+s1], $0x400, $0x38;
	[tilespmem:$0x13800] =	vst v63  }
0x84: {  	p0 =	sne.s32 s29, $0x15000  }
.Ltmp3:
0x85: {  	_ = 	snop;
	(pc) =	sbr.rel @p0 .LBB2_2-.Ltmp3, $4  }
.Ltmp4:
0x86: {  	_ = 	snop;
	(pc) =	sbr.rel @!p0 .LBB2_5-.Ltmp4, $4  }
0x87: {  	_ = 	snop  }
0x88: {  	_ = 	snop  }
0x89: {  	s30 =	sadd.s32 $0x400, s30;
	s0 =	sadd.s32 $0x1, s0;
	s31 =	sadd.s32 $0x80, s31  }
0x8a: {  	_ = 	snop  }
.LBB2_6:
0x8b: {  	_ =	sfence.sel $0x180000  }
0x8c: {  	[bflag:$0x0] =	sbarrier.arrive $0xFFFF  }
0x8d: {  	_ =	strace $0x9000004A  }
0x8e: {  	s0 =	stileid.u32;
	[bflag:$0x2] =	sbarrier.arrive $0xFFFF  }
0x8f: {  	p0 =	sne.s32 s0, $0x0;
	s0 =	rddreg [dreg:$0x3]  }
0x90: {  	s0 =	sadd.s32 @!p0 $0x100000, s0  }
0x91: {  	[sflag:s0] =	ssyncadd.tile.s32 @!p0 $0x1;
	_ =	shalt  }
.Lfunc_end2:
_tile_overlayer_lowered:
.L_overlay_start_2:
0x92: {  	(tag) =	ssettag $0x2  }
0x93: {  	s0 =	rddreg [dreg:$0x0];
	s2 =	stileid.u32  }
0x94: {  	s1 =	rddreg [dreg:$0x1];
	p0 =	sne.s32 s2, $0x0  }
0x95: {  	s3 =	rddreg [dreg:$0x2];
	[bflag:$0x3] =	sbarrier.arrive $0xFFFF;
	s2 =	simm.s32 @!p0 $0x1C04  }
0x96: {  	[timem:s3], [sflag:s2] =	dma.local @!p0 [hbm:s0], s1  }
0x97: {  	s0 =	simm.s32 @!p0 $0x4  }
0x98: {  	_ =	swait.ge @!p0 [sflag:s0], s1  }
0x99: {  	s1 =	ssub.s32 @!p0 $0x0, s1;
	[sflag:s0] =	ssyncset.done @!p0 $0x0  }
0x9a: {  	[sflag:s0] =	ssyncadd.s32 @!p0 s1  }
0x9b: {  	[bflag:$0x3] =	sbarrier.arrive $0xFFFF  }
0x9c: {  	_ =	shalt  }

// kernel: kernel.14.cloned.1.call-start
scs
__scs_entry_jumppad:
0x0: {  	(pc) =	sbr.rel $0x88, $3  }
0x1: {  	(tag) =	ssettag $0x0;
	lr =	simm.s32 $0x1  }
0x2: {  	[smem:$0x3F9B] =	sst lr;
	_ =	strace $0xD0000000  }
0x3: {  	_ = 	snop  }
0x4: {  	_ = 	snop  }
0x5: {  	_ = 	snop  }
0x6: {  	_ = 	snop  }
0x7: {  	_ = 	snop  }
__scs_overlays_trampoline_lowered:
0x8: {  	[smem:$0x3FAA] =	sst s0  }
0x9: {  	[smem:$0x3FAB] =	sst s1  }
0xa: {  	[smem:$0x3FAC] =	sst s2  }
0xb: {  	[smem:$0x3FAD] =	sst s3  }
0xc: {  	[smem:$0x3FAE] =	sst s4  }
0xd: {  	[smem:$0x3FAF] =	sst s5  }
0xe: {  	[smem:$0x3FB0] =	sst s6  }
0xf: {  	[smem:$0x3FB1] =	sst s7  }
0x10: {  	[smem:$0x3FB2] =	sst s8  }
0x11: {  	[smem:$0x3FB3] =	sst s9;
	s0 =	simm.s32 @!p0 $0x0  }
0x12: {  	s1 =	sld [smem:$0x3F99];
	s0 =	simm.s32 @p0 $0x1  }
0x13: {  	[smem:$0x3FB4] =	sst s0;
	s0 =	simm.s32 @!p1 $0x0  }
0x14: {  	s2 =	sld [smem:$0x3F98];
	s0 =	simm.s32 @p1 $0x1  }
0x15: {  	[smem:$0x3FB5] =	sst s0;
	s0 =	simm.s32 @!p2 $0x0  }
0x16: {  	s3 =	sld [smem:$0x3FDB];
	s0 =	simm.s32 @p2 $0x1  }
0x17: {  	s4 =	simm.s32 $0x1BF5;
	[smem:$0x3FB7] =	sst s0  }
0x18: {  	s0 =	sld [smem:$0x3F9A];
	_ =	swait.ge [sflag:s4], $0x0  }
0x19: {  	s7 =	sld [smem:$0x3F9B]  }
0x1a: {  	s8 =	sadd.s32 $0xFFFFE003, lr  }
0x1b: {  	s9 =	sadd.s32 $0xFFFFFEF7, lr;
	s5 =	simm.s32 $0xFFFFFFFF;
	p2 =	slt.u32 s8, $0xFFFFF086  }
0x1c: {  	p1 =	slt.u32 s9, $0xF7A;
	s5 =	simm.s32 @!p2 $0x0  }
0x1d: {  	s5 =	simm.s32 @p1 $0x1;
	p0 =	seq.s32 s7, s2  }
0x1e: {  	s7 =	smul.u32 @!p0 $0xF7A, s2;
	p2 =	seq.s32 @!p0 s5, $0x0  }
0x1f: {  	s9 =	smul.u32 $0xF7A, s1;
	s8 =	simm.s32 @!p0 $0x1BF5;
	p2 =	por !p2, p0  }
0x20: {  	[sflag:s8] =	ssyncset.s32 @!p0 $0xFFFFF086;
	s6 =	sadd.s32 @!p0 s3, s7;
	s7 =	simm.s32 @!p0 $0x108  }
0x21: {  	s3 =	sadd.s32 s3, s9;
	s6 =	sadd.s32 @!p0 $0x88, s6;
	s7 =	simm.s32 @p2 $0x1082  }
0x22: {  	[simem:s7], [sflag:s8] =	dma.local @!p0 [hbm:s6], $0xF7A  }
0x23: {  	s9 =	sor.u32 $0xD0000000, s2;
	s6 =	simm.s32 $0x108;
	_ =	swait.ge @!p0 [sflag:s8], $0x0  }
0x24: {  	s3 =	sadd.s32 $0x88, s3;
	s6 =	simm.s32 @!p1 $0x1082;
	[sflag:s4] =	ssyncset.s32 $0xFFFFF086  }
0x25: {  	[simem:s6], [sflag:s4] =	dma.local [hbm:s3], $0xF7A  }
0x26: {  	[smem:$0x3F9B] =	sst s1;
	(tag) =	ssettag s2;
	_ =	strace s9  }
0x27: {  	s1 =	sld [smem:$0x3FAB]  }
0x28: {  	s2 =	sld [smem:$0x3FAC]  }
0x29: {  	s4 =	sld [smem:$0x3FAE]  }
0x2a: {  	p0 =	seq.s32 s5, $0x0;
	s5 =	sld [smem:$0x3FAF]  }
0x2b: {  	s6 =	sld [smem:$0x3FB0]  }
0x2c: {  	s7 =	sld [smem:$0x3FB1]  }
0x2d: {  	s3 =	simm.s32 $0x108;
	s8 =	sld [smem:$0x3FB2]  }
0x2e: {  	s3 =	simm.s32 @!p0 $0x1082;
	s9 =	sld [smem:$0x3FB3]  }
0x2f: {  	lr =	sadd.s32 s0, s3;
	s0 =	sld [smem:$0x3FAA]  }
0x30: {  	s3 =	sld [smem:$0x3FAD]  }
0x31: {  	[smem:$0x3FB6] =	sst s10  }
0x32: {  	s10 =	sld [smem:$0x3FB4];
	_ =	sdelay $0x3  }
0x33: {  	p0 =	seq.s32 s10, $0x1;
	s10 =	sld [smem:$0x3FB6];
	_ =	sdelay $0x3  }
0x34: {  	[smem:$0x3FB6] =	sst s10  }
0x35: {  	s10 =	sld [smem:$0x3FB5];
	_ =	sdelay $0x3  }
0x36: {  	p1 =	seq.s32 s10, $0x1;
	s10 =	sld [smem:$0x3FB6];
	_ =	sdelay $0x3  }
0x37: {  	[smem:$0x3FB6] =	sst s10  }
0x38: {  	s10 =	sld [smem:$0x3FB7]  }
0x39: {  	_ = 	snop;
	(pc) =	sbr.ind lr, $3  }
0x3a: {  	_ = 	snop  }
0x3b: {  	_ = 	snop  }
0x3c: {  	p2 =	seq.s32 s10, $0x1;
	s10 =	sld [smem:$0x3FB6]  }
0x3d: {  	_ =	shalt  }
0x3e: {  	_ =	shalt  }
0x3f: {  	_ =	shalt  }
0x40: {  	_ =	shalt  }
0x41: {  	_ =	shalt  }
0x42: {  	_ =	shalt  }
0x43: {  	_ =	shalt  }
0x44: {  	_ =	shalt  }
0x45: {  	_ =	shalt  }
0x46: {  	_ =	shalt  }
0x47: {  	_ =	shalt  }
0x48: {  	_ =	shalt  }
0x49: {  	_ =	shalt  }
0x4a: {  	_ =	shalt  }
0x4b: {  	_ =	shalt  }
0x4c: {  	_ =	shalt  }
0x4d: {  	_ =	shalt  }
0x4e: {  	_ =	shalt  }
0x4f: {  	_ =	shalt  }
0x50: {  	_ =	shalt  }
0x51: {  	_ =	shalt  }
0x52: {  	_ =	shalt  }
0x53: {  	_ =	shalt  }
0x54: {  	_ =	shalt  }
0x55: {  	_ =	shalt  }
0x56: {  	_ =	shalt  }
0x57: {  	_ =	shalt  }
0x58: {  	_ =	shalt  }
0x59: {  	_ =	shalt  }
0x5a: {  	_ =	shalt  }
0x5b: {  	_ =	shalt  }
0x5c: {  	_ =	shalt  }
0x5d: {  	_ =	shalt  }
0x5e: {  	_ =	shalt  }
0x5f: {  	_ =	shalt  }
0x60: {  	_ =	shalt  }
0x61: {  	_ =	shalt  }
0x62: {  	_ =	shalt  }
0x63: {  	_ =	shalt  }
0x64: {  	_ =	shalt  }
0x65: {  	_ =	shalt  }
0x66: {  	_ =	shalt  }
0x67: {  	_ =	shalt  }
0x68: {  	_ =	shalt  }
0x69: {  	_ =	shalt  }
0x6a: {  	_ =	shalt  }
0x6b: {  	_ =	shalt  }
0x6c: {  	_ =	shalt  }
0x6d: {  	_ =	shalt  }
0x6e: {  	_ =	shalt  }
0x6f: {  	_ =	shalt  }
0x70: {  	_ =	shalt  }
0x71: {  	_ =	shalt  }
0x72: {  	_ =	shalt  }
0x73: {  	_ =	shalt  }
0x74: {  	_ =	shalt  }
0x75: {  	_ =	shalt  }
0x76: {  	_ =	shalt  }
0x77: {  	_ =	shalt  }
0x78: {  	_ =	shalt  }
0x79: {  	_ =	shalt  }
0x7a: {  	_ =	shalt  }
0x7b: {  	_ =	shalt  }
0x7c: {  	_ =	shalt  }
0x7d: {  	_ =	shalt  }
0x7e: {  	_ =	shalt  }
0x7f: {  	_ =	shalt  }
0x80: {  	_ =	shalt  }
0x81: {  	_ =	shalt  }
0x82: {  	_ =	shalt  }
0x83: {  	_ =	shalt  }
0x84: {  	_ =	shalt  }
0x85: {  	_ =	shalt  }
0x86: {  	_ =	shalt  }
0x87: {  	_ =	shalt  }
.Lfunc_end0:
.L_simem_size_0:
called_computation.2_lowered:
.L_overlay_start_0:
0x88: {  	s2 =	sld [smem:$0x3FD9]  }
0x89: {  	s3 =	sld [smem:$0x3FFE];
	_ =	sdelay $0x1  }
0x8a: {  	s1 =	srdreg.scid  }
0x8b: {  	s0 =	sand.u32 $0x1, s1  }
0x8c: {  	s17 =	sshll.u32 s0, $0xA;
	s2 =	sadd.s32 s3, s2  }
0x8d: {  	s2 =	sadd.s32 s2, s17  }
0x8e: {  	[smem:$0x3FC2] =	sst s2  }
0x8f: {  	_ = 	snop  }
0x90: {  	s2 =	sld [smem:$0x3FD0];
	(tm) =	ssettm $0x1  }
0x91: {  	s18 =	sld [smem:$0x3FFB];
	_ =	sdelay $0x3  }
0x92: {  	_ =	strace s18  }
0x93: {  	s3 =	sld [smem:$0x3FFC];
	_ =	sdelay $0x3  }
0x94: {  	_ =	strace s3  }
0x95: {  	s3 =	sld [smem:$0x3FFD];
	_ =	sdelay $0x3  }
0x96: {  	_ =	strace s3  }
0x97: {  	_ =	strace $0x8FFFFFFF  }
0x98: {  	s19 =	sld [smem:$0x3FDB];
	_ =	sdelay $0x1  }
0x99: {  	s4 =	simm.s32 $_scs_section_size  }
0x9a: {  	s5 =	simm.s32 $_size__tile_overlayer_lowered;
	s6 =	simm.s32 $_tile_overlayer_lowered  }
0x9b: {  	s22 =	simm.s32 $0x1BFF;
	s21 =	sshll.u32 s6, $0x1;
	s3 =	sadd.s32 s4, s19  }
0x9c: {  	s7 =	simm.s32 $0x0;
	s20 =	sshll.u32 s5, $0x1;
	s5 =	sadd.s32 s21, s3  }
0x9d: {  	[timem:s7], [sflag:s22] =	dma.local [hbm:s5], s20  }
0x9e: {  	_ =	swait.ge [sflag:s22], s20  }
0x9f: {  	s4 =	ssub.s32 $0x0, s20;
	[sflag:s22] =	ssyncset.done $0x0  }
0xa0: {  	[sflag:s22] =	ssyncadd.s32 s4;
	_ =	sdelay $0x1  }
0xa1: {  	s23 =	simm.s32 $0x1B8B  }
0xa2: {  	_ =	swait.ge [sflag:s23], $0x1  }
0xa3: {  	[sflag:s23] =	ssyncset.done $0x0  }
0xa4: {  	s25 =	simm.s32 $0x1B8E;
	s24 =	sld [smem:$0x3FFE];
	[sflag:s23] =	ssyncadd.s32 $0xFFFFFFFF  }
0xa5: {  	s26 =	simm.s32 $execute0_lowered;
	[smem:$0x3FD2] =	sst s25  }
0xa6: {  	s5 =	sshll.u32 s26, $0x1;
	_ =	strace $0x8000004C;
	[dreg:$0x1] =	wrdreg $0xFFFFFFFF  }
0xa7: {  	s28 =	simm.s32 $_size_execute0_lowered;
	s3 =	sadd.s32 s3, s5;
	[dreg:$0x0] =	wrdreg $0x0  }
0xa8: {  	s5 =	sshll.u32 s28, $0x1;
	[dreg:$0x2] =	wrdreg s3  }
0xa9: {  	[dreg:$0x3] =	wrdreg s5  }
0xaa: {  	[dreg:$0x4] =	wrdreg $0xC0  }
0xab: {  	_ =	task [dreg:s7], $0x5FFFF  }
0xac: {  	[dreg:$0x1] =	wrdreg $0xFFFFFFFF  }
0xad: {  	[dreg:$0x0] =	wrdreg $0x60  }
0xae: {  	[dreg:$0x2] =	wrdreg s2  }
0xaf: {  	[dreg:$0x3] =	wrdreg s24  }
0xb0: {  	[dreg:$0x4] =	wrdreg $0x60000  }
0xb1: {  	[dreg:$0x5] =	wrdreg $0x9C000  }
0xb2: {  	[dreg:$0x6] =	wrdreg $0x9  }
0xb3: {  	_ =	task.clear_ibuf [dreg:s7], $0x7FFFF;
	_ =	strace $0x9000004C  }
0xb4: {  	s29 =	simm.s32 $0x9;
	_ =	strace $0x8000004E  }
0xb5: {  	_ =	swait.ge [sflag:s29], $0x1  }
0xb6: {  	[sflag:s29] =	ssyncadd.s32 $0xFFFFFFFF  }
0xb7: {  	_ =	strace $0x9000004E  }
0xb8: {  	_ =	sfence  }
0xb9: {  	s30 =	sld [smem:$0x0];
	_ =	sdelay $0x2  }
0xba: {  	s31 =	sshll.u32 s1, $0xD;
	s1 =	sshrl.u32 s1, $0x2  }
0xbb: {  	s3 =	sand.u32 $0x4000, s31;
	s1 =	sadd.s32 s1, s30  }
0xbc: {  	s0 =	sor.u32 s3, s0;
	s1 =	sshll.u32 s1, $0x11  }
0xbd: {  	s0 =	sor.u32 s1, s0  }
0xbe: {  	s0 =	sadd.s32 $0x8F2B, s0  }
0xbf: {  	[sflag:s0] =	ssyncadd.remote.s32 $0x1  }
0xc0: {  	_ =	sfence.sel $0xFFFF  }
0xc1: {  	[dreg:$0x0] =	wrdreg $0xFFFFFFFF;
	(pc) =	sbr.abs _section_cstart, $3  }
0xc2: {  	[dreg:$0x1] =	wrdreg $0xFFFFFFFF  }
0xc3: {  	_ =	task.clear_ibuf [dreg:s7], $0x2FFFF;
	_ =	strace $0x9FFFFFFF  }
0xc4: {  	(tm) =	ssettm $0x7FFFFFFF  }
0xc5: {  	_ =	shalt  }
tec
execute0_lowered:
.L_overlay_start_1:
0x0: {  	(tag) =	ssettag $0x1  }
0x1: {  	s0 =	rddreg [dreg:$0x0]  }
0x2: {  	s1 =	rddreg [dreg:$0x1]  }
0x3: {  	s2 =	rddreg [dreg:$0x2]  }
0x4: {  	s3 =	rddreg [dreg:$0x3]  }
0x5: {  	s5 =	srdreg.scid;
	s15 =	stileid.u32;
	s4 =	simm.s32 $0x0  }
0x6: {  	s19 =	simm.s32 $0x80;
	s28 =	simm.s32 $0x0;
	s7 =	sand.u32 $0x1, s5  }
0x7: {  	s9 =	smul.u32 $0x7800, s15;
	[smem:$0x7FF] =	sst s4;
	s6 =	sshll.u32 s15, $0x1  }
0x8: {  	s12 =	sadd.s32 $0x66E00, s1;
	s20 =	sadd.s32 $0x29E00, s1;
	s13 =	smul.u32 $0x5000, s15  }
0x9: {  	s31 =	sshll.u32 s15, $0x6;
	s5 =	smul.u32 $0x78000, s7;
	_ =	strace $0x8000004D  }
0xa: {  	s6 =	sor.u32 s7, s6;
	[dreg:$0x5] =	wrdreg s20;
	s23 =	smul.u32 $0x2800, s7  }
0xb: {  	s21 =	ssub.s32 $0x2, s7;
	s16 =	sor.u32 $0x1C04, s31;
	s10 =	smul.u32 $0x2800, s6  }
0xc: {  	s20 =	simm.s32 $0x3000;
	s11 =	smul.u32 $0x500, s6;
	s22 =	sshrl.u32 s21, $0x1  }
0xd: {  	s25 =	sshrl.u32 s9, $0x1;
	s8 =	sadd.s32 s9, s5;
	s14 =	ssub.s32 s21, s22  }
0xe: {  	s17 =	sadd.s32 s25, s2;
	s26 =	sadd.s32 s25, s3;
	s9 =	sshrl.u32 s9, $0x4  }
0xf: {  	s21 =	simm.s32 $0x3C00;
	s22 =	simm.s32 $0x1;
	s25 =	simm.s32 $0x2  }
0x10: {  	s8 =	sshrl.u32 s8, $0x4;
	s10 =	sshrl.u32 s10, $0x3;
	s24 =	sadd.s32 s11, s12  }
0x11: {  	s9 =	sadd.s32 s0, s9;
	s11 =	smax.u32 s14, $0x1;
	s14 =	simm.s32 $0x4  }
.Ltmp0:
0x12: {  	s17 =	sshrl.u32 s17, $0x3;
	s18 =	sshrl.u32 s26, $0x3;
	(pc) =	sbr.rel .LBB2_1-.Ltmp0, $4  }
0x13: {  	s26 =	simm.s32 $0x3;
	s6 =	sadd.s32 s12, s10;
	s10 =	sadd.s32 s23, s13  }
0x14: {  	s1 =	sadd.s32 s8, s1;
	s8 =	sadd.s32 $0x80, s24;
	s29 =	sadd.s32 $0x800, s10  }
0x15: {  	s23 =	simm.s32 $0x4800;
	s24 =	simm.s32 $0x5400;
	s30 =	sshrl.u32 s29, $0x3  }
0x16: {  	s7 =	sadd.s32 $0xA000, s6;
	s10 =	sadd.s32 $0x1E00, s1;
	s12 =	sadd.s32 s30, s12  }
.LBB2_3:
0x17: {  	_ =	swait.ge [sflag:s22], $0xC00  }
0x18: {  	[sflag:s22] =	ssyncset.done $0x0  }
0x19: {  	s0 =	sadd.s32 $0x780, s1;
	[sflag:s22] =	ssyncadd.s32 $0xFFFFF400  }
0x1a: {  	[spmem:s2] =	stream.indirect.scatter.add.bf16 [tilespmem:s24], [sflag:$0x2], $0x18, s0, s19, $0xb8;
	[tilespmem:$0xD800] =	vst v63  }
.LBB2_5:
0x1b: {  	_ =	swait.ge [sflag:s25], $0xC00  }
0x1c: {  	[sflag:s25] =	ssyncset.done $0x0  }
0x1d: {  	[sflag:s25] =	ssyncadd.s32 $0xFFFFF400  }
0x1e: {  	_ =	swait.ge [sflag:s25], $0xC00  }
0x1f: {  	[sflag:s25] =	ssyncset.done $0x0  }
0x20: {  	[sflag:s25] =	ssyncadd.s32 $0xFFFFF400  }
0x21: {  	_ =	swait.ge [sflag:s25], $0xC00  }
0x22: {  	[sflag:s25] =	ssyncset.done $0x0  }
0x23: {  	[sflag:s25] =	ssyncadd.s32 $0xFFFFF400  }
0x24: {  	_ =	swait.ge [sflag:s25], $0xC00  }
0x25: {  	s28 =	sadd.s32 $0x1, s28;
	[sflag:s25] =	ssyncset.done $0x0  }
0x26: {  	p0 =	sne.s32 s28, s11;
	[sflag:s25] =	ssyncadd.s32 $0xFFFFF400  }
.Ltmp1:
0x27: {  	[bflag:$0x0] =	sbarrier.arrive $0xFFFF;
	(pc) =	sbr.rel @!p0 .LBB2_6-.Ltmp1, $4  }
0x28: {  	[hbm:s10], [sflag:s16] =	dma.local [spmem:s17], $0x780  }
0x29: {  	_ =	swait.ge [sflag:s14], $0x780  }
0x2a: {  	[sflag:s14] =	ssyncset.done $0x0  }
0x2b: {  	[sflag:s14] =	ssyncadd.s32 $0xFFFFF880  }
.LBB2_1:
0x2c: {  	s0 =	simm.s32 $0x800  }
0x2d: {  	[tilespmem:s0], [sflag:$0x4] =	stream.linear.gather [hbm4b:s7+s4], $0x2800, $0x38;
	[tilespmem:$0xD800] =	vst v63  }
0x2e: {  	_ =	swait.ge [sflag:s14], $0x2800  }
0x2f: {  	[sflag:s14] =	ssyncset.done $0x0  }
0x30: {  	[sflag:s14] =	ssyncadd.s32 $0xFFFFD800  }
0x31: {  	[tilespmem:s4], [sflag:$0x4] =	stream.linear.gather [hbm4b:s6+s4], $0x400, $0x38;
	[tilespmem:$0xD800] =	vst v63  }
0x32: {  	_ =	swait.ge [sflag:s14], $0x400  }
0x33: {  	[sflag:s14] =	ssyncset.done $0x0  }
0x34: {  	s13 =	simm.s32 $0x400;
	s15 =	rddreg [dreg:$0x5];
	[sflag:s14] =	ssyncadd.s32 $0xFFFFFC00  }
0x35: {  	[tilespmem:s13], [sflag:$0x3] =	stream.linear.gather [hbm4b:s8+s4], $0x400, $0x38;
	[tilespmem:$0xD800] =	vst v63  }
0x36: {  	[spmem:s17], [sflag:s16] =	dma.local [hbm:s15], $0x780  }
0x37: {  	_ =	swait.ge [sflag:s14], $0x780  }
0x38: {  	[sflag:s14] =	ssyncset.done $0x0  }
0x39: {  	[sflag:s14] =	ssyncadd.s32 $0xFFFFF880  }
0x3a: {  	[spmem:s18], [sflag:s16] =	dma.local [hbm:s9], $0x780  }
0x3b: {  	_ =	swait.ge [sflag:s14], $0x780  }
0x3c: {  	[sflag:s14] =	ssyncset.done $0x0  }
0x3d: {  	[sflag:s14] =	ssyncadd.s32 $0xFFFFF880  }
0x3e: {  	s29 =	simm.s32 $0x1000;
	[bflag:$0x0] =	sbarrier.arrive $0xFFFF  }
0x3f: {  	[tilespmem:s20], [sflag:$0x1] =	stream.indirect.gather [spmem:s3], $0x18, s4, s19, $0xb8;
	[tilespmem:$0xD800] =	vst v63  }
0x40: {  	s30 =	simm.s32 $0x0;
	s31 =	smov.u32 s12;
	s0 =	simm.s32 $0x0  }
0x41: {  	[tilespmem:s21], [sflag:$0x1] =	stream.indirect.gather [spmem:s3], $0x18, s19, s19, $0xb8;
	[tilespmem:$0xD800] =	vst v63  }
.LBB2_2:
0x42: {  	_ =	swait.ge [sflag:s22], $0xC00  }
0x43: {  	s1 =	sshra.s32 s29, $0x2;
	p0 =	seq.s32 s29, $0x1000;
	[sflag:s22] =	ssyncset.done $0x0  }
0x44: {  	s13 =	sadd.s32 $0x400, s1;
	s15 =	simm.s32 @!p0 $0x2;
	[sflag:s22] =	ssyncadd.s32 $0xFFFFF400  }
0x45: {  	[spmem:s2] =	stream.indirect.scatter.add.bf16 [tilespmem:s20], [sflag:$0x2], $0x18, s13, s19, $0xb8;
	[tilespmem:$0xD800] =	vst v63  }
0x46: {  	_ =	swait.ge @!p0 [sflag:s15], $0xC00  }
0x47: {  	s13 =	sand.u32 $0x400, s30;
	[sflag:s15] =	ssyncset.done @!p0 $0x0  }
0x48: {  	s5 =	sor.u32 $0x100, s13;
	[sflag:s15] =	ssyncadd.s32 @!p0 $0xFFFFF400  }
0x49: {  	[tilespmem:s23], [sflag:$0x1] =	stream.indirect.gather [spmem:s3], $0x18, s5, s19, $0xb8;
	[tilespmem:$0xD800] =	vst v63  }
0x4a: {  	_ =	swait.ge [sflag:s22], $0xC00  }
0x4b: {  	[sflag:s22] =	ssyncset.done $0x0  }
0x4c: {  	s5 =	sadd.s32 $0x480, s1;
	[sflag:s22] =	ssyncadd.s32 $0xFFFFF400  }
0x4d: {  	[spmem:s2] =	stream.indirect.scatter.add.bf16 [tilespmem:s21], [sflag:$0x2], $0x18, s5, s19, $0xb8;
	[tilespmem:$0xD800] =	vst v63  }
0x4e: {  	_ =	swait.ge @!p0 [sflag:s15], $0xC00  }
0x4f: {  	[sflag:s15] =	ssyncset.done @!p0 $0x0  }
0x50: {  	[sflag:s15] =	ssyncadd.s32 @!p0 $0xFFFFF400;
	s15 =	sadd.s32 $0x180, s13  }
0x51: {  	[tilespmem:s24], [sflag:$0x1] =	stream.indirect.gather [spmem:s3], $0x18, s15, s19, $0xb8;
	[tilespmem:$0xD800] =	vst v63  }
0x52: {  	_ =	swait.ge [sflag:s22], $0xC00  }
0x53: {  	[sflag:s22] =	ssyncset.done $0x0  }
0x54: {  	s15 =	sadd.s32 $0x500, s1;
	[sflag:s22] =	ssyncadd.s32 $0xFFFFF400  }
0x55: {  	[spmem:s2] =	stream.indirect.scatter.add.bf16 [tilespmem:s23], [sflag:$0x2], $0x18, s15, s19, $0xb8;
	[tilespmem:$0xD800] =	vst v63  }
0x56: {  	_ =	swait.ge [sflag:s25], $0xC00  }
0x57: {  	[sflag:s25] =	ssyncset.done $0x0  }
0x58: {  	s15 =	sadd.s32 $0x200, s13;
	[sflag:s25] =	ssyncadd.s32 $0xFFFFF400  }
0x59: {  	[tilespmem:s20], [sflag:$0x1] =	stream.indirect.gather [spmem:s3], $0x18, s15, s19, $0xb8;
	[tilespmem:$0xD800] =	vst v63  }
0x5a: {  	_ =	swait.ge [sflag:s22], $0xC00  }
0x5b: {  	[sflag:s22] =	ssyncset.done $0x0  }
0x5c: {  	s15 =	sadd.s32 $0x580, s1;
	[sflag:s22] =	ssyncadd.s32 $0xFFFFF400  }
0x5d: {  	[spmem:s2] =	stream.indirect.scatter.add.bf16 [tilespmem:s24], [sflag:$0x2], $0x18, s15, s19, $0xb8;
	[tilespmem:$0xD800] =	vst v63  }
0x5e: {  	_ =	swait.ge [sflag:s25], $0xC00  }
0x5f: {  	[sflag:s25] =	ssyncset.done $0x0  }
0x60: {  	s15 =	sadd.s32 $0x280, s13;
	[sflag:s25] =	ssyncadd.s32 $0xFFFFF400  }
0x61: {  	[tilespmem:s21], [sflag:$0x1] =	stream.indirect.gather [spmem:s3], $0x18, s15, s19, $0xb8;
	[tilespmem:$0xD800] =	vst v63  }
0x62: {  	_ =	swait.ge [sflag:s22], $0xC00  }
0x63: {  	[sflag:s22] =	ssyncset.done $0x0  }
0x64: {  	s15 =	sadd.s32 $0x600, s1;
	[sflag:s22] =	ssyncadd.s32 $0xFFFFF400  }
0x65: {  	[spmem:s2] =	stream.indirect.scatter.add.bf16 [tilespmem:s20], [sflag:$0x2], $0x18, s15, s19, $0xb8;
	[tilespmem:$0xD800] =	vst v63  }
0x66: {  	_ =	swait.ge [sflag:s25], $0xC00  }
0x67: {  	[sflag:s25] =	ssyncset.done $0x0  }
0x68: {  	s15 =	sadd.s32 $0x300, s13;
	[sflag:s25] =	ssyncadd.s32 $0xFFFFF400  }
0x69: {  	[tilespmem:s23], [sflag:$0x1] =	stream.indirect.gather [spmem:s3], $0x18, s15, s19, $0xb8;
	[tilespmem:$0xD800] =	vst v63  }
0x6a: {  	_ =	swait.ge [sflag:s22], $0xC00  }
0x6b: {  	[sflag:s22] =	ssyncset.done $0x0  }
0x6c: {  	s15 =	sadd.s32 $0x680, s1;
	[sflag:s22] =	ssyncadd.s32 $0xFFFFF400  }
0x6d: {  	[spmem:s2] =	stream.indirect.scatter.add.bf16 [tilespmem:s21], [sflag:$0x2], $0x18, s15, s19, $0xb8;
	[tilespmem:$0xD800] =	vst v63  }
0x6e: {  	_ =	swait.ge [sflag:s25], $0xC00  }
0x6f: {  	[sflag:s25] =	ssyncset.done $0x0  }
0x70: {  	p0 =	sne.s32 s29, $0xA000;
	s15 =	sadd.s32 $0x380, s13;
	[sflag:s25] =	ssyncadd.s32 $0xFFFFF400  }
0x71: {  	[tilespmem:s24], [sflag:$0x1] =	stream.indirect.gather [spmem:s3], $0x18, s15, s19, $0xb8;
	[tilespmem:$0xD800] =	vst v63  }
.Ltmp2:
0x72: {  	_ = 	snop;
	(pc) =	sbr.rel @!p0 .LBB2_3-.Ltmp2, $4  }
0x73: {  	_ =	swait.ge [sflag:s22], $0xC00  }
0x74: {  	[sflag:s22] =	ssyncset.done $0x0  }
0x75: {  	s15 =	sadd.s32 $0x700, s1;
	[sflag:s22] =	ssyncadd.s32 $0xFFFFF400  }
0x76: {  	[spmem:s2] =	stream.indirect.scatter.add.bf16 [tilespmem:s23], [sflag:$0x2], $0x18, s15, s19, $0xb8;
	[tilespmem:$0xD800] =	vst v63  }
0x77: {  	_ =	swait.ge [sflag:s26], $0x400  }
0x78: {  	[sflag:s26] =	ssyncset.done $0x0  }
0x79: {  	[sflag:s26] =	ssyncadd.s32 $0xFFFFFC00  }
0x7a: {  	_ =	swait.ge [sflag:s25], $0xC00  }
0x7b: {  	s5 =	sshrl.u32 s29, $0x2;
	[sflag:s25] =	ssyncset.done $0x0  }
0x7c: {  	s5 =	sand.u32 $0x400, s5;
	[sflag:s25] =	ssyncadd.s32 $0xFFFFF400  }
0x7d: {  	[tilespmem:s20], [sflag:$0x1] =	stream.indirect.gather [spmem:s3], $0x18, s5, s19, $0xb8;
	[tilespmem:$0xD800] =	vst v63  }
0x7e: {  	_ =	swait.ge [sflag:s22], $0xC00  }
0x7f: {  	[sflag:s22] =	ssyncset.done $0x0  }
0x80: {  	s1 =	sadd.s32 $0x780, s1;
	[sflag:s22] =	ssyncadd.s32 $0xFFFFF400  }
0x81: {  	[spmem:s2] =	stream.indirect.scatter.add.bf16 [tilespmem:s24], [sflag:$0x2], $0x18, s1, s19, $0xb8;
	[tilespmem:$0xD800] =	vst v63  }
0x82: {  	_ =	swait.ge [sflag:s25], $0xC00  }
0x83: {  	[sflag:s25] =	ssyncset.done $0x0  }
0x84: {  	p0 =	sgt.u32 s0, $0x7;
	s15 =	sor.u32 $0x80, s5;
	[sflag:s25] =	ssyncadd.s32 $0xFFFFF400  }
0x85: {  	[tilespmem:s21], [sflag:$0x1] =	stream.indirect.gather [spmem:s3], $0x18, s15, s19, $0xb8;
	[tilespmem:$0xD800] =	vst v63  }
0x86: {  	s29 =	sadd.s32 $0x1000, s29;
	s1 =	simm.s32 @!p0 $0x0  }
0x87: {  	[tilespmem:s13], [sflag:$0x3] =	stream.linear.gather @!p0 [hbm4b:s31+s1], $0x400, $0x38;
	[tilespmem:$0xD800] =	vst v63  }
0x88: {  	p0 =	sne.s32 s29, $0xB000  }
.Ltmp3:
0x89: {  	_ = 	snop;
	(pc) =	sbr.rel @p0 .LBB2_2-.Ltmp3, $4  }
.Ltmp4:
0x8a: {  	_ = 	snop;
	(pc) =	sbr.rel @!p0 .LBB2_5-.Ltmp4, $4  }
0x8b: {  	_ = 	snop  }
0x8c: {  	_ = 	snop  }
0x8d: {  	s30 =	sadd.s32 $0x400, s30;
	s0 =	sadd.s32 $0x1, s0;
	s31 =	sadd.s32 $0x80, s31  }
0x8e: {  	_ = 	snop  }
.LBB2_6:
0x8f: {  	_ =	sfence.sel $0x180000  }
0x90: {  	[bflag:$0x0] =	sbarrier.arrive $0xFFFF  }
0x91: {  	_ =	strace $0x9000004D  }
0x92: {  	s0 =	stileid.u32;
	[bflag:$0x2] =	sbarrier.arrive $0xFFFF  }
0x93: {  	p0 =	sne.s32 s0, $0x0;
	s0 =	rddreg [dreg:$0x4]  }
0x94: {  	s0 =	sadd.s32 @!p0 $0x100000, s0  }
0x95: {  	[sflag:s0] =	ssyncadd.tile.s32 @!p0 $0x1;
	_ =	shalt  }
.Lfunc_end2:
_tile_overlayer_lowered:
.L_overlay_start_2:
0x96: {  	(tag) =	ssettag $0x2  }
0x97: {  	s0 =	rddreg [dreg:$0x0];
	s2 =	stileid.u32  }
0x98: {  	s1 =	rddreg [dreg:$0x1];
	p0 =	sne.s32 s2, $0x0  }
0x99: {  	s3 =	rddreg [dreg:$0x2];
	[bflag:$0x3] =	sbarrier.arrive $0xFFFF;
	s2 =	simm.s32 @!p0 $0x1C04  }
0x9a: {  	[timem:s3], [sflag:s2] =	dma.local @!p0 [hbm:s0], s1  }
0x9b: {  	s0 =	simm.s32 @!p0 $0x4  }
0x9c: {  	_ =	swait.ge @!p0 [sflag:s0], s1  }
0x9d: {  	s1 =	ssub.s32 @!p0 $0x0, s1;
	[sflag:s0] =	ssyncset.done @!p0 $0x0  }
0x9e: {  	[sflag:s0] =	ssyncadd.s32 @!p0 s1  }
0x9f: {  	[bflag:$0x3] =	sbarrier.arrive $0xFFFF  }
0xa0: {  	_ =	shalt  }

// kernel: kernel.8.cloned.1.call-start
scs
__scs_entry_jumppad:
0x0: {  	(pc) =	sbr.rel $0x88, $3  }
0x1: {  	(tag) =	ssettag $0x0;
	lr =	simm.s32 $0x1  }
0x2: {  	[smem:$0x3F9B] =	sst lr;
	_ =	strace $0xD0000000  }
0x3: {  	_ = 	snop  }
0x4: {  	_ = 	snop  }
0x5: {  	_ = 	snop  }
0x6: {  	_ = 	snop  }
0x7: {  	_ = 	snop  }
__scs_overlays_trampoline_lowered:
0x8: {  	[smem:$0x3FAA] =	sst s0  }
0x9: {  	[smem:$0x3FAB] =	sst s1  }
0xa: {  	[smem:$0x3FAC] =	sst s2  }
0xb: {  	[smem:$0x3FAD] =	sst s3  }
0xc: {  	[smem:$0x3FAE] =	sst s4  }
0xd: {  	[smem:$0x3FAF] =	sst s5  }
0xe: {  	[smem:$0x3FB0] =	sst s6  }
0xf: {  	[smem:$0x3FB1] =	sst s7  }
0x10: {  	[smem:$0x3FB2] =	sst s8  }
0x11: {  	[smem:$0x3FB3] =	sst s9;
	s0 =	simm.s32 @!p0 $0x0  }
0x12: {  	s1 =	sld [smem:$0x3F99];
	s0 =	simm.s32 @p0 $0x1  }
0x13: {  	[smem:$0x3FB4] =	sst s0;
	s0 =	simm.s32 @!p1 $0x0  }
0x14: {  	s2 =	sld [smem:$0x3F98];
	s0 =	simm.s32 @p1 $0x1  }
0x15: {  	[smem:$0x3FB5] =	sst s0;
	s0 =	simm.s32 @!p2 $0x0  }
0x16: {  	s3 =	sld [smem:$0x3FDB];
	s0 =	simm.s32 @p2 $0x1  }
0x17: {  	s4 =	simm.s32 $0x1BF5;
	[smem:$0x3FB7] =	sst s0  }
0x18: {  	s0 =	sld [smem:$0x3F9A];
	_ =	swait.ge [sflag:s4], $0x0  }
0x19: {  	s7 =	sld [smem:$0x3F9B]  }
0x1a: {  	s8 =	sadd.s32 $0xFFFFE003, lr  }
0x1b: {  	s9 =	sadd.s32 $0xFFFFFEF7, lr;
	s5 =	simm.s32 $0xFFFFFFFF;
	p2 =	slt.u32 s8, $0xFFFFF086  }
0x1c: {  	p1 =	slt.u32 s9, $0xF7A;
	s5 =	simm.s32 @!p2 $0x0  }
0x1d: {  	s5 =	simm.s32 @p1 $0x1;
	p0 =	seq.s32 s7, s2  }
0x1e: {  	s7 =	smul.u32 @!p0 $0xF7A, s2;
	p2 =	seq.s32 @!p0 s5, $0x0  }
0x1f: {  	s9 =	smul.u32 $0xF7A, s1;
	s8 =	simm.s32 @!p0 $0x1BF5;
	p2 =	por !p2, p0  }
0x20: {  	[sflag:s8] =	ssyncset.s32 @!p0 $0xFFFFF086;
	s6 =	sadd.s32 @!p0 s3, s7;
	s7 =	simm.s32 @!p0 $0x108  }
0x21: {  	s3 =	sadd.s32 s3, s9;
	s6 =	sadd.s32 @!p0 $0x88, s6;
	s7 =	simm.s32 @p2 $0x1082  }
0x22: {  	[simem:s7], [sflag:s8] =	dma.local @!p0 [hbm:s6], $0xF7A  }
0x23: {  	s9 =	sor.u32 $0xD0000000, s2;
	s6 =	simm.s32 $0x108;
	_ =	swait.ge @!p0 [sflag:s8], $0x0  }
0x24: {  	s3 =	sadd.s32 $0x88, s3;
	s6 =	simm.s32 @!p1 $0x1082;
	[sflag:s4] =	ssyncset.s32 $0xFFFFF086  }
0x25: {  	[simem:s6], [sflag:s4] =	dma.local [hbm:s3], $0xF7A  }
0x26: {  	[smem:$0x3F9B] =	sst s1;
	(tag) =	ssettag s2;
	_ =	strace s9  }
0x27: {  	s1 =	sld [smem:$0x3FAB]  }
0x28: {  	s2 =	sld [smem:$0x3FAC]  }
0x29: {  	s4 =	sld [smem:$0x3FAE]  }
0x2a: {  	p0 =	seq.s32 s5, $0x0;
	s5 =	sld [smem:$0x3FAF]  }
0x2b: {  	s6 =	sld [smem:$0x3FB0]  }
0x2c: {  	s7 =	sld [smem:$0x3FB1]  }
0x2d: {  	s3 =	simm.s32 $0x108;
	s8 =	sld [smem:$0x3FB2]  }
0x2e: {  	s3 =	simm.s32 @!p0 $0x1082;
	s9 =	sld [smem:$0x3FB3]  }
0x2f: {  	lr =	sadd.s32 s0, s3;
	s0 =	sld [smem:$0x3FAA]  }
0x30: {  	s3 =	sld [smem:$0x3FAD]  }
0x31: {  	[smem:$0x3FB6] =	sst s10  }
0x32: {  	s10 =	sld [smem:$0x3FB4];
	_ =	sdelay $0x3  }
0x33: {  	p0 =	seq.s32 s10, $0x1;
	s10 =	sld [smem:$0x3FB6];
	_ =	sdelay $0x3  }
0x34: {  	[smem:$0x3FB6] =	sst s10  }
0x35: {  	s10 =	sld [smem:$0x3FB5];
	_ =	sdelay $0x3  }
0x36: {  	p1 =	seq.s32 s10, $0x1;
	s10 =	sld [smem:$0x3FB6];
	_ =	sdelay $0x3  }
0x37: {  	[smem:$0x3FB6] =	sst s10  }
0x38: {  	s10 =	sld [smem:$0x3FB7]  }
0x39: {  	_ = 	snop;
	(pc) =	sbr.ind lr, $3  }
0x3a: {  	_ = 	snop  }
0x3b: {  	_ = 	snop  }
0x3c: {  	p2 =	seq.s32 s10, $0x1;
	s10 =	sld [smem:$0x3FB6]  }
0x3d: {  	_ =	shalt  }
0x3e: {  	_ =	shalt  }
0x3f: {  	_ =	shalt  }
0x40: {  	_ =	shalt  }
0x41: {  	_ =	shalt  }
0x42: {  	_ =	shalt  }
0x43: {  	_ =	shalt  }
0x44: {  	_ =	shalt  }
0x45: {  	_ =	shalt  }
0x46: {  	_ =	shalt  }
0x47: {  	_ =	shalt  }
0x48: {  	_ =	shalt  }
0x49: {  	_ =	shalt  }
0x4a: {  	_ =	shalt  }
0x4b: {  	_ =	shalt  }
0x4c: {  	_ =	shalt  }
0x4d: {  	_ =	shalt  }
0x4e: {  	_ =	shalt  }
0x4f: {  	_ =	shalt  }
0x50: {  	_ =	shalt  }
0x51: {  	_ =	shalt  }
0x52: {  	_ =	shalt  }
0x53: {  	_ =	shalt  }
0x54: {  	_ =	shalt  }
0x55: {  	_ =	shalt  }
0x56: {  	_ =	shalt  }
0x57: {  	_ =	shalt  }
0x58: {  	_ =	shalt  }
0x59: {  	_ =	shalt  }
0x5a: {  	_ =	shalt  }
0x5b: {  	_ =	shalt  }
0x5c: {  	_ =	shalt  }
0x5d: {  	_ =	shalt  }
0x5e: {  	_ =	shalt  }
0x5f: {  	_ =	shalt  }
0x60: {  	_ =	shalt  }
0x61: {  	_ =	shalt  }
0x62: {  	_ =	shalt  }
0x63: {  	_ =	shalt  }
0x64: {  	_ =	shalt  }
0x65: {  	_ =	shalt  }
0x66: {  	_ =	shalt  }
0x67: {  	_ =	shalt  }
0x68: {  	_ =	shalt  }
0x69: {  	_ =	shalt  }
0x6a: {  	_ =	shalt  }
0x6b: {  	_ =	shalt  }
0x6c: {  	_ =	shalt  }
0x6d: {  	_ =	shalt  }
0x6e: {  	_ =	shalt  }
0x6f: {  	_ =	shalt  }
0x70: {  	_ =	shalt  }
0x71: {  	_ =	shalt  }
0x72: {  	_ =	shalt  }
0x73: {  	_ =	shalt  }
0x74: {  	_ =	shalt  }
0x75: {  	_ =	shalt  }
0x76: {  	_ =	shalt  }
0x77: {  	_ =	shalt  }
0x78: {  	_ =	shalt  }
0x79: {  	_ =	shalt  }
0x7a: {  	_ =	shalt  }
0x7b: {  	_ =	shalt  }
0x7c: {  	_ =	shalt  }
0x7d: {  	_ =	shalt  }
0x7e: {  	_ =	shalt  }
0x7f: {  	_ =	shalt  }
0x80: {  	_ =	shalt  }
0x81: {  	_ =	shalt  }
0x82: {  	_ =	shalt  }
0x83: {  	_ =	shalt  }
0x84: {  	_ =	shalt  }
0x85: {  	_ =	shalt  }
0x86: {  	_ =	shalt  }
0x87: {  	_ =	shalt  }
.Lfunc_end0:
.L_simem_size_0:
called_computation_lowered:
.L_overlay_start_0:
0x88: {  	s2 =	sld [smem:$0x3FD9]  }
0x89: {  	s3 =	sld [smem:$0x3FFE];
	_ =	sdelay $0x1  }
0x8a: {  	s1 =	srdreg.scid  }
0x8b: {  	s0 =	sand.u32 $0x1, s1  }
0x8c: {  	s17 =	sshll.u32 s0, $0xA;
	s2 =	sadd.s32 s3, s2  }
0x8d: {  	s2 =	sadd.s32 s2, s17  }
0x8e: {  	[smem:$0x3FC2] =	sst s2  }
0x8f: {  	_ = 	snop  }
0x90: {  	s2 =	sld [smem:$0x3FD0];
	(tm) =	ssettm $0x1  }
0x91: {  	s18 =	sld [smem:$0x3FFB];
	_ =	sdelay $0x3  }
0x92: {  	_ =	strace s18  }
0x93: {  	s3 =	sld [smem:$0x3FFC];
	_ =	sdelay $0x3  }
0x94: {  	_ =	strace s3  }
0x95: {  	s3 =	sld [smem:$0x3FFD];
	_ =	sdelay $0x3  }
0x96: {  	_ =	strace s3  }
0x97: {  	_ =	strace $0x8FFFFFFF  }
0x98: {  	s19 =	sld [smem:$0x3FDB];
	_ =	sdelay $0x1  }
0x99: {  	s4 =	simm.s32 $_scs_section_size  }
0x9a: {  	s5 =	simm.s32 $_size__tile_overlayer_lowered;
	s6 =	simm.s32 $_tile_overlayer_lowered  }
0x9b: {  	s22 =	simm.s32 $0x1BFF;
	s21 =	sshll.u32 s6, $0x1;
	s3 =	sadd.s32 s4, s19  }
0x9c: {  	s7 =	simm.s32 $0x0;
	s20 =	sshll.u32 s5, $0x1;
	s5 =	sadd.s32 s21, s3  }
0x9d: {  	[timem:s7], [sflag:s22] =	dma.local [hbm:s5], s20  }
0x9e: {  	_ =	swait.ge [sflag:s22], s20  }
0x9f: {  	s4 =	ssub.s32 $0x0, s20;
	[sflag:s22] =	ssyncset.done $0x0  }
0xa0: {  	[sflag:s22] =	ssyncadd.s32 s4;
	_ =	sdelay $0x1  }
0xa1: {  	s23 =	simm.s32 $0x1B8B  }
0xa2: {  	_ =	swait.ge [sflag:s23], $0x1  }
0xa3: {  	[sflag:s23] =	ssyncset.done $0x0  }
0xa4: {  	s25 =	simm.s32 $0x1B8E;
	s24 =	sld [smem:$0x3FFE];
	[sflag:s23] =	ssyncadd.s32 $0xFFFFFFFF  }
0xa5: {  	s26 =	simm.s32 $execute0_lowered;
	[smem:$0x3FD2] =	sst s25  }
0xa6: {  	s5 =	sshll.u32 s26, $0x1;
	_ =	strace $0x80000046;
	[dreg:$0x1] =	wrdreg $0xFFFFFFFF  }
0xa7: {  	s28 =	simm.s32 $_size_execute0_lowered;
	s3 =	sadd.s32 s3, s5;
	[dreg:$0x0] =	wrdreg $0x0  }
0xa8: {  	s5 =	sshll.u32 s28, $0x1;
	[dreg:$0x2] =	wrdreg s3  }
0xa9: {  	[dreg:$0x3] =	wrdreg s5  }
0xaa: {  	[dreg:$0x4] =	wrdreg $0xC0  }
0xab: {  	_ =	task [dreg:s7], $0x5FFFF  }
0xac: {  	[dreg:$0x1] =	wrdreg $0xFFFFFFFF  }
0xad: {  	[dreg:$0x0] =	wrdreg $0x60  }
0xae: {  	[dreg:$0x2] =	wrdreg s24  }
0xaf: {  	[dreg:$0x3] =	wrdreg s2  }
0xb0: {  	[dreg:$0x4] =	wrdreg $0xA0000  }
0xb1: {  	[dreg:$0x5] =	wrdreg $0x9  }
0xb2: {  	_ =	task.clear_ibuf [dreg:s7], $0x6FFFF;
	_ =	strace $0x90000046  }
0xb3: {  	s29 =	simm.s32 $0x9;
	_ =	strace $0x80000048  }
0xb4: {  	_ =	swait.ge [sflag:s29], $0x1  }
0xb5: {  	[sflag:s29] =	ssyncadd.s32 $0xFFFFFFFF  }
0xb6: {  	_ =	strace $0x90000048  }
0xb7: {  	_ =	sfence  }
0xb8: {  	s30 =	sld [smem:$0x0];
	_ =	sdelay $0x2  }
0xb9: {  	s31 =	sshll.u32 s1, $0xD;
	s1 =	sshrl.u32 s1, $0x2  }
0xba: {  	s3 =	sand.u32 $0x4000, s31;
	s1 =	sadd.s32 s1, s30  }
0xbb: {  	s0 =	sor.u32 s3, s0;
	s1 =	sshll.u32 s1, $0x11  }
0xbc: {  	s0 =	sor.u32 s1, s0  }
0xbd: {  	s0 =	sadd.s32 $0x8F2B, s0  }
0xbe: {  	[sflag:s0] =	ssyncadd.remote.s32 $0x1  }
0xbf: {  	_ =	sfence.sel $0xFFFF  }
0xc0: {  	[dreg:$0x0] =	wrdreg $0xFFFFFFFF;
	(pc) =	sbr.abs _section_cstart, $3  }
0xc1: {  	[dreg:$0x1] =	wrdreg $0xFFFFFFFF  }
0xc2: {  	_ =	task.clear_ibuf [dreg:s7], $0x2FFFF;
	_ =	strace $0x9FFFFFFF  }
0xc3: {  	(tm) =	ssettm $0x7FFFFFFF  }
tec
execute0_lowered:
.L_overlay_start_1:
0x0: {  	(tag) =	ssettag $0x1  }
0x1: {  	s0 =	rddreg [dreg:$0x0]  }
0x2: {  	s1 =	rddreg [dreg:$0x1]  }
0x3: {  	s2 =	rddreg [dreg:$0x2]  }
0x4: {  	s3 =	srdreg.scid;
	s4 =	simm.s32 $0x0;
	s26 =	stileid.u32  }
0x5: {  	s17 =	simm.s32 $0x800;
	s18 =	simm.s32 $0x1800;
	s19 =	simm.s32 $0x2000  }
0x6: {  	s20 =	simm.s32 $0x6000;
	s23 =	simm.s32 $0x80;
	s24 =	simm.s32 $0x1  }
0x7: {  	s25 =	simm.s32 $0x0;
	s7 =	sand.u32 $0x1, s3;
	s6 =	smul.u32 $0x14000, s26  }
0x8: {  	[smem:$0x7FF] =	sst s4;
	s8 =	sshll.u32 s26, $0x1;
	s12 =	smul.u32 $0x50000, s26  }
0x9: {  	s14 =	sadd.s32 $0x1E00, s0;
	s13 =	smul.u32 $0x5000, s26;
	s10 =	sadd.s32 $0x16600, s0  }
0xa: {  	s21 =	sshll.u32 s26, $0x6;
	s5 =	smul.u32 $0x140000, s7;
	_ =	strace $0x80000047  }
0xb: {  	s8 =	sor.u32 s7, s8;
	s28 =	ssub.s32 $0x2, s7;
	s16 =	smul.u32 $0x2800, s7  }
0xc: {  	s21 =	sor.u32 $0x1C03, s21;
	s8 =	smul.u32 $0x2800, s8;
	s9 =	sshrl.u32 s28, $0x1  }
0xd: {  	s29 =	sshrl.u32 s12, $0x2;
	s6 =	sadd.s32 s6, s5;
	s5 =	sadd.s32 $0x15E00, s0  }
0xe: {  	s15 =	ssub.s32 s28, s9;
	s30 =	sadd.s32 s16, s13;
	s16 =	simm.s32 $0x1000  }
0xf: {  	s6 =	sshrl.u32 s6, $0x3;
	s8 =	sshrl.u32 s8, $0x3;
	s13 =	sadd.s32 $0x1000, s30  }
0x10: {  	s12 =	sadd.s32 $0x51000, s30;
	s11 =	sadd.s32 s6, s0;
	s6 =	sadd.s32 s14, s8  }
0x11: {  	s0 =	sadd.s32 s29, s2;
	s13 =	sshrl.u32 s13, $0x3;
	s31 =	sshrl.u32 s12, $0x3  }
0x12: {  	s12 =	smax.u32 s15, $0x1;
	s15 =	simm.s32 $0x3;
	s7 =	sadd.s32 $0xA000, s6  }
0x13: {  	s8 =	sadd.s32 $0x100, s6;
	s9 =	sadd.s32 $0xA100, s6;
	s11 =	sadd.s32 $0x16E00, s11  }
0x14: {  	s13 =	sadd.s32 s13, s14;
	s14 =	sadd.s32 s31, s14;
	s22 =	sshrl.u32 s0, $0x3  }
.LBB2_1:
0x15: {  	[tilespmem:s4], [sflag:$0x3] =	stream.linear.gather [hbm4b:s6+s4], $0x800, $0x38;
	[tilespmem:$0xB400] =	vst v63  }
0x16: {  	_ =	swait.ge [sflag:s15], $0x800  }
0x17: {  	[sflag:s15] =	ssyncset.done $0x0  }
0x18: {  	[sflag:s15] =	ssyncadd.s32 $0xFFFFF800  }
0x19: {  	[tilespmem:s16], [sflag:$0x3] =	stream.linear.gather [hbm4b:s7+s4], $0x800, $0x38;
	[tilespmem:$0xB400] =	vst v63  }
0x1a: {  	_ =	swait.ge [sflag:s15], $0x800  }
0x1b: {  	[sflag:s15] =	ssyncset.done $0x0  }
0x1c: {  	[sflag:s15] =	ssyncadd.s32 $0xFFFFF800  }
0x1d: {  	[tilespmem:s17], [sflag:$0x2] =	stream.linear.gather [hbm4b:s8+s4], $0x800, $0x38;
	[tilespmem:$0xB400] =	vst v63  }
0x1e: {  	_ = 	snop  }
0x1f: {  	[tilespmem:s18], [sflag:$0x2] =	stream.linear.gather [hbm4b:s9+s4], $0x800, $0x38;
	[tilespmem:$0xB400] =	vst v63  }
0x20: {  	_ = 	snop  }
0x21: {  	[tilespmem:s19], [sflag:$0x3] =	stream.linear.gather [hbm4b:s5+s4], $0x4000, $0x38;
	[tilespmem:$0xB400] =	vst v63  }
0x22: {  	_ =	swait.ge [sflag:s15], $0x4000  }
0x23: {  	[sflag:s15] =	ssyncset.done $0x0  }
0x24: {  	[sflag:s15] =	ssyncadd.s32 $0xFFFFC000  }
0x25: {  	[tilespmem:s20], [sflag:$0x3] =	stream.linear.gather [hbm4b:s10+s4], $0x4000, $0x38;
	[tilespmem:$0xB400] =	vst v63  }
0x26: {  	_ =	swait.ge [sflag:s15], $0x4000  }
0x27: {  	[sflag:s15] =	ssyncset.done $0x0  }
0x28: {  	[sflag:s15] =	ssyncadd.s32 $0xFFFFC000  }
0x29: {  	[spmem:s22], [sflag:s21] =	dma.local [hbm:s1], $0x2800  }
0x2a: {  	_ =	swait.ge [sflag:s15], $0x2800  }
0x2b: {  	[sflag:s15] =	ssyncset.done $0x0  }
0x2c: {  	s26 =	simm.s32 $0x0;
	s28 =	smov.u32 s14;
	[sflag:s15] =	ssyncadd.s32 $0xFFFFD800  }
0x2d: {  	s29 =	smov.u32 s13;
	s30 =	simm.s32 $0x0;
	[bflag:$0x0] =	sbarrier.arrive $0xFFFF  }
.LBB2_2:
0x2e: {  	s31 =	sand.u32 $0x800, s26  }
0x2f: {  	[spmem:s2] =	stream.indirect.scatter.add.f32 [tilespmem:s19], [sflag:$0x1], $0x8, s31, s23, $0xb8;
	[tilespmem:$0xB400] =	vst v63  }
0x30: {  	s0 =	sor.u32 $0x1000, s31  }
0x31: {  	[spmem:s2] =	stream.indirect.scatter.add.f32 [tilespmem:s20], [sflag:$0x1], $0x8, s0, s23, $0xb8;
	[tilespmem:$0xB400] =	vst v63  }
0x32: {  	s3 =	sor.u32 $0x80, s31  }
0x33: {  	[spmem:s2] =	stream.indirect.scatter.add.f32 [tilespmem:s19], [sflag:$0x1], $0x8, s3, s23, $0xb8;
	[tilespmem:$0xB400] =	vst v63  }
0x34: {  	s3 =	sor.u32 $0x1080, s31  }
0x35: {  	[spmem:s2] =	stream.indirect.scatter.add.f32 [tilespmem:s20], [sflag:$0x1], $0x8, s3, s23, $0xb8;
	[tilespmem:$0xB400] =	vst v63  }
0x36: {  	s3 =	sor.u32 $0x100, s31  }
0x37: {  	[spmem:s2] =	stream.indirect.scatter.add.f32 [tilespmem:s19], [sflag:$0x1], $0x8, s3, s23, $0xb8;
	[tilespmem:$0xB400] =	vst v63  }
0x38: {  	s3 =	sor.u32 $0x1100, s31  }
0x39: {  	[spmem:s2] =	stream.indirect.scatter.add.f32 [tilespmem:s20], [sflag:$0x1], $0x8, s3, s23, $0xb8;
	[tilespmem:$0xB400] =	vst v63  }
0x3a: {  	s3 =	sor.u32 $0x180, s31  }
0x3b: {  	[spmem:s2] =	stream.indirect.scatter.add.f32 [tilespmem:s19], [sflag:$0x1], $0x8, s3, s23, $0xb8;
	[tilespmem:$0xB400] =	vst v63  }
0x3c: {  	s3 =	sor.u32 $0x1180, s31  }
0x3d: {  	[spmem:s2] =	stream.indirect.scatter.add.f32 [tilespmem:s20], [sflag:$0x1], $0x8, s3, s23, $0xb8;
	[tilespmem:$0xB400] =	vst v63  }
0x3e: {  	s3 =	sor.u32 $0x200, s31  }
0x3f: {  	[spmem:s2] =	stream.indirect.scatter.add.f32 [tilespmem:s19], [sflag:$0x1], $0x8, s3, s23, $0xb8;
	[tilespmem:$0xB400] =	vst v63  }
0x40: {  	s3 =	sor.u32 $0x1200, s31  }
0x41: {  	[spmem:s2] =	stream.indirect.scatter.add.f32 [tilespmem:s20], [sflag:$0x1], $0x8, s3, s23, $0xb8;
	[tilespmem:$0xB400] =	vst v63  }
0x42: {  	s3 =	sor.u32 $0x280, s31  }
0x43: {  	[spmem:s2] =	stream.indirect.scatter.add.f32 [tilespmem:s19], [sflag:$0x1], $0x8, s3, s23, $0xb8;
	[tilespmem:$0xB400] =	vst v63  }
0x44: {  	s3 =	sor.u32 $0x1280, s31  }
0x45: {  	[spmem:s2] =	stream.indirect.scatter.add.f32 [tilespmem:s20], [sflag:$0x1], $0x8, s3, s23, $0xb8;
	[tilespmem:$0xB400] =	vst v63  }
0x46: {  	s3 =	sor.u32 $0x300, s31  }
0x47: {  	[spmem:s2] =	stream.indirect.scatter.add.f32 [tilespmem:s19], [sflag:$0x1], $0x8, s3, s23, $0xb8;
	[tilespmem:$0xB400] =	vst v63  }
0x48: {  	s3 =	sor.u32 $0x1300, s31  }
0x49: {  	[spmem:s2] =	stream.indirect.scatter.add.f32 [tilespmem:s20], [sflag:$0x1], $0x8, s3, s23, $0xb8;
	[tilespmem:$0xB400] =	vst v63  }
0x4a: {  	s3 =	sor.u32 $0x380, s31  }
0x4b: {  	[spmem:s2] =	stream.indirect.scatter.add.f32 [tilespmem:s19], [sflag:$0x1], $0x8, s3, s23, $0xb8;
	[tilespmem:$0xB400] =	vst v63  }
0x4c: {  	s3 =	sor.u32 $0x1380, s31  }
0x4d: {  	[spmem:s2] =	stream.indirect.scatter.add.f32 [tilespmem:s20], [sflag:$0x1], $0x8, s3, s23, $0xb8;
	[tilespmem:$0xB400] =	vst v63  }
0x4e: {  	s3 =	sor.u32 $0x400, s31  }
0x4f: {  	[spmem:s2] =	stream.indirect.scatter.add.f32 [tilespmem:s19], [sflag:$0x1], $0x8, s3, s23, $0xb8;
	[tilespmem:$0xB400] =	vst v63  }
0x50: {  	s3 =	sor.u32 $0x1400, s31  }
0x51: {  	[spmem:s2] =	stream.indirect.scatter.add.f32 [tilespmem:s20], [sflag:$0x1], $0x8, s3, s23, $0xb8;
	[tilespmem:$0xB400] =	vst v63  }
0x52: {  	s3 =	sor.u32 $0x480, s31  }
0x53: {  	[spmem:s2] =	stream.indirect.scatter.add.f32 [tilespmem:s19], [sflag:$0x1], $0x8, s3, s23, $0xb8;
	[tilespmem:$0xB400] =	vst v63  }
0x54: {  	s3 =	sor.u32 $0x1480, s31  }
0x55: {  	[spmem:s2] =	stream.indirect.scatter.add.f32 [tilespmem:s20], [sflag:$0x1], $0x8, s3, s23, $0xb8;
	[tilespmem:$0xB400] =	vst v63  }
0x56: {  	s3 =	sor.u32 $0x500, s31  }
0x57: {  	[spmem:s2] =	stream.indirect.scatter.add.f32 [tilespmem:s19], [sflag:$0x1], $0x8, s3, s23, $0xb8;
	[tilespmem:$0xB400] =	vst v63  }
0x58: {  	s3 =	sor.u32 $0x1500, s31  }
0x59: {  	[spmem:s2] =	stream.indirect.scatter.add.f32 [tilespmem:s20], [sflag:$0x1], $0x8, s3, s23, $0xb8;
	[tilespmem:$0xB400] =	vst v63  }
0x5a: {  	s3 =	sor.u32 $0x580, s31  }
0x5b: {  	[spmem:s2] =	stream.indirect.scatter.add.f32 [tilespmem:s19], [sflag:$0x1], $0x8, s3, s23, $0xb8;
	[tilespmem:$0xB400] =	vst v63  }
0x5c: {  	s3 =	sor.u32 $0x1580, s31  }
0x5d: {  	[spmem:s2] =	stream.indirect.scatter.add.f32 [tilespmem:s20], [sflag:$0x1], $0x8, s3, s23, $0xb8;
	[tilespmem:$0xB400] =	vst v63  }
0x5e: {  	s3 =	sor.u32 $0x600, s31  }
0x5f: {  	[spmem:s2] =	stream.indirect.scatter.add.f32 [tilespmem:s19], [sflag:$0x1], $0x8, s3, s23, $0xb8;
	[tilespmem:$0xB400] =	vst v63  }
0x60: {  	s3 =	sor.u32 $0x1600, s31  }
0x61: {  	[spmem:s2] =	stream.indirect.scatter.add.f32 [tilespmem:s20], [sflag:$0x1], $0x8, s3, s23, $0xb8;
	[tilespmem:$0xB400] =	vst v63  }
0x62: {  	s3 =	sor.u32 $0x680, s31  }
0x63: {  	[spmem:s2] =	stream.indirect.scatter.add.f32 [tilespmem:s19], [sflag:$0x1], $0x8, s3, s23, $0xb8;
	[tilespmem:$0xB400] =	vst v63  }
0x64: {  	s3 =	sor.u32 $0x1680, s31  }
0x65: {  	[spmem:s2] =	stream.indirect.scatter.add.f32 [tilespmem:s20], [sflag:$0x1], $0x8, s3, s23, $0xb8;
	[tilespmem:$0xB400] =	vst v63  }
0x66: {  	s3 =	sor.u32 $0x700, s31  }
0x67: {  	[spmem:s2] =	stream.indirect.scatter.add.f32 [tilespmem:s19], [sflag:$0x1], $0x8, s3, s23, $0xb8;
	[tilespmem:$0xB400] =	vst v63  }
0x68: {  	s3 =	sor.u32 $0x1700, s31  }
0x69: {  	[spmem:s2] =	stream.indirect.scatter.add.f32 [tilespmem:s20], [sflag:$0x1], $0x8, s3, s23, $0xb8;
	[tilespmem:$0xB400] =	vst v63  }
0x6a: {  	s3 =	sor.u32 $0x780, s31  }
0x6b: {  	[spmem:s2] =	stream.indirect.scatter.add.f32 [tilespmem:s19], [sflag:$0x1], $0x8, s3, s23, $0xb8;
	[tilespmem:$0xB400] =	vst v63  }
0x6c: {  	s3 =	sor.u32 $0x1780, s31  }
0x6d: {  	[spmem:s2] =	stream.indirect.scatter.add.f32 [tilespmem:s20], [sflag:$0x1], $0x8, s3, s23, $0xb8;
	[tilespmem:$0xB400] =	vst v63  }
0x6e: {  	_ =	swait.ge [sflag:s24], $0x400  }
0x6f: {  	[sflag:s24] =	ssyncset.done $0x0  }
0x70: {  	[sflag:s24] =	ssyncadd.s32 $0xFFFFFC00  }
0x71: {  	_ =	swait.ge [sflag:s24], $0x400  }
0x72: {  	[sflag:s24] =	ssyncset.done $0x0  }
0x73: {  	[sflag:s24] =	ssyncadd.s32 $0xFFFFFC00  }
0x74: {  	_ =	swait.ge [sflag:s24], $0x400  }
0x75: {  	[sflag:s24] =	ssyncset.done $0x0  }
0x76: {  	[sflag:s24] =	ssyncadd.s32 $0xFFFFFC00  }
0x77: {  	_ =	swait.ge [sflag:s24], $0x400  }
0x78: {  	[sflag:s24] =	ssyncset.done $0x0  }
0x79: {  	[sflag:s24] =	ssyncadd.s32 $0xFFFFFC00  }
0x7a: {  	_ =	swait.ge [sflag:s24], $0x400  }
0x7b: {  	[sflag:s24] =	ssyncset.done $0x0  }
0x7c: {  	[sflag:s24] =	ssyncadd.s32 $0xFFFFFC00  }
0x7d: {  	_ =	swait.ge [sflag:s24], $0x400  }
0x7e: {  	[sflag:s24] =	ssyncset.done $0x0  }
0x7f: {  	[sflag:s24] =	ssyncadd.s32 $0xFFFFFC00  }
0x80: {  	_ =	swait.ge [sflag:s24], $0x400  }
0x81: {  	[sflag:s24] =	ssyncset.done $0x0  }
0x82: {  	[sflag:s24] =	ssyncadd.s32 $0xFFFFFC00  }
0x83: {  	_ =	swait.ge [sflag:s24], $0x400  }
0x84: {  	[sflag:s24] =	ssyncset.done $0x0  }
0x85: {  	[sflag:s24] =	ssyncadd.s32 $0xFFFFFC00  }
0x86: {  	_ =	swait.ge [sflag:s24], $0x400  }
0x87: {  	[sflag:s24] =	ssyncset.done $0x0  }
0x88: {  	[sflag:s24] =	ssyncadd.s32 $0xFFFFFC00  }
0x89: {  	_ =	swait.ge [sflag:s24], $0x400  }
0x8a: {  	[sflag:s24] =	ssyncset.done $0x0  }
0x8b: {  	[sflag:s24] =	ssyncadd.s32 $0xFFFFFC00  }
0x8c: {  	_ =	swait.ge [sflag:s24], $0x400  }
0x8d: {  	[sflag:s24] =	ssyncset.done $0x0  }
0x8e: {  	[sflag:s24] =	ssyncadd.s32 $0xFFFFFC00  }
0x8f: {  	_ =	swait.ge [sflag:s24], $0x400  }
0x90: {  	[sflag:s24] =	ssyncset.done $0x0  }
0x91: {  	[sflag:s24] =	ssyncadd.s32 $0xFFFFFC00  }
0x92: {  	_ =	swait.ge [sflag:s24], $0x400  }
0x93: {  	[sflag:s24] =	ssyncset.done $0x0  }
0x94: {  	[sflag:s24] =	ssyncadd.s32 $0xFFFFFC00  }
0x95: {  	_ =	swait.ge [sflag:s24], $0x400  }
0x96: {  	[sflag:s24] =	ssyncset.done $0x0  }
0x97: {  	[sflag:s24] =	ssyncadd.s32 $0xFFFFFC00  }
0x98: {  	_ =	swait.ge [sflag:s24], $0x400  }
0x99: {  	[sflag:s24] =	ssyncset.done $0x0  }
0x9a: {  	[sflag:s24] =	ssyncadd.s32 $0xFFFFFC00  }
0x9b: {  	_ =	swait.ge [sflag:s24], $0x400  }
0x9c: {  	[sflag:s24] =	ssyncset.done $0x0  }
0x9d: {  	[sflag:s24] =	ssyncadd.s32 $0xFFFFFC00  }
0x9e: {  	_ =	swait.ge [sflag:s24], $0x400  }
0x9f: {  	[sflag:s24] =	ssyncset.done $0x0  }
0xa0: {  	[sflag:s24] =	ssyncadd.s32 $0xFFFFFC00  }
0xa1: {  	_ =	swait.ge [sflag:s24], $0x400  }
0xa2: {  	[sflag:s24] =	ssyncset.done $0x0  }
0xa3: {  	[sflag:s24] =	ssyncadd.s32 $0xFFFFFC00  }
0xa4: {  	_ =	swait.ge [sflag:s24], $0x400  }
0xa5: {  	[sflag:s24] =	ssyncset.done $0x0  }
0xa6: {  	[sflag:s24] =	ssyncadd.s32 $0xFFFFFC00  }
0xa7: {  	_ =	swait.ge [sflag:s24], $0x400  }
0xa8: {  	[sflag:s24] =	ssyncset.done $0x0  }
0xa9: {  	[sflag:s24] =	ssyncadd.s32 $0xFFFFFC00  }
0xaa: {  	_ =	swait.ge [sflag:s24], $0x400  }
0xab: {  	[sflag:s24] =	ssyncset.done $0x0  }
0xac: {  	[sflag:s24] =	ssyncadd.s32 $0xFFFFFC00  }
0xad: {  	_ =	swait.ge [sflag:s24], $0x400  }
0xae: {  	[sflag:s24] =	ssyncset.done $0x0  }
0xaf: {  	[sflag:s24] =	ssyncadd.s32 $0xFFFFFC00  }
0xb0: {  	_ =	swait.ge [sflag:s24], $0x400  }
0xb1: {  	[sflag:s24] =	ssyncset.done $0x0  }
0xb2: {  	[sflag:s24] =	ssyncadd.s32 $0xFFFFFC00  }
0xb3: {  	_ =	swait.ge [sflag:s24], $0x400  }
0xb4: {  	[sflag:s24] =	ssyncset.done $0x0  }
0xb5: {  	[sflag:s24] =	ssyncadd.s32 $0xFFFFFC00  }
0xb6: {  	_ =	swait.ge [sflag:s24], $0x400  }
0xb7: {  	[sflag:s24] =	ssyncset.done $0x0  }
0xb8: {  	[sflag:s24] =	ssyncadd.s32 $0xFFFFFC00  }
0xb9: {  	_ =	swait.ge [sflag:s24], $0x400  }
0xba: {  	[sflag:s24] =	ssyncset.done $0x0  }
0xbb: {  	[sflag:s24] =	ssyncadd.s32 $0xFFFFFC00  }
0xbc: {  	_ =	swait.ge [sflag:s24], $0x400  }
0xbd: {  	[sflag:s24] =	ssyncset.done $0x0  }
0xbe: {  	[sflag:s24] =	ssyncadd.s32 $0xFFFFFC00  }
0xbf: {  	_ =	swait.ge [sflag:s24], $0x400  }
0xc0: {  	[sflag:s24] =	ssyncset.done $0x0  }
0xc1: {  	[sflag:s24] =	ssyncadd.s32 $0xFFFFFC00  }
0xc2: {  	_ =	swait.ge [sflag:s24], $0x400  }
0xc3: {  	[sflag:s24] =	ssyncset.done $0x0  }
0xc4: {  	[sflag:s24] =	ssyncadd.s32 $0xFFFFFC00  }
0xc5: {  	_ =	swait.ge [sflag:s24], $0x400  }
0xc6: {  	[sflag:s24] =	ssyncset.done $0x0  }
0xc7: {  	[sflag:s24] =	ssyncadd.s32 $0xFFFFFC00  }
0xc8: {  	_ =	swait.ge [sflag:s24], $0x400  }
0xc9: {  	[sflag:s24] =	ssyncset.done $0x0  }
0xca: {  	[sflag:s24] =	ssyncadd.s32 $0xFFFFFC00  }
0xcb: {  	_ =	swait.ge [sflag:s24], $0x400  }
0xcc: {  	p0 =	seq.s32 s30, $0x4;
	[sflag:s24] =	ssyncset.done $0x0  }
0xcd: {  	s3 =	simm.s32 @!p0 $0x2;
	[sflag:s24] =	ssyncadd.s32 $0xFFFFFC00  }
0xce: {  	_ =	swait.ge @!p0 [sflag:s3], $0x800  }
0xcf: {  	[sflag:s3] =	ssyncset.done @!p0 $0x0  }
0xd0: {  	[sflag:s3] =	ssyncadd.s32 @!p0 $0xFFFFF800  }
0xd1: {  	p1 =	sgt.u32 @!p0 s30, $0x2;
	_ =	swait.ge @!p0 [sflag:s3], $0x800  }
0xd2: {  	p1 =	por p1, p0;
	[sflag:s3] =	ssyncset.done @!p0 $0x0  }
0xd3: {  	[sflag:s3] =	ssyncadd.s32 @!p0 $0xFFFFF800;
	s3 =	simm.s32 @!p1 $0x0  }
0xd4: {  	[tilespmem:s31], [sflag:$0x2] =	stream.linear.gather @!p1 [hbm4b:s29+s3], $0x800, $0x38;
	[tilespmem:$0xB400] =	vst v63  }
0xd5: {  	s30 =	sadd.s32 $0x1, s30  }
0xd6: {  	[tilespmem:s0], [sflag:$0x2] =	stream.linear.gather @!p1 [hbm4b:s28+s3], $0x800, $0x38;
	[tilespmem:$0xB400] =	vst v63  }
0xd7: {  	p1 =	sne.s32 @!p0 s30, $0x5  }
0xd8: {  	p1 =	por p0, !p1  }
.Ltmp0:
0xd9: {  	_ = 	snop;
	(pc) =	sbr.rel @!p1 .LBB2_2-.Ltmp0, $2  }
0xda: {  	_ =	sdelay $0x2  }
0xdb: {  	s26 =	sadd.s32 @!p0 $0x800, s26;
	s29 =	sadd.s32 @!p0 $0x100, s29;
	s28 =	sadd.s32 @!p0 $0x100, s28  }
0xdc: {  	s25 =	sadd.s32 $0x1, s25  }
0xdd: {  	p0 =	sne.s32 s25, s12  }
.Ltmp1:
0xde: {  	[bflag:$0x0] =	sbarrier.arrive $0xFFFF;
	(pc) =	sbr.rel @p0 .LBB2_1-.Ltmp1, $4  }
0xdf: {  	[hbm:s11], [sflag:s21] =	dma.local [spmem:s22], $0x2800  }
0xe0: {  	_ =	swait.ge [sflag:s15], $0x2800  }
0xe1: {  	[sflag:s15] =	ssyncset.done $0x0  }
0xe2: {  	[sflag:s15] =	ssyncadd.s32 $0xFFFFD800  }
0xe3: {  	_ =	sfence.sel $0x180000  }
0xe4: {  	[bflag:$0x0] =	sbarrier.arrive $0xFFFF  }
0xe5: {  	_ =	strace $0x90000047  }
0xe6: {  	s0 =	stileid.u32;
	[bflag:$0x2] =	sbarrier.arrive $0xFFFF  }
0xe7: {  	p0 =	sne.s32 s0, $0x0;
	s0 =	rddreg [dreg:$0x3]  }
0xe8: {  	s0 =	sadd.s32 @!p0 $0x100000, s0  }
0xe9: {  	[sflag:s0] =	ssyncadd.tile.s32 @!p0 $0x1;
	_ =	shalt  }
.Lfunc_end2:
_tile_overlayer_lowered:
.L_overlay_start_2:
0xea: {  	(tag) =	ssettag $0x2  }
0xeb: {  	s0 =	rddreg [dreg:$0x0];
	s2 =	stileid.u32  }
0xec: {  	s1 =	rddreg [dreg:$0x1];
	p0 =	sne.s32 s2, $0x0  }
0xed: {  	s3 =	rddreg [dreg:$0x2];
	[bflag:$0x3] =	sbarrier.arrive $0xFFFF;
	s2 =	simm.s32 @!p0 $0x1C03  }
0xee: {  	[timem:s3], [sflag:s2] =	dma.local @!p0 [hbm:s0], s1  }
0xef: {  	s0 =	simm.s32 @!p0 $0x3  }
0xf0: {  	_ =	swait.ge @!p0 [sflag:s0], s1  }
0xf1: {  	s1 =	ssub.s32 @!p0 $0x0, s1;
	[sflag:s0] =	ssyncset.done @!p0 $0x0  }
0xf2: {  	[sflag:s0] =	ssyncadd.s32 @!p0 s1  }
0xf3: {  	[bflag:$0x3] =	sbarrier.arrive $0xFFFF  }
0xf4: {  	_ =	shalt  }

</sc_bundles>
